<compile_context>
chip_gen: v7x
topology: tpu7x:2x2x1
jax: 0.10.2.dev20260603
libtpu: 0.0.44.dev20260713+nightly
codegen_flags: <defaults>
</compile_context>

<pallas_src>
import dataclasses
import functools

import numpy as np

import jax
import jax.numpy as jnp
from jax import lax
from jax.experimental import pallas as pl
from jax.experimental.pallas import tpu as pltpu
from jax.experimental.pallas import tpu_sc as plsc

N_NODES = 100000
N_EDGES = 1600000
HEADS = 4
HID = 32
NEG_GAT = 0.2
NEG = 0.01

BN = 5000
GRID = N_NODES // BN

EROWS = N_EDGES // 128
CH = 1280
CROWS = 10
NCH = 80
HALF = 50176
ACC_ROWS = HALF + 128
SHARE = ACC_ROWS // 16
ZROWS = SHARE // 8
OSHARE = HALF // 16

def _sel(rows, cols, ones):
    m = np.zeros((rows, cols), np.float32)
    for r, c in ones:
        m[r, c] = 1.0
    return m

_SELA = _sel(8, 4, [(i, i) for i in range(4)])
_SELD = _sel(16, 4, [(i, i) for i in range(4)])
_E2 = _sel(4, 16, [(h, 4 + 3 * h + d) for h in range(4) for d in range(3)])
_E3 = _sel(8, 16, [(4 + d, 4 + 3 * h + d) for h in range(4) for d in range(3)])


def _lrelu(v, s):
    return jnp.maximum(v, s * v)


def _prep_body(x_ref, wsrc8_ref, wdst_ref, st_ref, dt_ref):
    xb = x_ref[...]
    st_ref[...] = jnp.dot(xb, wsrc8_ref[...], preferred_element_type=jnp.float32)
    dt_ref[...] = jnp.dot(xb, wdst_ref[...], preferred_element_type=jnp.float32)


def _prep(x, wsrc8, wdst):
    return pl.pallas_call(
        _prep_body,
        grid=(GRID,),
        in_specs=[
            pl.BlockSpec((BN, 3), lambda i: (i, 0)),
            pl.BlockSpec((3, 8), lambda i: (0, 0)),
            pl.BlockSpec((3, HEADS), lambda i: (0, 0)),
        ],
        out_specs=[
            pl.BlockSpec((BN, 8), lambda i: (i, 0)),
            pl.BlockSpec((BN, 4), lambda i: (i, 0)),
        ],
        out_shape=[
            jax.ShapeDtypeStruct((N_NODES, 8), jnp.float32),
            jax.ShapeDtypeStruct((N_NODES, 4), jnp.float32),
        ],
    )(x, wsrc8, wdst)


def _edge_body(zeros_hbm, sidx_hbm, didx_hbm, st_hbm, dt_hbm, out_hbm,
               sidx_v, didx_v, ldx_v, srow_v, drow_v, upd_v,
               acc_sh, sem):
    cid = lax.axis_index("c")
    sid = lax.axis_index("s")

    pltpu.sync_copy(zeros_hbm, acc_sh.at[pl.ds(sid * SHARE, SHARE)])

    plsc.subcore_barrier()

    nreal = 78 + jnp.where(sid < 2, 1, 0)
    base_chunk = sid * 78 + jnp.minimum(sid, 2)
    base = cid * HALF

    @pl.loop(0, NCH)
    def _chunk(ch):
        r0 = (base_chunk + ch) * CROWS
        rc = jnp.minimum(r0, EROWS - CROWS)
        is_real = ch < nreal
        pltpu.sync_copy(sidx_hbm.at[pl.ds(rc, CROWS)], sidx_v)
        pltpu.sync_copy(didx_hbm.at[pl.ds(rc, CROWS)], didx_v)

        descs = []
        for j in range(CROWS):
            descs.append(pltpu.async_copy(
                st_hbm.at[sidx_v.at[j]], srow_v.at[pl.ds(j * 128, 128)], sem))
            descs.append(pltpu.async_copy(
                dt_hbm.at[didx_v.at[j]], drow_v.at[pl.ds(j * 128, 128)], sem))

        for j in range(CROWS):
            for k in range(8):
                dd = didx_v.at[j][pl.ds(k * 16, 16)]
                t = dd - base
                ok = (t >= 0) & (t < HALF) & is_real
                ldx_v.at[j][pl.ds(k * 16, 16)] = jnp.where(ok, t, HALF)

        for d in descs:
            d.wait()

        @pl.loop(0, CH // 16)
        def _group(g):
            rows = g * 16 + lax.iota(jnp.int32, 16)

            def col(c):
                return jnp.full((16,), c, jnp.int32)

            a_s = [plsc.load_gather(srow_v, [rows, col(c)]) for c in range(4)]
            x_s = [plsc.load_gather(srow_v, [rows, col(4 + d)]) for d in range(3)]
            a_d = [plsc.load_gather(drow_v, [rows, col(c)]) for c in range(4)]
            es = []
            for h in range(4):
                v = a_s[h] + a_d[h]
                e = jnp.exp(jnp.maximum(v, NEG_GAT * v))
                es.append(e)
                plsc.store_scatter(upd_v, [rows, col(h)], e)
            for h in range(4):
                for d in range(3):
                    plsc.store_scatter(upd_v, [rows, col(4 + h * 3 + d)],
                                       es[h] * x_s[d])

        for j in range(CROWS):
            pltpu.sync_copy(upd_v.at[pl.ds(j * 128, 128)],
                            acc_sh.at[ldx_v.at[j]], add=True)

    plsc.subcore_barrier()

    @pl.loop(0, 8)
    def _copy_out(j):
        off = sid * OSHARE + j * (OSHARE // 8)
        pltpu.sync_copy(acc_sh.at[pl.ds(off, OSHARE // 8)],
                        out_hbm.at[cid].at[pl.ds(off, OSHARE // 8)])


def _edges(sidx2d, didx2d, st, dt):
    mesh = plsc.VectorSubcoreMesh(core_axis_name="c", subcore_axis_name="s")
    cp = pltpu.CompilerParams()
    if "needs_layout_passes" in pltpu.CompilerParams.__dataclass_fields__:
        cp = dataclasses.replace(cp, needs_layout_passes=False)
    if "use_tc_tiling_on_sc" in pltpu.CompilerParams.__dataclass_fields__:
        cp = dataclasses.replace(cp, use_tc_tiling_on_sc=False)
    fn = pl.kernel(
        _edge_body,
        out_type=jax.ShapeDtypeStruct((2, HALF, 16), jnp.float32),
        compiler_params=cp,
        mesh=mesh,
        scratch_types=[
            pltpu.VMEM((CROWS, 128), jnp.int32),
            pltpu.VMEM((CROWS, 128), jnp.int32),
            pltpu.VMEM((CROWS, 128), jnp.int32),
            pltpu.VMEM((CH, 8), jnp.float32),
            pltpu.VMEM((CH, 4), jnp.float32),
            pltpu.VMEM((CH, 16), jnp.float32),
            pltpu.VMEM_SHARED((ACC_ROWS, 16), jnp.float32),
            pltpu.SemaphoreType.DMA,
        ],
    )
    zeros = jnp.zeros((SHARE, 16), jnp.float32)
    out = fn(zeros, sidx2d, didx2d, st, dt)
    return out.reshape(2 * HALF, 16)


def _final_body(ps_ref, st_ref, dt_ref, bg_ref, wstack16_ref,
                sela_ref, seld_ref, e2_ref, e3_ref,
                w1s_ref, w1h_ref, wm0_ref, wm1_ref, wm2_ref, w5_ref,
                bm0_ref, bm1_ref, bm2_ref, bm3_ref, b5_ref,
                id_ref, p_ref):
    def mm(a, b):
        return jnp.dot(a, b, preferred_element_type=jnp.float32)

    s = ps_ref[...]
    st = st_ref[...]
    vl = mm(st, sela_ref[...]) + dt_ref[...]
    eal = jnp.exp(_lrelu(vl, NEG_GAT))
    denom = mm(s, seld_ref[...]) + eal + 1e-16
    recip = 1.0 / denom
    t = s + mm(eal, e2_ref[...]) * mm(st, e3_ref[...])
    t = t * mm(recip, e2_ref[...])
    g = mm(t, wstack16_ref[...]) + bg_ref[...]
    hfeat = _lrelu(g, NEG)

    u = mm(st, w1s_ref[...]) + mm(hfeat, w1h_ref[...])
    u = _lrelu(u + bm0_ref[...], NEG)
    for wm, bm in ((wm0_ref, bm1_ref), (wm1_ref, bm2_ref), (wm2_ref, bm3_ref)):
        u = _lrelu(mm(u, wm[...]) + bm[...], NEG)
    u = mm(u, w5_ref[...]) + b5_ref[...]
    id_ref[...] = u[:, 0:8]
    p_ref[...] = u[:, 8:11]


def _finalize(ps, st, dt, bg, wstack16, mlpw):
    def fixed(shape):
        nd = len(shape)
        return pl.BlockSpec(shape, lambda i, _nd=nd: (0,) * _nd)

    in_specs = [
        pl.BlockSpec((BN, 16), lambda i: (i, 0)),
        pl.BlockSpec((BN, 8), lambda i: (i, 0)),
        pl.BlockSpec((BN, 4), lambda i: (i, 0)),
        fixed((1, HID)),
        fixed((16, HID)),
        fixed((8, 4)), fixed((16, 4)), fixed((4, 16)), fixed((8, 16)),
    ]
    args = [ps, st, dt, bg, wstack16,
            jnp.asarray(_SELA), jnp.asarray(_SELD),
            jnp.asarray(_E2), jnp.asarray(_E3)]
    for w in mlpw:
        in_specs.append(fixed(w.shape))
        args.append(w)

    return pl.pallas_call(
        _final_body,
        grid=(GRID,),
        in_specs=in_specs,
        out_specs=[
            pl.BlockSpec((BN, 8), lambda i: (i, 0)),
            pl.BlockSpec((BN, 3), lambda i: (i, 0)),
        ],
        out_shape=[
            jax.ShapeDtypeStruct((N_NODES, 8), jnp.float32),
            jax.ShapeDtypeStruct((N_NODES, 3), jnp.float32),
        ],
    )(*args)


def kernel(x, edge_index, edge_attr, W_gat, att_src, att_dst, b_gat,
           nn1_Ws, nn1_bs, nn2_Ws, nn2_bs):
    del edge_attr

    W3 = W_gat.reshape(3, HEADS, HID)
    w_src = jnp.einsum("dhk,hk->dh", W3, att_src)
    w_dst = jnp.einsum("dhk,hk->dh", W3, att_dst)
    wsrc8 = jnp.concatenate(
        [w_src, jnp.eye(3, dtype=jnp.float32), jnp.zeros((3, 1), jnp.float32)],
        axis=1)
    wstack16 = jnp.zeros((16, HID), jnp.float32).at[4:16].set(
        W3.transpose(1, 0, 2).reshape(12, HID) * 0.25)

    st, dt = _prep(x, wsrc8, w_dst)

    partials = _edges(edge_index[0].reshape(EROWS, 128),
                      edge_index[1].reshape(EROWS, 128), st, dt)

    def bdiag(a, b):
        m = jnp.zeros((a.shape[0] + b.shape[0], a.shape[1] + b.shape[1]),
                      jnp.float32)
        return m.at[:a.shape[0], :a.shape[1]].set(a).at[a.shape[0]:,
                                                        a.shape[1]:].set(b)

    w1s = jnp.zeros((8, 2 * HID), jnp.float32).at[4:7, :HID].set(
        nn1_Ws[0][0:3]).at[4:7, HID:].set(nn2_Ws[0][0:3])
    w1h = jnp.concatenate([nn1_Ws[0][3:3 + HID], nn2_Ws[0][3:3 + HID]], axis=1)
    wmids = [bdiag(nn1_Ws[l], nn2_Ws[l]) for l in (1, 2, 3)]
    w5 = bdiag(nn1_Ws[4], nn2_Ws[4])
    bms = [jnp.concatenate([nn1_bs[l], nn2_bs[l]]).reshape(1, 2 * HID)
           for l in range(4)]
    b5 = jnp.concatenate([nn1_bs[4], nn2_bs[4]]).reshape(1, 11)
    mlpw = [w1s, w1h, wmids[0], wmids[1], wmids[2], w5,
            bms[0], bms[1], bms[2], bms[3], b5]

    return _finalize(partials, st, dt, b_gat.reshape(1, HID), wstack16, mlpw)

# --- scband reference (transcript-rebuilt; emitter-appended) ---
"""Pipeline reference for scband-pfnet-37134287241357 (READ-ONLY COPY).

The authoritative reference and input builder live on the scoring server;
editing this copy changes nothing except your own understanding.
"""

import jax, jax.numpy as jnp
import numpy as np

N = 100000
E = 1600000
IN_DIM = 3
HID = 32
HEADS = 4
NUM_CLS = 8
NEG_SLOPE_GAT = 0.2
NEG_SLOPE = 0.01


def setup_inputs(seed: int = 0):
    key = jax.random.key(seed)
    ks = jax.random.split(key, 40)
    c = [0]

    def nrm(shape, scale=0.1):
        a = jax.random.normal(ks[c[0]], shape, dtype=jnp.float32) * scale
        c[0] += 1
        return a

    inp = {}
    inp["x"] = nrm((N, IN_DIM), 1.0)
    inp["edge_index"] = jax.random.randint(ks[38], (2, E), 0, N, dtype=jnp.int32)
    inp["edge_attr"] = jax.random.uniform(ks[39], (E, 1), dtype=jnp.float32)
    inp["W_gat"] = nrm((IN_DIM, HEADS * HID))
    inp["att_src"] = nrm((HEADS, HID))
    inp["att_dst"] = nrm((HEADS, HID))
    inp["b_gat"] = nrm((HID,))
    d1 = [IN_DIM + HID, HID, HID, HID, HID, NUM_CLS]
    d2 = [IN_DIM + HID, HID, HID, HID, HID, 3]
    inp["nn1_Ws"] = [nrm((d1[j], d1[j + 1])) for j in range(5)]
    inp["nn1_bs"] = [nrm((d1[j + 1],)) for j in range(5)]
    inp["nn2_Ws"] = [nrm((d2[j], d2[j + 1])) for j in range(5)]
    inp["nn2_bs"] = [nrm((d2[j + 1],)) for j in range(5)]
    return inp


def _lrelu(v, s):
    return jnp.where(v >= 0, v, s * v)


def _mlp(u, Ws, bs):
    for j in range(len(Ws) - 1):
        u = _lrelu(u @ Ws[j] + bs[j], NEG_SLOPE)
    return u @ Ws[-1] + bs[-1]


def _gat(x, src, dst, W_gat, att_src, att_dst, b_gat):
    # PyG GATConv(heads=4, concat=False): shared lin for src/dst, additive
    # attention, leaky_relu(0.2), per-dst softmax, mean over heads, +bias.
    n = x.shape[0]
    xw = (x @ W_gat).reshape(n, HEADS, HID)
    a_src = (xw * att_src[None]).sum(-1)  # [N, H]
    a_dst = (xw * att_dst[None]).sum(-1)  # [N, H]
    alpha = _lrelu(a_src[src] + a_dst[dst], NEG_SLOPE_GAT)  # [Etot, H]
    amax = jax.ops.segment_max(alpha, dst, num_segments=n)
    amax = jnp.where(jnp.isfinite(amax), amax, 0.0)
    amax = jax.lax.stop_gradient(amax)
    ea = jnp.exp(alpha - amax[dst])
    denom = jax.ops.segment_sum(ea, dst, num_segments=n)
    coef = ea / (denom[dst] + 1e-16)
    out = jax.ops.segment_sum(xw[src] * coef[:, :, None], dst, num_segments=n)
    return out.mean(axis=1) + b_gat


def reference(x, edge_index, edge_attr, W_gat, att_src, att_dst, b_gat, nn1_Ws, nn1_bs, nn2_Ws, nn2_bs):
    # edge_attr is read (data.edge_attr.squeeze(-1)) but unused downstream,
    # matching the original PFNet.forward.
    n = x.shape[0]
    loops = jnp.arange(n, dtype=edge_index.dtype)  # GATConv add_self_loops=True
    src = jnp.concatenate([edge_index[0], loops])
    dst = jnp.concatenate([edge_index[1], loops])
    h = _lrelu(_gat(x, src, dst, W_gat, att_src, att_dst, b_gat), NEG_SLOPE)
    up = jnp.concatenate([x, h], axis=-1)
    cand_id = _mlp(up, nn1_Ws, nn1_bs)
    cand_p = _mlp(up, nn2_Ws, nn2_bs)
    return (cand_id, cand_p)

if __name__ == "__main__":
    import jax
    _d = setup_inputs()
    print(jax.jit(kernel)(*tuple(_d.values())))

</pallas_src>

<mosaic_0001>
#map = affine_map<(d0, d1) -> (0, 0)>
#map1 = affine_map<(d0, d1) -> (0, 0, 0)>
module attributes {stable_mosaic.version = 14 : i64} {
  func.func @_edge_body(%arg0: i32, %arg1: i32, %arg2: memref<3144x16xf32, #tpu.memory_space<hbm>>, %arg3: memref<12500x128xi32, #tpu.memory_space<hbm>>, %arg4: memref<12500x128xi32, #tpu.memory_space<hbm>>, %arg5: memref<100000x8xf32, #tpu.memory_space<hbm>>, %arg6: memref<100000x4xf32, #tpu.memory_space<hbm>>, %arg7: memref<2x50176x16xf32, #tpu.memory_space<hbm>>, %arg8: memref<10x128xi32, #tpu.memory_space<vmem>>, %arg9: memref<10x128xi32, #tpu.memory_space<vmem>>, %arg10: memref<10x128xi32, #tpu.memory_space<vmem>>, %arg11: memref<1280x8xf32, #tpu.memory_space<vmem>>, %arg12: memref<1280x4xf32, #tpu.memory_space<vmem>>, %arg13: memref<1280x16xf32, #tpu.memory_space<vmem>>, %arg14: memref<50304x16xf32, #tpu.memory_space<vmem_shared>>, %arg15: memref<!tpu.dma_semaphore, #tpu.memory_space<semaphore_mem>>) attributes {dimension_semantics = [#tpu.dimension_semantics<core_parallel>, #tpu.dimension_semantics<subcore_parallel>], iteration_bounds = array<i64: 2, 16>, scalar_prefetch = 0 : i64, scratch_operands = 8 : i64, tpu.core_type = #tpu.core_type<sc_vector_subcore>, window_params = [{transform_indices = #map}, {transform_indices = #map}, {transform_indices = #map}, {transform_indices = #map}, {transform_indices = #map}, {transform_indices = #map1}]} {
    %mul3A = arith.constant 3144 : i32
    %mul3A_0 = arith.muli %arg1, %mul3A : i32
    "tpu.region"() ({
      %run_scoped3A = tpu.sem_alloc : memref<!tpu.dma_semaphore, #tpu.memory_space<semaphore_mem>>
      %dma_start3A = arith.constant 0 : i32
      %dma_start3A_20 = tpu.memref_slice %arg14[%mul3A_0, %dma_start3A] : memref<50304x16xf32, #tpu.memory_space<vmem_shared>> -> memref<3144x16xf32, #tpu.memory_space<vmem_shared>>
      tpu.enqueue_dma source(%arg2 : memref<3144x16xf32, #tpu.memory_space<hbm>>) target(%dma_start3A_20 : memref<3144x16xf32, #tpu.memory_space<vmem_shared>>) target_semaphore(%run_scoped3A : memref<!tpu.dma_semaphore, #tpu.memory_space<semaphore_mem>>)
      %dma_wait3A = arith.constant 0 : i32
      %dma_wait3A_21 = tpu.memref_slice %arg14[%mul3A_0, %dma_wait3A] : memref<50304x16xf32, #tpu.memory_space<vmem_shared>> -> memref<3144x16xf32, #tpu.memory_space<vmem_shared>>
      tpu.wait_dma2 semaphore(%run_scoped3A : memref<!tpu.dma_semaphore, #tpu.memory_space<semaphore_mem>>) src(%arg2 : memref<3144x16xf32, #tpu.memory_space<hbm>>) dst(%dma_wait3A_21 : memref<3144x16xf32, #tpu.memory_space<vmem_shared>>)
      tpu.yield
    }) : () -> ()
    %barrier3A = arith.constant 0 : index
    tpu.barrier barrier_id(%barrier3A)
    %lt3A = arith.constant 2 : i32
    %lt3A_1 = arith.cmpi slt, %arg1, %lt3A : i32
    %jit3A = arith.constant 1 : i32
    %jit3A_2 = arith.constant 0 : i32
    %select_n3A = arith.select %lt3A_1, %jit3A, %jit3A_2 : i32
    %add3A = arith.constant 78 : i32
    %add3A_3 = arith.addi %add3A, %select_n3A : i32
    %mul3A_4 = arith.constant 78 : i32
    %mul3A_5 = arith.muli %arg1, %mul3A_4 : i32
    %min3A = arith.constant 2 : i32
    %min3A_6 = arith.minsi %arg1, %min3A : i32
    %add3A_7 = arith.addi %mul3A_5, %min3A_6 : i32
    %mul3A_8 = arith.constant 50176 : i32
    %mul3A_9 = arith.muli %arg0, %mul3A_8 : i32
    %scan3A = arith.constant 0 : i32
    %scan3A_10 = arith.constant 80 : i32
    %scan3A_11 = arith.addi %scan3A, %scan3A_10 : i32
    %scan3A_12 = arith.constant 1 : i32
    scf.for %scan3A_20 = %scan3A to %scan3A_11 step %scan3A_12  : i32 {
      %mul3A_21 = arith.constant 1 : i32
      %mul3A_22 = arith.muli %scan3A_20, %mul3A_21 : i32
      %add3A_23 = arith.constant 0 : i32
      %add3A_24 = arith.addi %add3A_23, %mul3A_22 : i32
      %add3A_25 = arith.addi %add3A_7, %add3A_24 : i32
      %mul3A_26 = arith.constant 10 : i32
      %mul3A_27 = arith.muli %add3A_25, %mul3A_26 : i32
      %min3A_28 = arith.constant 12490 : i32
      %min3A_29 = arith.minsi %mul3A_27, %min3A_28 : i32
      %lt3A_30 = arith.cmpi slt, %add3A_24, %add3A_3 : i32
      "tpu.region"() ({
        %run_scoped3A_2517 = tpu.sem_alloc : memref<!tpu.dma_semaphore, #tpu.memory_space<semaphore_mem>>
        %dma_start3A_2518 = arith.constant 0 : i32
        %dma_start3A_2519 = tpu.memref_slice %arg3[%min3A_29, %dma_start3A_2518] : memref<12500x128xi32, #tpu.memory_space<hbm>> -> memref<10x128xi32, #tpu.memory_space<hbm>>
        %dma_start3A_2520 = arith.constant 0 : i32
        %dma_start3A_2521 = tpu.memref_slice %arg3[%min3A_29, %dma_start3A_2520] : memref<12500x128xi32, #tpu.memory_space<hbm>> -> memref<10x128xi32, #tpu.memory_space<hbm>>
        tpu.enqueue_dma source(%dma_start3A_2521 : memref<10x128xi32, #tpu.memory_space<hbm>>) target(%arg8 : memref<10x128xi32, #tpu.memory_space<vmem>>) target_semaphore(%run_scoped3A_2517 : memref<!tpu.dma_semaphore, #tpu.memory_space<semaphore_mem>>)
        %dma_wait3A_2522 = arith.constant 0 : i32
        %dma_wait3A_2523 = tpu.memref_slice %arg3[%min3A_29, %dma_wait3A_2522] : memref<12500x128xi32, #tpu.memory_space<hbm>> -> memref<10x128xi32, #tpu.memory_space<hbm>>
        %dma_wait3A_2524 = arith.constant 0 : i32
        %dma_wait3A_2525 = tpu.memref_slice %arg3[%min3A_29, %dma_wait3A_2524] : memref<12500x128xi32, #tpu.memory_space<hbm>> -> memref<10x128xi32, #tpu.memory_space<hbm>>
        tpu.wait_dma2 semaphore(%run_scoped3A_2517 : memref<!tpu.dma_semaphore, #tpu.memory_space<semaphore_mem>>) src(%dma_wait3A_2525 : memref<10x128xi32, #tpu.memory_space<hbm>>) dst(%arg8 : memref<10x128xi32, #tpu.memory_space<vmem>>)
        tpu.yield
      }) : () -> ()
      "tpu.region"() ({
        %run_scoped3A_2517 = tpu.sem_alloc : memref<!tpu.dma_semaphore, #tpu.memory_space<semaphore_mem>>
        %dma_start3A_2518 = arith.constant 0 : i32
        %dma_start3A_2519 = tpu.memref_slice %arg4[%min3A_29, %dma_start3A_2518] : memref<12500x128xi32, #tpu.memory_space<hbm>> -> memref<10x128xi32, #tpu.memory_space<hbm>>
        %dma_start3A_2520 = arith.constant 0 : i32
        %dma_start3A_2521 = tpu.memref_slice %arg4[%min3A_29, %dma_start3A_2520] : memref<12500x128xi32, #tpu.memory_space<hbm>> -> memref<10x128xi32, #tpu.memory_space<hbm>>
        tpu.enqueue_dma source(%dma_start3A_2521 : memref<10x128xi32, #tpu.memory_space<hbm>>) target(%arg9 : memref<10x128xi32, #tpu.memory_space<vmem>>) target_semaphore(%run_scoped3A_2517 : memref<!tpu.dma_semaphore, #tpu.memory_space<semaphore_mem>>)
        %dma_wait3A_2522 = arith.constant 0 : i32
        %dma_wait3A_2523 = tpu.memref_slice %arg4[%min3A_29, %dma_wait3A_2522] : memref<12500x128xi32, #tpu.memory_space<hbm>> -> memref<10x128xi32, #tpu.memory_space<hbm>>
        %dma_wait3A_2524 = arith.constant 0 : i32
        %dma_wait3A_2525 = tpu.memref_slice %arg4[%min3A_29, %dma_wait3A_2524] : memref<12500x128xi32, #tpu.memory_space<hbm>> -> memref<10x128xi32, #tpu.memory_space<hbm>>
        tpu.wait_dma2 semaphore(%run_scoped3A_2517 : memref<!tpu.dma_semaphore, #tpu.memory_space<semaphore_mem>>) src(%dma_wait3A_2525 : memref<10x128xi32, #tpu.memory_space<hbm>>) dst(%arg9 : memref<10x128xi32, #tpu.memory_space<vmem>>)
        tpu.yield
      }) : () -> ()
      %dma_start3A = arith.constant 0 : i32
      %dma_start3A_31 = arith.constant 0 : i32
      %dma_start3A_32 = arith.constant 0 : i32
      %dma_start3A_33 = tpu.memref_slice %arg11[%dma_start3A_31, %dma_start3A_32] : memref<1280x8xf32, #tpu.memory_space<vmem>> -> memref<128x8xf32, #tpu.memory_space<vmem>>
      %dma_start3A_34 = arith.constant 0 : i32
      %dma_start3A_35 = tpu.memref_slice %arg8[%dma_start3A, %dma_start3A_34] : memref<10x128xi32, #tpu.memory_space<vmem>> -> memref<1x128xi32, #tpu.memory_space<vmem>>
      %dma_start3A_36 = tpu.memref_squeeze %dma_start3A_35 : memref<1x128xi32, #tpu.memory_space<vmem>> -> memref<128xi32, #tpu.memory_space<vmem>>
      %dma_start3A_37 = arith.constant 0 : i32
      %dma_start3A_38 = arith.constant 0 : i32
      %dma_start3A_39 = tpu.memref_slice %arg5[%dma_start3A_37, %dma_start3A_38] : memref<100000x8xf32, #tpu.memory_space<hbm>> -> memref<100000x8xf32, #tpu.memory_space<hbm>>
      tpu.enqueue_indirect_dma source(%dma_start3A_39 : memref<100000x8xf32, #tpu.memory_space<hbm>>) target(%dma_start3A_33 : memref<128x8xf32, #tpu.memory_space<vmem>>) offsets(%dma_start3A_36 : memref<128xi32, #tpu.memory_space<vmem>>) semaphore(%arg15 : memref<!tpu.dma_semaphore, #tpu.memory_space<semaphore_mem>>)
      %dma_start3A_40 = arith.constant 0 : i32
      %dma_start3A_41 = arith.constant 0 : i32
      %dma_start3A_42 = arith.constant 0 : i32
      %dma_start3A_43 = tpu.memref_slice %arg12[%dma_start3A_41, %dma_start3A_42] : memref<1280x4xf32, #tpu.memory_space<vmem>> -> memref<128x4xf32, #tpu.memory_space<vmem>>
      %dma_start3A_44 = arith.constant 0 : i32
      %dma_start3A_45 = tpu.memref_slice %arg9[%dma_start3A_40, %dma_start3A_44] : memref<10x128xi32, #tpu.memory_space<vmem>> -> memref<1x128xi32, #tpu.memory_space<vmem>>
      %dma_start3A_46 = tpu.memref_squeeze %dma_start3A_45 : memref<1x128xi32, #tpu.memory_space<vmem>> -> memref<128xi32, #tpu.memory_space<vmem>>
      %dma_start3A_47 = arith.constant 0 : i32
      %dma_start3A_48 = arith.constant 0 : i32
      %dma_start3A_49 = tpu.memref_slice %arg6[%dma_start3A_47, %dma_start3A_48] : memref<100000x4xf32, #tpu.memory_space<hbm>> -> memref<100000x4xf32, #tpu.memory_space<hbm>>
      tpu.enqueue_indirect_dma source(%dma_start3A_49 : memref<100000x4xf32, #tpu.memory_space<hbm>>) target(%dma_start3A_43 : memref<128x4xf32, #tpu.memory_space<vmem>>) offsets(%dma_start3A_46 : memref<128xi32, #tpu.memory_space<vmem>>) semaphore(%arg15 : memref<!tpu.dma_semaphore, #tpu.memory_space<semaphore_mem>>)
      %dma_start3A_50 = arith.constant 1 : i32
      %dma_start3A_51 = arith.constant 128 : i32
      %dma_start3A_52 = arith.constant 0 : i32
      %dma_start3A_53 = tpu.memref_slice %arg11[%dma_start3A_51, %dma_start3A_52] : memref<1280x8xf32, #tpu.memory_space<vmem>> -> memref<128x8xf32, #tpu.memory_space<vmem>>
      %dma_start3A_54 = arith.constant 0 : i32
      %dma_start3A_55 = tpu.memref_slice %arg8[%dma_start3A_50, %dma_start3A_54] : memref<10x128xi32, #tpu.memory_space<vmem>> -> memref<1x128xi32, #tpu.memory_space<vmem>>
      %dma_start3A_56 = tpu.memref_squeeze %dma_start3A_55 : memref<1x128xi32, #tpu.memory_space<vmem>> -> memref<128xi32, #tpu.memory_space<vmem>>
      %dma_start3A_57 = arith.constant 0 : i32
      %dma_start3A_58 = arith.constant 0 : i32
      %dma_start3A_59 = tpu.memref_slice %arg5[%dma_start3A_57, %dma_start3A_58] : memref<100000x8xf32, #tpu.memory_space<hbm>> -> memref<100000x8xf32, #tpu.memory_space<hbm>>
      tpu.enqueue_indirect_dma source(%dma_start3A_59 : memref<100000x8xf32, #tpu.memory_space<hbm>>) target(%dma_start3A_53 : memref<128x8xf32, #tpu.memory_space<vmem>>) offsets(%dma_start3A_56 : memref<128xi32, #tpu.memory_space<vmem>>) semaphore(%arg15 : memref<!tpu.dma_semaphore, #tpu.memory_space<semaphore_mem>>)
      %dma_start3A_60 = arith.constant 1 : i32
      %dma_start3A_61 = arith.constant 128 : i32
      %dma_start3A_62 = arith.constant 0 : i32
      %dma_start3A_63 = tpu.memref_slice %arg12[%dma_start3A_61, %dma_start3A_62] : memref<1280x4xf32, #tpu.memory_space<vmem>> -> memref<128x4xf32, #tpu.memory_space<vmem>>
      %dma_start3A_64 = arith.constant 0 : i32
      %dma_start3A_65 = tpu.memref_slice %arg9[%dma_start3A_60, %dma_start3A_64] : memref<10x128xi32, #tpu.memory_space<vmem>> -> memref<1x128xi32, #tpu.memory_space<vmem>>
      %dma_start3A_66 = tpu.memref_squeeze %dma_start3A_65 : memref<1x128xi32, #tpu.memory_space<vmem>> -> memref<128xi32, #tpu.memory_space<vmem>>
      %dma_start3A_67 = arith.constant 0 : i32
      %dma_start3A_68 = arith.constant 0 : i32
      %dma_start3A_69 = tpu.memref_slice %arg6[%dma_start3A_67, %dma_start3A_68] : memref<100000x4xf32, #tpu.memory_space<hbm>> -> memref<100000x4xf32, #tpu.memory_space<hbm>>
      tpu.enqueue_indirect_dma source(%dma_start3A_69 : memref<100000x4xf32, #tpu.memory_space<hbm>>) target(%dma_start3A_63 : memref<128x4xf32, #tpu.memory_space<vmem>>) offsets(%dma_start3A_66 : memref<128xi32, #tpu.memory_space<vmem>>) semaphore(%arg15 : memref<!tpu.dma_semaphore, #tpu.memory_space<semaphore_mem>>)
      %dma_start3A_70 = arith.constant 2 : i32
      %dma_start3A_71 = arith.constant 256 : i32
      %dma_start3A_72 = arith.constant 0 : i32
      %dma_start3A_73 = tpu.memref_slice %arg11[%dma_start3A_71, %dma_start3A_72] : memref<1280x8xf32, #tpu.memory_space<vmem>> -> memref<128x8xf32, #tpu.memory_space<vmem>>
      %dma_start3A_74 = arith.constant 0 : i32
      %dma_start3A_75 = tpu.memref_slice %arg8[%dma_start3A_70, %dma_start3A_74] : memref<10x128xi32, #tpu.memory_space<vmem>> -> memref<1x128xi32, #tpu.memory_space<vmem>>
      %dma_start3A_76 = tpu.memref_squeeze %dma_start3A_75 : memref<1x128xi32, #tpu.memory_space<vmem>> -> memref<128xi32, #tpu.memory_space<vmem>>
      %dma_start3A_77 = arith.constant 0 : i32
      %dma_start3A_78 = arith.constant 0 : i32
      %dma_start3A_79 = tpu.memref_slice %arg5[%dma_start3A_77, %dma_start3A_78] : memref<100000x8xf32, #tpu.memory_space<hbm>> -> memref<100000x8xf32, #tpu.memory_space<hbm>>
      tpu.enqueue_indirect_dma source(%dma_start3A_79 : memref<100000x8xf32, #tpu.memory_space<hbm>>) target(%dma_start3A_73 : memref<128x8xf32, #tpu.memory_space<vmem>>) offsets(%dma_start3A_76 : memref<128xi32, #tpu.memory_space<vmem>>) semaphore(%arg15 : memref<!tpu.dma_semaphore, #tpu.memory_space<semaphore_mem>>)
      %dma_start3A_80 = arith.constant 2 : i32
      %dma_start3A_81 = arith.constant 256 : i32
      %dma_start3A_82 = arith.constant 0 : i32
      %dma_start3A_83 = tpu.memref_slice %arg12[%dma_start3A_81, %dma_start3A_82] : memref<1280x4xf32, #tpu.memory_space<vmem>> -> memref<128x4xf32, #tpu.memory_space<vmem>>
      %dma_start3A_84 = arith.constant 0 : i32
      %dma_start3A_85 = tpu.memref_slice %arg9[%dma_start3A_80, %dma_start3A_84] : memref<10x128xi32, #tpu.memory_space<vmem>> -> memref<1x128xi32, #tpu.memory_space<vmem>>
      %dma_start3A_86 = tpu.memref_squeeze %dma_start3A_85 : memref<1x128xi32, #tpu.memory_space<vmem>> -> memref<128xi32, #tpu.memory_space<vmem>>
      %dma_start3A_87 = arith.constant 0 : i32
      %dma_start3A_88 = arith.constant 0 : i32
      %dma_start3A_89 = tpu.memref_slice %arg6[%dma_start3A_87, %dma_start3A_88] : memref<100000x4xf32, #tpu.memory_space<hbm>> -> memref<100000x4xf32, #tpu.memory_space<hbm>>
      tpu.enqueue_indirect_dma source(%dma_start3A_89 : memref<100000x4xf32, #tpu.memory_space<hbm>>) target(%dma_start3A_83 : memref<128x4xf32, #tpu.memory_space<vmem>>) offsets(%dma_start3A_86 : memref<128xi32, #tpu.memory_space<vmem>>) semaphore(%arg15 : memref<!tpu.dma_semaphore, #tpu.memory_space<semaphore_mem>>)
      %dma_start3A_90 = arith.constant 3 : i32
      %dma_start3A_91 = arith.constant 384 : i32
      %dma_start3A_92 = arith.constant 0 : i32
      %dma_start3A_93 = tpu.memref_slice %arg11[%dma_start3A_91, %dma_start3A_92] : memref<1280x8xf32, #tpu.memory_space<vmem>> -> memref<128x8xf32, #tpu.memory_space<vmem>>
      %dma_start3A_94 = arith.constant 0 : i32
      %dma_start3A_95 = tpu.memref_slice %arg8[%dma_start3A_90, %dma_start3A_94] : memref<10x128xi32, #tpu.memory_space<vmem>> -> memref<1x128xi32, #tpu.memory_space<vmem>>
      %dma_start3A_96 = tpu.memref_squeeze %dma_start3A_95 : memref<1x128xi32, #tpu.memory_space<vmem>> -> memref<128xi32, #tpu.memory_space<vmem>>
      %dma_start3A_97 = arith.constant 0 : i32
      %dma_start3A_98 = arith.constant 0 : i32
      %dma_start3A_99 = tpu.memref_slice %arg5[%dma_start3A_97, %dma_start3A_98] : memref<100000x8xf32, #tpu.memory_space<hbm>> -> memref<100000x8xf32, #tpu.memory_space<hbm>>
      tpu.enqueue_indirect_dma source(%dma_start3A_99 : memref<100000x8xf32, #tpu.memory_space<hbm>>) target(%dma_start3A_93 : memref<128x8xf32, #tpu.memory_space<vmem>>) offsets(%dma_start3A_96 : memref<128xi32, #tpu.memory_space<vmem>>) semaphore(%arg15 : memref<!tpu.dma_semaphore, #tpu.memory_space<semaphore_mem>>)
      %dma_start3A_100 = arith.constant 3 : i32
      %dma_start3A_101 = arith.constant 384 : i32
      %dma_start3A_102 = arith.constant 0 : i32
      %dma_start3A_103 = tpu.memref_slice %arg12[%dma_start3A_101, %dma_start3A_102] : memref<1280x4xf32, #tpu.memory_space<vmem>> -> memref<128x4xf32, #tpu.memory_space<vmem>>
      %dma_start3A_104 = arith.constant 0 : i32
      %dma_start3A_105 = tpu.memref_slice %arg9[%dma_start3A_100, %dma_start3A_104] : memref<10x128xi32, #tpu.memory_space<vmem>> -> memref<1x128xi32, #tpu.memory_space<vmem>>
      %dma_start3A_106 = tpu.memref_squeeze %dma_start3A_105 : memref<1x128xi32, #tpu.memory_space<vmem>> -> memref<128xi32, #tpu.memory_space<vmem>>
      %dma_start3A_107 = arith.constant 0 : i32
      %dma_start3A_108 = arith.constant 0 : i32
      %dma_start3A_109 = tpu.memref_slice %arg6[%dma_start3A_107, %dma_start3A_108] : memref<100000x4xf32, #tpu.memory_space<hbm>> -> memref<100000x4xf32, #tpu.memory_space<hbm>>
      tpu.enqueue_indirect_dma source(%dma_start3A_109 : memref<100000x4xf32, #tpu.memory_space<hbm>>) target(%dma_start3A_103 : memref<128x4xf32, #tpu.memory_space<vmem>>) offsets(%dma_start3A_106 : memref<128xi32, #tpu.memory_space<vmem>>) semaphore(%arg15 : memref<!tpu.dma_semaphore, #tpu.memory_space<semaphore_mem>>)
      %dma_start3A_110 = arith.constant 4 : i32
      %dma_start3A_111 = arith.constant 512 : i32
      %dma_start3A_112 = arith.constant 0 : i32
      %dma_start3A_113 = tpu.memref_slice %arg11[%dma_start3A_111, %dma_start3A_112] : memref<1280x8xf32, #tpu.memory_space<vmem>> -> memref<128x8xf32, #tpu.memory_space<vmem>>
      %dma_start3A_114 = arith.constant 0 : i32
      %dma_start3A_115 = tpu.memref_slice %arg8[%dma_start3A_110, %dma_start3A_114] : memref<10x128xi32, #tpu.memory_space<vmem>> -> memref<1x128xi32, #tpu.memory_space<vmem>>
      %dma_start3A_116 = tpu.memref_squeeze %dma_start3A_115 : memref<1x128xi32, #tpu.memory_space<vmem>> -> memref<128xi32, #tpu.memory_space<vmem>>
      %dma_start3A_117 = arith.constant 0 : i32
      %dma_start3A_118 = arith.constant 0 : i32
      %dma_start3A_119 = tpu.memref_slice %arg5[%dma_start3A_117, %dma_start3A_118] : memref<100000x8xf32, #tpu.memory_space<hbm>> -> memref<100000x8xf32, #tpu.memory_space<hbm>>
      tpu.enqueue_indirect_dma source(%dma_start3A_119 : memref<100000x8xf32, #tpu.memory_space<hbm>>) target(%dma_start3A_113 : memref<128x8xf32, #tpu.memory_space<vmem>>) offsets(%dma_start3A_116 : memref<128xi32, #tpu.memory_space<vmem>>) semaphore(%arg15 : memref<!tpu.dma_semaphore, #tpu.memory_space<semaphore_mem>>)
      %dma_start3A_120 = arith.constant 4 : i32
      %dma_start3A_121 = arith.constant 512 : i32
      %dma_start3A_122 = arith.constant 0 : i32
      %dma_start3A_123 = tpu.memref_slice %arg12[%dma_start3A_121, %dma_start3A_122] : memref<1280x4xf32, #tpu.memory_space<vmem>> -> memref<128x4xf32, #tpu.memory_space<vmem>>
      %dma_start3A_124 = arith.constant 0 : i32
      %dma_start3A_125 = tpu.memref_slice %arg9[%dma_start3A_120, %dma_start3A_124] : memref<10x128xi32, #tpu.memory_space<vmem>> -> memref<1x128xi32, #tpu.memory_space<vmem>>
      %dma_start3A_126 = tpu.memref_squeeze %dma_start3A_125 : memref<1x128xi32, #tpu.memory_space<vmem>> -> memref<128xi32, #tpu.memory_space<vmem>>
      %dma_start3A_127 = arith.constant 0 : i32
      %dma_start3A_128 = arith.constant 0 : i32
      %dma_start3A_129 = tpu.memref_slice %arg6[%dma_start3A_127, %dma_start3A_128] : memref<100000x4xf32, #tpu.memory_space<hbm>> -> memref<100000x4xf32, #tpu.memory_space<hbm>>
      tpu.enqueue_indirect_dma source(%dma_start3A_129 : memref<100000x4xf32, #tpu.memory_space<hbm>>) target(%dma_start3A_123 : memref<128x4xf32, #tpu.memory_space<vmem>>) offsets(%dma_start3A_126 : memref<128xi32, #tpu.memory_space<vmem>>) semaphore(%arg15 : memref<!tpu.dma_semaphore, #tpu.memory_space<semaphore_mem>>)
      %dma_start3A_130 = arith.constant 5 : i32
      %dma_start3A_131 = arith.constant 640 : i32
      %dma_start3A_132 = arith.constant 0 : i32
      %dma_start3A_133 = tpu.memref_slice %arg11[%dma_start3A_131, %dma_start3A_132] : memref<1280x8xf32, #tpu.memory_space<vmem>> -> memref<128x8xf32, #tpu.memory_space<vmem>>
      %dma_start3A_134 = arith.constant 0 : i32
      %dma_start3A_135 = tpu.memref_slice %arg8[%dma_start3A_130, %dma_start3A_134] : memref<10x128xi32, #tpu.memory_space<vmem>> -> memref<1x128xi32, #tpu.memory_space<vmem>>
      %dma_start3A_136 = tpu.memref_squeeze %dma_start3A_135 : memref<1x128xi32, #tpu.memory_space<vmem>> -> memref<128xi32, #tpu.memory_space<vmem>>
      %dma_start3A_137 = arith.constant 0 : i32
      %dma_start3A_138 = arith.constant 0 : i32
      %dma_start3A_139 = tpu.memref_slice %arg5[%dma_start3A_137, %dma_start3A_138] : memref<100000x8xf32, #tpu.memory_space<hbm>> -> memref<100000x8xf32, #tpu.memory_space<hbm>>
      tpu.enqueue_indirect_dma source(%dma_start3A_139 : memref<100000x8xf32, #tpu.memory_space<hbm>>) target(%dma_start3A_133 : memref<128x8xf32, #tpu.memory_space<vmem>>) offsets(%dma_start3A_136 : memref<128xi32, #tpu.memory_space<vmem>>) semaphore(%arg15 : memref<!tpu.dma_semaphore, #tpu.memory_space<semaphore_mem>>)
      %dma_start3A_140 = arith.constant 5 : i32
      %dma_start3A_141 = arith.constant 640 : i32
      %dma_start3A_142 = arith.constant 0 : i32
      %dma_start3A_143 = tpu.memref_slice %arg12[%dma_start3A_141, %dma_start3A_142] : memref<1280x4xf32, #tpu.memory_space<vmem>> -> memref<128x4xf32, #tpu.memory_space<vmem>>
      %dma_start3A_144 = arith.constant 0 : i32
      %dma_start3A_145 = tpu.memref_slice %arg9[%dma_start3A_140, %dma_start3A_144] : memref<10x128xi32, #tpu.memory_space<vmem>> -> memref<1x128xi32, #tpu.memory_space<vmem>>
      %dma_start3A_146 = tpu.memref_squeeze %dma_start3A_145 : memref<1x128xi32, #tpu.memory_space<vmem>> -> memref<128xi32, #tpu.memory_space<vmem>>
      %dma_start3A_147 = arith.constant 0 : i32
      %dma_start3A_148 = arith.constant 0 : i32
      %dma_start3A_149 = tpu.memref_slice %arg6[%dma_start3A_147, %dma_start3A_148] : memref<100000x4xf32, #tpu.memory_space<hbm>> -> memref<100000x4xf32, #tpu.memory_space<hbm>>
      tpu.enqueue_indirect_dma source(%dma_start3A_149 : memref<100000x4xf32, #tpu.memory_space<hbm>>) target(%dma_start3A_143 : memref<128x4xf32, #tpu.memory_space<vmem>>) offsets(%dma_start3A_146 : memref<128xi32, #tpu.memory_space<vmem>>) semaphore(%arg15 : memref<!tpu.dma_semaphore, #tpu.memory_space<semaphore_mem>>)
      %dma_start3A_150 = arith.constant 6 : i32
      %dma_start3A_151 = arith.constant 768 : i32
      %dma_start3A_152 = arith.constant 0 : i32
      %dma_start3A_153 = tpu.memref_slice %arg11[%dma_start3A_151, %dma_start3A_152] : memref<1280x8xf32, #tpu.memory_space<vmem>> -> memref<128x8xf32, #tpu.memory_space<vmem>>
      %dma_start3A_154 = arith.constant 0 : i32
      %dma_start3A_155 = tpu.memref_slice %arg8[%dma_start3A_150, %dma_start3A_154] : memref<10x128xi32, #tpu.memory_space<vmem>> -> memref<1x128xi32, #tpu.memory_space<vmem>>
      %dma_start3A_156 = tpu.memref_squeeze %dma_start3A_155 : memref<1x128xi32, #tpu.memory_space<vmem>> -> memref<128xi32, #tpu.memory_space<vmem>>
      %dma_start3A_157 = arith.constant 0 : i32
      %dma_start3A_158 = arith.constant 0 : i32
      %dma_start3A_159 = tpu.memref_slice %arg5[%dma_start3A_157, %dma_start3A_158] : memref<100000x8xf32, #tpu.memory_space<hbm>> -> memref<100000x8xf32, #tpu.memory_space<hbm>>
      tpu.enqueue_indirect_dma source(%dma_start3A_159 : memref<100000x8xf32, #tpu.memory_space<hbm>>) target(%dma_start3A_153 : memref<128x8xf32, #tpu.memory_space<vmem>>) offsets(%dma_start3A_156 : memref<128xi32, #tpu.memory_space<vmem>>) semaphore(%arg15 : memref<!tpu.dma_semaphore, #tpu.memory_space<semaphore_mem>>)
      %dma_start3A_160 = arith.constant 6 : i32
      %dma_start3A_161 = arith.constant 768 : i32
      %dma_start3A_162 = arith.constant 0 : i32
      %dma_start3A_163 = tpu.memref_slice %arg12[%dma_start3A_161, %dma_start3A_162] : memref<1280x4xf32, #tpu.memory_space<vmem>> -> memref<128x4xf32, #tpu.memory_space<vmem>>
      %dma_start3A_164 = arith.constant 0 : i32
      %dma_start3A_165 = tpu.memref_slice %arg9[%dma_start3A_160, %dma_start3A_164] : memref<10x128xi32, #tpu.memory_space<vmem>> -> memref<1x128xi32, #tpu.memory_space<vmem>>
      %dma_start3A_166 = tpu.memref_squeeze %dma_start3A_165 : memref<1x128xi32, #tpu.memory_space<vmem>> -> memref<128xi32, #tpu.memory_space<vmem>>
      %dma_start3A_167 = arith.constant 0 : i32
      %dma_start3A_168 = arith.constant 0 : i32
      %dma_start3A_169 = tpu.memref_slice %arg6[%dma_start3A_167, %dma_start3A_168] : memref<100000x4xf32, #tpu.memory_space<hbm>> -> memref<100000x4xf32, #tpu.memory_space<hbm>>
      tpu.enqueue_indirect_dma source(%dma_start3A_169 : memref<100000x4xf32, #tpu.memory_space<hbm>>) target(%dma_start3A_163 : memref<128x4xf32, #tpu.memory_space<vmem>>) offsets(%dma_start3A_166 : memref<128xi32, #tpu.memory_space<vmem>>) semaphore(%arg15 : memref<!tpu.dma_semaphore, #tpu.memory_space<semaphore_mem>>)
      %dma_start3A_170 = arith.constant 7 : i32
      %dma_start3A_171 = arith.constant 896 : i32
      %dma_start3A_172 = arith.constant 0 : i32
      %dma_start3A_173 = tpu.memref_slice %arg11[%dma_start3A_171, %dma_start3A_172] : memref<1280x8xf32, #tpu.memory_space<vmem>> -> memref<128x8xf32, #tpu.memory_space<vmem>>
      %dma_start3A_174 = arith.constant 0 : i32
      %dma_start3A_175 = tpu.memref_slice %arg8[%dma_start3A_170, %dma_start3A_174] : memref<10x128xi32, #tpu.memory_space<vmem>> -> memref<1x128xi32, #tpu.memory_space<vmem>>
      %dma_start3A_176 = tpu.memref_squeeze %dma_start3A_175 : memref<1x128xi32, #tpu.memory_space<vmem>> -> memref<128xi32, #tpu.memory_space<vmem>>
      %dma_start3A_177 = arith.constant 0 : i32
      %dma_start3A_178 = arith.constant 0 : i32
      %dma_start3A_179 = tpu.memref_slice %arg5[%dma_start3A_177, %dma_start3A_178] : memref<100000x8xf32, #tpu.memory_space<hbm>> -> memref<100000x8xf32, #tpu.memory_space<hbm>>
      tpu.enqueue_indirect_dma source(%dma_start3A_179 : memref<100000x8xf32, #tpu.memory_space<hbm>>) target(%dma_start3A_173 : memref<128x8xf32, #tpu.memory_space<vmem>>) offsets(%dma_start3A_176 : memref<128xi32, #tpu.memory_space<vmem>>) semaphore(%arg15 : memref<!tpu.dma_semaphore, #tpu.memory_space<semaphore_mem>>)
      %dma_start3A_180 = arith.constant 7 : i32
      %dma_start3A_181 = arith.constant 896 : i32
      %dma_start3A_182 = arith.constant 0 : i32
      %dma_start3A_183 = tpu.memref_slice %arg12[%dma_start3A_181, %dma_start3A_182] : memref<1280x4xf32, #tpu.memory_space<vmem>> -> memref<128x4xf32, #tpu.memory_space<vmem>>
      %dma_start3A_184 = arith.constant 0 : i32
      %dma_start3A_185 = tpu.memref_slice %arg9[%dma_start3A_180, %dma_start3A_184] : memref<10x128xi32, #tpu.memory_space<vmem>> -> memref<1x128xi32, #tpu.memory_space<vmem>>
      %dma_start3A_186 = tpu.memref_squeeze %dma_start3A_185 : memref<1x128xi32, #tpu.memory_space<vmem>> -> memref<128xi32, #tpu.memory_space<vmem>>
      %dma_start3A_187 = arith.constant 0 : i32
      %dma_start3A_188 = arith.constant 0 : i32
      %dma_start3A_189 = tpu.memref_slice %arg6[%dma_start3A_187, %dma_start3A_188] : memref<100000x4xf32, #tpu.memory_space<hbm>> -> memref<100000x4xf32, #tpu.memory_space<hbm>>
      tpu.enqueue_indirect_dma source(%dma_start3A_189 : memref<100000x4xf32, #tpu.memory_space<hbm>>) target(%dma_start3A_183 : memref<128x4xf32, #tpu.memory_space<vmem>>) offsets(%dma_start3A_186 : memref<128xi32, #tpu.memory_space<vmem>>) semaphore(%arg15 : memref<!tpu.dma_semaphore, #tpu.memory_space<semaphore_mem>>)
      %dma_start3A_190 = arith.constant 8 : i32
      %dma_start3A_191 = arith.constant 1024 : i32
      %dma_start3A_192 = arith.constant 0 : i32
      %dma_start3A_193 = tpu.memref_slice %arg11[%dma_start3A_191, %dma_start3A_192] : memref<1280x8xf32, #tpu.memory_space<vmem>> -> memref<128x8xf32, #tpu.memory_space<vmem>>
      %dma_start3A_194 = arith.constant 0 : i32
      %dma_start3A_195 = tpu.memref_slice %arg8[%dma_start3A_190, %dma_start3A_194] : memref<10x128xi32, #tpu.memory_space<vmem>> -> memref<1x128xi32, #tpu.memory_space<vmem>>
      %dma_start3A_196 = tpu.memref_squeeze %dma_start3A_195 : memref<1x128xi32, #tpu.memory_space<vmem>> -> memref<128xi32, #tpu.memory_space<vmem>>
      %dma_start3A_197 = arith.constant 0 : i32
      %dma_start3A_198 = arith.constant 0 : i32
      %dma_start3A_199 = tpu.memref_slice %arg5[%dma_start3A_197, %dma_start3A_198] : memref<100000x8xf32, #tpu.memory_space<hbm>> -> memref<100000x8xf32, #tpu.memory_space<hbm>>
      tpu.enqueue_indirect_dma source(%dma_start3A_199 : memref<100000x8xf32, #tpu.memory_space<hbm>>) target(%dma_start3A_193 : memref<128x8xf32, #tpu.memory_space<vmem>>) offsets(%dma_start3A_196 : memref<128xi32, #tpu.memory_space<vmem>>) semaphore(%arg15 : memref<!tpu.dma_semaphore, #tpu.memory_space<semaphore_mem>>)
      %dma_start3A_200 = arith.constant 8 : i32
      %dma_start3A_201 = arith.constant 1024 : i32
      %dma_start3A_202 = arith.constant 0 : i32
      %dma_start3A_203 = tpu.memref_slice %arg12[%dma_start3A_201, %dma_start3A_202] : memref<1280x4xf32, #tpu.memory_space<vmem>> -> memref<128x4xf32, #tpu.memory_space<vmem>>
      %dma_start3A_204 = arith.constant 0 : i32
      %dma_start3A_205 = tpu.memref_slice %arg9[%dma_start3A_200, %dma_start3A_204] : memref<10x128xi32, #tpu.memory_space<vmem>> -> memref<1x128xi32, #tpu.memory_space<vmem>>
      %dma_start3A_206 = tpu.memref_squeeze %dma_start3A_205 : memref<1x128xi32, #tpu.memory_space<vmem>> -> memref<128xi32, #tpu.memory_space<vmem>>
      %dma_start3A_207 = arith.constant 0 : i32
      %dma_start3A_208 = arith.constant 0 : i32
      %dma_start3A_209 = tpu.memref_slice %arg6[%dma_start3A_207, %dma_start3A_208] : memref<100000x4xf32, #tpu.memory_space<hbm>> -> memref<100000x4xf32, #tpu.memory_space<hbm>>
      tpu.enqueue_indirect_dma source(%dma_start3A_209 : memref<100000x4xf32, #tpu.memory_space<hbm>>) target(%dma_start3A_203 : memref<128x4xf32, #tpu.memory_space<vmem>>) offsets(%dma_start3A_206 : memref<128xi32, #tpu.memory_space<vmem>>) semaphore(%arg15 : memref<!tpu.dma_semaphore, #tpu.memory_space<semaphore_mem>>)
      %dma_start3A_210 = arith.constant 9 : i32
      %dma_start3A_211 = arith.constant 1152 : i32
      %dma_start3A_212 = arith.constant 0 : i32
      %dma_start3A_213 = tpu.memref_slice %arg11[%dma_start3A_211, %dma_start3A_212] : memref<1280x8xf32, #tpu.memory_space<vmem>> -> memref<128x8xf32, #tpu.memory_space<vmem>>
      %dma_start3A_214 = arith.constant 0 : i32
      %dma_start3A_215 = tpu.memref_slice %arg8[%dma_start3A_210, %dma_start3A_214] : memref<10x128xi32, #tpu.memory_space<vmem>> -> memref<1x128xi32, #tpu.memory_space<vmem>>
      %dma_start3A_216 = tpu.memref_squeeze %dma_start3A_215 : memref<1x128xi32, #tpu.memory_space<vmem>> -> memref<128xi32, #tpu.memory_space<vmem>>
      %dma_start3A_217 = arith.constant 0 : i32
      %dma_start3A_218 = arith.constant 0 : i32
      %dma_start3A_219 = tpu.memref_slice %arg5[%dma_start3A_217, %dma_start3A_218] : memref<100000x8xf32, #tpu.memory_space<hbm>> -> memref<100000x8xf32, #tpu.memory_space<hbm>>
      tpu.enqueue_indirect_dma source(%dma_start3A_219 : memref<100000x8xf32, #tpu.memory_space<hbm>>) target(%dma_start3A_213 : memref<128x8xf32, #tpu.memory_space<vmem>>) offsets(%dma_start3A_216 : memref<128xi32, #tpu.memory_space<vmem>>) semaphore(%arg15 : memref<!tpu.dma_semaphore, #tpu.memory_space<semaphore_mem>>)
      %dma_start3A_220 = arith.constant 9 : i32
      %dma_start3A_221 = arith.constant 1152 : i32
      %dma_start3A_222 = arith.constant 0 : i32
      %dma_start3A_223 = tpu.memref_slice %arg12[%dma_start3A_221, %dma_start3A_222] : memref<1280x4xf32, #tpu.memory_space<vmem>> -> memref<128x4xf32, #tpu.memory_space<vmem>>
      %dma_start3A_224 = arith.constant 0 : i32
      %dma_start3A_225 = tpu.memref_slice %arg9[%dma_start3A_220, %dma_start3A_224] : memref<10x128xi32, #tpu.memory_space<vmem>> -> memref<1x128xi32, #tpu.memory_space<vmem>>
      %dma_start3A_226 = tpu.memref_squeeze %dma_start3A_225 : memref<1x128xi32, #tpu.memory_space<vmem>> -> memref<128xi32, #tpu.memory_space<vmem>>
      %dma_start3A_227 = arith.constant 0 : i32
      %dma_start3A_228 = arith.constant 0 : i32
      %dma_start3A_229 = tpu.memref_slice %arg6[%dma_start3A_227, %dma_start3A_228] : memref<100000x4xf32, #tpu.memory_space<hbm>> -> memref<100000x4xf32, #tpu.memory_space<hbm>>
      tpu.enqueue_indirect_dma source(%dma_start3A_229 : memref<100000x4xf32, #tpu.memory_space<hbm>>) target(%dma_start3A_223 : memref<128x4xf32, #tpu.memory_space<vmem>>) offsets(%dma_start3A_226 : memref<128xi32, #tpu.memory_space<vmem>>) semaphore(%arg15 : memref<!tpu.dma_semaphore, #tpu.memory_space<semaphore_mem>>)
      %get3A = arith.constant 0 : i32
      %get3A_230 = arith.constant 0 : i32
      %get3A_231 = tpu.memref_slice %arg9[%get3A, %get3A_230] : memref<10x128xi32, #tpu.memory_space<vmem>> -> memref<1x128xi32, #tpu.memory_space<vmem>>
      %get3A_232 = tpu.memref_squeeze %get3A_231 : memref<1x128xi32, #tpu.memory_space<vmem>> -> memref<128xi32, #tpu.memory_space<vmem>>
      %get3A_233 = arith.constant 0 : index
      %get3A_234 = tpu.vector_load %get3A_232[%get3A_233] {strides = array<i32>} : memref<128xi32, #tpu.memory_space<vmem>>, vector<16xi32>,
      %sub3A = vector.broadcast %mul3A_9 : i32 to vector<16xi32>
      %sub3A_235 = arith.subi %get3A_234, %sub3A : vector<16xi32>
      %ge3A = arith.constant 0 : i32
      %ge3A_236 = vector.broadcast %ge3A : i32 to vector<16xi32>
      %ge3A_237 = arith.cmpi sge, %sub3A_235, %ge3A_236 : vector<16xi32>
      %lt3A_238 = arith.constant 50176 : i32
      %lt3A_239 = vector.broadcast %lt3A_238 : i32 to vector<16xi32>
      %lt3A_240 = arith.cmpi slt, %sub3A_235, %lt3A_239 : vector<16xi32>
      %and3A = arith.andi %ge3A_237, %lt3A_240 : vector<16xi1>
      %and3A_241 = vector.broadcast %lt3A_30 : i1 to vector<16xi1>
      %and3A_242 = arith.andi %and3A, %and3A_241 : vector<16xi1>
      %jit3A_243 = arith.constant 50176 : i32
      %broadcast_in_dim3A = vector.broadcast %jit3A_243 : i32 to vector<16xi32>
      %select_n3A_244 = arith.select %and3A_242, %sub3A_235, %broadcast_in_dim3A : vector<16xi1>, vector<16xi32>
      %swap3A = arith.constant 0 : i32
      %swap3A_245 = arith.constant 0 : i32
      %swap3A_246 = tpu.memref_slice %arg10[%swap3A, %swap3A_245] : memref<10x128xi32, #tpu.memory_space<vmem>> -> memref<1x128xi32, #tpu.memory_space<vmem>>
      %swap3A_247 = tpu.memref_squeeze %swap3A_246 : memref<1x128xi32, #tpu.memory_space<vmem>> -> memref<128xi32, #tpu.memory_space<vmem>>
      %swap3A_248 = arith.constant 0 : index
      %swap3A_249 = tpu.vector_load %swap3A_247[%swap3A_248] {strides = array<i32>} : memref<128xi32, #tpu.memory_space<vmem>>, vector<16xi32>,
      tpu.vector_store %swap3A_247[%swap3A_248], %select_n3A_244 {strides = array<i32>} : memref<128xi32, #tpu.memory_space<vmem>>, vector<16xi32>,
      %get3A_250 = arith.constant 0 : i32
      %get3A_251 = arith.constant 0 : i32
      %get3A_252 = tpu.memref_slice %arg9[%get3A_250, %get3A_251] : memref<10x128xi32, #tpu.memory_space<vmem>> -> memref<1x128xi32, #tpu.memory_space<vmem>>
      %get3A_253 = tpu.memref_squeeze %get3A_252 : memref<1x128xi32, #tpu.memory_space<vmem>> -> memref<128xi32, #tpu.memory_space<vmem>>
      %get3A_254 = arith.constant 16 : index
      %get3A_255 = tpu.vector_load %get3A_253[%get3A_254] {strides = array<i32>} : memref<128xi32, #tpu.memory_space<vmem>>, vector<16xi32>,
      %sub3A_256 = vector.broadcast %mul3A_9 : i32 to vector<16xi32>
      %sub3A_257 = arith.subi %get3A_255, %sub3A_256 : vector<16xi32>
      %ge3A_258 = arith.constant 0 : i32
      %ge3A_259 = vector.broadcast %ge3A_258 : i32 to vector<16xi32>
      %ge3A_260 = arith.cmpi sge, %sub3A_257, %ge3A_259 : vector<16xi32>
      %lt3A_261 = arith.constant 50176 : i32
      %lt3A_262 = vector.broadcast %lt3A_261 : i32 to vector<16xi32>
      %lt3A_263 = arith.cmpi slt, %sub3A_257, %lt3A_262 : vector<16xi32>
      %and3A_264 = arith.andi %ge3A_260, %lt3A_263 : vector<16xi1>
      %and3A_265 = vector.broadcast %lt3A_30 : i1 to vector<16xi1>
      %and3A_266 = arith.andi %and3A_264, %and3A_265 : vector<16xi1>
      %jit3A_267 = arith.constant 50176 : i32
      %broadcast_in_dim3A_268 = vector.broadcast %jit3A_267 : i32 to vector<16xi32>
      %select_n3A_269 = arith.select %and3A_266, %sub3A_257, %broadcast_in_dim3A_268 : vector<16xi1>, vector<16xi32>
      %swap3A_270 = arith.constant 0 : i32
      %swap3A_271 = arith.constant 0 : i32
      %swap3A_272 = tpu.memref_slice %arg10[%swap3A_270, %swap3A_271] : memref<10x128xi32, #tpu.memory_space<vmem>> -> memref<1x128xi32, #tpu.memory_space<vmem>>
      %swap3A_273 = tpu.memref_squeeze %swap3A_272 : memref<1x128xi32, #tpu.memory_space<vmem>> -> memref<128xi32, #tpu.memory_space<vmem>>
      %swap3A_274 = arith.constant 16 : index
      %swap3A_275 = tpu.vector_load %swap3A_273[%swap3A_274] {strides = array<i32>} : memref<128xi32, #tpu.memory_space<vmem>>, vector<16xi32>,
      tpu.vector_store %swap3A_273[%swap3A_274], %select_n3A_269 {strides = array<i32>} : memref<128xi32, #tpu.memory_space<vmem>>, vector<16xi32>,
      %get3A_276 = arith.constant 0 : i32
      %get3A_277 = arith.constant 0 : i32
      %get3A_278 = tpu.memref_slice %arg9[%get3A_276, %get3A_277] : memref<10x128xi32, #tpu.memory_space<vmem>> -> memref<1x128xi32, #tpu.memory_space<vmem>>
      %get3A_279 = tpu.memref_squeeze %get3A_278 : memref<1x128xi32, #tpu.memory_space<vmem>> -> memref<128xi32, #tpu.memory_space<vmem>>
      %get3A_280 = arith.constant 32 : index
      %get3A_281 = tpu.vector_load %get3A_279[%get3A_280] {strides = array<i32>} : memref<128xi32, #tpu.memory_space<vmem>>, vector<16xi32>,
      %sub3A_282 = vector.broadcast %mul3A_9 : i32 to vector<16xi32>
      %sub3A_283 = arith.subi %get3A_281, %sub3A_282 : vector<16xi32>
      %ge3A_284 = arith.constant 0 : i32
      %ge3A_285 = vector.broadcast %ge3A_284 : i32 to vector<16xi32>
      %ge3A_286 = arith.cmpi sge, %sub3A_283, %ge3A_285 : vector<16xi32>
      %lt3A_287 = arith.constant 50176 : i32
      %lt3A_288 = vector.broadcast %lt3A_287 : i32 to vector<16xi32>
      %lt3A_289 = arith.cmpi slt, %sub3A_283, %lt3A_288 : vector<16xi32>
      %and3A_290 = arith.andi %ge3A_286, %lt3A_289 : vector<16xi1>
      %and3A_291 = vector.broadcast %lt3A_30 : i1 to vector<16xi1>
      %and3A_292 = arith.andi %and3A_290, %and3A_291 : vector<16xi1>
      %jit3A_293 = arith.constant 50176 : i32
      %broadcast_in_dim3A_294 = vector.broadcast %jit3A_293 : i32 to vector<16xi32>
      %select_n3A_295 = arith.select %and3A_292, %sub3A_283, %broadcast_in_dim3A_294 : vector<16xi1>, vector<16xi32>
      %swap3A_296 = arith.constant 0 : i32
      %swap3A_297 = arith.constant 0 : i32
      %swap3A_298 = tpu.memref_slice %arg10[%swap3A_296, %swap3A_297] : memref<10x128xi32, #tpu.memory_space<vmem>> -> memref<1x128xi32, #tpu.memory_space<vmem>>
      %swap3A_299 = tpu.memref_squeeze %swap3A_298 : memref<1x128xi32, #tpu.memory_space<vmem>> -> memref<128xi32, #tpu.memory_space<vmem>>
      %swap3A_300 = arith.constant 32 : index
      %swap3A_301 = tpu.vector_load %swap3A_299[%swap3A_300] {strides = array<i32>} : memref<128xi32, #tpu.memory_space<vmem>>, vector<16xi32>,
      tpu.vector_store %swap3A_299[%swap3A_300], %select_n3A_295 {strides = array<i32>} : memref<128xi32, #tpu.memory_space<vmem>>, vector<16xi32>,
      %get3A_302 = arith.constant 0 : i32
      %get3A_303 = arith.constant 0 : i32
      %get3A_304 = tpu.memref_slice %arg9[%get3A_302, %get3A_303] : memref<10x128xi32, #tpu.memory_space<vmem>> -> memref<1x128xi32, #tpu.memory_space<vmem>>
      %get3A_305 = tpu.memref_squeeze %get3A_304 : memref<1x128xi32, #tpu.memory_space<vmem>> -> memref<128xi32, #tpu.memory_space<vmem>>
      %get3A_306 = arith.constant 48 : index
      %get3A_307 = tpu.vector_load %get3A_305[%get3A_306] {strides = array<i32>} : memref<128xi32, #tpu.memory_space<vmem>>, vector<16xi32>,
      %sub3A_308 = vector.broadcast %mul3A_9 : i32 to vector<16xi32>
      %sub3A_309 = arith.subi %get3A_307, %sub3A_308 : vector<16xi32>
      %ge3A_310 = arith.constant 0 : i32
      %ge3A_311 = vector.broadcast %ge3A_310 : i32 to vector<16xi32>
      %ge3A_312 = arith.cmpi sge, %sub3A_309, %ge3A_311 : vector<16xi32>
      %lt3A_313 = arith.constant 50176 : i32
      %lt3A_314 = vector.broadcast %lt3A_313 : i32 to vector<16xi32>
      %lt3A_315 = arith.cmpi slt, %sub3A_309, %lt3A_314 : vector<16xi32>
      %and3A_316 = arith.andi %ge3A_312, %lt3A_315 : vector<16xi1>
      %and3A_317 = vector.broadcast %lt3A_30 : i1 to vector<16xi1>
      %and3A_318 = arith.andi %and3A_316, %and3A_317 : vector<16xi1>
      %jit3A_319 = arith.constant 50176 : i32
      %broadcast_in_dim3A_320 = vector.broadcast %jit3A_319 : i32 to vector<16xi32>
      %select_n3A_321 = arith.select %and3A_318, %sub3A_309, %broadcast_in_dim3A_320 : vector<16xi1>, vector<16xi32>
      %swap3A_322 = arith.constant 0 : i32
      %swap3A_323 = arith.constant 0 : i32
      %swap3A_324 = tpu.memref_slice %arg10[%swap3A_322, %swap3A_323] : memref<10x128xi32, #tpu.memory_space<vmem>> -> memref<1x128xi32, #tpu.memory_space<vmem>>
      %swap3A_325 = tpu.memref_squeeze %swap3A_324 : memref<1x128xi32, #tpu.memory_space<vmem>> -> memref<128xi32, #tpu.memory_space<vmem>>
      %swap3A_326 = arith.constant 48 : index
      %swap3A_327 = tpu.vector_load %swap3A_325[%swap3A_326] {strides = array<i32>} : memref<128xi32, #tpu.memory_space<vmem>>, vector<16xi32>,
      tpu.vector_store %swap3A_325[%swap3A_326], %select_n3A_321 {strides = array<i32>} : memref<128xi32, #tpu.memory_space<vmem>>, vector<16xi32>,
      %get3A_328 = arith.constant 0 : i32
      %get3A_329 = arith.constant 0 : i32
      %get3A_330 = tpu.memref_slice %arg9[%get3A_328, %get3A_329] : memref<10x128xi32, #tpu.memory_space<vmem>> -> memref<1x128xi32, #tpu.memory_space<vmem>>
      %get3A_331 = tpu.memref_squeeze %get3A_330 : memref<1x128xi32, #tpu.memory_space<vmem>> -> memref<128xi32, #tpu.memory_space<vmem>>
      %get3A_332 = arith.constant 64 : index
      %get3A_333 = tpu.vector_load %get3A_331[%get3A_332] {strides = array<i32>} : memref<128xi32, #tpu.memory_space<vmem>>, vector<16xi32>,
      %sub3A_334 = vector.broadcast %mul3A_9 : i32 to vector<16xi32>
      %sub3A_335 = arith.subi %get3A_333, %sub3A_334 : vector<16xi32>
      %ge3A_336 = arith.constant 0 : i32
      %ge3A_337 = vector.broadcast %ge3A_336 : i32 to vector<16xi32>
      %ge3A_338 = arith.cmpi sge, %sub3A_335, %ge3A_337 : vector<16xi32>
      %lt3A_339 = arith.constant 50176 : i32
      %lt3A_340 = vector.broadcast %lt3A_339 : i32 to vector<16xi32>
      %lt3A_341 = arith.cmpi slt, %sub3A_335, %lt3A_340 : vector<16xi32>
      %and3A_342 = arith.andi %ge3A_338, %lt3A_341 : vector<16xi1>
      %and3A_343 = vector.broadcast %lt3A_30 : i1 to vector<16xi1>
      %and3A_344 = arith.andi %and3A_342, %and3A_343 : vector<16xi1>
      %jit3A_345 = arith.constant 50176 : i32
      %broadcast_in_dim3A_346 = vector.broadcast %jit3A_345 : i32 to vector<16xi32>
      %select_n3A_347 = arith.select %and3A_344, %sub3A_335, %broadcast_in_dim3A_346 : vector<16xi1>, vector<16xi32>
      %swap3A_348 = arith.constant 0 : i32
      %swap3A_349 = arith.constant 0 : i32
      %swap3A_350 = tpu.memref_slice %arg10[%swap3A_348, %swap3A_349] : memref<10x128xi32, #tpu.memory_space<vmem>> -> memref<1x128xi32, #tpu.memory_space<vmem>>
      %swap3A_351 = tpu.memref_squeeze %swap3A_350 : memref<1x128xi32, #tpu.memory_space<vmem>> -> memref<128xi32, #tpu.memory_space<vmem>>
      %swap3A_352 = arith.constant 64 : index
      %swap3A_353 = tpu.vector_load %swap3A_351[%swap3A_352] {strides = array<i32>} : memref<128xi32, #tpu.memory_space<vmem>>, vector<16xi32>,
      tpu.vector_store %swap3A_351[%swap3A_352], %select_n3A_347 {strides = array<i32>} : memref<128xi32, #tpu.memory_space<vmem>>, vector<16xi32>,
      %get3A_354 = arith.constant 0 : i32
      %get3A_355 = arith.constant 0 : i32
      %get3A_356 = tpu.memref_slice %arg9[%get3A_354, %get3A_355] : memref<10x128xi32, #tpu.memory_space<vmem>> -> memref<1x128xi32, #tpu.memory_space<vmem>>
      %get3A_357 = tpu.memref_squeeze %get3A_356 : memref<1x128xi32, #tpu.memory_space<vmem>> -> memref<128xi32, #tpu.memory_space<vmem>>
      %get3A_358 = arith.constant 80 : index
      %get3A_359 = tpu.vector_load %get3A_357[%get3A_358] {strides = array<i32>} : memref<128xi32, #tpu.memory_space<vmem>>, vector<16xi32>,
      %sub3A_360 = vector.broadcast %mul3A_9 : i32 to vector<16xi32>
      %sub3A_361 = arith.subi %get3A_359, %sub3A_360 : vector<16xi32>
      %ge3A_362 = arith.constant 0 : i32
      %ge3A_363 = vector.broadcast %ge3A_362 : i32 to vector<16xi32>
      %ge3A_364 = arith.cmpi sge, %sub3A_361, %ge3A_363 : vector<16xi32>
      %lt3A_365 = arith.constant 50176 : i32
      %lt3A_366 = vector.broadcast %lt3A_365 : i32 to vector<16xi32>
      %lt3A_367 = arith.cmpi slt, %sub3A_361, %lt3A_366 : vector<16xi32>
      %and3A_368 = arith.andi %ge3A_364, %lt3A_367 : vector<16xi1>
      %and3A_369 = vector.broadcast %lt3A_30 : i1 to vector<16xi1>
      %and3A_370 = arith.andi %and3A_368, %and3A_369 : vector<16xi1>
      %jit3A_371 = arith.constant 50176 : i32
      %broadcast_in_dim3A_372 = vector.broadcast %jit3A_371 : i32 to vector<16xi32>
      %select_n3A_373 = arith.select %and3A_370, %sub3A_361, %broadcast_in_dim3A_372 : vector<16xi1>, vector<16xi32>
      %swap3A_374 = arith.constant 0 : i32
      %swap3A_375 = arith.constant 0 : i32
      %swap3A_376 = tpu.memref_slice %arg10[%swap3A_374, %swap3A_375] : memref<10x128xi32, #tpu.memory_space<vmem>> -> memref<1x128xi32, #tpu.memory_space<vmem>>
      %swap3A_377 = tpu.memref_squeeze %swap3A_376 : memref<1x128xi32, #tpu.memory_space<vmem>> -> memref<128xi32, #tpu.memory_space<vmem>>
      %swap3A_378 = arith.constant 80 : index
      %swap3A_379 = tpu.vector_load %swap3A_377[%swap3A_378] {strides = array<i32>} : memref<128xi32, #tpu.memory_space<vmem>>, vector<16xi32>,
      tpu.vector_store %swap3A_377[%swap3A_378], %select_n3A_373 {strides = array<i32>} : memref<128xi32, #tpu.memory_space<vmem>>, vector<16xi32>,
      %get3A_380 = arith.constant 0 : i32
      %get3A_381 = arith.constant 0 : i32
      %get3A_382 = tpu.memref_slice %arg9[%get3A_380, %get3A_381] : memref<10x128xi32, #tpu.memory_space<vmem>> -> memref<1x128xi32, #tpu.memory_space<vmem>>
      %get3A_383 = tpu.memref_squeeze %get3A_382 : memref<1x128xi32, #tpu.memory_space<vmem>> -> memref<128xi32, #tpu.memory_space<vmem>>
      %get3A_384 = arith.constant 96 : index
      %get3A_385 = tpu.vector_load %get3A_383[%get3A_384] {strides = array<i32>} : memref<128xi32, #tpu.memory_space<vmem>>, vector<16xi32>,
      %sub3A_386 = vector.broadcast %mul3A_9 : i32 to vector<16xi32>
      %sub3A_387 = arith.subi %get3A_385, %sub3A_386 : vector<16xi32>
      %ge3A_388 = arith.constant 0 : i32
      %ge3A_389 = vector.broadcast %ge3A_388 : i32 to vector<16xi32>
      %ge3A_390 = arith.cmpi sge, %sub3A_387, %ge3A_389 : vector<16xi32>
      %lt3A_391 = arith.constant 50176 : i32
      %lt3A_392 = vector.broadcast %lt3A_391 : i32 to vector<16xi32>
      %lt3A_393 = arith.cmpi slt, %sub3A_387, %lt3A_392 : vector<16xi32>
      %and3A_394 = arith.andi %ge3A_390, %lt3A_393 : vector<16xi1>
      %and3A_395 = vector.broadcast %lt3A_30 : i1 to vector<16xi1>
      %and3A_396 = arith.andi %and3A_394, %and3A_395 : vector<16xi1>
      %jit3A_397 = arith.constant 50176 : i32
      %broadcast_in_dim3A_398 = vector.broadcast %jit3A_397 : i32 to vector<16xi32>
      %select_n3A_399 = arith.select %and3A_396, %sub3A_387, %broadcast_in_dim3A_398 : vector<16xi1>, vector<16xi32>
      %swap3A_400 = arith.constant 0 : i32
      %swap3A_401 = arith.constant 0 : i32
      %swap3A_402 = tpu.memref_slice %arg10[%swap3A_400, %swap3A_401] : memref<10x128xi32, #tpu.memory_space<vmem>> -> memref<1x128xi32, #tpu.memory_space<vmem>>
      %swap3A_403 = tpu.memref_squeeze %swap3A_402 : memref<1x128xi32, #tpu.memory_space<vmem>> -> memref<128xi32, #tpu.memory_space<vmem>>
      %swap3A_404 = arith.constant 96 : index
      %swap3A_405 = tpu.vector_load %swap3A_403[%swap3A_404] {strides = array<i32>} : memref<128xi32, #tpu.memory_space<vmem>>, vector<16xi32>,
      tpu.vector_store %swap3A_403[%swap3A_404], %select_n3A_399 {strides = array<i32>} : memref<128xi32, #tpu.memory_space<vmem>>, vector<16xi32>,
      %get3A_406 = arith.constant 0 : i32
      %get3A_407 = arith.constant 0 : i32
      %get3A_408 = tpu.memref_slice %arg9[%get3A_406, %get3A_407] : memref<10x128xi32, #tpu.memory_space<vmem>> -> memref<1x128xi32, #tpu.memory_space<vmem>>
      %get3A_409 = tpu.memref_squeeze %get3A_408 : memref<1x128xi32, #tpu.memory_space<vmem>> -> memref<128xi32, #tpu.memory_space<vmem>>
      %get3A_410 = arith.constant 112 : index
      %get3A_411 = tpu.vector_load %get3A_409[%get3A_410] {strides = array<i32>} : memref<128xi32, #tpu.memory_space<vmem>>, vector<16xi32>,
      %sub3A_412 = vector.broadcast %mul3A_9 : i32 to vector<16xi32>
      %sub3A_413 = arith.subi %get3A_411, %sub3A_412 : vector<16xi32>
      %ge3A_414 = arith.constant 0 : i32
      %ge3A_415 = vector.broadcast %ge3A_414 : i32 to vector<16xi32>
      %ge3A_416 = arith.cmpi sge, %sub3A_413, %ge3A_415 : vector<16xi32>
      %lt3A_417 = arith.constant 50176 : i32
      %lt3A_418 = vector.broadcast %lt3A_417 : i32 to vector<16xi32>
      %lt3A_419 = arith.cmpi slt, %sub3A_413, %lt3A_418 : vector<16xi32>
      %and3A_420 = arith.andi %ge3A_416, %lt3A_419 : vector<16xi1>
      %and3A_421 = vector.broadcast %lt3A_30 : i1 to vector<16xi1>
      %and3A_422 = arith.andi %and3A_420, %and3A_421 : vector<16xi1>
      %jit3A_423 = arith.constant 50176 : i32
      %broadcast_in_dim3A_424 = vector.broadcast %jit3A_423 : i32 to vector<16xi32>
      %select_n3A_425 = arith.select %and3A_422, %sub3A_413, %broadcast_in_dim3A_424 : vector<16xi1>, vector<16xi32>
      %swap3A_426 = arith.constant 0 : i32
      %swap3A_427 = arith.constant 0 : i32
      %swap3A_428 = tpu.memref_slice %arg10[%swap3A_426, %swap3A_427] : memref<10x128xi32, #tpu.memory_space<vmem>> -> memref<1x128xi32, #tpu.memory_space<vmem>>
      %swap3A_429 = tpu.memref_squeeze %swap3A_428 : memref<1x128xi32, #tpu.memory_space<vmem>> -> memref<128xi32, #tpu.memory_space<vmem>>
      %swap3A_430 = arith.constant 112 : index
      %swap3A_431 = tpu.vector_load %swap3A_429[%swap3A_430] {strides = array<i32>} : memref<128xi32, #tpu.memory_space<vmem>>, vector<16xi32>,
      tpu.vector_store %swap3A_429[%swap3A_430], %select_n3A_425 {strides = array<i32>} : memref<128xi32, #tpu.memory_space<vmem>>, vector<16xi32>,
      %get3A_432 = arith.constant 1 : i32
      %get3A_433 = arith.constant 0 : i32
      %get3A_434 = tpu.memref_slice %arg9[%get3A_432, %get3A_433] : memref<10x128xi32, #tpu.memory_space<vmem>> -> memref<1x128xi32, #tpu.memory_space<vmem>>
      %get3A_435 = tpu.memref_squeeze %get3A_434 : memref<1x128xi32, #tpu.memory_space<vmem>> -> memref<128xi32, #tpu.memory_space<vmem>>
      %get3A_436 = arith.constant 0 : index
      %get3A_437 = tpu.vector_load %get3A_435[%get3A_436] {strides = array<i32>} : memref<128xi32, #tpu.memory_space<vmem>>, vector<16xi32>,
      %sub3A_438 = vector.broadcast %mul3A_9 : i32 to vector<16xi32>
      %sub3A_439 = arith.subi %get3A_437, %sub3A_438 : vector<16xi32>
      %ge3A_440 = arith.constant 0 : i32
      %ge3A_441 = vector.broadcast %ge3A_440 : i32 to vector<16xi32>
      %ge3A_442 = arith.cmpi sge, %sub3A_439, %ge3A_441 : vector<16xi32>
      %lt3A_443 = arith.constant 50176 : i32
      %lt3A_444 = vector.broadcast %lt3A_443 : i32 to vector<16xi32>
      %lt3A_445 = arith.cmpi slt, %sub3A_439, %lt3A_444 : vector<16xi32>
      %and3A_446 = arith.andi %ge3A_442, %lt3A_445 : vector<16xi1>
      %and3A_447 = vector.broadcast %lt3A_30 : i1 to vector<16xi1>
      %and3A_448 = arith.andi %and3A_446, %and3A_447 : vector<16xi1>
      %jit3A_449 = arith.constant 50176 : i32
      %broadcast_in_dim3A_450 = vector.broadcast %jit3A_449 : i32 to vector<16xi32>
      %select_n3A_451 = arith.select %and3A_448, %sub3A_439, %broadcast_in_dim3A_450 : vector<16xi1>, vector<16xi32>
      %swap3A_452 = arith.constant 1 : i32
      %swap3A_453 = arith.constant 0 : i32
      %swap3A_454 = tpu.memref_slice %arg10[%swap3A_452, %swap3A_453] : memref<10x128xi32, #tpu.memory_space<vmem>> -> memref<1x128xi32, #tpu.memory_space<vmem>>
      %swap3A_455 = tpu.memref_squeeze %swap3A_454 : memref<1x128xi32, #tpu.memory_space<vmem>> -> memref<128xi32, #tpu.memory_space<vmem>>
      %swap3A_456 = arith.constant 0 : index
      %swap3A_457 = tpu.vector_load %swap3A_455[%swap3A_456] {strides = array<i32>} : memref<128xi32, #tpu.memory_space<vmem>>, vector<16xi32>,
      tpu.vector_store %swap3A_455[%swap3A_456], %select_n3A_451 {strides = array<i32>} : memref<128xi32, #tpu.memory_space<vmem>>, vector<16xi32>,
      %get3A_458 = arith.constant 1 : i32
      %get3A_459 = arith.constant 0 : i32
      %get3A_460 = tpu.memref_slice %arg9[%get3A_458, %get3A_459] : memref<10x128xi32, #tpu.memory_space<vmem>> -> memref<1x128xi32, #tpu.memory_space<vmem>>
      %get3A_461 = tpu.memref_squeeze %get3A_460 : memref<1x128xi32, #tpu.memory_space<vmem>> -> memref<128xi32, #tpu.memory_space<vmem>>
      %get3A_462 = arith.constant 16 : index
      %get3A_463 = tpu.vector_load %get3A_461[%get3A_462] {strides = array<i32>} : memref<128xi32, #tpu.memory_space<vmem>>, vector<16xi32>,
      %sub3A_464 = vector.broadcast %mul3A_9 : i32 to vector<16xi32>
      %sub3A_465 = arith.subi %get3A_463, %sub3A_464 : vector<16xi32>
      %ge3A_466 = arith.constant 0 : i32
      %ge3A_467 = vector.broadcast %ge3A_466 : i32 to vector<16xi32>
      %ge3A_468 = arith.cmpi sge, %sub3A_465, %ge3A_467 : vector<16xi32>
      %lt3A_469 = arith.constant 50176 : i32
      %lt3A_470 = vector.broadcast %lt3A_469 : i32 to vector<16xi32>
      %lt3A_471 = arith.cmpi slt, %sub3A_465, %lt3A_470 : vector<16xi32>
      %and3A_472 = arith.andi %ge3A_468, %lt3A_471 : vector<16xi1>
      %and3A_473 = vector.broadcast %lt3A_30 : i1 to vector<16xi1>
      %and3A_474 = arith.andi %and3A_472, %and3A_473 : vector<16xi1>
      %jit3A_475 = arith.constant 50176 : i32
      %broadcast_in_dim3A_476 = vector.broadcast %jit3A_475 : i32 to vector<16xi32>
      %select_n3A_477 = arith.select %and3A_474, %sub3A_465, %broadcast_in_dim3A_476 : vector<16xi1>, vector<16xi32>
      %swap3A_478 = arith.constant 1 : i32
      %swap3A_479 = arith.constant 0 : i32
      %swap3A_480 = tpu.memref_slice %arg10[%swap3A_478, %swap3A_479] : memref<10x128xi32, #tpu.memory_space<vmem>> -> memref<1x128xi32, #tpu.memory_space<vmem>>
      %swap3A_481 = tpu.memref_squeeze %swap3A_480 : memref<1x128xi32, #tpu.memory_space<vmem>> -> memref<128xi32, #tpu.memory_space<vmem>>
      %swap3A_482 = arith.constant 16 : index
      %swap3A_483 = tpu.vector_load %swap3A_481[%swap3A_482] {strides = array<i32>} : memref<128xi32, #tpu.memory_space<vmem>>, vector<16xi32>,
      tpu.vector_store %swap3A_481[%swap3A_482], %select_n3A_477 {strides = array<i32>} : memref<128xi32, #tpu.memory_space<vmem>>, vector<16xi32>,
      %get3A_484 = arith.constant 1 : i32
      %get3A_485 = arith.constant 0 : i32
      %get3A_486 = tpu.memref_slice %arg9[%get3A_484, %get3A_485] : memref<10x128xi32, #tpu.memory_space<vmem>> -> memref<1x128xi32, #tpu.memory_space<vmem>>
      %get3A_487 = tpu.memref_squeeze %get3A_486 : memref<1x128xi32, #tpu.memory_space<vmem>> -> memref<128xi32, #tpu.memory_space<vmem>>
      %get3A_488 = arith.constant 32 : index
      %get3A_489 = tpu.vector_load %get3A_487[%get3A_488] {strides = array<i32>} : memref<128xi32, #tpu.memory_space<vmem>>, vector<16xi32>,
      %sub3A_490 = vector.broadcast %mul3A_9 : i32 to vector<16xi32>
      %sub3A_491 = arith.subi %get3A_489, %sub3A_490 : vector<16xi32>
      %ge3A_492 = arith.constant 0 : i32
      %ge3A_493 = vector.broadcast %ge3A_492 : i32 to vector<16xi32>
      %ge3A_494 = arith.cmpi sge, %sub3A_491, %ge3A_493 : vector<16xi32>
      %lt3A_495 = arith.constant 50176 : i32
      %lt3A_496 = vector.broadcast %lt3A_495 : i32 to vector<16xi32>
      %lt3A_497 = arith.cmpi slt, %sub3A_491, %lt3A_496 : vector<16xi32>
      %and3A_498 = arith.andi %ge3A_494, %lt3A_497 : vector<16xi1>
      %and3A_499 = vector.broadcast %lt3A_30 : i1 to vector<16xi1>
      %and3A_500 = arith.andi %and3A_498, %and3A_499 : vector<16xi1>
      %jit3A_501 = arith.constant 50176 : i32
      %broadcast_in_dim3A_502 = vector.broadcast %jit3A_501 : i32 to vector<16xi32>
      %select_n3A_503 = arith.select %and3A_500, %sub3A_491, %broadcast_in_dim3A_502 : vector<16xi1>, vector<16xi32>
      %swap3A_504 = arith.constant 1 : i32
      %swap3A_505 = arith.constant 0 : i32
      %swap3A_506 = tpu.memref_slice %arg10[%swap3A_504, %swap3A_505] : memref<10x128xi32, #tpu.memory_space<vmem>> -> memref<1x128xi32, #tpu.memory_space<vmem>>
      %swap3A_507 = tpu.memref_squeeze %swap3A_506 : memref<1x128xi32, #tpu.memory_space<vmem>> -> memref<128xi32, #tpu.memory_space<vmem>>
      %swap3A_508 = arith.constant 32 : index
      %swap3A_509 = tpu.vector_load %swap3A_507[%swap3A_508] {strides = array<i32>} : memref<128xi32, #tpu.memory_space<vmem>>, vector<16xi32>,
      tpu.vector_store %swap3A_507[%swap3A_508], %select_n3A_503 {strides = array<i32>} : memref<128xi32, #tpu.memory_space<vmem>>, vector<16xi32>,
      %get3A_510 = arith.constant 1 : i32
      %get3A_511 = arith.constant 0 : i32
      %get3A_512 = tpu.memref_slice %arg9[%get3A_510, %get3A_511] : memref<10x128xi32, #tpu.memory_space<vmem>> -> memref<1x128xi32, #tpu.memory_space<vmem>>
      %get3A_513 = tpu.memref_squeeze %get3A_512 : memref<1x128xi32, #tpu.memory_space<vmem>> -> memref<128xi32, #tpu.memory_space<vmem>>
      %get3A_514 = arith.constant 48 : index
      %get3A_515 = tpu.vector_load %get3A_513[%get3A_514] {strides = array<i32>} : memref<128xi32, #tpu.memory_space<vmem>>, vector<16xi32>,
      %sub3A_516 = vector.broadcast %mul3A_9 : i32 to vector<16xi32>
      %sub3A_517 = arith.subi %get3A_515, %sub3A_516 : vector<16xi32>
      %ge3A_518 = arith.constant 0 : i32
      %ge3A_519 = vector.broadcast %ge3A_518 : i32 to vector<16xi32>
      %ge3A_520 = arith.cmpi sge, %sub3A_517, %ge3A_519 : vector<16xi32>
      %lt3A_521 = arith.constant 50176 : i32
      %lt3A_522 = vector.broadcast %lt3A_521 : i32 to vector<16xi32>
      %lt3A_523 = arith.cmpi slt, %sub3A_517, %lt3A_522 : vector<16xi32>
      %and3A_524 = arith.andi %ge3A_520, %lt3A_523 : vector<16xi1>
      %and3A_525 = vector.broadcast %lt3A_30 : i1 to vector<16xi1>
      %and3A_526 = arith.andi %and3A_524, %and3A_525 : vector<16xi1>
      %jit3A_527 = arith.constant 50176 : i32
      %broadcast_in_dim3A_528 = vector.broadcast %jit3A_527 : i32 to vector<16xi32>
      %select_n3A_529 = arith.select %and3A_526, %sub3A_517, %broadcast_in_dim3A_528 : vector<16xi1>, vector<16xi32>
      %swap3A_530 = arith.constant 1 : i32
      %swap3A_531 = arith.constant 0 : i32
      %swap3A_532 = tpu.memref_slice %arg10[%swap3A_530, %swap3A_531] : memref<10x128xi32, #tpu.memory_space<vmem>> -> memref<1x128xi32, #tpu.memory_space<vmem>>
      %swap3A_533 = tpu.memref_squeeze %swap3A_532 : memref<1x128xi32, #tpu.memory_space<vmem>> -> memref<128xi32, #tpu.memory_space<vmem>>
      %swap3A_534 = arith.constant 48 : index
      %swap3A_535 = tpu.vector_load %swap3A_533[%swap3A_534] {strides = array<i32>} : memref<128xi32, #tpu.memory_space<vmem>>, vector<16xi32>,
      tpu.vector_store %swap3A_533[%swap3A_534], %select_n3A_529 {strides = array<i32>} : memref<128xi32, #tpu.memory_space<vmem>>, vector<16xi32>,
      %get3A_536 = arith.constant 1 : i32
      %get3A_537 = arith.constant 0 : i32
      %get3A_538 = tpu.memref_slice %arg9[%get3A_536, %get3A_537] : memref<10x128xi32, #tpu.memory_space<vmem>> -> memref<1x128xi32, #tpu.memory_space<vmem>>
      %get3A_539 = tpu.memref_squeeze %get3A_538 : memref<1x128xi32, #tpu.memory_space<vmem>> -> memref<128xi32, #tpu.memory_space<vmem>>
      %get3A_540 = arith.constant 64 : index
      %get3A_541 = tpu.vector_load %get3A_539[%get3A_540] {strides = array<i32>} : memref<128xi32, #tpu.memory_space<vmem>>, vector<16xi32>,
      %sub3A_542 = vector.broadcast %mul3A_9 : i32 to vector<16xi32>
      %sub3A_543 = arith.subi %get3A_541, %sub3A_542 : vector<16xi32>
      %ge3A_544 = arith.constant 0 : i32
      %ge3A_545 = vector.broadcast %ge3A_544 : i32 to vector<16xi32>
      %ge3A_546 = arith.cmpi sge, %sub3A_543, %ge3A_545 : vector<16xi32>
      %lt3A_547 = arith.constant 50176 : i32
      %lt3A_548 = vector.broadcast %lt3A_547 : i32 to vector<16xi32>
      %lt3A_549 = arith.cmpi slt, %sub3A_543, %lt3A_548 : vector<16xi32>
      %and3A_550 = arith.andi %ge3A_546, %lt3A_549 : vector<16xi1>
      %and3A_551 = vector.broadcast %lt3A_30 : i1 to vector<16xi1>
      %and3A_552 = arith.andi %and3A_550, %and3A_551 : vector<16xi1>
      %jit3A_553 = arith.constant 50176 : i32
      %broadcast_in_dim3A_554 = vector.broadcast %jit3A_553 : i32 to vector<16xi32>
      %select_n3A_555 = arith.select %and3A_552, %sub3A_543, %broadcast_in_dim3A_554 : vector<16xi1>, vector<16xi32>
      %swap3A_556 = arith.constant 1 : i32
      %swap3A_557 = arith.constant 0 : i32
      %swap3A_558 = tpu.memref_slice %arg10[%swap3A_556, %swap3A_557] : memref<10x128xi32, #tpu.memory_space<vmem>> -> memref<1x128xi32, #tpu.memory_space<vmem>>
      %swap3A_559 = tpu.memref_squeeze %swap3A_558 : memref<1x128xi32, #tpu.memory_space<vmem>> -> memref<128xi32, #tpu.memory_space<vmem>>
      %swap3A_560 = arith.constant 64 : index
      %swap3A_561 = tpu.vector_load %swap3A_559[%swap3A_560] {strides = array<i32>} : memref<128xi32, #tpu.memory_space<vmem>>, vector<16xi32>,
      tpu.vector_store %swap3A_559[%swap3A_560], %select_n3A_555 {strides = array<i32>} : memref<128xi32, #tpu.memory_space<vmem>>, vector<16xi32>,
      %get3A_562 = arith.constant 1 : i32
      %get3A_563 = arith.constant 0 : i32
      %get3A_564 = tpu.memref_slice %arg9[%get3A_562, %get3A_563] : memref<10x128xi32, #tpu.memory_space<vmem>> -> memref<1x128xi32, #tpu.memory_space<vmem>>
      %get3A_565 = tpu.memref_squeeze %get3A_564 : memref<1x128xi32, #tpu.memory_space<vmem>> -> memref<128xi32, #tpu.memory_space<vmem>>
      %get3A_566 = arith.constant 80 : index
      %get3A_567 = tpu.vector_load %get3A_565[%get3A_566] {strides = array<i32>} : memref<128xi32, #tpu.memory_space<vmem>>, vector<16xi32>,
      %sub3A_568 = vector.broadcast %mul3A_9 : i32 to vector<16xi32>
      %sub3A_569 = arith.subi %get3A_567, %sub3A_568 : vector<16xi32>
      %ge3A_570 = arith.constant 0 : i32
      %ge3A_571 = vector.broadcast %ge3A_570 : i32 to vector<16xi32>
      %ge3A_572 = arith.cmpi sge, %sub3A_569, %ge3A_571 : vector<16xi32>
      %lt3A_573 = arith.constant 50176 : i32
      %lt3A_574 = vector.broadcast %lt3A_573 : i32 to vector<16xi32>
      %lt3A_575 = arith.cmpi slt, %sub3A_569, %lt3A_574 : vector<16xi32>
      %and3A_576 = arith.andi %ge3A_572, %lt3A_575 : vector<16xi1>
      %and3A_577 = vector.broadcast %lt3A_30 : i1 to vector<16xi1>
      %and3A_578 = arith.andi %and3A_576, %and3A_577 : vector<16xi1>
      %jit3A_579 = arith.constant 50176 : i32
      %broadcast_in_dim3A_580 = vector.broadcast %jit3A_579 : i32 to vector<16xi32>
      %select_n3A_581 = arith.select %and3A_578, %sub3A_569, %broadcast_in_dim3A_580 : vector<16xi1>, vector<16xi32>
      %swap3A_582 = arith.constant 1 : i32
      %swap3A_583 = arith.constant 0 : i32
      %swap3A_584 = tpu.memref_slice %arg10[%swap3A_582, %swap3A_583] : memref<10x128xi32, #tpu.memory_space<vmem>> -> memref<1x128xi32, #tpu.memory_space<vmem>>
      %swap3A_585 = tpu.memref_squeeze %swap3A_584 : memref<1x128xi32, #tpu.memory_space<vmem>> -> memref<128xi32, #tpu.memory_space<vmem>>
      %swap3A_586 = arith.constant 80 : index
      %swap3A_587 = tpu.vector_load %swap3A_585[%swap3A_586] {strides = array<i32>} : memref<128xi32, #tpu.memory_space<vmem>>, vector<16xi32>,
      tpu.vector_store %swap3A_585[%swap3A_586], %select_n3A_581 {strides = array<i32>} : memref<128xi32, #tpu.memory_space<vmem>>, vector<16xi32>,
      %get3A_588 = arith.constant 1 : i32
      %get3A_589 = arith.constant 0 : i32
      %get3A_590 = tpu.memref_slice %arg9[%get3A_588, %get3A_589] : memref<10x128xi32, #tpu.memory_space<vmem>> -> memref<1x128xi32, #tpu.memory_space<vmem>>
      %get3A_591 = tpu.memref_squeeze %get3A_590 : memref<1x128xi32, #tpu.memory_space<vmem>> -> memref<128xi32, #tpu.memory_space<vmem>>
      %get3A_592 = arith.constant 96 : index
      %get3A_593 = tpu.vector_load %get3A_591[%get3A_592] {strides = array<i32>} : memref<128xi32, #tpu.memory_space<vmem>>, vector<16xi32>,
      %sub3A_594 = vector.broadcast %mul3A_9 : i32 to vector<16xi32>
      %sub3A_595 = arith.subi %get3A_593, %sub3A_594 : vector<16xi32>
      %ge3A_596 = arith.constant 0 : i32
      %ge3A_597 = vector.broadcast %ge3A_596 : i32 to vector<16xi32>
      %ge3A_598 = arith.cmpi sge, %sub3A_595, %ge3A_597 : vector<16xi32>
      %lt3A_599 = arith.constant 50176 : i32
      %lt3A_600 = vector.broadcast %lt3A_599 : i32 to vector<16xi32>
      %lt3A_601 = arith.cmpi slt, %sub3A_595, %lt3A_600 : vector<16xi32>
      %and3A_602 = arith.andi %ge3A_598, %lt3A_601 : vector<16xi1>
      %and3A_603 = vector.broadcast %lt3A_30 : i1 to vector<16xi1>
      %and3A_604 = arith.andi %and3A_602, %and3A_603 : vector<16xi1>
      %jit3A_605 = arith.constant 50176 : i32
      %broadcast_in_dim3A_606 = vector.broadcast %jit3A_605 : i32 to vector<16xi32>
      %select_n3A_607 = arith.select %and3A_604, %sub3A_595, %broadcast_in_dim3A_606 : vector<16xi1>, vector<16xi32>
      %swap3A_608 = arith.constant 1 : i32
      %swap3A_609 = arith.constant 0 : i32
      %swap3A_610 = tpu.memref_slice %arg10[%swap3A_608, %swap3A_609] : memref<10x128xi32, #tpu.memory_space<vmem>> -> memref<1x128xi32, #tpu.memory_space<vmem>>
      %swap3A_611 = tpu.memref_squeeze %swap3A_610 : memref<1x128xi32, #tpu.memory_space<vmem>> -> memref<128xi32, #tpu.memory_space<vmem>>
      %swap3A_612 = arith.constant 96 : index
      %swap3A_613 = tpu.vector_load %swap3A_611[%swap3A_612] {strides = array<i32>} : memref<128xi32, #tpu.memory_space<vmem>>, vector<16xi32>,
      tpu.vector_store %swap3A_611[%swap3A_612], %select_n3A_607 {strides = array<i32>} : memref<128xi32, #tpu.memory_space<vmem>>, vector<16xi32>,
      %get3A_614 = arith.constant 1 : i32
      %get3A_615 = arith.constant 0 : i32
      %get3A_616 = tpu.memref_slice %arg9[%get3A_614, %get3A_615] : memref<10x128xi32, #tpu.memory_space<vmem>> -> memref<1x128xi32, #tpu.memory_space<vmem>>
      %get3A_617 = tpu.memref_squeeze %get3A_616 : memref<1x128xi32, #tpu.memory_space<vmem>> -> memref<128xi32, #tpu.memory_space<vmem>>
      %get3A_618 = arith.constant 112 : index
      %get3A_619 = tpu.vector_load %get3A_617[%get3A_618] {strides = array<i32>} : memref<128xi32, #tpu.memory_space<vmem>>, vector<16xi32>,
      %sub3A_620 = vector.broadcast %mul3A_9 : i32 to vector<16xi32>
      %sub3A_621 = arith.subi %get3A_619, %sub3A_620 : vector<16xi32>
      %ge3A_622 = arith.constant 0 : i32
      %ge3A_623 = vector.broadcast %ge3A_622 : i32 to vector<16xi32>
      %ge3A_624 = arith.cmpi sge, %sub3A_621, %ge3A_623 : vector<16xi32>
      %lt3A_625 = arith.constant 50176 : i32
      %lt3A_626 = vector.broadcast %lt3A_625 : i32 to vector<16xi32>
      %lt3A_627 = arith.cmpi slt, %sub3A_621, %lt3A_626 : vector<16xi32>
      %and3A_628 = arith.andi %ge3A_624, %lt3A_627 : vector<16xi1>
      %and3A_629 = vector.broadcast %lt3A_30 : i1 to vector<16xi1>
      %and3A_630 = arith.andi %and3A_628, %and3A_629 : vector<16xi1>
      %jit3A_631 = arith.constant 50176 : i32
      %broadcast_in_dim3A_632 = vector.broadcast %jit3A_631 : i32 to vector<16xi32>
      %select_n3A_633 = arith.select %and3A_630, %sub3A_621, %broadcast_in_dim3A_632 : vector<16xi1>, vector<16xi32>
      %swap3A_634 = arith.constant 1 : i32
      %swap3A_635 = arith.constant 0 : i32
      %swap3A_636 = tpu.memref_slice %arg10[%swap3A_634, %swap3A_635] : memref<10x128xi32, #tpu.memory_space<vmem>> -> memref<1x128xi32, #tpu.memory_space<vmem>>
      %swap3A_637 = tpu.memref_squeeze %swap3A_636 : memref<1x128xi32, #tpu.memory_space<vmem>> -> memref<128xi32, #tpu.memory_space<vmem>>
      %swap3A_638 = arith.constant 112 : index
      %swap3A_639 = tpu.vector_load %swap3A_637[%swap3A_638] {strides = array<i32>} : memref<128xi32, #tpu.memory_space<vmem>>, vector<16xi32>,
      tpu.vector_store %swap3A_637[%swap3A_638], %select_n3A_633 {strides = array<i32>} : memref<128xi32, #tpu.memory_space<vmem>>, vector<16xi32>,
      %get3A_640 = arith.constant 2 : i32
      %get3A_641 = arith.constant 0 : i32
      %get3A_642 = tpu.memref_slice %arg9[%get3A_640, %get3A_641] : memref<10x128xi32, #tpu.memory_space<vmem>> -> memref<1x128xi32, #tpu.memory_space<vmem>>
      %get3A_643 = tpu.memref_squeeze %get3A_642 : memref<1x128xi32, #tpu.memory_space<vmem>> -> memref<128xi32, #tpu.memory_space<vmem>>
      %get3A_644 = arith.constant 0 : index
      %get3A_645 = tpu.vector_load %get3A_643[%get3A_644] {strides = array<i32>} : memref<128xi32, #tpu.memory_space<vmem>>, vector<16xi32>,
      %sub3A_646 = vector.broadcast %mul3A_9 : i32 to vector<16xi32>
      %sub3A_647 = arith.subi %get3A_645, %sub3A_646 : vector<16xi32>
      %ge3A_648 = arith.constant 0 : i32
      %ge3A_649 = vector.broadcast %ge3A_648 : i32 to vector<16xi32>
      %ge3A_650 = arith.cmpi sge, %sub3A_647, %ge3A_649 : vector<16xi32>
      %lt3A_651 = arith.constant 50176 : i32
      %lt3A_652 = vector.broadcast %lt3A_651 : i32 to vector<16xi32>
      %lt3A_653 = arith.cmpi slt, %sub3A_647, %lt3A_652 : vector<16xi32>
      %and3A_654 = arith.andi %ge3A_650, %lt3A_653 : vector<16xi1>
      %and3A_655 = vector.broadcast %lt3A_30 : i1 to vector<16xi1>
      %and3A_656 = arith.andi %and3A_654, %and3A_655 : vector<16xi1>
      %jit3A_657 = arith.constant 50176 : i32
      %broadcast_in_dim3A_658 = vector.broadcast %jit3A_657 : i32 to vector<16xi32>
      %select_n3A_659 = arith.select %and3A_656, %sub3A_647, %broadcast_in_dim3A_658 : vector<16xi1>, vector<16xi32>
      %swap3A_660 = arith.constant 2 : i32
      %swap3A_661 = arith.constant 0 : i32
      %swap3A_662 = tpu.memref_slice %arg10[%swap3A_660, %swap3A_661] : memref<10x128xi32, #tpu.memory_space<vmem>> -> memref<1x128xi32, #tpu.memory_space<vmem>>
      %swap3A_663 = tpu.memref_squeeze %swap3A_662 : memref<1x128xi32, #tpu.memory_space<vmem>> -> memref<128xi32, #tpu.memory_space<vmem>>
      %swap3A_664 = arith.constant 0 : index
      %swap3A_665 = tpu.vector_load %swap3A_663[%swap3A_664] {strides = array<i32>} : memref<128xi32, #tpu.memory_space<vmem>>, vector<16xi32>,
      tpu.vector_store %swap3A_663[%swap3A_664], %select_n3A_659 {strides = array<i32>} : memref<128xi32, #tpu.memory_space<vmem>>, vector<16xi32>,
      %get3A_666 = arith.constant 2 : i32
      %get3A_667 = arith.constant 0 : i32
      %get3A_668 = tpu.memref_slice %arg9[%get3A_666, %get3A_667] : memref<10x128xi32, #tpu.memory_space<vmem>> -> memref<1x128xi32, #tpu.memory_space<vmem>>
      %get3A_669 = tpu.memref_squeeze %get3A_668 : memref<1x128xi32, #tpu.memory_space<vmem>> -> memref<128xi32, #tpu.memory_space<vmem>>
      %get3A_670 = arith.constant 16 : index
      %get3A_671 = tpu.vector_load %get3A_669[%get3A_670] {strides = array<i32>} : memref<128xi32, #tpu.memory_space<vmem>>, vector<16xi32>,
      %sub3A_672 = vector.broadcast %mul3A_9 : i32 to vector<16xi32>
      %sub3A_673 = arith.subi %get3A_671, %sub3A_672 : vector<16xi32>
      %ge3A_674 = arith.constant 0 : i32
      %ge3A_675 = vector.broadcast %ge3A_674 : i32 to vector<16xi32>
      %ge3A_676 = arith.cmpi sge, %sub3A_673, %ge3A_675 : vector<16xi32>
      %lt3A_677 = arith.constant 50176 : i32
      %lt3A_678 = vector.broadcast %lt3A_677 : i32 to vector<16xi32>
      %lt3A_679 = arith.cmpi slt, %sub3A_673, %lt3A_678 : vector<16xi32>
      %and3A_680 = arith.andi %ge3A_676, %lt3A_679 : vector<16xi1>
      %and3A_681 = vector.broadcast %lt3A_30 : i1 to vector<16xi1>
      %and3A_682 = arith.andi %and3A_680, %and3A_681 : vector<16xi1>
      %jit3A_683 = arith.constant 50176 : i32
      %broadcast_in_dim3A_684 = vector.broadcast %jit3A_683 : i32 to vector<16xi32>
      %select_n3A_685 = arith.select %and3A_682, %sub3A_673, %broadcast_in_dim3A_684 : vector<16xi1>, vector<16xi32>
      %swap3A_686 = arith.constant 2 : i32
      %swap3A_687 = arith.constant 0 : i32
      %swap3A_688 = tpu.memref_slice %arg10[%swap3A_686, %swap3A_687] : memref<10x128xi32, #tpu.memory_space<vmem>> -> memref<1x128xi32, #tpu.memory_space<vmem>>
      %swap3A_689 = tpu.memref_squeeze %swap3A_688 : memref<1x128xi32, #tpu.memory_space<vmem>> -> memref<128xi32, #tpu.memory_space<vmem>>
      %swap3A_690 = arith.constant 16 : index
      %swap3A_691 = tpu.vector_load %swap3A_689[%swap3A_690] {strides = array<i32>} : memref<128xi32, #tpu.memory_space<vmem>>, vector<16xi32>,
      tpu.vector_store %swap3A_689[%swap3A_690], %select_n3A_685 {strides = array<i32>} : memref<128xi32, #tpu.memory_space<vmem>>, vector<16xi32>,
      %get3A_692 = arith.constant 2 : i32
      %get3A_693 = arith.constant 0 : i32
      %get3A_694 = tpu.memref_slice %arg9[%get3A_692, %get3A_693] : memref<10x128xi32, #tpu.memory_space<vmem>> -> memref<1x128xi32, #tpu.memory_space<vmem>>
      %get3A_695 = tpu.memref_squeeze %get3A_694 : memref<1x128xi32, #tpu.memory_space<vmem>> -> memref<128xi32, #tpu.memory_space<vmem>>
      %get3A_696 = arith.constant 32 : index
      %get3A_697 = tpu.vector_load %get3A_695[%get3A_696] {strides = array<i32>} : memref<128xi32, #tpu.memory_space<vmem>>, vector<16xi32>,
      %sub3A_698 = vector.broadcast %mul3A_9 : i32 to vector<16xi32>
      %sub3A_699 = arith.subi %get3A_697, %sub3A_698 : vector<16xi32>
      %ge3A_700 = arith.constant 0 : i32
      %ge3A_701 = vector.broadcast %ge3A_700 : i32 to vector<16xi32>
      %ge3A_702 = arith.cmpi sge, %sub3A_699, %ge3A_701 : vector<16xi32>
      %lt3A_703 = arith.constant 50176 : i32
      %lt3A_704 = vector.broadcast %lt3A_703 : i32 to vector<16xi32>
      %lt3A_705 = arith.cmpi slt, %sub3A_699, %lt3A_704 : vector<16xi32>
      %and3A_706 = arith.andi %ge3A_702, %lt3A_705 : vector<16xi1>
      %and3A_707 = vector.broadcast %lt3A_30 : i1 to vector<16xi1>
      %and3A_708 = arith.andi %and3A_706, %and3A_707 : vector<16xi1>
      %jit3A_709 = arith.constant 50176 : i32
      %broadcast_in_dim3A_710 = vector.broadcast %jit3A_709 : i32 to vector<16xi32>
      %select_n3A_711 = arith.select %and3A_708, %sub3A_699, %broadcast_in_dim3A_710 : vector<16xi1>, vector<16xi32>
      %swap3A_712 = arith.constant 2 : i32
      %swap3A_713 = arith.constant 0 : i32
      %swap3A_714 = tpu.memref_slice %arg10[%swap3A_712, %swap3A_713] : memref<10x128xi32, #tpu.memory_space<vmem>> -> memref<1x128xi32, #tpu.memory_space<vmem>>
      %swap3A_715 = tpu.memref_squeeze %swap3A_714 : memref<1x128xi32, #tpu.memory_space<vmem>> -> memref<128xi32, #tpu.memory_space<vmem>>
      %swap3A_716 = arith.constant 32 : index
      %swap3A_717 = tpu.vector_load %swap3A_715[%swap3A_716] {strides = array<i32>} : memref<128xi32, #tpu.memory_space<vmem>>, vector<16xi32>,
      tpu.vector_store %swap3A_715[%swap3A_716], %select_n3A_711 {strides = array<i32>} : memref<128xi32, #tpu.memory_space<vmem>>, vector<16xi32>,
      %get3A_718 = arith.constant 2 : i32
      %get3A_719 = arith.constant 0 : i32
      %get3A_720 = tpu.memref_slice %arg9[%get3A_718, %get3A_719] : memref<10x128xi32, #tpu.memory_space<vmem>> -> memref<1x128xi32, #tpu.memory_space<vmem>>
      %get3A_721 = tpu.memref_squeeze %get3A_720 : memref<1x128xi32, #tpu.memory_space<vmem>> -> memref<128xi32, #tpu.memory_space<vmem>>
      %get3A_722 = arith.constant 48 : index
      %get3A_723 = tpu.vector_load %get3A_721[%get3A_722] {strides = array<i32>} : memref<128xi32, #tpu.memory_space<vmem>>, vector<16xi32>,
      %sub3A_724 = vector.broadcast %mul3A_9 : i32 to vector<16xi32>
      %sub3A_725 = arith.subi %get3A_723, %sub3A_724 : vector<16xi32>
      %ge3A_726 = arith.constant 0 : i32
      %ge3A_727 = vector.broadcast %ge3A_726 : i32 to vector<16xi32>
      %ge3A_728 = arith.cmpi sge, %sub3A_725, %ge3A_727 : vector<16xi32>
      %lt3A_729 = arith.constant 50176 : i32
      %lt3A_730 = vector.broadcast %lt3A_729 : i32 to vector<16xi32>
      %lt3A_731 = arith.cmpi slt, %sub3A_725, %lt3A_730 : vector<16xi32>
      %and3A_732 = arith.andi %ge3A_728, %lt3A_731 : vector<16xi1>
      %and3A_733 = vector.broadcast %lt3A_30 : i1 to vector<16xi1>
      %and3A_734 = arith.andi %and3A_732, %and3A_733 : vector<16xi1>
      %jit3A_735 = arith.constant 50176 : i32
      %broadcast_in_dim3A_736 = vector.broadcast %jit3A_735 : i32 to vector<16xi32>
      %select_n3A_737 = arith.select %and3A_734, %sub3A_725, %broadcast_in_dim3A_736 : vector<16xi1>, vector<16xi32>
      %swap3A_738 = arith.constant 2 : i32
      %swap3A_739 = arith.constant 0 : i32
      %swap3A_740 = tpu.memref_slice %arg10[%swap3A_738, %swap3A_739] : memref<10x128xi32, #tpu.memory_space<vmem>> -> memref<1x128xi32, #tpu.memory_space<vmem>>
      %swap3A_741 = tpu.memref_squeeze %swap3A_740 : memref<1x128xi32, #tpu.memory_space<vmem>> -> memref<128xi32, #tpu.memory_space<vmem>>
      %swap3A_742 = arith.constant 48 : index
      %swap3A_743 = tpu.vector_load %swap3A_741[%swap3A_742] {strides = array<i32>} : memref<128xi32, #tpu.memory_space<vmem>>, vector<16xi32>,
      tpu.vector_store %swap3A_741[%swap3A_742], %select_n3A_737 {strides = array<i32>} : memref<128xi32, #tpu.memory_space<vmem>>, vector<16xi32>,
      %get3A_744 = arith.constant 2 : i32
      %get3A_745 = arith.constant 0 : i32
      %get3A_746 = tpu.memref_slice %arg9[%get3A_744, %get3A_745] : memref<10x128xi32, #tpu.memory_space<vmem>> -> memref<1x128xi32, #tpu.memory_space<vmem>>
      %get3A_747 = tpu.memref_squeeze %get3A_746 : memref<1x128xi32, #tpu.memory_space<vmem>> -> memref<128xi32, #tpu.memory_space<vmem>>
      %get3A_748 = arith.constant 64 : index
      %get3A_749 = tpu.vector_load %get3A_747[%get3A_748] {strides = array<i32>} : memref<128xi32, #tpu.memory_space<vmem>>, vector<16xi32>,
      %sub3A_750 = vector.broadcast %mul3A_9 : i32 to vector<16xi32>
      %sub3A_751 = arith.subi %get3A_749, %sub3A_750 : vector<16xi32>
      %ge3A_752 = arith.constant 0 : i32
      %ge3A_753 = vector.broadcast %ge3A_752 : i32 to vector<16xi32>
      %ge3A_754 = arith.cmpi sge, %sub3A_751, %ge3A_753 : vector<16xi32>
      %lt3A_755 = arith.constant 50176 : i32
      %lt3A_756 = vector.broadcast %lt3A_755 : i32 to vector<16xi32>
      %lt3A_757 = arith.cmpi slt, %sub3A_751, %lt3A_756 : vector<16xi32>
      %and3A_758 = arith.andi %ge3A_754, %lt3A_757 : vector<16xi1>
      %and3A_759 = vector.broadcast %lt3A_30 : i1 to vector<16xi1>
      %and3A_760 = arith.andi %and3A_758, %and3A_759 : vector<16xi1>
      %jit3A_761 = arith.constant 50176 : i32
      %broadcast_in_dim3A_762 = vector.broadcast %jit3A_761 : i32 to vector<16xi32>
      %select_n3A_763 = arith.select %and3A_760, %sub3A_751, %broadcast_in_dim3A_762 : vector<16xi1>, vector<16xi32>
      %swap3A_764 = arith.constant 2 : i32
      %swap3A_765 = arith.constant 0 : i32
      %swap3A_766 = tpu.memref_slice %arg10[%swap3A_764, %swap3A_765] : memref<10x128xi32, #tpu.memory_space<vmem>> -> memref<1x128xi32, #tpu.memory_space<vmem>>
      %swap3A_767 = tpu.memref_squeeze %swap3A_766 : memref<1x128xi32, #tpu.memory_space<vmem>> -> memref<128xi32, #tpu.memory_space<vmem>>
      %swap3A_768 = arith.constant 64 : index
      %swap3A_769 = tpu.vector_load %swap3A_767[%swap3A_768] {strides = array<i32>} : memref<128xi32, #tpu.memory_space<vmem>>, vector<16xi32>,
      tpu.vector_store %swap3A_767[%swap3A_768], %select_n3A_763 {strides = array<i32>} : memref<128xi32, #tpu.memory_space<vmem>>, vector<16xi32>,
      %get3A_770 = arith.constant 2 : i32
      %get3A_771 = arith.constant 0 : i32
      %get3A_772 = tpu.memref_slice %arg9[%get3A_770, %get3A_771] : memref<10x128xi32, #tpu.memory_space<vmem>> -> memref<1x128xi32, #tpu.memory_space<vmem>>
      %get3A_773 = tpu.memref_squeeze %get3A_772 : memref<1x128xi32, #tpu.memory_space<vmem>> -> memref<128xi32, #tpu.memory_space<vmem>>
      %get3A_774 = arith.constant 80 : index
      %get3A_775 = tpu.vector_load %get3A_773[%get3A_774] {strides = array<i32>} : memref<128xi32, #tpu.memory_space<vmem>>, vector<16xi32>,
      %sub3A_776 = vector.broadcast %mul3A_9 : i32 to vector<16xi32>
      %sub3A_777 = arith.subi %get3A_775, %sub3A_776 : vector<16xi32>
      %ge3A_778 = arith.constant 0 : i32
      %ge3A_779 = vector.broadcast %ge3A_778 : i32 to vector<16xi32>
      %ge3A_780 = arith.cmpi sge, %sub3A_777, %ge3A_779 : vector<16xi32>
      %lt3A_781 = arith.constant 50176 : i32
      %lt3A_782 = vector.broadcast %lt3A_781 : i32 to vector<16xi32>
      %lt3A_783 = arith.cmpi slt, %sub3A_777, %lt3A_782 : vector<16xi32>
      %and3A_784 = arith.andi %ge3A_780, %lt3A_783 : vector<16xi1>
      %and3A_785 = vector.broadcast %lt3A_30 : i1 to vector<16xi1>
      %and3A_786 = arith.andi %and3A_784, %and3A_785 : vector<16xi1>
      %jit3A_787 = arith.constant 50176 : i32
      %broadcast_in_dim3A_788 = vector.broadcast %jit3A_787 : i32 to vector<16xi32>
      %select_n3A_789 = arith.select %and3A_786, %sub3A_777, %broadcast_in_dim3A_788 : vector<16xi1>, vector<16xi32>
      %swap3A_790 = arith.constant 2 : i32
      %swap3A_791 = arith.constant 0 : i32
      %swap3A_792 = tpu.memref_slice %arg10[%swap3A_790, %swap3A_791] : memref<10x128xi32, #tpu.memory_space<vmem>> -> memref<1x128xi32, #tpu.memory_space<vmem>>
      %swap3A_793 = tpu.memref_squeeze %swap3A_792 : memref<1x128xi32, #tpu.memory_space<vmem>> -> memref<128xi32, #tpu.memory_space<vmem>>
      %swap3A_794 = arith.constant 80 : index
      %swap3A_795 = tpu.vector_load %swap3A_793[%swap3A_794] {strides = array<i32>} : memref<128xi32, #tpu.memory_space<vmem>>, vector<16xi32>,
      tpu.vector_store %swap3A_793[%swap3A_794], %select_n3A_789 {strides = array<i32>} : memref<128xi32, #tpu.memory_space<vmem>>, vector<16xi32>,
      %get3A_796 = arith.constant 2 : i32
      %get3A_797 = arith.constant 0 : i32
      %get3A_798 = tpu.memref_slice %arg9[%get3A_796, %get3A_797] : memref<10x128xi32, #tpu.memory_space<vmem>> -> memref<1x128xi32, #tpu.memory_space<vmem>>
      %get3A_799 = tpu.memref_squeeze %get3A_798 : memref<1x128xi32, #tpu.memory_space<vmem>> -> memref<128xi32, #tpu.memory_space<vmem>>
      %get3A_800 = arith.constant 96 : index
      %get3A_801 = tpu.vector_load %get3A_799[%get3A_800] {strides = array<i32>} : memref<128xi32, #tpu.memory_space<vmem>>, vector<16xi32>,
      %sub3A_802 = vector.broadcast %mul3A_9 : i32 to vector<16xi32>
      %sub3A_803 = arith.subi %get3A_801, %sub3A_802 : vector<16xi32>
      %ge3A_804 = arith.constant 0 : i32
      %ge3A_805 = vector.broadcast %ge3A_804 : i32 to vector<16xi32>
      %ge3A_806 = arith.cmpi sge, %sub3A_803, %ge3A_805 : vector<16xi32>
      %lt3A_807 = arith.constant 50176 : i32
      %lt3A_808 = vector.broadcast %lt3A_807 : i32 to vector<16xi32>
      %lt3A_809 = arith.cmpi slt, %sub3A_803, %lt3A_808 : vector<16xi32>
      %and3A_810 = arith.andi %ge3A_806, %lt3A_809 : vector<16xi1>
      %and3A_811 = vector.broadcast %lt3A_30 : i1 to vector<16xi1>
      %and3A_812 = arith.andi %and3A_810, %and3A_811 : vector<16xi1>
      %jit3A_813 = arith.constant 50176 : i32
      %broadcast_in_dim3A_814 = vector.broadcast %jit3A_813 : i32 to vector<16xi32>
      %select_n3A_815 = arith.select %and3A_812, %sub3A_803, %broadcast_in_dim3A_814 : vector<16xi1>, vector<16xi32>
      %swap3A_816 = arith.constant 2 : i32
      %swap3A_817 = arith.constant 0 : i32
      %swap3A_818 = tpu.memref_slice %arg10[%swap3A_816, %swap3A_817] : memref<10x128xi32, #tpu.memory_space<vmem>> -> memref<1x128xi32, #tpu.memory_space<vmem>>
      %swap3A_819 = tpu.memref_squeeze %swap3A_818 : memref<1x128xi32, #tpu.memory_space<vmem>> -> memref<128xi32, #tpu.memory_space<vmem>>
      %swap3A_820 = arith.constant 96 : index
      %swap3A_821 = tpu.vector_load %swap3A_819[%swap3A_820] {strides = array<i32>} : memref<128xi32, #tpu.memory_space<vmem>>, vector<16xi32>,
      tpu.vector_store %swap3A_819[%swap3A_820], %select_n3A_815 {strides = array<i32>} : memref<128xi32, #tpu.memory_space<vmem>>, vector<16xi32>,
      %get3A_822 = arith.constant 2 : i32
      %get3A_823 = arith.constant 0 : i32
      %get3A_824 = tpu.memref_slice %arg9[%get3A_822, %get3A_823] : memref<10x128xi32, #tpu.memory_space<vmem>> -> memref<1x128xi32, #tpu.memory_space<vmem>>
      %get3A_825 = tpu.memref_squeeze %get3A_824 : memref<1x128xi32, #tpu.memory_space<vmem>> -> memref<128xi32, #tpu.memory_space<vmem>>
      %get3A_826 = arith.constant 112 : index
      %get3A_827 = tpu.vector_load %get3A_825[%get3A_826] {strides = array<i32>} : memref<128xi32, #tpu.memory_space<vmem>>, vector<16xi32>,
      %sub3A_828 = vector.broadcast %mul3A_9 : i32 to vector<16xi32>
      %sub3A_829 = arith.subi %get3A_827, %sub3A_828 : vector<16xi32>
      %ge3A_830 = arith.constant 0 : i32
      %ge3A_831 = vector.broadcast %ge3A_830 : i32 to vector<16xi32>
      %ge3A_832 = arith.cmpi sge, %sub3A_829, %ge3A_831 : vector<16xi32>
      %lt3A_833 = arith.constant 50176 : i32
      %lt3A_834 = vector.broadcast %lt3A_833 : i32 to vector<16xi32>
      %lt3A_835 = arith.cmpi slt, %sub3A_829, %lt3A_834 : vector<16xi32>
      %and3A_836 = arith.andi %ge3A_832, %lt3A_835 : vector<16xi1>
      %and3A_837 = vector.broadcast %lt3A_30 : i1 to vector<16xi1>
      %and3A_838 = arith.andi %and3A_836, %and3A_837 : vector<16xi1>
      %jit3A_839 = arith.constant 50176 : i32
      %broadcast_in_dim3A_840 = vector.broadcast %jit3A_839 : i32 to vector<16xi32>
      %select_n3A_841 = arith.select %and3A_838, %sub3A_829, %broadcast_in_dim3A_840 : vector<16xi1>, vector<16xi32>
      %swap3A_842 = arith.constant 2 : i32
      %swap3A_843 = arith.constant 0 : i32
      %swap3A_844 = tpu.memref_slice %arg10[%swap3A_842, %swap3A_843] : memref<10x128xi32, #tpu.memory_space<vmem>> -> memref<1x128xi32, #tpu.memory_space<vmem>>
      %swap3A_845 = tpu.memref_squeeze %swap3A_844 : memref<1x128xi32, #tpu.memory_space<vmem>> -> memref<128xi32, #tpu.memory_space<vmem>>
      %swap3A_846 = arith.constant 112 : index
      %swap3A_847 = tpu.vector_load %swap3A_845[%swap3A_846] {strides = array<i32>} : memref<128xi32, #tpu.memory_space<vmem>>, vector<16xi32>,
      tpu.vector_store %swap3A_845[%swap3A_846], %select_n3A_841 {strides = array<i32>} : memref<128xi32, #tpu.memory_space<vmem>>, vector<16xi32>,
      %get3A_848 = arith.constant 3 : i32
      %get3A_849 = arith.constant 0 : i32
      %get3A_850 = tpu.memref_slice %arg9[%get3A_848, %get3A_849] : memref<10x128xi32, #tpu.memory_space<vmem>> -> memref<1x128xi32, #tpu.memory_space<vmem>>
      %get3A_851 = tpu.memref_squeeze %get3A_850 : memref<1x128xi32, #tpu.memory_space<vmem>> -> memref<128xi32, #tpu.memory_space<vmem>>
      %get3A_852 = arith.constant 0 : index
      %get3A_853 = tpu.vector_load %get3A_851[%get3A_852] {strides = array<i32>} : memref<128xi32, #tpu.memory_space<vmem>>, vector<16xi32>,
      %sub3A_854 = vector.broadcast %mul3A_9 : i32 to vector<16xi32>
      %sub3A_855 = arith.subi %get3A_853, %sub3A_854 : vector<16xi32>
      %ge3A_856 = arith.constant 0 : i32
      %ge3A_857 = vector.broadcast %ge3A_856 : i32 to vector<16xi32>
      %ge3A_858 = arith.cmpi sge, %sub3A_855, %ge3A_857 : vector<16xi32>
      %lt3A_859 = arith.constant 50176 : i32
      %lt3A_860 = vector.broadcast %lt3A_859 : i32 to vector<16xi32>
      %lt3A_861 = arith.cmpi slt, %sub3A_855, %lt3A_860 : vector<16xi32>
      %and3A_862 = arith.andi %ge3A_858, %lt3A_861 : vector<16xi1>
      %and3A_863 = vector.broadcast %lt3A_30 : i1 to vector<16xi1>
      %and3A_864 = arith.andi %and3A_862, %and3A_863 : vector<16xi1>
      %jit3A_865 = arith.constant 50176 : i32
      %broadcast_in_dim3A_866 = vector.broadcast %jit3A_865 : i32 to vector<16xi32>
      %select_n3A_867 = arith.select %and3A_864, %sub3A_855, %broadcast_in_dim3A_866 : vector<16xi1>, vector<16xi32>
      %swap3A_868 = arith.constant 3 : i32
      %swap3A_869 = arith.constant 0 : i32
      %swap3A_870 = tpu.memref_slice %arg10[%swap3A_868, %swap3A_869] : memref<10x128xi32, #tpu.memory_space<vmem>> -> memref<1x128xi32, #tpu.memory_space<vmem>>
      %swap3A_871 = tpu.memref_squeeze %swap3A_870 : memref<1x128xi32, #tpu.memory_space<vmem>> -> memref<128xi32, #tpu.memory_space<vmem>>
      %swap3A_872 = arith.constant 0 : index
      %swap3A_873 = tpu.vector_load %swap3A_871[%swap3A_872] {strides = array<i32>} : memref<128xi32, #tpu.memory_space<vmem>>, vector<16xi32>,
      tpu.vector_store %swap3A_871[%swap3A_872], %select_n3A_867 {strides = array<i32>} : memref<128xi32, #tpu.memory_space<vmem>>, vector<16xi32>,
      %get3A_874 = arith.constant 3 : i32
      %get3A_875 = arith.constant 0 : i32
      %get3A_876 = tpu.memref_slice %arg9[%get3A_874, %get3A_875] : memref<10x128xi32, #tpu.memory_space<vmem>> -> memref<1x128xi32, #tpu.memory_space<vmem>>
      %get3A_877 = tpu.memref_squeeze %get3A_876 : memref<1x128xi32, #tpu.memory_space<vmem>> -> memref<128xi32, #tpu.memory_space<vmem>>
      %get3A_878 = arith.constant 16 : index
      %get3A_879 = tpu.vector_load %get3A_877[%get3A_878] {strides = array<i32>} : memref<128xi32, #tpu.memory_space<vmem>>, vector<16xi32>,
      %sub3A_880 = vector.broadcast %mul3A_9 : i32 to vector<16xi32>
      %sub3A_881 = arith.subi %get3A_879, %sub3A_880 : vector<16xi32>
      %ge3A_882 = arith.constant 0 : i32
      %ge3A_883 = vector.broadcast %ge3A_882 : i32 to vector<16xi32>
      %ge3A_884 = arith.cmpi sge, %sub3A_881, %ge3A_883 : vector<16xi32>
      %lt3A_885 = arith.constant 50176 : i32
      %lt3A_886 = vector.broadcast %lt3A_885 : i32 to vector<16xi32>
      %lt3A_887 = arith.cmpi slt, %sub3A_881, %lt3A_886 : vector<16xi32>
      %and3A_888 = arith.andi %ge3A_884, %lt3A_887 : vector<16xi1>
      %and3A_889 = vector.broadcast %lt3A_30 : i1 to vector<16xi1>
      %and3A_890 = arith.andi %and3A_888, %and3A_889 : vector<16xi1>
      %jit3A_891 = arith.constant 50176 : i32
      %broadcast_in_dim3A_892 = vector.broadcast %jit3A_891 : i32 to vector<16xi32>
      %select_n3A_893 = arith.select %and3A_890, %sub3A_881, %broadcast_in_dim3A_892 : vector<16xi1>, vector<16xi32>
      %swap3A_894 = arith.constant 3 : i32
      %swap3A_895 = arith.constant 0 : i32
      %swap3A_896 = tpu.memref_slice %arg10[%swap3A_894, %swap3A_895] : memref<10x128xi32, #tpu.memory_space<vmem>> -> memref<1x128xi32, #tpu.memory_space<vmem>>
      %swap3A_897 = tpu.memref_squeeze %swap3A_896 : memref<1x128xi32, #tpu.memory_space<vmem>> -> memref<128xi32, #tpu.memory_space<vmem>>
      %swap3A_898 = arith.constant 16 : index
      %swap3A_899 = tpu.vector_load %swap3A_897[%swap3A_898] {strides = array<i32>} : memref<128xi32, #tpu.memory_space<vmem>>, vector<16xi32>,
      tpu.vector_store %swap3A_897[%swap3A_898], %select_n3A_893 {strides = array<i32>} : memref<128xi32, #tpu.memory_space<vmem>>, vector<16xi32>,
      %get3A_900 = arith.constant 3 : i32
      %get3A_901 = arith.constant 0 : i32
      %get3A_902 = tpu.memref_slice %arg9[%get3A_900, %get3A_901] : memref<10x128xi32, #tpu.memory_space<vmem>> -> memref<1x128xi32, #tpu.memory_space<vmem>>
      %get3A_903 = tpu.memref_squeeze %get3A_902 : memref<1x128xi32, #tpu.memory_space<vmem>> -> memref<128xi32, #tpu.memory_space<vmem>>
      %get3A_904 = arith.constant 32 : index
      %get3A_905 = tpu.vector_load %get3A_903[%get3A_904] {strides = array<i32>} : memref<128xi32, #tpu.memory_space<vmem>>, vector<16xi32>,
      %sub3A_906 = vector.broadcast %mul3A_9 : i32 to vector<16xi32>
      %sub3A_907 = arith.subi %get3A_905, %sub3A_906 : vector<16xi32>
      %ge3A_908 = arith.constant 0 : i32
      %ge3A_909 = vector.broadcast %ge3A_908 : i32 to vector<16xi32>
      %ge3A_910 = arith.cmpi sge, %sub3A_907, %ge3A_909 : vector<16xi32>
      %lt3A_911 = arith.constant 50176 : i32
      %lt3A_912 = vector.broadcast %lt3A_911 : i32 to vector<16xi32>
      %lt3A_913 = arith.cmpi slt, %sub3A_907, %lt3A_912 : vector<16xi32>
      %and3A_914 = arith.andi %ge3A_910, %lt3A_913 : vector<16xi1>
      %and3A_915 = vector.broadcast %lt3A_30 : i1 to vector<16xi1>
      %and3A_916 = arith.andi %and3A_914, %and3A_915 : vector<16xi1>
      %jit3A_917 = arith.constant 50176 : i32
      %broadcast_in_dim3A_918 = vector.broadcast %jit3A_917 : i32 to vector<16xi32>
      %select_n3A_919 = arith.select %and3A_916, %sub3A_907, %broadcast_in_dim3A_918 : vector<16xi1>, vector<16xi32>
      %swap3A_920 = arith.constant 3 : i32
      %swap3A_921 = arith.constant 0 : i32
      %swap3A_922 = tpu.memref_slice %arg10[%swap3A_920, %swap3A_921] : memref<10x128xi32, #tpu.memory_space<vmem>> -> memref<1x128xi32, #tpu.memory_space<vmem>>
      %swap3A_923 = tpu.memref_squeeze %swap3A_922 : memref<1x128xi32, #tpu.memory_space<vmem>> -> memref<128xi32, #tpu.memory_space<vmem>>
      %swap3A_924 = arith.constant 32 : index
      %swap3A_925 = tpu.vector_load %swap3A_923[%swap3A_924] {strides = array<i32>} : memref<128xi32, #tpu.memory_space<vmem>>, vector<16xi32>,
      tpu.vector_store %swap3A_923[%swap3A_924], %select_n3A_919 {strides = array<i32>} : memref<128xi32, #tpu.memory_space<vmem>>, vector<16xi32>,
      %get3A_926 = arith.constant 3 : i32
      %get3A_927 = arith.constant 0 : i32
      %get3A_928 = tpu.memref_slice %arg9[%get3A_926, %get3A_927] : memref<10x128xi32, #tpu.memory_space<vmem>> -> memref<1x128xi32, #tpu.memory_space<vmem>>
      %get3A_929 = tpu.memref_squeeze %get3A_928 : memref<1x128xi32, #tpu.memory_space<vmem>> -> memref<128xi32, #tpu.memory_space<vmem>>
      %get3A_930 = arith.constant 48 : index
      %get3A_931 = tpu.vector_load %get3A_929[%get3A_930] {strides = array<i32>} : memref<128xi32, #tpu.memory_space<vmem>>, vector<16xi32>,
      %sub3A_932 = vector.broadcast %mul3A_9 : i32 to vector<16xi32>
      %sub3A_933 = arith.subi %get3A_931, %sub3A_932 : vector<16xi32>
      %ge3A_934 = arith.constant 0 : i32
      %ge3A_935 = vector.broadcast %ge3A_934 : i32 to vector<16xi32>
      %ge3A_936 = arith.cmpi sge, %sub3A_933, %ge3A_935 : vector<16xi32>
      %lt3A_937 = arith.constant 50176 : i32
      %lt3A_938 = vector.broadcast %lt3A_937 : i32 to vector<16xi32>
      %lt3A_939 = arith.cmpi slt, %sub3A_933, %lt3A_938 : vector<16xi32>
      %and3A_940 = arith.andi %ge3A_936, %lt3A_939 : vector<16xi1>
      %and3A_941 = vector.broadcast %lt3A_30 : i1 to vector<16xi1>
      %and3A_942 = arith.andi %and3A_940, %and3A_941 : vector<16xi1>
      %jit3A_943 = arith.constant 50176 : i32
      %broadcast_in_dim3A_944 = vector.broadcast %jit3A_943 : i32 to vector<16xi32>
      %select_n3A_945 = arith.select %and3A_942, %sub3A_933, %broadcast_in_dim3A_944 : vector<16xi1>, vector<16xi32>
      %swap3A_946 = arith.constant 3 : i32
      %swap3A_947 = arith.constant 0 : i32
      %swap3A_948 = tpu.memref_slice %arg10[%swap3A_946, %swap3A_947] : memref<10x128xi32, #tpu.memory_space<vmem>> -> memref<1x128xi32, #tpu.memory_space<vmem>>
      %swap3A_949 = tpu.memref_squeeze %swap3A_948 : memref<1x128xi32, #tpu.memory_space<vmem>> -> memref<128xi32, #tpu.memory_space<vmem>>
      %swap3A_950 = arith.constant 48 : index
      %swap3A_951 = tpu.vector_load %swap3A_949[%swap3A_950] {strides = array<i32>} : memref<128xi32, #tpu.memory_space<vmem>>, vector<16xi32>,
      tpu.vector_store %swap3A_949[%swap3A_950], %select_n3A_945 {strides = array<i32>} : memref<128xi32, #tpu.memory_space<vmem>>, vector<16xi32>,
      %get3A_952 = arith.constant 3 : i32
      %get3A_953 = arith.constant 0 : i32
      %get3A_954 = tpu.memref_slice %arg9[%get3A_952, %get3A_953] : memref<10x128xi32, #tpu.memory_space<vmem>> -> memref<1x128xi32, #tpu.memory_space<vmem>>
      %get3A_955 = tpu.memref_squeeze %get3A_954 : memref<1x128xi32, #tpu.memory_space<vmem>> -> memref<128xi32, #tpu.memory_space<vmem>>
      %get3A_956 = arith.constant 64 : index
      %get3A_957 = tpu.vector_load %get3A_955[%get3A_956] {strides = array<i32>} : memref<128xi32, #tpu.memory_space<vmem>>, vector<16xi32>,
      %sub3A_958 = vector.broadcast %mul3A_9 : i32 to vector<16xi32>
      %sub3A_959 = arith.subi %get3A_957, %sub3A_958 : vector<16xi32>
      %ge3A_960 = arith.constant 0 : i32
      %ge3A_961 = vector.broadcast %ge3A_960 : i32 to vector<16xi32>
      %ge3A_962 = arith.cmpi sge, %sub3A_959, %ge3A_961 : vector<16xi32>
      %lt3A_963 = arith.constant 50176 : i32
      %lt3A_964 = vector.broadcast %lt3A_963 : i32 to vector<16xi32>
      %lt3A_965 = arith.cmpi slt, %sub3A_959, %lt3A_964 : vector<16xi32>
      %and3A_966 = arith.andi %ge3A_962, %lt3A_965 : vector<16xi1>
      %and3A_967 = vector.broadcast %lt3A_30 : i1 to vector<16xi1>
      %and3A_968 = arith.andi %and3A_966, %and3A_967 : vector<16xi1>
      %jit3A_969 = arith.constant 50176 : i32
      %broadcast_in_dim3A_970 = vector.broadcast %jit3A_969 : i32 to vector<16xi32>
      %select_n3A_971 = arith.select %and3A_968, %sub3A_959, %broadcast_in_dim3A_970 : vector<16xi1>, vector<16xi32>
      %swap3A_972 = arith.constant 3 : i32
      %swap3A_973 = arith.constant 0 : i32
      %swap3A_974 = tpu.memref_slice %arg10[%swap3A_972, %swap3A_973] : memref<10x128xi32, #tpu.memory_space<vmem>> -> memref<1x128xi32, #tpu.memory_space<vmem>>
      %swap3A_975 = tpu.memref_squeeze %swap3A_974 : memref<1x128xi32, #tpu.memory_space<vmem>> -> memref<128xi32, #tpu.memory_space<vmem>>
      %swap3A_976 = arith.constant 64 : index
      %swap3A_977 = tpu.vector_load %swap3A_975[%swap3A_976] {strides = array<i32>} : memref<128xi32, #tpu.memory_space<vmem>>, vector<16xi32>,
      tpu.vector_store %swap3A_975[%swap3A_976], %select_n3A_971 {strides = array<i32>} : memref<128xi32, #tpu.memory_space<vmem>>, vector<16xi32>,
      %get3A_978 = arith.constant 3 : i32
      %get3A_979 = arith.constant 0 : i32
      %get3A_980 = tpu.memref_slice %arg9[%get3A_978, %get3A_979] : memref<10x128xi32, #tpu.memory_space<vmem>> -> memref<1x128xi32, #tpu.memory_space<vmem>>
      %get3A_981 = tpu.memref_squeeze %get3A_980 : memref<1x128xi32, #tpu.memory_space<vmem>> -> memref<128xi32, #tpu.memory_space<vmem>>
      %get3A_982 = arith.constant 80 : index
      %get3A_983 = tpu.vector_load %get3A_981[%get3A_982] {strides = array<i32>} : memref<128xi32, #tpu.memory_space<vmem>>, vector<16xi32>,
      %sub3A_984 = vector.broadcast %mul3A_9 : i32 to vector<16xi32>
      %sub3A_985 = arith.subi %get3A_983, %sub3A_984 : vector<16xi32>
      %ge3A_986 = arith.constant 0 : i32
      %ge3A_987 = vector.broadcast %ge3A_986 : i32 to vector<16xi32>
      %ge3A_988 = arith.cmpi sge, %sub3A_985, %ge3A_987 : vector<16xi32>
      %lt3A_989 = arith.constant 50176 : i32
      %lt3A_990 = vector.broadcast %lt3A_989 : i32 to vector<16xi32>
      %lt3A_991 = arith.cmpi slt, %sub3A_985, %lt3A_990 : vector<16xi32>
      %and3A_992 = arith.andi %ge3A_988, %lt3A_991 : vector<16xi1>
      %and3A_993 = vector.broadcast %lt3A_30 : i1 to vector<16xi1>
      %and3A_994 = arith.andi %and3A_992, %and3A_993 : vector<16xi1>
      %jit3A_995 = arith.constant 50176 : i32
      %broadcast_in_dim3A_996 = vector.broadcast %jit3A_995 : i32 to vector<16xi32>
      %select_n3A_997 = arith.select %and3A_994, %sub3A_985, %broadcast_in_dim3A_996 : vector<16xi1>, vector<16xi32>
      %swap3A_998 = arith.constant 3 : i32
      %swap3A_999 = arith.constant 0 : i32
      %swap3A_1000 = tpu.memref_slice %arg10[%swap3A_998, %swap3A_999] : memref<10x128xi32, #tpu.memory_space<vmem>> -> memref<1x128xi32, #tpu.memory_space<vmem>>
      %swap3A_1001 = tpu.memref_squeeze %swap3A_1000 : memref<1x128xi32, #tpu.memory_space<vmem>> -> memref<128xi32, #tpu.memory_space<vmem>>
      %swap3A_1002 = arith.constant 80 : index
      %swap3A_1003 = tpu.vector_load %swap3A_1001[%swap3A_1002] {strides = array<i32>} : memref<128xi32, #tpu.memory_space<vmem>>, vector<16xi32>,
      tpu.vector_store %swap3A_1001[%swap3A_1002], %select_n3A_997 {strides = array<i32>} : memref<128xi32, #tpu.memory_space<vmem>>, vector<16xi32>,
      %get3A_1004 = arith.constant 3 : i32
      %get3A_1005 = arith.constant 0 : i32
      %get3A_1006 = tpu.memref_slice %arg9[%get3A_1004, %get3A_1005] : memref<10x128xi32, #tpu.memory_space<vmem>> -> memref<1x128xi32, #tpu.memory_space<vmem>>
      %get3A_1007 = tpu.memref_squeeze %get3A_1006 : memref<1x128xi32, #tpu.memory_space<vmem>> -> memref<128xi32, #tpu.memory_space<vmem>>
      %get3A_1008 = arith.constant 96 : index
      %get3A_1009 = tpu.vector_load %get3A_1007[%get3A_1008] {strides = array<i32>} : memref<128xi32, #tpu.memory_space<vmem>>, vector<16xi32>,
      %sub3A_1010 = vector.broadcast %mul3A_9 : i32 to vector<16xi32>
      %sub3A_1011 = arith.subi %get3A_1009, %sub3A_1010 : vector<16xi32>
      %ge3A_1012 = arith.constant 0 : i32
      %ge3A_1013 = vector.broadcast %ge3A_1012 : i32 to vector<16xi32>
      %ge3A_1014 = arith.cmpi sge, %sub3A_1011, %ge3A_1013 : vector<16xi32>
      %lt3A_1015 = arith.constant 50176 : i32
      %lt3A_1016 = vector.broadcast %lt3A_1015 : i32 to vector<16xi32>
      %lt3A_1017 = arith.cmpi slt, %sub3A_1011, %lt3A_1016 : vector<16xi32>
      %and3A_1018 = arith.andi %ge3A_1014, %lt3A_1017 : vector<16xi1>
      %and3A_1019 = vector.broadcast %lt3A_30 : i1 to vector<16xi1>
      %and3A_1020 = arith.andi %and3A_1018, %and3A_1019 : vector<16xi1>
      %jit3A_1021 = arith.constant 50176 : i32
      %broadcast_in_dim3A_1022 = vector.broadcast %jit3A_1021 : i32 to vector<16xi32>
      %select_n3A_1023 = arith.select %and3A_1020, %sub3A_1011, %broadcast_in_dim3A_1022 : vector<16xi1>, vector<16xi32>
      %swap3A_1024 = arith.constant 3 : i32
      %swap3A_1025 = arith.constant 0 : i32
      %swap3A_1026 = tpu.memref_slice %arg10[%swap3A_1024, %swap3A_1025] : memref<10x128xi32, #tpu.memory_space<vmem>> -> memref<1x128xi32, #tpu.memory_space<vmem>>
      %swap3A_1027 = tpu.memref_squeeze %swap3A_1026 : memref<1x128xi32, #tpu.memory_space<vmem>> -> memref<128xi32, #tpu.memory_space<vmem>>
      %swap3A_1028 = arith.constant 96 : index
      %swap3A_1029 = tpu.vector_load %swap3A_1027[%swap3A_1028] {strides = array<i32>} : memref<128xi32, #tpu.memory_space<vmem>>, vector<16xi32>,
      tpu.vector_store %swap3A_1027[%swap3A_1028], %select_n3A_1023 {strides = array<i32>} : memref<128xi32, #tpu.memory_space<vmem>>, vector<16xi32>,
      %get3A_1030 = arith.constant 3 : i32
      %get3A_1031 = arith.constant 0 : i32
      %get3A_1032 = tpu.memref_slice %arg9[%get3A_1030, %get3A_1031] : memref<10x128xi32, #tpu.memory_space<vmem>> -> memref<1x128xi32, #tpu.memory_space<vmem>>
      %get3A_1033 = tpu.memref_squeeze %get3A_1032 : memref<1x128xi32, #tpu.memory_space<vmem>> -> memref<128xi32, #tpu.memory_space<vmem>>
      %get3A_1034 = arith.constant 112 : index
      %get3A_1035 = tpu.vector_load %get3A_1033[%get3A_1034] {strides = array<i32>} : memref<128xi32, #tpu.memory_space<vmem>>, vector<16xi32>,
      %sub3A_1036 = vector.broadcast %mul3A_9 : i32 to vector<16xi32>
      %sub3A_1037 = arith.subi %get3A_1035, %sub3A_1036 : vector<16xi32>
      %ge3A_1038 = arith.constant 0 : i32
      %ge3A_1039 = vector.broadcast %ge3A_1038 : i32 to vector<16xi32>
      %ge3A_1040 = arith.cmpi sge, %sub3A_1037, %ge3A_1039 : vector<16xi32>
      %lt3A_1041 = arith.constant 50176 : i32
      %lt3A_1042 = vector.broadcast %lt3A_1041 : i32 to vector<16xi32>
      %lt3A_1043 = arith.cmpi slt, %sub3A_1037, %lt3A_1042 : vector<16xi32>
      %and3A_1044 = arith.andi %ge3A_1040, %lt3A_1043 : vector<16xi1>
      %and3A_1045 = vector.broadcast %lt3A_30 : i1 to vector<16xi1>
      %and3A_1046 = arith.andi %and3A_1044, %and3A_1045 : vector<16xi1>
      %jit3A_1047 = arith.constant 50176 : i32
      %broadcast_in_dim3A_1048 = vector.broadcast %jit3A_1047 : i32 to vector<16xi32>
      %select_n3A_1049 = arith.select %and3A_1046, %sub3A_1037, %broadcast_in_dim3A_1048 : vector<16xi1>, vector<16xi32>
      %swap3A_1050 = arith.constant 3 : i32
      %swap3A_1051 = arith.constant 0 : i32
      %swap3A_1052 = tpu.memref_slice %arg10[%swap3A_1050, %swap3A_1051] : memref<10x128xi32, #tpu.memory_space<vmem>> -> memref<1x128xi32, #tpu.memory_space<vmem>>
      %swap3A_1053 = tpu.memref_squeeze %swap3A_1052 : memref<1x128xi32, #tpu.memory_space<vmem>> -> memref<128xi32, #tpu.memory_space<vmem>>
      %swap3A_1054 = arith.constant 112 : index
      %swap3A_1055 = tpu.vector_load %swap3A_1053[%swap3A_1054] {strides = array<i32>} : memref<128xi32, #tpu.memory_space<vmem>>, vector<16xi32>,
      tpu.vector_store %swap3A_1053[%swap3A_1054], %select_n3A_1049 {strides = array<i32>} : memref<128xi32, #tpu.memory_space<vmem>>, vector<16xi32>,
      %get3A_1056 = arith.constant 4 : i32
      %get3A_1057 = arith.constant 0 : i32
      %get3A_1058 = tpu.memref_slice %arg9[%get3A_1056, %get3A_1057] : memref<10x128xi32, #tpu.memory_space<vmem>> -> memref<1x128xi32, #tpu.memory_space<vmem>>
      %get3A_1059 = tpu.memref_squeeze %get3A_1058 : memref<1x128xi32, #tpu.memory_space<vmem>> -> memref<128xi32, #tpu.memory_space<vmem>>
      %get3A_1060 = arith.constant 0 : index
      %get3A_1061 = tpu.vector_load %get3A_1059[%get3A_1060] {strides = array<i32>} : memref<128xi32, #tpu.memory_space<vmem>>, vector<16xi32>,
      %sub3A_1062 = vector.broadcast %mul3A_9 : i32 to vector<16xi32>
      %sub3A_1063 = arith.subi %get3A_1061, %sub3A_1062 : vector<16xi32>
      %ge3A_1064 = arith.constant 0 : i32
      %ge3A_1065 = vector.broadcast %ge3A_1064 : i32 to vector<16xi32>
      %ge3A_1066 = arith.cmpi sge, %sub3A_1063, %ge3A_1065 : vector<16xi32>
      %lt3A_1067 = arith.constant 50176 : i32
      %lt3A_1068 = vector.broadcast %lt3A_1067 : i32 to vector<16xi32>
      %lt3A_1069 = arith.cmpi slt, %sub3A_1063, %lt3A_1068 : vector<16xi32>
      %and3A_1070 = arith.andi %ge3A_1066, %lt3A_1069 : vector<16xi1>
      %and3A_1071 = vector.broadcast %lt3A_30 : i1 to vector<16xi1>
      %and3A_1072 = arith.andi %and3A_1070, %and3A_1071 : vector<16xi1>
      %jit3A_1073 = arith.constant 50176 : i32
      %broadcast_in_dim3A_1074 = vector.broadcast %jit3A_1073 : i32 to vector<16xi32>
      %select_n3A_1075 = arith.select %and3A_1072, %sub3A_1063, %broadcast_in_dim3A_1074 : vector<16xi1>, vector<16xi32>
      %swap3A_1076 = arith.constant 4 : i32
      %swap3A_1077 = arith.constant 0 : i32
      %swap3A_1078 = tpu.memref_slice %arg10[%swap3A_1076, %swap3A_1077] : memref<10x128xi32, #tpu.memory_space<vmem>> -> memref<1x128xi32, #tpu.memory_space<vmem>>
      %swap3A_1079 = tpu.memref_squeeze %swap3A_1078 : memref<1x128xi32, #tpu.memory_space<vmem>> -> memref<128xi32, #tpu.memory_space<vmem>>
      %swap3A_1080 = arith.constant 0 : index
      %swap3A_1081 = tpu.vector_load %swap3A_1079[%swap3A_1080] {strides = array<i32>} : memref<128xi32, #tpu.memory_space<vmem>>, vector<16xi32>,
      tpu.vector_store %swap3A_1079[%swap3A_1080], %select_n3A_1075 {strides = array<i32>} : memref<128xi32, #tpu.memory_space<vmem>>, vector<16xi32>,
      %get3A_1082 = arith.constant 4 : i32
      %get3A_1083 = arith.constant 0 : i32
      %get3A_1084 = tpu.memref_slice %arg9[%get3A_1082, %get3A_1083] : memref<10x128xi32, #tpu.memory_space<vmem>> -> memref<1x128xi32, #tpu.memory_space<vmem>>
      %get3A_1085 = tpu.memref_squeeze %get3A_1084 : memref<1x128xi32, #tpu.memory_space<vmem>> -> memref<128xi32, #tpu.memory_space<vmem>>
      %get3A_1086 = arith.constant 16 : index
      %get3A_1087 = tpu.vector_load %get3A_1085[%get3A_1086] {strides = array<i32>} : memref<128xi32, #tpu.memory_space<vmem>>, vector<16xi32>,
      %sub3A_1088 = vector.broadcast %mul3A_9 : i32 to vector<16xi32>
      %sub3A_1089 = arith.subi %get3A_1087, %sub3A_1088 : vector<16xi32>
      %ge3A_1090 = arith.constant 0 : i32
      %ge3A_1091 = vector.broadcast %ge3A_1090 : i32 to vector<16xi32>
      %ge3A_1092 = arith.cmpi sge, %sub3A_1089, %ge3A_1091 : vector<16xi32>
      %lt3A_1093 = arith.constant 50176 : i32
      %lt3A_1094 = vector.broadcast %lt3A_1093 : i32 to vector<16xi32>
      %lt3A_1095 = arith.cmpi slt, %sub3A_1089, %lt3A_1094 : vector<16xi32>
      %and3A_1096 = arith.andi %ge3A_1092, %lt3A_1095 : vector<16xi1>
      %and3A_1097 = vector.broadcast %lt3A_30 : i1 to vector<16xi1>
      %and3A_1098 = arith.andi %and3A_1096, %and3A_1097 : vector<16xi1>
      %jit3A_1099 = arith.constant 50176 : i32
      %broadcast_in_dim3A_1100 = vector.broadcast %jit3A_1099 : i32 to vector<16xi32>
      %select_n3A_1101 = arith.select %and3A_1098, %sub3A_1089, %broadcast_in_dim3A_1100 : vector<16xi1>, vector<16xi32>
      %swap3A_1102 = arith.constant 4 : i32
      %swap3A_1103 = arith.constant 0 : i32
      %swap3A_1104 = tpu.memref_slice %arg10[%swap3A_1102, %swap3A_1103] : memref<10x128xi32, #tpu.memory_space<vmem>> -> memref<1x128xi32, #tpu.memory_space<vmem>>
      %swap3A_1105 = tpu.memref_squeeze %swap3A_1104 : memref<1x128xi32, #tpu.memory_space<vmem>> -> memref<128xi32, #tpu.memory_space<vmem>>
      %swap3A_1106 = arith.constant 16 : index
      %swap3A_1107 = tpu.vector_load %swap3A_1105[%swap3A_1106] {strides = array<i32>} : memref<128xi32, #tpu.memory_space<vmem>>, vector<16xi32>,
      tpu.vector_store %swap3A_1105[%swap3A_1106], %select_n3A_1101 {strides = array<i32>} : memref<128xi32, #tpu.memory_space<vmem>>, vector<16xi32>,
      %get3A_1108 = arith.constant 4 : i32
      %get3A_1109 = arith.constant 0 : i32
      %get3A_1110 = tpu.memref_slice %arg9[%get3A_1108, %get3A_1109] : memref<10x128xi32, #tpu.memory_space<vmem>> -> memref<1x128xi32, #tpu.memory_space<vmem>>
      %get3A_1111 = tpu.memref_squeeze %get3A_1110 : memref<1x128xi32, #tpu.memory_space<vmem>> -> memref<128xi32, #tpu.memory_space<vmem>>
      %get3A_1112 = arith.constant 32 : index
      %get3A_1113 = tpu.vector_load %get3A_1111[%get3A_1112] {strides = array<i32>} : memref<128xi32, #tpu.memory_space<vmem>>, vector<16xi32>,
      %sub3A_1114 = vector.broadcast %mul3A_9 : i32 to vector<16xi32>
      %sub3A_1115 = arith.subi %get3A_1113, %sub3A_1114 : vector<16xi32>
      %ge3A_1116 = arith.constant 0 : i32
      %ge3A_1117 = vector.broadcast %ge3A_1116 : i32 to vector<16xi32>
      %ge3A_1118 = arith.cmpi sge, %sub3A_1115, %ge3A_1117 : vector<16xi32>
      %lt3A_1119 = arith.constant 50176 : i32
      %lt3A_1120 = vector.broadcast %lt3A_1119 : i32 to vector<16xi32>
      %lt3A_1121 = arith.cmpi slt, %sub3A_1115, %lt3A_1120 : vector<16xi32>
      %and3A_1122 = arith.andi %ge3A_1118, %lt3A_1121 : vector<16xi1>
      %and3A_1123 = vector.broadcast %lt3A_30 : i1 to vector<16xi1>
      %and3A_1124 = arith.andi %and3A_1122, %and3A_1123 : vector<16xi1>
      %jit3A_1125 = arith.constant 50176 : i32
      %broadcast_in_dim3A_1126 = vector.broadcast %jit3A_1125 : i32 to vector<16xi32>
      %select_n3A_1127 = arith.select %and3A_1124, %sub3A_1115, %broadcast_in_dim3A_1126 : vector<16xi1>, vector<16xi32>
      %swap3A_1128 = arith.constant 4 : i32
      %swap3A_1129 = arith.constant 0 : i32
      %swap3A_1130 = tpu.memref_slice %arg10[%swap3A_1128, %swap3A_1129] : memref<10x128xi32, #tpu.memory_space<vmem>> -> memref<1x128xi32, #tpu.memory_space<vmem>>
      %swap3A_1131 = tpu.memref_squeeze %swap3A_1130 : memref<1x128xi32, #tpu.memory_space<vmem>> -> memref<128xi32, #tpu.memory_space<vmem>>
      %swap3A_1132 = arith.constant 32 : index
      %swap3A_1133 = tpu.vector_load %swap3A_1131[%swap3A_1132] {strides = array<i32>} : memref<128xi32, #tpu.memory_space<vmem>>, vector<16xi32>,
      tpu.vector_store %swap3A_1131[%swap3A_1132], %select_n3A_1127 {strides = array<i32>} : memref<128xi32, #tpu.memory_space<vmem>>, vector<16xi32>,
      %get3A_1134 = arith.constant 4 : i32
      %get3A_1135 = arith.constant 0 : i32
      %get3A_1136 = tpu.memref_slice %arg9[%get3A_1134, %get3A_1135] : memref<10x128xi32, #tpu.memory_space<vmem>> -> memref<1x128xi32, #tpu.memory_space<vmem>>
      %get3A_1137 = tpu.memref_squeeze %get3A_1136 : memref<1x128xi32, #tpu.memory_space<vmem>> -> memref<128xi32, #tpu.memory_space<vmem>>
      %get3A_1138 = arith.constant 48 : index
      %get3A_1139 = tpu.vector_load %get3A_1137[%get3A_1138] {strides = array<i32>} : memref<128xi32, #tpu.memory_space<vmem>>, vector<16xi32>,
      %sub3A_1140 = vector.broadcast %mul3A_9 : i32 to vector<16xi32>
      %sub3A_1141 = arith.subi %get3A_1139, %sub3A_1140 : vector<16xi32>
      %ge3A_1142 = arith.constant 0 : i32
      %ge3A_1143 = vector.broadcast %ge3A_1142 : i32 to vector<16xi32>
      %ge3A_1144 = arith.cmpi sge, %sub3A_1141, %ge3A_1143 : vector<16xi32>
      %lt3A_1145 = arith.constant 50176 : i32
      %lt3A_1146 = vector.broadcast %lt3A_1145 : i32 to vector<16xi32>
      %lt3A_1147 = arith.cmpi slt, %sub3A_1141, %lt3A_1146 : vector<16xi32>
      %and3A_1148 = arith.andi %ge3A_1144, %lt3A_1147 : vector<16xi1>
      %and3A_1149 = vector.broadcast %lt3A_30 : i1 to vector<16xi1>
      %and3A_1150 = arith.andi %and3A_1148, %and3A_1149 : vector<16xi1>
      %jit3A_1151 = arith.constant 50176 : i32
      %broadcast_in_dim3A_1152 = vector.broadcast %jit3A_1151 : i32 to vector<16xi32>
      %select_n3A_1153 = arith.select %and3A_1150, %sub3A_1141, %broadcast_in_dim3A_1152 : vector<16xi1>, vector<16xi32>
      %swap3A_1154 = arith.constant 4 : i32
      %swap3A_1155 = arith.constant 0 : i32
      %swap3A_1156 = tpu.memref_slice %arg10[%swap3A_1154, %swap3A_1155] : memref<10x128xi32, #tpu.memory_space<vmem>> -> memref<1x128xi32, #tpu.memory_space<vmem>>
      %swap3A_1157 = tpu.memref_squeeze %swap3A_1156 : memref<1x128xi32, #tpu.memory_space<vmem>> -> memref<128xi32, #tpu.memory_space<vmem>>
      %swap3A_1158 = arith.constant 48 : index
      %swap3A_1159 = tpu.vector_load %swap3A_1157[%swap3A_1158] {strides = array<i32>} : memref<128xi32, #tpu.memory_space<vmem>>, vector<16xi32>,
      tpu.vector_store %swap3A_1157[%swap3A_1158], %select_n3A_1153 {strides = array<i32>} : memref<128xi32, #tpu.memory_space<vmem>>, vector<16xi32>,
      %get3A_1160 = arith.constant 4 : i32
      %get3A_1161 = arith.constant 0 : i32
      %get3A_1162 = tpu.memref_slice %arg9[%get3A_1160, %get3A_1161] : memref<10x128xi32, #tpu.memory_space<vmem>> -> memref<1x128xi32, #tpu.memory_space<vmem>>
      %get3A_1163 = tpu.memref_squeeze %get3A_1162 : memref<1x128xi32, #tpu.memory_space<vmem>> -> memref<128xi32, #tpu.memory_space<vmem>>
      %get3A_1164 = arith.constant 64 : index
      %get3A_1165 = tpu.vector_load %get3A_1163[%get3A_1164] {strides = array<i32>} : memref<128xi32, #tpu.memory_space<vmem>>, vector<16xi32>,
      %sub3A_1166 = vector.broadcast %mul3A_9 : i32 to vector<16xi32>
      %sub3A_1167 = arith.subi %get3A_1165, %sub3A_1166 : vector<16xi32>
      %ge3A_1168 = arith.constant 0 : i32
      %ge3A_1169 = vector.broadcast %ge3A_1168 : i32 to vector<16xi32>
      %ge3A_1170 = arith.cmpi sge, %sub3A_1167, %ge3A_1169 : vector<16xi32>
      %lt3A_1171 = arith.constant 50176 : i32
      %lt3A_1172 = vector.broadcast %lt3A_1171 : i32 to vector<16xi32>
      %lt3A_1173 = arith.cmpi slt, %sub3A_1167, %lt3A_1172 : vector<16xi32>
      %and3A_1174 = arith.andi %ge3A_1170, %lt3A_1173 : vector<16xi1>
      %and3A_1175 = vector.broadcast %lt3A_30 : i1 to vector<16xi1>
      %and3A_1176 = arith.andi %and3A_1174, %and3A_1175 : vector<16xi1>
      %jit3A_1177 = arith.constant 50176 : i32
      %broadcast_in_dim3A_1178 = vector.broadcast %jit3A_1177 : i32 to vector<16xi32>
      %select_n3A_1179 = arith.select %and3A_1176, %sub3A_1167, %broadcast_in_dim3A_1178 : vector<16xi1>, vector<16xi32>
      %swap3A_1180 = arith.constant 4 : i32
      %swap3A_1181 = arith.constant 0 : i32
      %swap3A_1182 = tpu.memref_slice %arg10[%swap3A_1180, %swap3A_1181] : memref<10x128xi32, #tpu.memory_space<vmem>> -> memref<1x128xi32, #tpu.memory_space<vmem>>
      %swap3A_1183 = tpu.memref_squeeze %swap3A_1182 : memref<1x128xi32, #tpu.memory_space<vmem>> -> memref<128xi32, #tpu.memory_space<vmem>>
      %swap3A_1184 = arith.constant 64 : index
      %swap3A_1185 = tpu.vector_load %swap3A_1183[%swap3A_1184] {strides = array<i32>} : memref<128xi32, #tpu.memory_space<vmem>>, vector<16xi32>,
      tpu.vector_store %swap3A_1183[%swap3A_1184], %select_n3A_1179 {strides = array<i32>} : memref<128xi32, #tpu.memory_space<vmem>>, vector<16xi32>,
      %get3A_1186 = arith.constant 4 : i32
      %get3A_1187 = arith.constant 0 : i32
      %get3A_1188 = tpu.memref_slice %arg9[%get3A_1186, %get3A_1187] : memref<10x128xi32, #tpu.memory_space<vmem>> -> memref<1x128xi32, #tpu.memory_space<vmem>>
      %get3A_1189 = tpu.memref_squeeze %get3A_1188 : memref<1x128xi32, #tpu.memory_space<vmem>> -> memref<128xi32, #tpu.memory_space<vmem>>
      %get3A_1190 = arith.constant 80 : index
      %get3A_1191 = tpu.vector_load %get3A_1189[%get3A_1190] {strides = array<i32>} : memref<128xi32, #tpu.memory_space<vmem>>, vector<16xi32>,
      %sub3A_1192 = vector.broadcast %mul3A_9 : i32 to vector<16xi32>
      %sub3A_1193 = arith.subi %get3A_1191, %sub3A_1192 : vector<16xi32>
      %ge3A_1194 = arith.constant 0 : i32
      %ge3A_1195 = vector.broadcast %ge3A_1194 : i32 to vector<16xi32>
      %ge3A_1196 = arith.cmpi sge, %sub3A_1193, %ge3A_1195 : vector<16xi32>
      %lt3A_1197 = arith.constant 50176 : i32
      %lt3A_1198 = vector.broadcast %lt3A_1197 : i32 to vector<16xi32>
      %lt3A_1199 = arith.cmpi slt, %sub3A_1193, %lt3A_1198 : vector<16xi32>
      %and3A_1200 = arith.andi %ge3A_1196, %lt3A_1199 : vector<16xi1>
      %and3A_1201 = vector.broadcast %lt3A_30 : i1 to vector<16xi1>
      %and3A_1202 = arith.andi %and3A_1200, %and3A_1201 : vector<16xi1>
      %jit3A_1203 = arith.constant 50176 : i32
      %broadcast_in_dim3A_1204 = vector.broadcast %jit3A_1203 : i32 to vector<16xi32>
      %select_n3A_1205 = arith.select %and3A_1202, %sub3A_1193, %broadcast_in_dim3A_1204 : vector<16xi1>, vector<16xi32>
      %swap3A_1206 = arith.constant 4 : i32
      %swap3A_1207 = arith.constant 0 : i32
      %swap3A_1208 = tpu.memref_slice %arg10[%swap3A_1206, %swap3A_1207] : memref<10x128xi32, #tpu.memory_space<vmem>> -> memref<1x128xi32, #tpu.memory_space<vmem>>
      %swap3A_1209 = tpu.memref_squeeze %swap3A_1208 : memref<1x128xi32, #tpu.memory_space<vmem>> -> memref<128xi32, #tpu.memory_space<vmem>>
      %swap3A_1210 = arith.constant 80 : index
      %swap3A_1211 = tpu.vector_load %swap3A_1209[%swap3A_1210] {strides = array<i32>} : memref<128xi32, #tpu.memory_space<vmem>>, vector<16xi32>,
      tpu.vector_store %swap3A_1209[%swap3A_1210], %select_n3A_1205 {strides = array<i32>} : memref<128xi32, #tpu.memory_space<vmem>>, vector<16xi32>,
      %get3A_1212 = arith.constant 4 : i32
      %get3A_1213 = arith.constant 0 : i32
      %get3A_1214 = tpu.memref_slice %arg9[%get3A_1212, %get3A_1213] : memref<10x128xi32, #tpu.memory_space<vmem>> -> memref<1x128xi32, #tpu.memory_space<vmem>>
      %get3A_1215 = tpu.memref_squeeze %get3A_1214 : memref<1x128xi32, #tpu.memory_space<vmem>> -> memref<128xi32, #tpu.memory_space<vmem>>
      %get3A_1216 = arith.constant 96 : index
      %get3A_1217 = tpu.vector_load %get3A_1215[%get3A_1216] {strides = array<i32>} : memref<128xi32, #tpu.memory_space<vmem>>, vector<16xi32>,
      %sub3A_1218 = vector.broadcast %mul3A_9 : i32 to vector<16xi32>
      %sub3A_1219 = arith.subi %get3A_1217, %sub3A_1218 : vector<16xi32>
      %ge3A_1220 = arith.constant 0 : i32
      %ge3A_1221 = vector.broadcast %ge3A_1220 : i32 to vector<16xi32>
      %ge3A_1222 = arith.cmpi sge, %sub3A_1219, %ge3A_1221 : vector<16xi32>
      %lt3A_1223 = arith.constant 50176 : i32
      %lt3A_1224 = vector.broadcast %lt3A_1223 : i32 to vector<16xi32>
      %lt3A_1225 = arith.cmpi slt, %sub3A_1219, %lt3A_1224 : vector<16xi32>
      %and3A_1226 = arith.andi %ge3A_1222, %lt3A_1225 : vector<16xi1>
      %and3A_1227 = vector.broadcast %lt3A_30 : i1 to vector<16xi1>
      %and3A_1228 = arith.andi %and3A_1226, %and3A_1227 : vector<16xi1>
      %jit3A_1229 = arith.constant 50176 : i32
      %broadcast_in_dim3A_1230 = vector.broadcast %jit3A_1229 : i32 to vector<16xi32>
      %select_n3A_1231 = arith.select %and3A_1228, %sub3A_1219, %broadcast_in_dim3A_1230 : vector<16xi1>, vector<16xi32>
      %swap3A_1232 = arith.constant 4 : i32
      %swap3A_1233 = arith.constant 0 : i32
      %swap3A_1234 = tpu.memref_slice %arg10[%swap3A_1232, %swap3A_1233] : memref<10x128xi32, #tpu.memory_space<vmem>> -> memref<1x128xi32, #tpu.memory_space<vmem>>
      %swap3A_1235 = tpu.memref_squeeze %swap3A_1234 : memref<1x128xi32, #tpu.memory_space<vmem>> -> memref<128xi32, #tpu.memory_space<vmem>>
      %swap3A_1236 = arith.constant 96 : index
      %swap3A_1237 = tpu.vector_load %swap3A_1235[%swap3A_1236] {strides = array<i32>} : memref<128xi32, #tpu.memory_space<vmem>>, vector<16xi32>,
      tpu.vector_store %swap3A_1235[%swap3A_1236], %select_n3A_1231 {strides = array<i32>} : memref<128xi32, #tpu.memory_space<vmem>>, vector<16xi32>,
      %get3A_1238 = arith.constant 4 : i32
      %get3A_1239 = arith.constant 0 : i32
      %get3A_1240 = tpu.memref_slice %arg9[%get3A_1238, %get3A_1239] : memref<10x128xi32, #tpu.memory_space<vmem>> -> memref<1x128xi32, #tpu.memory_space<vmem>>
      %get3A_1241 = tpu.memref_squeeze %get3A_1240 : memref<1x128xi32, #tpu.memory_space<vmem>> -> memref<128xi32, #tpu.memory_space<vmem>>
      %get3A_1242 = arith.constant 112 : index
      %get3A_1243 = tpu.vector_load %get3A_1241[%get3A_1242] {strides = array<i32>} : memref<128xi32, #tpu.memory_space<vmem>>, vector<16xi32>,
      %sub3A_1244 = vector.broadcast %mul3A_9 : i32 to vector<16xi32>
      %sub3A_1245 = arith.subi %get3A_1243, %sub3A_1244 : vector<16xi32>
      %ge3A_1246 = arith.constant 0 : i32
      %ge3A_1247 = vector.broadcast %ge3A_1246 : i32 to vector<16xi32>
      %ge3A_1248 = arith.cmpi sge, %sub3A_1245, %ge3A_1247 : vector<16xi32>
      %lt3A_1249 = arith.constant 50176 : i32
      %lt3A_1250 = vector.broadcast %lt3A_1249 : i32 to vector<16xi32>
      %lt3A_1251 = arith.cmpi slt, %sub3A_1245, %lt3A_1250 : vector<16xi32>
      %and3A_1252 = arith.andi %ge3A_1248, %lt3A_1251 : vector<16xi1>
      %and3A_1253 = vector.broadcast %lt3A_30 : i1 to vector<16xi1>
      %and3A_1254 = arith.andi %and3A_1252, %and3A_1253 : vector<16xi1>
      %jit3A_1255 = arith.constant 50176 : i32
      %broadcast_in_dim3A_1256 = vector.broadcast %jit3A_1255 : i32 to vector<16xi32>
      %select_n3A_1257 = arith.select %and3A_1254, %sub3A_1245, %broadcast_in_dim3A_1256 : vector<16xi1>, vector<16xi32>
      %swap3A_1258 = arith.constant 4 : i32
      %swap3A_1259 = arith.constant 0 : i32
      %swap3A_1260 = tpu.memref_slice %arg10[%swap3A_1258, %swap3A_1259] : memref<10x128xi32, #tpu.memory_space<vmem>> -> memref<1x128xi32, #tpu.memory_space<vmem>>
      %swap3A_1261 = tpu.memref_squeeze %swap3A_1260 : memref<1x128xi32, #tpu.memory_space<vmem>> -> memref<128xi32, #tpu.memory_space<vmem>>
      %swap3A_1262 = arith.constant 112 : index
      %swap3A_1263 = tpu.vector_load %swap3A_1261[%swap3A_1262] {strides = array<i32>} : memref<128xi32, #tpu.memory_space<vmem>>, vector<16xi32>,
      tpu.vector_store %swap3A_1261[%swap3A_1262], %select_n3A_1257 {strides = array<i32>} : memref<128xi32, #tpu.memory_space<vmem>>, vector<16xi32>,
      %get3A_1264 = arith.constant 5 : i32
      %get3A_1265 = arith.constant 0 : i32
      %get3A_1266 = tpu.memref_slice %arg9[%get3A_1264, %get3A_1265] : memref<10x128xi32, #tpu.memory_space<vmem>> -> memref<1x128xi32, #tpu.memory_space<vmem>>
      %get3A_1267 = tpu.memref_squeeze %get3A_1266 : memref<1x128xi32, #tpu.memory_space<vmem>> -> memref<128xi32, #tpu.memory_space<vmem>>
      %get3A_1268 = arith.constant 0 : index
      %get3A_1269 = tpu.vector_load %get3A_1267[%get3A_1268] {strides = array<i32>} : memref<128xi32, #tpu.memory_space<vmem>>, vector<16xi32>,
      %sub3A_1270 = vector.broadcast %mul3A_9 : i32 to vector<16xi32>
      %sub3A_1271 = arith.subi %get3A_1269, %sub3A_1270 : vector<16xi32>
      %ge3A_1272 = arith.constant 0 : i32
      %ge3A_1273 = vector.broadcast %ge3A_1272 : i32 to vector<16xi32>
      %ge3A_1274 = arith.cmpi sge, %sub3A_1271, %ge3A_1273 : vector<16xi32>
      %lt3A_1275 = arith.constant 50176 : i32
      %lt3A_1276 = vector.broadcast %lt3A_1275 : i32 to vector<16xi32>
      %lt3A_1277 = arith.cmpi slt, %sub3A_1271, %lt3A_1276 : vector<16xi32>
      %and3A_1278 = arith.andi %ge3A_1274, %lt3A_1277 : vector<16xi1>
      %and3A_1279 = vector.broadcast %lt3A_30 : i1 to vector<16xi1>
      %and3A_1280 = arith.andi %and3A_1278, %and3A_1279 : vector<16xi1>
      %jit3A_1281 = arith.constant 50176 : i32
      %broadcast_in_dim3A_1282 = vector.broadcast %jit3A_1281 : i32 to vector<16xi32>
      %select_n3A_1283 = arith.select %and3A_1280, %sub3A_1271, %broadcast_in_dim3A_1282 : vector<16xi1>, vector<16xi32>
      %swap3A_1284 = arith.constant 5 : i32
      %swap3A_1285 = arith.constant 0 : i32
      %swap3A_1286 = tpu.memref_slice %arg10[%swap3A_1284, %swap3A_1285] : memref<10x128xi32, #tpu.memory_space<vmem>> -> memref<1x128xi32, #tpu.memory_space<vmem>>
      %swap3A_1287 = tpu.memref_squeeze %swap3A_1286 : memref<1x128xi32, #tpu.memory_space<vmem>> -> memref<128xi32, #tpu.memory_space<vmem>>
      %swap3A_1288 = arith.constant 0 : index
      %swap3A_1289 = tpu.vector_load %swap3A_1287[%swap3A_1288] {strides = array<i32>} : memref<128xi32, #tpu.memory_space<vmem>>, vector<16xi32>,
      tpu.vector_store %swap3A_1287[%swap3A_1288], %select_n3A_1283 {strides = array<i32>} : memref<128xi32, #tpu.memory_space<vmem>>, vector<16xi32>,
      %get3A_1290 = arith.constant 5 : i32
      %get3A_1291 = arith.constant 0 : i32
      %get3A_1292 = tpu.memref_slice %arg9[%get3A_1290, %get3A_1291] : memref<10x128xi32, #tpu.memory_space<vmem>> -> memref<1x128xi32, #tpu.memory_space<vmem>>
      %get3A_1293 = tpu.memref_squeeze %get3A_1292 : memref<1x128xi32, #tpu.memory_space<vmem>> -> memref<128xi32, #tpu.memory_space<vmem>>
      %get3A_1294 = arith.constant 16 : index
      %get3A_1295 = tpu.vector_load %get3A_1293[%get3A_1294] {strides = array<i32>} : memref<128xi32, #tpu.memory_space<vmem>>, vector<16xi32>,
      %sub3A_1296 = vector.broadcast %mul3A_9 : i32 to vector<16xi32>
      %sub3A_1297 = arith.subi %get3A_1295, %sub3A_1296 : vector<16xi32>
      %ge3A_1298 = arith.constant 0 : i32
      %ge3A_1299 = vector.broadcast %ge3A_1298 : i32 to vector<16xi32>
      %ge3A_1300 = arith.cmpi sge, %sub3A_1297, %ge3A_1299 : vector<16xi32>
      %lt3A_1301 = arith.constant 50176 : i32
      %lt3A_1302 = vector.broadcast %lt3A_1301 : i32 to vector<16xi32>
      %lt3A_1303 = arith.cmpi slt, %sub3A_1297, %lt3A_1302 : vector<16xi32>
      %and3A_1304 = arith.andi %ge3A_1300, %lt3A_1303 : vector<16xi1>
      %and3A_1305 = vector.broadcast %lt3A_30 : i1 to vector<16xi1>
      %and3A_1306 = arith.andi %and3A_1304, %and3A_1305 : vector<16xi1>
      %jit3A_1307 = arith.constant 50176 : i32
      %broadcast_in_dim3A_1308 = vector.broadcast %jit3A_1307 : i32 to vector<16xi32>
      %select_n3A_1309 = arith.select %and3A_1306, %sub3A_1297, %broadcast_in_dim3A_1308 : vector<16xi1>, vector<16xi32>
      %swap3A_1310 = arith.constant 5 : i32
      %swap3A_1311 = arith.constant 0 : i32
      %swap3A_1312 = tpu.memref_slice %arg10[%swap3A_1310, %swap3A_1311] : memref<10x128xi32, #tpu.memory_space<vmem>> -> memref<1x128xi32, #tpu.memory_space<vmem>>
      %swap3A_1313 = tpu.memref_squeeze %swap3A_1312 : memref<1x128xi32, #tpu.memory_space<vmem>> -> memref<128xi32, #tpu.memory_space<vmem>>
      %swap3A_1314 = arith.constant 16 : index
      %swap3A_1315 = tpu.vector_load %swap3A_1313[%swap3A_1314] {strides = array<i32>} : memref<128xi32, #tpu.memory_space<vmem>>, vector<16xi32>,
      tpu.vector_store %swap3A_1313[%swap3A_1314], %select_n3A_1309 {strides = array<i32>} : memref<128xi32, #tpu.memory_space<vmem>>, vector<16xi32>,
      %get3A_1316 = arith.constant 5 : i32
      %get3A_1317 = arith.constant 0 : i32
      %get3A_1318 = tpu.memref_slice %arg9[%get3A_1316, %get3A_1317] : memref<10x128xi32, #tpu.memory_space<vmem>> -> memref<1x128xi32, #tpu.memory_space<vmem>>
      %get3A_1319 = tpu.memref_squeeze %get3A_1318 : memref<1x128xi32, #tpu.memory_space<vmem>> -> memref<128xi32, #tpu.memory_space<vmem>>
      %get3A_1320 = arith.constant 32 : index
      %get3A_1321 = tpu.vector_load %get3A_1319[%get3A_1320] {strides = array<i32>} : memref<128xi32, #tpu.memory_space<vmem>>, vector<16xi32>,
      %sub3A_1322 = vector.broadcast %mul3A_9 : i32 to vector<16xi32>
      %sub3A_1323 = arith.subi %get3A_1321, %sub3A_1322 : vector<16xi32>
      %ge3A_1324 = arith.constant 0 : i32
      %ge3A_1325 = vector.broadcast %ge3A_1324 : i32 to vector<16xi32>
      %ge3A_1326 = arith.cmpi sge, %sub3A_1323, %ge3A_1325 : vector<16xi32>
      %lt3A_1327 = arith.constant 50176 : i32
      %lt3A_1328 = vector.broadcast %lt3A_1327 : i32 to vector<16xi32>
      %lt3A_1329 = arith.cmpi slt, %sub3A_1323, %lt3A_1328 : vector<16xi32>
      %and3A_1330 = arith.andi %ge3A_1326, %lt3A_1329 : vector<16xi1>
      %and3A_1331 = vector.broadcast %lt3A_30 : i1 to vector<16xi1>
      %and3A_1332 = arith.andi %and3A_1330, %and3A_1331 : vector<16xi1>
      %jit3A_1333 = arith.constant 50176 : i32
      %broadcast_in_dim3A_1334 = vector.broadcast %jit3A_1333 : i32 to vector<16xi32>
      %select_n3A_1335 = arith.select %and3A_1332, %sub3A_1323, %broadcast_in_dim3A_1334 : vector<16xi1>, vector<16xi32>
      %swap3A_1336 = arith.constant 5 : i32
      %swap3A_1337 = arith.constant 0 : i32
      %swap3A_1338 = tpu.memref_slice %arg10[%swap3A_1336, %swap3A_1337] : memref<10x128xi32, #tpu.memory_space<vmem>> -> memref<1x128xi32, #tpu.memory_space<vmem>>
      %swap3A_1339 = tpu.memref_squeeze %swap3A_1338 : memref<1x128xi32, #tpu.memory_space<vmem>> -> memref<128xi32, #tpu.memory_space<vmem>>
      %swap3A_1340 = arith.constant 32 : index
      %swap3A_1341 = tpu.vector_load %swap3A_1339[%swap3A_1340] {strides = array<i32>} : memref<128xi32, #tpu.memory_space<vmem>>, vector<16xi32>,
      tpu.vector_store %swap3A_1339[%swap3A_1340], %select_n3A_1335 {strides = array<i32>} : memref<128xi32, #tpu.memory_space<vmem>>, vector<16xi32>,
      %get3A_1342 = arith.constant 5 : i32
      %get3A_1343 = arith.constant 0 : i32
      %get3A_1344 = tpu.memref_slice %arg9[%get3A_1342, %get3A_1343] : memref<10x128xi32, #tpu.memory_space<vmem>> -> memref<1x128xi32, #tpu.memory_space<vmem>>
      %get3A_1345 = tpu.memref_squeeze %get3A_1344 : memref<1x128xi32, #tpu.memory_space<vmem>> -> memref<128xi32, #tpu.memory_space<vmem>>
      %get3A_1346 = arith.constant 48 : index
      %get3A_1347 = tpu.vector_load %get3A_1345[%get3A_1346] {strides = array<i32>} : memref<128xi32, #tpu.memory_space<vmem>>, vector<16xi32>,
      %sub3A_1348 = vector.broadcast %mul3A_9 : i32 to vector<16xi32>
      %sub3A_1349 = arith.subi %get3A_1347, %sub3A_1348 : vector<16xi32>
      %ge3A_1350 = arith.constant 0 : i32
      %ge3A_1351 = vector.broadcast %ge3A_1350 : i32 to vector<16xi32>
      %ge3A_1352 = arith.cmpi sge, %sub3A_1349, %ge3A_1351 : vector<16xi32>
      %lt3A_1353 = arith.constant 50176 : i32
      %lt3A_1354 = vector.broadcast %lt3A_1353 : i32 to vector<16xi32>
      %lt3A_1355 = arith.cmpi slt, %sub3A_1349, %lt3A_1354 : vector<16xi32>
      %and3A_1356 = arith.andi %ge3A_1352, %lt3A_1355 : vector<16xi1>
      %and3A_1357 = vector.broadcast %lt3A_30 : i1 to vector<16xi1>
      %and3A_1358 = arith.andi %and3A_1356, %and3A_1357 : vector<16xi1>
      %jit3A_1359 = arith.constant 50176 : i32
      %broadcast_in_dim3A_1360 = vector.broadcast %jit3A_1359 : i32 to vector<16xi32>
      %select_n3A_1361 = arith.select %and3A_1358, %sub3A_1349, %broadcast_in_dim3A_1360 : vector<16xi1>, vector<16xi32>
      %swap3A_1362 = arith.constant 5 : i32
      %swap3A_1363 = arith.constant 0 : i32
      %swap3A_1364 = tpu.memref_slice %arg10[%swap3A_1362, %swap3A_1363] : memref<10x128xi32, #tpu.memory_space<vmem>> -> memref<1x128xi32, #tpu.memory_space<vmem>>
      %swap3A_1365 = tpu.memref_squeeze %swap3A_1364 : memref<1x128xi32, #tpu.memory_space<vmem>> -> memref<128xi32, #tpu.memory_space<vmem>>
      %swap3A_1366 = arith.constant 48 : index
      %swap3A_1367 = tpu.vector_load %swap3A_1365[%swap3A_1366] {strides = array<i32>} : memref<128xi32, #tpu.memory_space<vmem>>, vector<16xi32>,
      tpu.vector_store %swap3A_1365[%swap3A_1366], %select_n3A_1361 {strides = array<i32>} : memref<128xi32, #tpu.memory_space<vmem>>, vector<16xi32>,
      %get3A_1368 = arith.constant 5 : i32
      %get3A_1369 = arith.constant 0 : i32
      %get3A_1370 = tpu.memref_slice %arg9[%get3A_1368, %get3A_1369] : memref<10x128xi32, #tpu.memory_space<vmem>> -> memref<1x128xi32, #tpu.memory_space<vmem>>
      %get3A_1371 = tpu.memref_squeeze %get3A_1370 : memref<1x128xi32, #tpu.memory_space<vmem>> -> memref<128xi32, #tpu.memory_space<vmem>>
      %get3A_1372 = arith.constant 64 : index
      %get3A_1373 = tpu.vector_load %get3A_1371[%get3A_1372] {strides = array<i32>} : memref<128xi32, #tpu.memory_space<vmem>>, vector<16xi32>,
      %sub3A_1374 = vector.broadcast %mul3A_9 : i32 to vector<16xi32>
      %sub3A_1375 = arith.subi %get3A_1373, %sub3A_1374 : vector<16xi32>
      %ge3A_1376 = arith.constant 0 : i32
      %ge3A_1377 = vector.broadcast %ge3A_1376 : i32 to vector<16xi32>
      %ge3A_1378 = arith.cmpi sge, %sub3A_1375, %ge3A_1377 : vector<16xi32>
      %lt3A_1379 = arith.constant 50176 : i32
      %lt3A_1380 = vector.broadcast %lt3A_1379 : i32 to vector<16xi32>
      %lt3A_1381 = arith.cmpi slt, %sub3A_1375, %lt3A_1380 : vector<16xi32>
      %and3A_1382 = arith.andi %ge3A_1378, %lt3A_1381 : vector<16xi1>
      %and3A_1383 = vector.broadcast %lt3A_30 : i1 to vector<16xi1>
      %and3A_1384 = arith.andi %and3A_1382, %and3A_1383 : vector<16xi1>
      %jit3A_1385 = arith.constant 50176 : i32
      %broadcast_in_dim3A_1386 = vector.broadcast %jit3A_1385 : i32 to vector<16xi32>
      %select_n3A_1387 = arith.select %and3A_1384, %sub3A_1375, %broadcast_in_dim3A_1386 : vector<16xi1>, vector<16xi32>
      %swap3A_1388 = arith.constant 5 : i32
      %swap3A_1389 = arith.constant 0 : i32
      %swap3A_1390 = tpu.memref_slice %arg10[%swap3A_1388, %swap3A_1389] : memref<10x128xi32, #tpu.memory_space<vmem>> -> memref<1x128xi32, #tpu.memory_space<vmem>>
      %swap3A_1391 = tpu.memref_squeeze %swap3A_1390 : memref<1x128xi32, #tpu.memory_space<vmem>> -> memref<128xi32, #tpu.memory_space<vmem>>
      %swap3A_1392 = arith.constant 64 : index
      %swap3A_1393 = tpu.vector_load %swap3A_1391[%swap3A_1392] {strides = array<i32>} : memref<128xi32, #tpu.memory_space<vmem>>, vector<16xi32>,
      tpu.vector_store %swap3A_1391[%swap3A_1392], %select_n3A_1387 {strides = array<i32>} : memref<128xi32, #tpu.memory_space<vmem>>, vector<16xi32>,
      %get3A_1394 = arith.constant 5 : i32
      %get3A_1395 = arith.constant 0 : i32
      %get3A_1396 = tpu.memref_slice %arg9[%get3A_1394, %get3A_1395] : memref<10x128xi32, #tpu.memory_space<vmem>> -> memref<1x128xi32, #tpu.memory_space<vmem>>
      %get3A_1397 = tpu.memref_squeeze %get3A_1396 : memref<1x128xi32, #tpu.memory_space<vmem>> -> memref<128xi32, #tpu.memory_space<vmem>>
      %get3A_1398 = arith.constant 80 : index
      %get3A_1399 = tpu.vector_load %get3A_1397[%get3A_1398] {strides = array<i32>} : memref<128xi32, #tpu.memory_space<vmem>>, vector<16xi32>,
      %sub3A_1400 = vector.broadcast %mul3A_9 : i32 to vector<16xi32>
      %sub3A_1401 = arith.subi %get3A_1399, %sub3A_1400 : vector<16xi32>
      %ge3A_1402 = arith.constant 0 : i32
      %ge3A_1403 = vector.broadcast %ge3A_1402 : i32 to vector<16xi32>
      %ge3A_1404 = arith.cmpi sge, %sub3A_1401, %ge3A_1403 : vector<16xi32>
      %lt3A_1405 = arith.constant 50176 : i32
      %lt3A_1406 = vector.broadcast %lt3A_1405 : i32 to vector<16xi32>
      %lt3A_1407 = arith.cmpi slt, %sub3A_1401, %lt3A_1406 : vector<16xi32>
      %and3A_1408 = arith.andi %ge3A_1404, %lt3A_1407 : vector<16xi1>
      %and3A_1409 = vector.broadcast %lt3A_30 : i1 to vector<16xi1>
      %and3A_1410 = arith.andi %and3A_1408, %and3A_1409 : vector<16xi1>
      %jit3A_1411 = arith.constant 50176 : i32
      %broadcast_in_dim3A_1412 = vector.broadcast %jit3A_1411 : i32 to vector<16xi32>
      %select_n3A_1413 = arith.select %and3A_1410, %sub3A_1401, %broadcast_in_dim3A_1412 : vector<16xi1>, vector<16xi32>
      %swap3A_1414 = arith.constant 5 : i32
      %swap3A_1415 = arith.constant 0 : i32
      %swap3A_1416 = tpu.memref_slice %arg10[%swap3A_1414, %swap3A_1415] : memref<10x128xi32, #tpu.memory_space<vmem>> -> memref<1x128xi32, #tpu.memory_space<vmem>>
      %swap3A_1417 = tpu.memref_squeeze %swap3A_1416 : memref<1x128xi32, #tpu.memory_space<vmem>> -> memref<128xi32, #tpu.memory_space<vmem>>
      %swap3A_1418 = arith.constant 80 : index
      %swap3A_1419 = tpu.vector_load %swap3A_1417[%swap3A_1418] {strides = array<i32>} : memref<128xi32, #tpu.memory_space<vmem>>, vector<16xi32>,
      tpu.vector_store %swap3A_1417[%swap3A_1418], %select_n3A_1413 {strides = array<i32>} : memref<128xi32, #tpu.memory_space<vmem>>, vector<16xi32>,
      %get3A_1420 = arith.constant 5 : i32
      %get3A_1421 = arith.constant 0 : i32
      %get3A_1422 = tpu.memref_slice %arg9[%get3A_1420, %get3A_1421] : memref<10x128xi32, #tpu.memory_space<vmem>> -> memref<1x128xi32, #tpu.memory_space<vmem>>
      %get3A_1423 = tpu.memref_squeeze %get3A_1422 : memref<1x128xi32, #tpu.memory_space<vmem>> -> memref<128xi32, #tpu.memory_space<vmem>>
      %get3A_1424 = arith.constant 96 : index
      %get3A_1425 = tpu.vector_load %get3A_1423[%get3A_1424] {strides = array<i32>} : memref<128xi32, #tpu.memory_space<vmem>>, vector<16xi32>,
      %sub3A_1426 = vector.broadcast %mul3A_9 : i32 to vector<16xi32>
      %sub3A_1427 = arith.subi %get3A_1425, %sub3A_1426 : vector<16xi32>
      %ge3A_1428 = arith.constant 0 : i32
      %ge3A_1429 = vector.broadcast %ge3A_1428 : i32 to vector<16xi32>
      %ge3A_1430 = arith.cmpi sge, %sub3A_1427, %ge3A_1429 : vector<16xi32>
      %lt3A_1431 = arith.constant 50176 : i32
      %lt3A_1432 = vector.broadcast %lt3A_1431 : i32 to vector<16xi32>
      %lt3A_1433 = arith.cmpi slt, %sub3A_1427, %lt3A_1432 : vector<16xi32>
      %and3A_1434 = arith.andi %ge3A_1430, %lt3A_1433 : vector<16xi1>
      %and3A_1435 = vector.broadcast %lt3A_30 : i1 to vector<16xi1>
      %and3A_1436 = arith.andi %and3A_1434, %and3A_1435 : vector<16xi1>
      %jit3A_1437 = arith.constant 50176 : i32
      %broadcast_in_dim3A_1438 = vector.broadcast %jit3A_1437 : i32 to vector<16xi32>
      %select_n3A_1439 = arith.select %and3A_1436, %sub3A_1427, %broadcast_in_dim3A_1438 : vector<16xi1>, vector<16xi32>
      %swap3A_1440 = arith.constant 5 : i32
      %swap3A_1441 = arith.constant 0 : i32
      %swap3A_1442 = tpu.memref_slice %arg10[%swap3A_1440, %swap3A_1441] : memref<10x128xi32, #tpu.memory_space<vmem>> -> memref<1x128xi32, #tpu.memory_space<vmem>>
      %swap3A_1443 = tpu.memref_squeeze %swap3A_1442 : memref<1x128xi32, #tpu.memory_space<vmem>> -> memref<128xi32, #tpu.memory_space<vmem>>
      %swap3A_1444 = arith.constant 96 : index
      %swap3A_1445 = tpu.vector_load %swap3A_1443[%swap3A_1444] {strides = array<i32>} : memref<128xi32, #tpu.memory_space<vmem>>, vector<16xi32>,
      tpu.vector_store %swap3A_1443[%swap3A_1444], %select_n3A_1439 {strides = array<i32>} : memref<128xi32, #tpu.memory_space<vmem>>, vector<16xi32>,
      %get3A_1446 = arith.constant 5 : i32
      %get3A_1447 = arith.constant 0 : i32
      %get3A_1448 = tpu.memref_slice %arg9[%get3A_1446, %get3A_1447] : memref<10x128xi32, #tpu.memory_space<vmem>> -> memref<1x128xi32, #tpu.memory_space<vmem>>
      %get3A_1449 = tpu.memref_squeeze %get3A_1448 : memref<1x128xi32, #tpu.memory_space<vmem>> -> memref<128xi32, #tpu.memory_space<vmem>>
      %get3A_1450 = arith.constant 112 : index
      %get3A_1451 = tpu.vector_load %get3A_1449[%get3A_1450] {strides = array<i32>} : memref<128xi32, #tpu.memory_space<vmem>>, vector<16xi32>,
      %sub3A_1452 = vector.broadcast %mul3A_9 : i32 to vector<16xi32>
      %sub3A_1453 = arith.subi %get3A_1451, %sub3A_1452 : vector<16xi32>
      %ge3A_1454 = arith.constant 0 : i32
      %ge3A_1455 = vector.broadcast %ge3A_1454 : i32 to vector<16xi32>
      %ge3A_1456 = arith.cmpi sge, %sub3A_1453, %ge3A_1455 : vector<16xi32>
      %lt3A_1457 = arith.constant 50176 : i32
      %lt3A_1458 = vector.broadcast %lt3A_1457 : i32 to vector<16xi32>
      %lt3A_1459 = arith.cmpi slt, %sub3A_1453, %lt3A_1458 : vector<16xi32>
      %and3A_1460 = arith.andi %ge3A_1456, %lt3A_1459 : vector<16xi1>
      %and3A_1461 = vector.broadcast %lt3A_30 : i1 to vector<16xi1>
      %and3A_1462 = arith.andi %and3A_1460, %and3A_1461 : vector<16xi1>
      %jit3A_1463 = arith.constant 50176 : i32
      %broadcast_in_dim3A_1464 = vector.broadcast %jit3A_1463 : i32 to vector<16xi32>
      %select_n3A_1465 = arith.select %and3A_1462, %sub3A_1453, %broadcast_in_dim3A_1464 : vector<16xi1>, vector<16xi32>
      %swap3A_1466 = arith.constant 5 : i32
      %swap3A_1467 = arith.constant 0 : i32
      %swap3A_1468 = tpu.memref_slice %arg10[%swap3A_1466, %swap3A_1467] : memref<10x128xi32, #tpu.memory_space<vmem>> -> memref<1x128xi32, #tpu.memory_space<vmem>>
      %swap3A_1469 = tpu.memref_squeeze %swap3A_1468 : memref<1x128xi32, #tpu.memory_space<vmem>> -> memref<128xi32, #tpu.memory_space<vmem>>
      %swap3A_1470 = arith.constant 112 : index
      %swap3A_1471 = tpu.vector_load %swap3A_1469[%swap3A_1470] {strides = array<i32>} : memref<128xi32, #tpu.memory_space<vmem>>, vector<16xi32>,
      tpu.vector_store %swap3A_1469[%swap3A_1470], %select_n3A_1465 {strides = array<i32>} : memref<128xi32, #tpu.memory_space<vmem>>, vector<16xi32>,
      %get3A_1472 = arith.constant 6 : i32
      %get3A_1473 = arith.constant 0 : i32
      %get3A_1474 = tpu.memref_slice %arg9[%get3A_1472, %get3A_1473] : memref<10x128xi32, #tpu.memory_space<vmem>> -> memref<1x128xi32, #tpu.memory_space<vmem>>
      %get3A_1475 = tpu.memref_squeeze %get3A_1474 : memref<1x128xi32, #tpu.memory_space<vmem>> -> memref<128xi32, #tpu.memory_space<vmem>>
      %get3A_1476 = arith.constant 0 : index
      %get3A_1477 = tpu.vector_load %get3A_1475[%get3A_1476] {strides = array<i32>} : memref<128xi32, #tpu.memory_space<vmem>>, vector<16xi32>,
      %sub3A_1478 = vector.broadcast %mul3A_9 : i32 to vector<16xi32>
      %sub3A_1479 = arith.subi %get3A_1477, %sub3A_1478 : vector<16xi32>
      %ge3A_1480 = arith.constant 0 : i32
      %ge3A_1481 = vector.broadcast %ge3A_1480 : i32 to vector<16xi32>
      %ge3A_1482 = arith.cmpi sge, %sub3A_1479, %ge3A_1481 : vector<16xi32>
      %lt3A_1483 = arith.constant 50176 : i32
      %lt3A_1484 = vector.broadcast %lt3A_1483 : i32 to vector<16xi32>
      %lt3A_1485 = arith.cmpi slt, %sub3A_1479, %lt3A_1484 : vector<16xi32>
      %and3A_1486 = arith.andi %ge3A_1482, %lt3A_1485 : vector<16xi1>
      %and3A_1487 = vector.broadcast %lt3A_30 : i1 to vector<16xi1>
      %and3A_1488 = arith.andi %and3A_1486, %and3A_1487 : vector<16xi1>
      %jit3A_1489 = arith.constant 50176 : i32
      %broadcast_in_dim3A_1490 = vector.broadcast %jit3A_1489 : i32 to vector<16xi32>
      %select_n3A_1491 = arith.select %and3A_1488, %sub3A_1479, %broadcast_in_dim3A_1490 : vector<16xi1>, vector<16xi32>
      %swap3A_1492 = arith.constant 6 : i32
      %swap3A_1493 = arith.constant 0 : i32
      %swap3A_1494 = tpu.memref_slice %arg10[%swap3A_1492, %swap3A_1493] : memref<10x128xi32, #tpu.memory_space<vmem>> -> memref<1x128xi32, #tpu.memory_space<vmem>>
      %swap3A_1495 = tpu.memref_squeeze %swap3A_1494 : memref<1x128xi32, #tpu.memory_space<vmem>> -> memref<128xi32, #tpu.memory_space<vmem>>
      %swap3A_1496 = arith.constant 0 : index
      %swap3A_1497 = tpu.vector_load %swap3A_1495[%swap3A_1496] {strides = array<i32>} : memref<128xi32, #tpu.memory_space<vmem>>, vector<16xi32>,
      tpu.vector_store %swap3A_1495[%swap3A_1496], %select_n3A_1491 {strides = array<i32>} : memref<128xi32, #tpu.memory_space<vmem>>, vector<16xi32>,
      %get3A_1498 = arith.constant 6 : i32
      %get3A_1499 = arith.constant 0 : i32
      %get3A_1500 = tpu.memref_slice %arg9[%get3A_1498, %get3A_1499] : memref<10x128xi32, #tpu.memory_space<vmem>> -> memref<1x128xi32, #tpu.memory_space<vmem>>
      %get3A_1501 = tpu.memref_squeeze %get3A_1500 : memref<1x128xi32, #tpu.memory_space<vmem>> -> memref<128xi32, #tpu.memory_space<vmem>>
      %get3A_1502 = arith.constant 16 : index
      %get3A_1503 = tpu.vector_load %get3A_1501[%get3A_1502] {strides = array<i32>} : memref<128xi32, #tpu.memory_space<vmem>>, vector<16xi32>,
      %sub3A_1504 = vector.broadcast %mul3A_9 : i32 to vector<16xi32>
      %sub3A_1505 = arith.subi %get3A_1503, %sub3A_1504 : vector<16xi32>
      %ge3A_1506 = arith.constant 0 : i32
      %ge3A_1507 = vector.broadcast %ge3A_1506 : i32 to vector<16xi32>
      %ge3A_1508 = arith.cmpi sge, %sub3A_1505, %ge3A_1507 : vector<16xi32>
      %lt3A_1509 = arith.constant 50176 : i32
      %lt3A_1510 = vector.broadcast %lt3A_1509 : i32 to vector<16xi32>
      %lt3A_1511 = arith.cmpi slt, %sub3A_1505, %lt3A_1510 : vector<16xi32>
      %and3A_1512 = arith.andi %ge3A_1508, %lt3A_1511 : vector<16xi1>
      %and3A_1513 = vector.broadcast %lt3A_30 : i1 to vector<16xi1>
      %and3A_1514 = arith.andi %and3A_1512, %and3A_1513 : vector<16xi1>
      %jit3A_1515 = arith.constant 50176 : i32
      %broadcast_in_dim3A_1516 = vector.broadcast %jit3A_1515 : i32 to vector<16xi32>
      %select_n3A_1517 = arith.select %and3A_1514, %sub3A_1505, %broadcast_in_dim3A_1516 : vector<16xi1>, vector<16xi32>
      %swap3A_1518 = arith.constant 6 : i32
      %swap3A_1519 = arith.constant 0 : i32
      %swap3A_1520 = tpu.memref_slice %arg10[%swap3A_1518, %swap3A_1519] : memref<10x128xi32, #tpu.memory_space<vmem>> -> memref<1x128xi32, #tpu.memory_space<vmem>>
      %swap3A_1521 = tpu.memref_squeeze %swap3A_1520 : memref<1x128xi32, #tpu.memory_space<vmem>> -> memref<128xi32, #tpu.memory_space<vmem>>
      %swap3A_1522 = arith.constant 16 : index
      %swap3A_1523 = tpu.vector_load %swap3A_1521[%swap3A_1522] {strides = array<i32>} : memref<128xi32, #tpu.memory_space<vmem>>, vector<16xi32>,
      tpu.vector_store %swap3A_1521[%swap3A_1522], %select_n3A_1517 {strides = array<i32>} : memref<128xi32, #tpu.memory_space<vmem>>, vector<16xi32>,
      %get3A_1524 = arith.constant 6 : i32
      %get3A_1525 = arith.constant 0 : i32
      %get3A_1526 = tpu.memref_slice %arg9[%get3A_1524, %get3A_1525] : memref<10x128xi32, #tpu.memory_space<vmem>> -> memref<1x128xi32, #tpu.memory_space<vmem>>
      %get3A_1527 = tpu.memref_squeeze %get3A_1526 : memref<1x128xi32, #tpu.memory_space<vmem>> -> memref<128xi32, #tpu.memory_space<vmem>>
      %get3A_1528 = arith.constant 32 : index
      %get3A_1529 = tpu.vector_load %get3A_1527[%get3A_1528] {strides = array<i32>} : memref<128xi32, #tpu.memory_space<vmem>>, vector<16xi32>,
      %sub3A_1530 = vector.broadcast %mul3A_9 : i32 to vector<16xi32>
      %sub3A_1531 = arith.subi %get3A_1529, %sub3A_1530 : vector<16xi32>
      %ge3A_1532 = arith.constant 0 : i32
      %ge3A_1533 = vector.broadcast %ge3A_1532 : i32 to vector<16xi32>
      %ge3A_1534 = arith.cmpi sge, %sub3A_1531, %ge3A_1533 : vector<16xi32>
      %lt3A_1535 = arith.constant 50176 : i32
      %lt3A_1536 = vector.broadcast %lt3A_1535 : i32 to vector<16xi32>
      %lt3A_1537 = arith.cmpi slt, %sub3A_1531, %lt3A_1536 : vector<16xi32>
      %and3A_1538 = arith.andi %ge3A_1534, %lt3A_1537 : vector<16xi1>
      %and3A_1539 = vector.broadcast %lt3A_30 : i1 to vector<16xi1>
      %and3A_1540 = arith.andi %and3A_1538, %and3A_1539 : vector<16xi1>
      %jit3A_1541 = arith.constant 50176 : i32
      %broadcast_in_dim3A_1542 = vector.broadcast %jit3A_1541 : i32 to vector<16xi32>
      %select_n3A_1543 = arith.select %and3A_1540, %sub3A_1531, %broadcast_in_dim3A_1542 : vector<16xi1>, vector<16xi32>
      %swap3A_1544 = arith.constant 6 : i32
      %swap3A_1545 = arith.constant 0 : i32
      %swap3A_1546 = tpu.memref_slice %arg10[%swap3A_1544, %swap3A_1545] : memref<10x128xi32, #tpu.memory_space<vmem>> -> memref<1x128xi32, #tpu.memory_space<vmem>>
      %swap3A_1547 = tpu.memref_squeeze %swap3A_1546 : memref<1x128xi32, #tpu.memory_space<vmem>> -> memref<128xi32, #tpu.memory_space<vmem>>
      %swap3A_1548 = arith.constant 32 : index
      %swap3A_1549 = tpu.vector_load %swap3A_1547[%swap3A_1548] {strides = array<i32>} : memref<128xi32, #tpu.memory_space<vmem>>, vector<16xi32>,
      tpu.vector_store %swap3A_1547[%swap3A_1548], %select_n3A_1543 {strides = array<i32>} : memref<128xi32, #tpu.memory_space<vmem>>, vector<16xi32>,
      %get3A_1550 = arith.constant 6 : i32
      %get3A_1551 = arith.constant 0 : i32
      %get3A_1552 = tpu.memref_slice %arg9[%get3A_1550, %get3A_1551] : memref<10x128xi32, #tpu.memory_space<vmem>> -> memref<1x128xi32, #tpu.memory_space<vmem>>
      %get3A_1553 = tpu.memref_squeeze %get3A_1552 : memref<1x128xi32, #tpu.memory_space<vmem>> -> memref<128xi32, #tpu.memory_space<vmem>>
      %get3A_1554 = arith.constant 48 : index
      %get3A_1555 = tpu.vector_load %get3A_1553[%get3A_1554] {strides = array<i32>} : memref<128xi32, #tpu.memory_space<vmem>>, vector<16xi32>,
      %sub3A_1556 = vector.broadcast %mul3A_9 : i32 to vector<16xi32>
      %sub3A_1557 = arith.subi %get3A_1555, %sub3A_1556 : vector<16xi32>
      %ge3A_1558 = arith.constant 0 : i32
      %ge3A_1559 = vector.broadcast %ge3A_1558 : i32 to vector<16xi32>
      %ge3A_1560 = arith.cmpi sge, %sub3A_1557, %ge3A_1559 : vector<16xi32>
      %lt3A_1561 = arith.constant 50176 : i32
      %lt3A_1562 = vector.broadcast %lt3A_1561 : i32 to vector<16xi32>
      %lt3A_1563 = arith.cmpi slt, %sub3A_1557, %lt3A_1562 : vector<16xi32>
      %and3A_1564 = arith.andi %ge3A_1560, %lt3A_1563 : vector<16xi1>
      %and3A_1565 = vector.broadcast %lt3A_30 : i1 to vector<16xi1>
      %and3A_1566 = arith.andi %and3A_1564, %and3A_1565 : vector<16xi1>
      %jit3A_1567 = arith.constant 50176 : i32
      %broadcast_in_dim3A_1568 = vector.broadcast %jit3A_1567 : i32 to vector<16xi32>
      %select_n3A_1569 = arith.select %and3A_1566, %sub3A_1557, %broadcast_in_dim3A_1568 : vector<16xi1>, vector<16xi32>
      %swap3A_1570 = arith.constant 6 : i32
      %swap3A_1571 = arith.constant 0 : i32
      %swap3A_1572 = tpu.memref_slice %arg10[%swap3A_1570, %swap3A_1571] : memref<10x128xi32, #tpu.memory_space<vmem>> -> memref<1x128xi32, #tpu.memory_space<vmem>>
      %swap3A_1573 = tpu.memref_squeeze %swap3A_1572 : memref<1x128xi32, #tpu.memory_space<vmem>> -> memref<128xi32, #tpu.memory_space<vmem>>
      %swap3A_1574 = arith.constant 48 : index
      %swap3A_1575 = tpu.vector_load %swap3A_1573[%swap3A_1574] {strides = array<i32>} : memref<128xi32, #tpu.memory_space<vmem>>, vector<16xi32>,
      tpu.vector_store %swap3A_1573[%swap3A_1574], %select_n3A_1569 {strides = array<i32>} : memref<128xi32, #tpu.memory_space<vmem>>, vector<16xi32>,
      %get3A_1576 = arith.constant 6 : i32
      %get3A_1577 = arith.constant 0 : i32
      %get3A_1578 = tpu.memref_slice %arg9[%get3A_1576, %get3A_1577] : memref<10x128xi32, #tpu.memory_space<vmem>> -> memref<1x128xi32, #tpu.memory_space<vmem>>
      %get3A_1579 = tpu.memref_squeeze %get3A_1578 : memref<1x128xi32, #tpu.memory_space<vmem>> -> memref<128xi32, #tpu.memory_space<vmem>>
      %get3A_1580 = arith.constant 64 : index
      %get3A_1581 = tpu.vector_load %get3A_1579[%get3A_1580] {strides = array<i32>} : memref<128xi32, #tpu.memory_space<vmem>>, vector<16xi32>,
      %sub3A_1582 = vector.broadcast %mul3A_9 : i32 to vector<16xi32>
      %sub3A_1583 = arith.subi %get3A_1581, %sub3A_1582 : vector<16xi32>
      %ge3A_1584 = arith.constant 0 : i32
      %ge3A_1585 = vector.broadcast %ge3A_1584 : i32 to vector<16xi32>
      %ge3A_1586 = arith.cmpi sge, %sub3A_1583, %ge3A_1585 : vector<16xi32>
      %lt3A_1587 = arith.constant 50176 : i32
      %lt3A_1588 = vector.broadcast %lt3A_1587 : i32 to vector<16xi32>
      %lt3A_1589 = arith.cmpi slt, %sub3A_1583, %lt3A_1588 : vector<16xi32>
      %and3A_1590 = arith.andi %ge3A_1586, %lt3A_1589 : vector<16xi1>
      %and3A_1591 = vector.broadcast %lt3A_30 : i1 to vector<16xi1>
      %and3A_1592 = arith.andi %and3A_1590, %and3A_1591 : vector<16xi1>
      %jit3A_1593 = arith.constant 50176 : i32
      %broadcast_in_dim3A_1594 = vector.broadcast %jit3A_1593 : i32 to vector<16xi32>
      %select_n3A_1595 = arith.select %and3A_1592, %sub3A_1583, %broadcast_in_dim3A_1594 : vector<16xi1>, vector<16xi32>
      %swap3A_1596 = arith.constant 6 : i32
      %swap3A_1597 = arith.constant 0 : i32
      %swap3A_1598 = tpu.memref_slice %arg10[%swap3A_1596, %swap3A_1597] : memref<10x128xi32, #tpu.memory_space<vmem>> -> memref<1x128xi32, #tpu.memory_space<vmem>>
      %swap3A_1599 = tpu.memref_squeeze %swap3A_1598 : memref<1x128xi32, #tpu.memory_space<vmem>> -> memref<128xi32, #tpu.memory_space<vmem>>
      %swap3A_1600 = arith.constant 64 : index
      %swap3A_1601 = tpu.vector_load %swap3A_1599[%swap3A_1600] {strides = array<i32>} : memref<128xi32, #tpu.memory_space<vmem>>, vector<16xi32>,
      tpu.vector_store %swap3A_1599[%swap3A_1600], %select_n3A_1595 {strides = array<i32>} : memref<128xi32, #tpu.memory_space<vmem>>, vector<16xi32>,
      %get3A_1602 = arith.constant 6 : i32
      %get3A_1603 = arith.constant 0 : i32
      %get3A_1604 = tpu.memref_slice %arg9[%get3A_1602, %get3A_1603] : memref<10x128xi32, #tpu.memory_space<vmem>> -> memref<1x128xi32, #tpu.memory_space<vmem>>
      %get3A_1605 = tpu.memref_squeeze %get3A_1604 : memref<1x128xi32, #tpu.memory_space<vmem>> -> memref<128xi32, #tpu.memory_space<vmem>>
      %get3A_1606 = arith.constant 80 : index
      %get3A_1607 = tpu.vector_load %get3A_1605[%get3A_1606] {strides = array<i32>} : memref<128xi32, #tpu.memory_space<vmem>>, vector<16xi32>,
      %sub3A_1608 = vector.broadcast %mul3A_9 : i32 to vector<16xi32>
      %sub3A_1609 = arith.subi %get3A_1607, %sub3A_1608 : vector<16xi32>
      %ge3A_1610 = arith.constant 0 : i32
      %ge3A_1611 = vector.broadcast %ge3A_1610 : i32 to vector<16xi32>
      %ge3A_1612 = arith.cmpi sge, %sub3A_1609, %ge3A_1611 : vector<16xi32>
      %lt3A_1613 = arith.constant 50176 : i32
      %lt3A_1614 = vector.broadcast %lt3A_1613 : i32 to vector<16xi32>
      %lt3A_1615 = arith.cmpi slt, %sub3A_1609, %lt3A_1614 : vector<16xi32>
      %and3A_1616 = arith.andi %ge3A_1612, %lt3A_1615 : vector<16xi1>
      %and3A_1617 = vector.broadcast %lt3A_30 : i1 to vector<16xi1>
      %and3A_1618 = arith.andi %and3A_1616, %and3A_1617 : vector<16xi1>
      %jit3A_1619 = arith.constant 50176 : i32
      %broadcast_in_dim3A_1620 = vector.broadcast %jit3A_1619 : i32 to vector<16xi32>
      %select_n3A_1621 = arith.select %and3A_1618, %sub3A_1609, %broadcast_in_dim3A_1620 : vector<16xi1>, vector<16xi32>
      %swap3A_1622 = arith.constant 6 : i32
      %swap3A_1623 = arith.constant 0 : i32
      %swap3A_1624 = tpu.memref_slice %arg10[%swap3A_1622, %swap3A_1623] : memref<10x128xi32, #tpu.memory_space<vmem>> -> memref<1x128xi32, #tpu.memory_space<vmem>>
      %swap3A_1625 = tpu.memref_squeeze %swap3A_1624 : memref<1x128xi32, #tpu.memory_space<vmem>> -> memref<128xi32, #tpu.memory_space<vmem>>
      %swap3A_1626 = arith.constant 80 : index
      %swap3A_1627 = tpu.vector_load %swap3A_1625[%swap3A_1626] {strides = array<i32>} : memref<128xi32, #tpu.memory_space<vmem>>, vector<16xi32>,
      tpu.vector_store %swap3A_1625[%swap3A_1626], %select_n3A_1621 {strides = array<i32>} : memref<128xi32, #tpu.memory_space<vmem>>, vector<16xi32>,
      %get3A_1628 = arith.constant 6 : i32
      %get3A_1629 = arith.constant 0 : i32
      %get3A_1630 = tpu.memref_slice %arg9[%get3A_1628, %get3A_1629] : memref<10x128xi32, #tpu.memory_space<vmem>> -> memref<1x128xi32, #tpu.memory_space<vmem>>
      %get3A_1631 = tpu.memref_squeeze %get3A_1630 : memref<1x128xi32, #tpu.memory_space<vmem>> -> memref<128xi32, #tpu.memory_space<vmem>>
      %get3A_1632 = arith.constant 96 : index
      %get3A_1633 = tpu.vector_load %get3A_1631[%get3A_1632] {strides = array<i32>} : memref<128xi32, #tpu.memory_space<vmem>>, vector<16xi32>,
      %sub3A_1634 = vector.broadcast %mul3A_9 : i32 to vector<16xi32>
      %sub3A_1635 = arith.subi %get3A_1633, %sub3A_1634 : vector<16xi32>
      %ge3A_1636 = arith.constant 0 : i32
      %ge3A_1637 = vector.broadcast %ge3A_1636 : i32 to vector<16xi32>
      %ge3A_1638 = arith.cmpi sge, %sub3A_1635, %ge3A_1637 : vector<16xi32>
      %lt3A_1639 = arith.constant 50176 : i32
      %lt3A_1640 = vector.broadcast %lt3A_1639 : i32 to vector<16xi32>
      %lt3A_1641 = arith.cmpi slt, %sub3A_1635, %lt3A_1640 : vector<16xi32>
      %and3A_1642 = arith.andi %ge3A_1638, %lt3A_1641 : vector<16xi1>
      %and3A_1643 = vector.broadcast %lt3A_30 : i1 to vector<16xi1>
      %and3A_1644 = arith.andi %and3A_1642, %and3A_1643 : vector<16xi1>
      %jit3A_1645 = arith.constant 50176 : i32
      %broadcast_in_dim3A_1646 = vector.broadcast %jit3A_1645 : i32 to vector<16xi32>
      %select_n3A_1647 = arith.select %and3A_1644, %sub3A_1635, %broadcast_in_dim3A_1646 : vector<16xi1>, vector<16xi32>
      %swap3A_1648 = arith.constant 6 : i32
      %swap3A_1649 = arith.constant 0 : i32
      %swap3A_1650 = tpu.memref_slice %arg10[%swap3A_1648, %swap3A_1649] : memref<10x128xi32, #tpu.memory_space<vmem>> -> memref<1x128xi32, #tpu.memory_space<vmem>>
      %swap3A_1651 = tpu.memref_squeeze %swap3A_1650 : memref<1x128xi32, #tpu.memory_space<vmem>> -> memref<128xi32, #tpu.memory_space<vmem>>
      %swap3A_1652 = arith.constant 96 : index
      %swap3A_1653 = tpu.vector_load %swap3A_1651[%swap3A_1652] {strides = array<i32>} : memref<128xi32, #tpu.memory_space<vmem>>, vector<16xi32>,
      tpu.vector_store %swap3A_1651[%swap3A_1652], %select_n3A_1647 {strides = array<i32>} : memref<128xi32, #tpu.memory_space<vmem>>, vector<16xi32>,
      %get3A_1654 = arith.constant 6 : i32
      %get3A_1655 = arith.constant 0 : i32
      %get3A_1656 = tpu.memref_slice %arg9[%get3A_1654, %get3A_1655] : memref<10x128xi32, #tpu.memory_space<vmem>> -> memref<1x128xi32, #tpu.memory_space<vmem>>
      %get3A_1657 = tpu.memref_squeeze %get3A_1656 : memref<1x128xi32, #tpu.memory_space<vmem>> -> memref<128xi32, #tpu.memory_space<vmem>>
      %get3A_1658 = arith.constant 112 : index
      %get3A_1659 = tpu.vector_load %get3A_1657[%get3A_1658] {strides = array<i32>} : memref<128xi32, #tpu.memory_space<vmem>>, vector<16xi32>,
      %sub3A_1660 = vector.broadcast %mul3A_9 : i32 to vector<16xi32>
      %sub3A_1661 = arith.subi %get3A_1659, %sub3A_1660 : vector<16xi32>
      %ge3A_1662 = arith.constant 0 : i32
      %ge3A_1663 = vector.broadcast %ge3A_1662 : i32 to vector<16xi32>
      %ge3A_1664 = arith.cmpi sge, %sub3A_1661, %ge3A_1663 : vector<16xi32>
      %lt3A_1665 = arith.constant 50176 : i32
      %lt3A_1666 = vector.broadcast %lt3A_1665 : i32 to vector<16xi32>
      %lt3A_1667 = arith.cmpi slt, %sub3A_1661, %lt3A_1666 : vector<16xi32>
      %and3A_1668 = arith.andi %ge3A_1664, %lt3A_1667 : vector<16xi1>
      %and3A_1669 = vector.broadcast %lt3A_30 : i1 to vector<16xi1>
      %and3A_1670 = arith.andi %and3A_1668, %and3A_1669 : vector<16xi1>
      %jit3A_1671 = arith.constant 50176 : i32
      %broadcast_in_dim3A_1672 = vector.broadcast %jit3A_1671 : i32 to vector<16xi32>
      %select_n3A_1673 = arith.select %and3A_1670, %sub3A_1661, %broadcast_in_dim3A_1672 : vector<16xi1>, vector<16xi32>
      %swap3A_1674 = arith.constant 6 : i32
      %swap3A_1675 = arith.constant 0 : i32
      %swap3A_1676 = tpu.memref_slice %arg10[%swap3A_1674, %swap3A_1675] : memref<10x128xi32, #tpu.memory_space<vmem>> -> memref<1x128xi32, #tpu.memory_space<vmem>>
      %swap3A_1677 = tpu.memref_squeeze %swap3A_1676 : memref<1x128xi32, #tpu.memory_space<vmem>> -> memref<128xi32, #tpu.memory_space<vmem>>
      %swap3A_1678 = arith.constant 112 : index
      %swap3A_1679 = tpu.vector_load %swap3A_1677[%swap3A_1678] {strides = array<i32>} : memref<128xi32, #tpu.memory_space<vmem>>, vector<16xi32>,
      tpu.vector_store %swap3A_1677[%swap3A_1678], %select_n3A_1673 {strides = array<i32>} : memref<128xi32, #tpu.memory_space<vmem>>, vector<16xi32>,
      %get3A_1680 = arith.constant 7 : i32
      %get3A_1681 = arith.constant 0 : i32
      %get3A_1682 = tpu.memref_slice %arg9[%get3A_1680, %get3A_1681] : memref<10x128xi32, #tpu.memory_space<vmem>> -> memref<1x128xi32, #tpu.memory_space<vmem>>
      %get3A_1683 = tpu.memref_squeeze %get3A_1682 : memref<1x128xi32, #tpu.memory_space<vmem>> -> memref<128xi32, #tpu.memory_space<vmem>>
      %get3A_1684 = arith.constant 0 : index
      %get3A_1685 = tpu.vector_load %get3A_1683[%get3A_1684] {strides = array<i32>} : memref<128xi32, #tpu.memory_space<vmem>>, vector<16xi32>,
      %sub3A_1686 = vector.broadcast %mul3A_9 : i32 to vector<16xi32>
      %sub3A_1687 = arith.subi %get3A_1685, %sub3A_1686 : vector<16xi32>
      %ge3A_1688 = arith.constant 0 : i32
      %ge3A_1689 = vector.broadcast %ge3A_1688 : i32 to vector<16xi32>
      %ge3A_1690 = arith.cmpi sge, %sub3A_1687, %ge3A_1689 : vector<16xi32>
      %lt3A_1691 = arith.constant 50176 : i32
      %lt3A_1692 = vector.broadcast %lt3A_1691 : i32 to vector<16xi32>
      %lt3A_1693 = arith.cmpi slt, %sub3A_1687, %lt3A_1692 : vector<16xi32>
      %and3A_1694 = arith.andi %ge3A_1690, %lt3A_1693 : vector<16xi1>
      %and3A_1695 = vector.broadcast %lt3A_30 : i1 to vector<16xi1>
      %and3A_1696 = arith.andi %and3A_1694, %and3A_1695 : vector<16xi1>
      %jit3A_1697 = arith.constant 50176 : i32
      %broadcast_in_dim3A_1698 = vector.broadcast %jit3A_1697 : i32 to vector<16xi32>
      %select_n3A_1699 = arith.select %and3A_1696, %sub3A_1687, %broadcast_in_dim3A_1698 : vector<16xi1>, vector<16xi32>
      %swap3A_1700 = arith.constant 7 : i32
      %swap3A_1701 = arith.constant 0 : i32
      %swap3A_1702 = tpu.memref_slice %arg10[%swap3A_1700, %swap3A_1701] : memref<10x128xi32, #tpu.memory_space<vmem>> -> memref<1x128xi32, #tpu.memory_space<vmem>>
      %swap3A_1703 = tpu.memref_squeeze %swap3A_1702 : memref<1x128xi32, #tpu.memory_space<vmem>> -> memref<128xi32, #tpu.memory_space<vmem>>
      %swap3A_1704 = arith.constant 0 : index
      %swap3A_1705 = tpu.vector_load %swap3A_1703[%swap3A_1704] {strides = array<i32>} : memref<128xi32, #tpu.memory_space<vmem>>, vector<16xi32>,
      tpu.vector_store %swap3A_1703[%swap3A_1704], %select_n3A_1699 {strides = array<i32>} : memref<128xi32, #tpu.memory_space<vmem>>, vector<16xi32>,
      %get3A_1706 = arith.constant 7 : i32
      %get3A_1707 = arith.constant 0 : i32
      %get3A_1708 = tpu.memref_slice %arg9[%get3A_1706, %get3A_1707] : memref<10x128xi32, #tpu.memory_space<vmem>> -> memref<1x128xi32, #tpu.memory_space<vmem>>
      %get3A_1709 = tpu.memref_squeeze %get3A_1708 : memref<1x128xi32, #tpu.memory_space<vmem>> -> memref<128xi32, #tpu.memory_space<vmem>>
      %get3A_1710 = arith.constant 16 : index
      %get3A_1711 = tpu.vector_load %get3A_1709[%get3A_1710] {strides = array<i32>} : memref<128xi32, #tpu.memory_space<vmem>>, vector<16xi32>,
      %sub3A_1712 = vector.broadcast %mul3A_9 : i32 to vector<16xi32>
      %sub3A_1713 = arith.subi %get3A_1711, %sub3A_1712 : vector<16xi32>
      %ge3A_1714 = arith.constant 0 : i32
      %ge3A_1715 = vector.broadcast %ge3A_1714 : i32 to vector<16xi32>
      %ge3A_1716 = arith.cmpi sge, %sub3A_1713, %ge3A_1715 : vector<16xi32>
      %lt3A_1717 = arith.constant 50176 : i32
      %lt3A_1718 = vector.broadcast %lt3A_1717 : i32 to vector<16xi32>
      %lt3A_1719 = arith.cmpi slt, %sub3A_1713, %lt3A_1718 : vector<16xi32>
      %and3A_1720 = arith.andi %ge3A_1716, %lt3A_1719 : vector<16xi1>
      %and3A_1721 = vector.broadcast %lt3A_30 : i1 to vector<16xi1>
      %and3A_1722 = arith.andi %and3A_1720, %and3A_1721 : vector<16xi1>
      %jit3A_1723 = arith.constant 50176 : i32
      %broadcast_in_dim3A_1724 = vector.broadcast %jit3A_1723 : i32 to vector<16xi32>
      %select_n3A_1725 = arith.select %and3A_1722, %sub3A_1713, %broadcast_in_dim3A_1724 : vector<16xi1>, vector<16xi32>
      %swap3A_1726 = arith.constant 7 : i32
      %swap3A_1727 = arith.constant 0 : i32
      %swap3A_1728 = tpu.memref_slice %arg10[%swap3A_1726, %swap3A_1727] : memref<10x128xi32, #tpu.memory_space<vmem>> -> memref<1x128xi32, #tpu.memory_space<vmem>>
      %swap3A_1729 = tpu.memref_squeeze %swap3A_1728 : memref<1x128xi32, #tpu.memory_space<vmem>> -> memref<128xi32, #tpu.memory_space<vmem>>
      %swap3A_1730 = arith.constant 16 : index
      %swap3A_1731 = tpu.vector_load %swap3A_1729[%swap3A_1730] {strides = array<i32>} : memref<128xi32, #tpu.memory_space<vmem>>, vector<16xi32>,
      tpu.vector_store %swap3A_1729[%swap3A_1730], %select_n3A_1725 {strides = array<i32>} : memref<128xi32, #tpu.memory_space<vmem>>, vector<16xi32>,
      %get3A_1732 = arith.constant 7 : i32
      %get3A_1733 = arith.constant 0 : i32
      %get3A_1734 = tpu.memref_slice %arg9[%get3A_1732, %get3A_1733] : memref<10x128xi32, #tpu.memory_space<vmem>> -> memref<1x128xi32, #tpu.memory_space<vmem>>
      %get3A_1735 = tpu.memref_squeeze %get3A_1734 : memref<1x128xi32, #tpu.memory_space<vmem>> -> memref<128xi32, #tpu.memory_space<vmem>>
      %get3A_1736 = arith.constant 32 : index
      %get3A_1737 = tpu.vector_load %get3A_1735[%get3A_1736] {strides = array<i32>} : memref<128xi32, #tpu.memory_space<vmem>>, vector<16xi32>,
      %sub3A_1738 = vector.broadcast %mul3A_9 : i32 to vector<16xi32>
      %sub3A_1739 = arith.subi %get3A_1737, %sub3A_1738 : vector<16xi32>
      %ge3A_1740 = arith.constant 0 : i32
      %ge3A_1741 = vector.broadcast %ge3A_1740 : i32 to vector<16xi32>
      %ge3A_1742 = arith.cmpi sge, %sub3A_1739, %ge3A_1741 : vector<16xi32>
      %lt3A_1743 = arith.constant 50176 : i32
      %lt3A_1744 = vector.broadcast %lt3A_1743 : i32 to vector<16xi32>
      %lt3A_1745 = arith.cmpi slt, %sub3A_1739, %lt3A_1744 : vector<16xi32>
      %and3A_1746 = arith.andi %ge3A_1742, %lt3A_1745 : vector<16xi1>
      %and3A_1747 = vector.broadcast %lt3A_30 : i1 to vector<16xi1>
      %and3A_1748 = arith.andi %and3A_1746, %and3A_1747 : vector<16xi1>
      %jit3A_1749 = arith.constant 50176 : i32
      %broadcast_in_dim3A_1750 = vector.broadcast %jit3A_1749 : i32 to vector<16xi32>
      %select_n3A_1751 = arith.select %and3A_1748, %sub3A_1739, %broadcast_in_dim3A_1750 : vector<16xi1>, vector<16xi32>
      %swap3A_1752 = arith.constant 7 : i32
      %swap3A_1753 = arith.constant 0 : i32
      %swap3A_1754 = tpu.memref_slice %arg10[%swap3A_1752, %swap3A_1753] : memref<10x128xi32, #tpu.memory_space<vmem>> -> memref<1x128xi32, #tpu.memory_space<vmem>>
      %swap3A_1755 = tpu.memref_squeeze %swap3A_1754 : memref<1x128xi32, #tpu.memory_space<vmem>> -> memref<128xi32, #tpu.memory_space<vmem>>
      %swap3A_1756 = arith.constant 32 : index
      %swap3A_1757 = tpu.vector_load %swap3A_1755[%swap3A_1756] {strides = array<i32>} : memref<128xi32, #tpu.memory_space<vmem>>, vector<16xi32>,
      tpu.vector_store %swap3A_1755[%swap3A_1756], %select_n3A_1751 {strides = array<i32>} : memref<128xi32, #tpu.memory_space<vmem>>, vector<16xi32>,
      %get3A_1758 = arith.constant 7 : i32
      %get3A_1759 = arith.constant 0 : i32
      %get3A_1760 = tpu.memref_slice %arg9[%get3A_1758, %get3A_1759] : memref<10x128xi32, #tpu.memory_space<vmem>> -> memref<1x128xi32, #tpu.memory_space<vmem>>
      %get3A_1761 = tpu.memref_squeeze %get3A_1760 : memref<1x128xi32, #tpu.memory_space<vmem>> -> memref<128xi32, #tpu.memory_space<vmem>>
      %get3A_1762 = arith.constant 48 : index
      %get3A_1763 = tpu.vector_load %get3A_1761[%get3A_1762] {strides = array<i32>} : memref<128xi32, #tpu.memory_space<vmem>>, vector<16xi32>,
      %sub3A_1764 = vector.broadcast %mul3A_9 : i32 to vector<16xi32>
      %sub3A_1765 = arith.subi %get3A_1763, %sub3A_1764 : vector<16xi32>
      %ge3A_1766 = arith.constant 0 : i32
      %ge3A_1767 = vector.broadcast %ge3A_1766 : i32 to vector<16xi32>
      %ge3A_1768 = arith.cmpi sge, %sub3A_1765, %ge3A_1767 : vector<16xi32>
      %lt3A_1769 = arith.constant 50176 : i32
      %lt3A_1770 = vector.broadcast %lt3A_1769 : i32 to vector<16xi32>
      %lt3A_1771 = arith.cmpi slt, %sub3A_1765, %lt3A_1770 : vector<16xi32>
      %and3A_1772 = arith.andi %ge3A_1768, %lt3A_1771 : vector<16xi1>
      %and3A_1773 = vector.broadcast %lt3A_30 : i1 to vector<16xi1>
      %and3A_1774 = arith.andi %and3A_1772, %and3A_1773 : vector<16xi1>
      %jit3A_1775 = arith.constant 50176 : i32
      %broadcast_in_dim3A_1776 = vector.broadcast %jit3A_1775 : i32 to vector<16xi32>
      %select_n3A_1777 = arith.select %and3A_1774, %sub3A_1765, %broadcast_in_dim3A_1776 : vector<16xi1>, vector<16xi32>
      %swap3A_1778 = arith.constant 7 : i32
      %swap3A_1779 = arith.constant 0 : i32
      %swap3A_1780 = tpu.memref_slice %arg10[%swap3A_1778, %swap3A_1779] : memref<10x128xi32, #tpu.memory_space<vmem>> -> memref<1x128xi32, #tpu.memory_space<vmem>>
      %swap3A_1781 = tpu.memref_squeeze %swap3A_1780 : memref<1x128xi32, #tpu.memory_space<vmem>> -> memref<128xi32, #tpu.memory_space<vmem>>
      %swap3A_1782 = arith.constant 48 : index
      %swap3A_1783 = tpu.vector_load %swap3A_1781[%swap3A_1782] {strides = array<i32>} : memref<128xi32, #tpu.memory_space<vmem>>, vector<16xi32>,
      tpu.vector_store %swap3A_1781[%swap3A_1782], %select_n3A_1777 {strides = array<i32>} : memref<128xi32, #tpu.memory_space<vmem>>, vector<16xi32>,
      %get3A_1784 = arith.constant 7 : i32
      %get3A_1785 = arith.constant 0 : i32
      %get3A_1786 = tpu.memref_slice %arg9[%get3A_1784, %get3A_1785] : memref<10x128xi32, #tpu.memory_space<vmem>> -> memref<1x128xi32, #tpu.memory_space<vmem>>
      %get3A_1787 = tpu.memref_squeeze %get3A_1786 : memref<1x128xi32, #tpu.memory_space<vmem>> -> memref<128xi32, #tpu.memory_space<vmem>>
      %get3A_1788 = arith.constant 64 : index
      %get3A_1789 = tpu.vector_load %get3A_1787[%get3A_1788] {strides = array<i32>} : memref<128xi32, #tpu.memory_space<vmem>>, vector<16xi32>,
      %sub3A_1790 = vector.broadcast %mul3A_9 : i32 to vector<16xi32>
      %sub3A_1791 = arith.subi %get3A_1789, %sub3A_1790 : vector<16xi32>
      %ge3A_1792 = arith.constant 0 : i32
      %ge3A_1793 = vector.broadcast %ge3A_1792 : i32 to vector<16xi32>
      %ge3A_1794 = arith.cmpi sge, %sub3A_1791, %ge3A_1793 : vector<16xi32>
      %lt3A_1795 = arith.constant 50176 : i32
      %lt3A_1796 = vector.broadcast %lt3A_1795 : i32 to vector<16xi32>
      %lt3A_1797 = arith.cmpi slt, %sub3A_1791, %lt3A_1796 : vector<16xi32>
      %and3A_1798 = arith.andi %ge3A_1794, %lt3A_1797 : vector<16xi1>
      %and3A_1799 = vector.broadcast %lt3A_30 : i1 to vector<16xi1>
      %and3A_1800 = arith.andi %and3A_1798, %and3A_1799 : vector<16xi1>
      %jit3A_1801 = arith.constant 50176 : i32
      %broadcast_in_dim3A_1802 = vector.broadcast %jit3A_1801 : i32 to vector<16xi32>
      %select_n3A_1803 = arith.select %and3A_1800, %sub3A_1791, %broadcast_in_dim3A_1802 : vector<16xi1>, vector<16xi32>
      %swap3A_1804 = arith.constant 7 : i32
      %swap3A_1805 = arith.constant 0 : i32
      %swap3A_1806 = tpu.memref_slice %arg10[%swap3A_1804, %swap3A_1805] : memref<10x128xi32, #tpu.memory_space<vmem>> -> memref<1x128xi32, #tpu.memory_space<vmem>>
      %swap3A_1807 = tpu.memref_squeeze %swap3A_1806 : memref<1x128xi32, #tpu.memory_space<vmem>> -> memref<128xi32, #tpu.memory_space<vmem>>
      %swap3A_1808 = arith.constant 64 : index
      %swap3A_1809 = tpu.vector_load %swap3A_1807[%swap3A_1808] {strides = array<i32>} : memref<128xi32, #tpu.memory_space<vmem>>, vector<16xi32>,
      tpu.vector_store %swap3A_1807[%swap3A_1808], %select_n3A_1803 {strides = array<i32>} : memref<128xi32, #tpu.memory_space<vmem>>, vector<16xi32>,
      %get3A_1810 = arith.constant 7 : i32
      %get3A_1811 = arith.constant 0 : i32
      %get3A_1812 = tpu.memref_slice %arg9[%get3A_1810, %get3A_1811] : memref<10x128xi32, #tpu.memory_space<vmem>> -> memref<1x128xi32, #tpu.memory_space<vmem>>
      %get3A_1813 = tpu.memref_squeeze %get3A_1812 : memref<1x128xi32, #tpu.memory_space<vmem>> -> memref<128xi32, #tpu.memory_space<vmem>>
      %get3A_1814 = arith.constant 80 : index
      %get3A_1815 = tpu.vector_load %get3A_1813[%get3A_1814] {strides = array<i32>} : memref<128xi32, #tpu.memory_space<vmem>>, vector<16xi32>,
      %sub3A_1816 = vector.broadcast %mul3A_9 : i32 to vector<16xi32>
      %sub3A_1817 = arith.subi %get3A_1815, %sub3A_1816 : vector<16xi32>
      %ge3A_1818 = arith.constant 0 : i32
      %ge3A_1819 = vector.broadcast %ge3A_1818 : i32 to vector<16xi32>
      %ge3A_1820 = arith.cmpi sge, %sub3A_1817, %ge3A_1819 : vector<16xi32>
      %lt3A_1821 = arith.constant 50176 : i32
      %lt3A_1822 = vector.broadcast %lt3A_1821 : i32 to vector<16xi32>
      %lt3A_1823 = arith.cmpi slt, %sub3A_1817, %lt3A_1822 : vector<16xi32>
      %and3A_1824 = arith.andi %ge3A_1820, %lt3A_1823 : vector<16xi1>
      %and3A_1825 = vector.broadcast %lt3A_30 : i1 to vector<16xi1>
      %and3A_1826 = arith.andi %and3A_1824, %and3A_1825 : vector<16xi1>
      %jit3A_1827 = arith.constant 50176 : i32
      %broadcast_in_dim3A_1828 = vector.broadcast %jit3A_1827 : i32 to vector<16xi32>
      %select_n3A_1829 = arith.select %and3A_1826, %sub3A_1817, %broadcast_in_dim3A_1828 : vector<16xi1>, vector<16xi32>
      %swap3A_1830 = arith.constant 7 : i32
      %swap3A_1831 = arith.constant 0 : i32
      %swap3A_1832 = tpu.memref_slice %arg10[%swap3A_1830, %swap3A_1831] : memref<10x128xi32, #tpu.memory_space<vmem>> -> memref<1x128xi32, #tpu.memory_space<vmem>>
      %swap3A_1833 = tpu.memref_squeeze %swap3A_1832 : memref<1x128xi32, #tpu.memory_space<vmem>> -> memref<128xi32, #tpu.memory_space<vmem>>
      %swap3A_1834 = arith.constant 80 : index
      %swap3A_1835 = tpu.vector_load %swap3A_1833[%swap3A_1834] {strides = array<i32>} : memref<128xi32, #tpu.memory_space<vmem>>, vector<16xi32>,
      tpu.vector_store %swap3A_1833[%swap3A_1834], %select_n3A_1829 {strides = array<i32>} : memref<128xi32, #tpu.memory_space<vmem>>, vector<16xi32>,
      %get3A_1836 = arith.constant 7 : i32
      %get3A_1837 = arith.constant 0 : i32
      %get3A_1838 = tpu.memref_slice %arg9[%get3A_1836, %get3A_1837] : memref<10x128xi32, #tpu.memory_space<vmem>> -> memref<1x128xi32, #tpu.memory_space<vmem>>
      %get3A_1839 = tpu.memref_squeeze %get3A_1838 : memref<1x128xi32, #tpu.memory_space<vmem>> -> memref<128xi32, #tpu.memory_space<vmem>>
      %get3A_1840 = arith.constant 96 : index
      %get3A_1841 = tpu.vector_load %get3A_1839[%get3A_1840] {strides = array<i32>} : memref<128xi32, #tpu.memory_space<vmem>>, vector<16xi32>,
      %sub3A_1842 = vector.broadcast %mul3A_9 : i32 to vector<16xi32>
      %sub3A_1843 = arith.subi %get3A_1841, %sub3A_1842 : vector<16xi32>
      %ge3A_1844 = arith.constant 0 : i32
      %ge3A_1845 = vector.broadcast %ge3A_1844 : i32 to vector<16xi32>
      %ge3A_1846 = arith.cmpi sge, %sub3A_1843, %ge3A_1845 : vector<16xi32>
      %lt3A_1847 = arith.constant 50176 : i32
      %lt3A_1848 = vector.broadcast %lt3A_1847 : i32 to vector<16xi32>
      %lt3A_1849 = arith.cmpi slt, %sub3A_1843, %lt3A_1848 : vector<16xi32>
      %and3A_1850 = arith.andi %ge3A_1846, %lt3A_1849 : vector<16xi1>
      %and3A_1851 = vector.broadcast %lt3A_30 : i1 to vector<16xi1>
      %and3A_1852 = arith.andi %and3A_1850, %and3A_1851 : vector<16xi1>
      %jit3A_1853 = arith.constant 50176 : i32
      %broadcast_in_dim3A_1854 = vector.broadcast %jit3A_1853 : i32 to vector<16xi32>
      %select_n3A_1855 = arith.select %and3A_1852, %sub3A_1843, %broadcast_in_dim3A_1854 : vector<16xi1>, vector<16xi32>
      %swap3A_1856 = arith.constant 7 : i32
      %swap3A_1857 = arith.constant 0 : i32
      %swap3A_1858 = tpu.memref_slice %arg10[%swap3A_1856, %swap3A_1857] : memref<10x128xi32, #tpu.memory_space<vmem>> -> memref<1x128xi32, #tpu.memory_space<vmem>>
      %swap3A_1859 = tpu.memref_squeeze %swap3A_1858 : memref<1x128xi32, #tpu.memory_space<vmem>> -> memref<128xi32, #tpu.memory_space<vmem>>
      %swap3A_1860 = arith.constant 96 : index
      %swap3A_1861 = tpu.vector_load %swap3A_1859[%swap3A_1860] {strides = array<i32>} : memref<128xi32, #tpu.memory_space<vmem>>, vector<16xi32>,
      tpu.vector_store %swap3A_1859[%swap3A_1860], %select_n3A_1855 {strides = array<i32>} : memref<128xi32, #tpu.memory_space<vmem>>, vector<16xi32>,
      %get3A_1862 = arith.constant 7 : i32
      %get3A_1863 = arith.constant 0 : i32
      %get3A_1864 = tpu.memref_slice %arg9[%get3A_1862, %get3A_1863] : memref<10x128xi32, #tpu.memory_space<vmem>> -> memref<1x128xi32, #tpu.memory_space<vmem>>
      %get3A_1865 = tpu.memref_squeeze %get3A_1864 : memref<1x128xi32, #tpu.memory_space<vmem>> -> memref<128xi32, #tpu.memory_space<vmem>>
      %get3A_1866 = arith.constant 112 : index
      %get3A_1867 = tpu.vector_load %get3A_1865[%get3A_1866] {strides = array<i32>} : memref<128xi32, #tpu.memory_space<vmem>>, vector<16xi32>,
      %sub3A_1868 = vector.broadcast %mul3A_9 : i32 to vector<16xi32>
      %sub3A_1869 = arith.subi %get3A_1867, %sub3A_1868 : vector<16xi32>
      %ge3A_1870 = arith.constant 0 : i32
      %ge3A_1871 = vector.broadcast %ge3A_1870 : i32 to vector<16xi32>
      %ge3A_1872 = arith.cmpi sge, %sub3A_1869, %ge3A_1871 : vector<16xi32>
      %lt3A_1873 = arith.constant 50176 : i32
      %lt3A_1874 = vector.broadcast %lt3A_1873 : i32 to vector<16xi32>
      %lt3A_1875 = arith.cmpi slt, %sub3A_1869, %lt3A_1874 : vector<16xi32>
      %and3A_1876 = arith.andi %ge3A_1872, %lt3A_1875 : vector<16xi1>
      %and3A_1877 = vector.broadcast %lt3A_30 : i1 to vector<16xi1>
      %and3A_1878 = arith.andi %and3A_1876, %and3A_1877 : vector<16xi1>
      %jit3A_1879 = arith.constant 50176 : i32
      %broadcast_in_dim3A_1880 = vector.broadcast %jit3A_1879 : i32 to vector<16xi32>
      %select_n3A_1881 = arith.select %and3A_1878, %sub3A_1869, %broadcast_in_dim3A_1880 : vector<16xi1>, vector<16xi32>
      %swap3A_1882 = arith.constant 7 : i32
      %swap3A_1883 = arith.constant 0 : i32
      %swap3A_1884 = tpu.memref_slice %arg10[%swap3A_1882, %swap3A_1883] : memref<10x128xi32, #tpu.memory_space<vmem>> -> memref<1x128xi32, #tpu.memory_space<vmem>>
      %swap3A_1885 = tpu.memref_squeeze %swap3A_1884 : memref<1x128xi32, #tpu.memory_space<vmem>> -> memref<128xi32, #tpu.memory_space<vmem>>
      %swap3A_1886 = arith.constant 112 : index
      %swap3A_1887 = tpu.vector_load %swap3A_1885[%swap3A_1886] {strides = array<i32>} : memref<128xi32, #tpu.memory_space<vmem>>, vector<16xi32>,
      tpu.vector_store %swap3A_1885[%swap3A_1886], %select_n3A_1881 {strides = array<i32>} : memref<128xi32, #tpu.memory_space<vmem>>, vector<16xi32>,
      %get3A_1888 = arith.constant 8 : i32
      %get3A_1889 = arith.constant 0 : i32
      %get3A_1890 = tpu.memref_slice %arg9[%get3A_1888, %get3A_1889] : memref<10x128xi32, #tpu.memory_space<vmem>> -> memref<1x128xi32, #tpu.memory_space<vmem>>
      %get3A_1891 = tpu.memref_squeeze %get3A_1890 : memref<1x128xi32, #tpu.memory_space<vmem>> -> memref<128xi32, #tpu.memory_space<vmem>>
      %get3A_1892 = arith.constant 0 : index
      %get3A_1893 = tpu.vector_load %get3A_1891[%get3A_1892] {strides = array<i32>} : memref<128xi32, #tpu.memory_space<vmem>>, vector<16xi32>,
      %sub3A_1894 = vector.broadcast %mul3A_9 : i32 to vector<16xi32>
      %sub3A_1895 = arith.subi %get3A_1893, %sub3A_1894 : vector<16xi32>
      %ge3A_1896 = arith.constant 0 : i32
      %ge3A_1897 = vector.broadcast %ge3A_1896 : i32 to vector<16xi32>
      %ge3A_1898 = arith.cmpi sge, %sub3A_1895, %ge3A_1897 : vector<16xi32>
      %lt3A_1899 = arith.constant 50176 : i32
      %lt3A_1900 = vector.broadcast %lt3A_1899 : i32 to vector<16xi32>
      %lt3A_1901 = arith.cmpi slt, %sub3A_1895, %lt3A_1900 : vector<16xi32>
      %and3A_1902 = arith.andi %ge3A_1898, %lt3A_1901 : vector<16xi1>
      %and3A_1903 = vector.broadcast %lt3A_30 : i1 to vector<16xi1>
      %and3A_1904 = arith.andi %and3A_1902, %and3A_1903 : vector<16xi1>
      %jit3A_1905 = arith.constant 50176 : i32
      %broadcast_in_dim3A_1906 = vector.broadcast %jit3A_1905 : i32 to vector<16xi32>
      %select_n3A_1907 = arith.select %and3A_1904, %sub3A_1895, %broadcast_in_dim3A_1906 : vector<16xi1>, vector<16xi32>
      %swap3A_1908 = arith.constant 8 : i32
      %swap3A_1909 = arith.constant 0 : i32
      %swap3A_1910 = tpu.memref_slice %arg10[%swap3A_1908, %swap3A_1909] : memref<10x128xi32, #tpu.memory_space<vmem>> -> memref<1x128xi32, #tpu.memory_space<vmem>>
      %swap3A_1911 = tpu.memref_squeeze %swap3A_1910 : memref<1x128xi32, #tpu.memory_space<vmem>> -> memref<128xi32, #tpu.memory_space<vmem>>
      %swap3A_1912 = arith.constant 0 : index
      %swap3A_1913 = tpu.vector_load %swap3A_1911[%swap3A_1912] {strides = array<i32>} : memref<128xi32, #tpu.memory_space<vmem>>, vector<16xi32>,
      tpu.vector_store %swap3A_1911[%swap3A_1912], %select_n3A_1907 {strides = array<i32>} : memref<128xi32, #tpu.memory_space<vmem>>, vector<16xi32>,
      %get3A_1914 = arith.constant 8 : i32
      %get3A_1915 = arith.constant 0 : i32
      %get3A_1916 = tpu.memref_slice %arg9[%get3A_1914, %get3A_1915] : memref<10x128xi32, #tpu.memory_space<vmem>> -> memref<1x128xi32, #tpu.memory_space<vmem>>
      %get3A_1917 = tpu.memref_squeeze %get3A_1916 : memref<1x128xi32, #tpu.memory_space<vmem>> -> memref<128xi32, #tpu.memory_space<vmem>>
      %get3A_1918 = arith.constant 16 : index
      %get3A_1919 = tpu.vector_load %get3A_1917[%get3A_1918] {strides = array<i32>} : memref<128xi32, #tpu.memory_space<vmem>>, vector<16xi32>,
      %sub3A_1920 = vector.broadcast %mul3A_9 : i32 to vector<16xi32>
      %sub3A_1921 = arith.subi %get3A_1919, %sub3A_1920 : vector<16xi32>
      %ge3A_1922 = arith.constant 0 : i32
      %ge3A_1923 = vector.broadcast %ge3A_1922 : i32 to vector<16xi32>
      %ge3A_1924 = arith.cmpi sge, %sub3A_1921, %ge3A_1923 : vector<16xi32>
      %lt3A_1925 = arith.constant 50176 : i32
      %lt3A_1926 = vector.broadcast %lt3A_1925 : i32 to vector<16xi32>
      %lt3A_1927 = arith.cmpi slt, %sub3A_1921, %lt3A_1926 : vector<16xi32>
      %and3A_1928 = arith.andi %ge3A_1924, %lt3A_1927 : vector<16xi1>
      %and3A_1929 = vector.broadcast %lt3A_30 : i1 to vector<16xi1>
      %and3A_1930 = arith.andi %and3A_1928, %and3A_1929 : vector<16xi1>
      %jit3A_1931 = arith.constant 50176 : i32
      %broadcast_in_dim3A_1932 = vector.broadcast %jit3A_1931 : i32 to vector<16xi32>
      %select_n3A_1933 = arith.select %and3A_1930, %sub3A_1921, %broadcast_in_dim3A_1932 : vector<16xi1>, vector<16xi32>
      %swap3A_1934 = arith.constant 8 : i32
      %swap3A_1935 = arith.constant 0 : i32
      %swap3A_1936 = tpu.memref_slice %arg10[%swap3A_1934, %swap3A_1935] : memref<10x128xi32, #tpu.memory_space<vmem>> -> memref<1x128xi32, #tpu.memory_space<vmem>>
      %swap3A_1937 = tpu.memref_squeeze %swap3A_1936 : memref<1x128xi32, #tpu.memory_space<vmem>> -> memref<128xi32, #tpu.memory_space<vmem>>
      %swap3A_1938 = arith.constant 16 : index
      %swap3A_1939 = tpu.vector_load %swap3A_1937[%swap3A_1938] {strides = array<i32>} : memref<128xi32, #tpu.memory_space<vmem>>, vector<16xi32>,
      tpu.vector_store %swap3A_1937[%swap3A_1938], %select_n3A_1933 {strides = array<i32>} : memref<128xi32, #tpu.memory_space<vmem>>, vector<16xi32>,
      %get3A_1940 = arith.constant 8 : i32
      %get3A_1941 = arith.constant 0 : i32
      %get3A_1942 = tpu.memref_slice %arg9[%get3A_1940, %get3A_1941] : memref<10x128xi32, #tpu.memory_space<vmem>> -> memref<1x128xi32, #tpu.memory_space<vmem>>
      %get3A_1943 = tpu.memref_squeeze %get3A_1942 : memref<1x128xi32, #tpu.memory_space<vmem>> -> memref<128xi32, #tpu.memory_space<vmem>>
      %get3A_1944 = arith.constant 32 : index
      %get3A_1945 = tpu.vector_load %get3A_1943[%get3A_1944] {strides = array<i32>} : memref<128xi32, #tpu.memory_space<vmem>>, vector<16xi32>,
      %sub3A_1946 = vector.broadcast %mul3A_9 : i32 to vector<16xi32>
      %sub3A_1947 = arith.subi %get3A_1945, %sub3A_1946 : vector<16xi32>
      %ge3A_1948 = arith.constant 0 : i32
      %ge3A_1949 = vector.broadcast %ge3A_1948 : i32 to vector<16xi32>
      %ge3A_1950 = arith.cmpi sge, %sub3A_1947, %ge3A_1949 : vector<16xi32>
      %lt3A_1951 = arith.constant 50176 : i32
      %lt3A_1952 = vector.broadcast %lt3A_1951 : i32 to vector<16xi32>
      %lt3A_1953 = arith.cmpi slt, %sub3A_1947, %lt3A_1952 : vector<16xi32>
      %and3A_1954 = arith.andi %ge3A_1950, %lt3A_1953 : vector<16xi1>
      %and3A_1955 = vector.broadcast %lt3A_30 : i1 to vector<16xi1>
      %and3A_1956 = arith.andi %and3A_1954, %and3A_1955 : vector<16xi1>
      %jit3A_1957 = arith.constant 50176 : i32
      %broadcast_in_dim3A_1958 = vector.broadcast %jit3A_1957 : i32 to vector<16xi32>
      %select_n3A_1959 = arith.select %and3A_1956, %sub3A_1947, %broadcast_in_dim3A_1958 : vector<16xi1>, vector<16xi32>
      %swap3A_1960 = arith.constant 8 : i32
      %swap3A_1961 = arith.constant 0 : i32
      %swap3A_1962 = tpu.memref_slice %arg10[%swap3A_1960, %swap3A_1961] : memref<10x128xi32, #tpu.memory_space<vmem>> -> memref<1x128xi32, #tpu.memory_space<vmem>>
      %swap3A_1963 = tpu.memref_squeeze %swap3A_1962 : memref<1x128xi32, #tpu.memory_space<vmem>> -> memref<128xi32, #tpu.memory_space<vmem>>
      %swap3A_1964 = arith.constant 32 : index
      %swap3A_1965 = tpu.vector_load %swap3A_1963[%swap3A_1964] {strides = array<i32>} : memref<128xi32, #tpu.memory_space<vmem>>, vector<16xi32>,
      tpu.vector_store %swap3A_1963[%swap3A_1964], %select_n3A_1959 {strides = array<i32>} : memref<128xi32, #tpu.memory_space<vmem>>, vector<16xi32>,
      %get3A_1966 = arith.constant 8 : i32
      %get3A_1967 = arith.constant 0 : i32
      %get3A_1968 = tpu.memref_slice %arg9[%get3A_1966, %get3A_1967] : memref<10x128xi32, #tpu.memory_space<vmem>> -> memref<1x128xi32, #tpu.memory_space<vmem>>
      %get3A_1969 = tpu.memref_squeeze %get3A_1968 : memref<1x128xi32, #tpu.memory_space<vmem>> -> memref<128xi32, #tpu.memory_space<vmem>>
      %get3A_1970 = arith.constant 48 : index
      %get3A_1971 = tpu.vector_load %get3A_1969[%get3A_1970] {strides = array<i32>} : memref<128xi32, #tpu.memory_space<vmem>>, vector<16xi32>,
      %sub3A_1972 = vector.broadcast %mul3A_9 : i32 to vector<16xi32>
      %sub3A_1973 = arith.subi %get3A_1971, %sub3A_1972 : vector<16xi32>
      %ge3A_1974 = arith.constant 0 : i32
      %ge3A_1975 = vector.broadcast %ge3A_1974 : i32 to vector<16xi32>
      %ge3A_1976 = arith.cmpi sge, %sub3A_1973, %ge3A_1975 : vector<16xi32>
      %lt3A_1977 = arith.constant 50176 : i32
      %lt3A_1978 = vector.broadcast %lt3A_1977 : i32 to vector<16xi32>
      %lt3A_1979 = arith.cmpi slt, %sub3A_1973, %lt3A_1978 : vector<16xi32>
      %and3A_1980 = arith.andi %ge3A_1976, %lt3A_1979 : vector<16xi1>
      %and3A_1981 = vector.broadcast %lt3A_30 : i1 to vector<16xi1>
      %and3A_1982 = arith.andi %and3A_1980, %and3A_1981 : vector<16xi1>
      %jit3A_1983 = arith.constant 50176 : i32
      %broadcast_in_dim3A_1984 = vector.broadcast %jit3A_1983 : i32 to vector<16xi32>
      %select_n3A_1985 = arith.select %and3A_1982, %sub3A_1973, %broadcast_in_dim3A_1984 : vector<16xi1>, vector<16xi32>
      %swap3A_1986 = arith.constant 8 : i32
      %swap3A_1987 = arith.constant 0 : i32
      %swap3A_1988 = tpu.memref_slice %arg10[%swap3A_1986, %swap3A_1987] : memref<10x128xi32, #tpu.memory_space<vmem>> -> memref<1x128xi32, #tpu.memory_space<vmem>>
      %swap3A_1989 = tpu.memref_squeeze %swap3A_1988 : memref<1x128xi32, #tpu.memory_space<vmem>> -> memref<128xi32, #tpu.memory_space<vmem>>
      %swap3A_1990 = arith.constant 48 : index
      %swap3A_1991 = tpu.vector_load %swap3A_1989[%swap3A_1990] {strides = array<i32>} : memref<128xi32, #tpu.memory_space<vmem>>, vector<16xi32>,
      tpu.vector_store %swap3A_1989[%swap3A_1990], %select_n3A_1985 {strides = array<i32>} : memref<128xi32, #tpu.memory_space<vmem>>, vector<16xi32>,
      %get3A_1992 = arith.constant 8 : i32
      %get3A_1993 = arith.constant 0 : i32
      %get3A_1994 = tpu.memref_slice %arg9[%get3A_1992, %get3A_1993] : memref<10x128xi32, #tpu.memory_space<vmem>> -> memref<1x128xi32, #tpu.memory_space<vmem>>
      %get3A_1995 = tpu.memref_squeeze %get3A_1994 : memref<1x128xi32, #tpu.memory_space<vmem>> -> memref<128xi32, #tpu.memory_space<vmem>>
      %get3A_1996 = arith.constant 64 : index
      %get3A_1997 = tpu.vector_load %get3A_1995[%get3A_1996] {strides = array<i32>} : memref<128xi32, #tpu.memory_space<vmem>>, vector<16xi32>,
      %sub3A_1998 = vector.broadcast %mul3A_9 : i32 to vector<16xi32>
      %sub3A_1999 = arith.subi %get3A_1997, %sub3A_1998 : vector<16xi32>
      %ge3A_2000 = arith.constant 0 : i32
      %ge3A_2001 = vector.broadcast %ge3A_2000 : i32 to vector<16xi32>
      %ge3A_2002 = arith.cmpi sge, %sub3A_1999, %ge3A_2001 : vector<16xi32>
      %lt3A_2003 = arith.constant 50176 : i32
      %lt3A_2004 = vector.broadcast %lt3A_2003 : i32 to vector<16xi32>
      %lt3A_2005 = arith.cmpi slt, %sub3A_1999, %lt3A_2004 : vector<16xi32>
      %and3A_2006 = arith.andi %ge3A_2002, %lt3A_2005 : vector<16xi1>
      %and3A_2007 = vector.broadcast %lt3A_30 : i1 to vector<16xi1>
      %and3A_2008 = arith.andi %and3A_2006, %and3A_2007 : vector<16xi1>
      %jit3A_2009 = arith.constant 50176 : i32
      %broadcast_in_dim3A_2010 = vector.broadcast %jit3A_2009 : i32 to vector<16xi32>
      %select_n3A_2011 = arith.select %and3A_2008, %sub3A_1999, %broadcast_in_dim3A_2010 : vector<16xi1>, vector<16xi32>
      %swap3A_2012 = arith.constant 8 : i32
      %swap3A_2013 = arith.constant 0 : i32
      %swap3A_2014 = tpu.memref_slice %arg10[%swap3A_2012, %swap3A_2013] : memref<10x128xi32, #tpu.memory_space<vmem>> -> memref<1x128xi32, #tpu.memory_space<vmem>>
      %swap3A_2015 = tpu.memref_squeeze %swap3A_2014 : memref<1x128xi32, #tpu.memory_space<vmem>> -> memref<128xi32, #tpu.memory_space<vmem>>
      %swap3A_2016 = arith.constant 64 : index
      %swap3A_2017 = tpu.vector_load %swap3A_2015[%swap3A_2016] {strides = array<i32>} : memref<128xi32, #tpu.memory_space<vmem>>, vector<16xi32>,
      tpu.vector_store %swap3A_2015[%swap3A_2016], %select_n3A_2011 {strides = array<i32>} : memref<128xi32, #tpu.memory_space<vmem>>, vector<16xi32>,
      %get3A_2018 = arith.constant 8 : i32
      %get3A_2019 = arith.constant 0 : i32
      %get3A_2020 = tpu.memref_slice %arg9[%get3A_2018, %get3A_2019] : memref<10x128xi32, #tpu.memory_space<vmem>> -> memref<1x128xi32, #tpu.memory_space<vmem>>
      %get3A_2021 = tpu.memref_squeeze %get3A_2020 : memref<1x128xi32, #tpu.memory_space<vmem>> -> memref<128xi32, #tpu.memory_space<vmem>>
      %get3A_2022 = arith.constant 80 : index
      %get3A_2023 = tpu.vector_load %get3A_2021[%get3A_2022] {strides = array<i32>} : memref<128xi32, #tpu.memory_space<vmem>>, vector<16xi32>,
      %sub3A_2024 = vector.broadcast %mul3A_9 : i32 to vector<16xi32>
      %sub3A_2025 = arith.subi %get3A_2023, %sub3A_2024 : vector<16xi32>
      %ge3A_2026 = arith.constant 0 : i32
      %ge3A_2027 = vector.broadcast %ge3A_2026 : i32 to vector<16xi32>
      %ge3A_2028 = arith.cmpi sge, %sub3A_2025, %ge3A_2027 : vector<16xi32>
      %lt3A_2029 = arith.constant 50176 : i32
      %lt3A_2030 = vector.broadcast %lt3A_2029 : i32 to vector<16xi32>
      %lt3A_2031 = arith.cmpi slt, %sub3A_2025, %lt3A_2030 : vector<16xi32>
      %and3A_2032 = arith.andi %ge3A_2028, %lt3A_2031 : vector<16xi1>
      %and3A_2033 = vector.broadcast %lt3A_30 : i1 to vector<16xi1>
      %and3A_2034 = arith.andi %and3A_2032, %and3A_2033 : vector<16xi1>
      %jit3A_2035 = arith.constant 50176 : i32
      %broadcast_in_dim3A_2036 = vector.broadcast %jit3A_2035 : i32 to vector<16xi32>
      %select_n3A_2037 = arith.select %and3A_2034, %sub3A_2025, %broadcast_in_dim3A_2036 : vector<16xi1>, vector<16xi32>
      %swap3A_2038 = arith.constant 8 : i32
      %swap3A_2039 = arith.constant 0 : i32
      %swap3A_2040 = tpu.memref_slice %arg10[%swap3A_2038, %swap3A_2039] : memref<10x128xi32, #tpu.memory_space<vmem>> -> memref<1x128xi32, #tpu.memory_space<vmem>>
      %swap3A_2041 = tpu.memref_squeeze %swap3A_2040 : memref<1x128xi32, #tpu.memory_space<vmem>> -> memref<128xi32, #tpu.memory_space<vmem>>
      %swap3A_2042 = arith.constant 80 : index
      %swap3A_2043 = tpu.vector_load %swap3A_2041[%swap3A_2042] {strides = array<i32>} : memref<128xi32, #tpu.memory_space<vmem>>, vector<16xi32>,
      tpu.vector_store %swap3A_2041[%swap3A_2042], %select_n3A_2037 {strides = array<i32>} : memref<128xi32, #tpu.memory_space<vmem>>, vector<16xi32>,
      %get3A_2044 = arith.constant 8 : i32
      %get3A_2045 = arith.constant 0 : i32
      %get3A_2046 = tpu.memref_slice %arg9[%get3A_2044, %get3A_2045] : memref<10x128xi32, #tpu.memory_space<vmem>> -> memref<1x128xi32, #tpu.memory_space<vmem>>
      %get3A_2047 = tpu.memref_squeeze %get3A_2046 : memref<1x128xi32, #tpu.memory_space<vmem>> -> memref<128xi32, #tpu.memory_space<vmem>>
      %get3A_2048 = arith.constant 96 : index
      %get3A_2049 = tpu.vector_load %get3A_2047[%get3A_2048] {strides = array<i32>} : memref<128xi32, #tpu.memory_space<vmem>>, vector<16xi32>,
      %sub3A_2050 = vector.broadcast %mul3A_9 : i32 to vector<16xi32>
      %sub3A_2051 = arith.subi %get3A_2049, %sub3A_2050 : vector<16xi32>
      %ge3A_2052 = arith.constant 0 : i32
      %ge3A_2053 = vector.broadcast %ge3A_2052 : i32 to vector<16xi32>
      %ge3A_2054 = arith.cmpi sge, %sub3A_2051, %ge3A_2053 : vector<16xi32>
      %lt3A_2055 = arith.constant 50176 : i32
      %lt3A_2056 = vector.broadcast %lt3A_2055 : i32 to vector<16xi32>
      %lt3A_2057 = arith.cmpi slt, %sub3A_2051, %lt3A_2056 : vector<16xi32>
      %and3A_2058 = arith.andi %ge3A_2054, %lt3A_2057 : vector<16xi1>
      %and3A_2059 = vector.broadcast %lt3A_30 : i1 to vector<16xi1>
      %and3A_2060 = arith.andi %and3A_2058, %and3A_2059 : vector<16xi1>
      %jit3A_2061 = arith.constant 50176 : i32
      %broadcast_in_dim3A_2062 = vector.broadcast %jit3A_2061 : i32 to vector<16xi32>
      %select_n3A_2063 = arith.select %and3A_2060, %sub3A_2051, %broadcast_in_dim3A_2062 : vector<16xi1>, vector<16xi32>
      %swap3A_2064 = arith.constant 8 : i32
      %swap3A_2065 = arith.constant 0 : i32
      %swap3A_2066 = tpu.memref_slice %arg10[%swap3A_2064, %swap3A_2065] : memref<10x128xi32, #tpu.memory_space<vmem>> -> memref<1x128xi32, #tpu.memory_space<vmem>>
      %swap3A_2067 = tpu.memref_squeeze %swap3A_2066 : memref<1x128xi32, #tpu.memory_space<vmem>> -> memref<128xi32, #tpu.memory_space<vmem>>
      %swap3A_2068 = arith.constant 96 : index
      %swap3A_2069 = tpu.vector_load %swap3A_2067[%swap3A_2068] {strides = array<i32>} : memref<128xi32, #tpu.memory_space<vmem>>, vector<16xi32>,
      tpu.vector_store %swap3A_2067[%swap3A_2068], %select_n3A_2063 {strides = array<i32>} : memref<128xi32, #tpu.memory_space<vmem>>, vector<16xi32>,
      %get3A_2070 = arith.constant 8 : i32
      %get3A_2071 = arith.constant 0 : i32
      %get3A_2072 = tpu.memref_slice %arg9[%get3A_2070, %get3A_2071] : memref<10x128xi32, #tpu.memory_space<vmem>> -> memref<1x128xi32, #tpu.memory_space<vmem>>
      %get3A_2073 = tpu.memref_squeeze %get3A_2072 : memref<1x128xi32, #tpu.memory_space<vmem>> -> memref<128xi32, #tpu.memory_space<vmem>>
      %get3A_2074 = arith.constant 112 : index
      %get3A_2075 = tpu.vector_load %get3A_2073[%get3A_2074] {strides = array<i32>} : memref<128xi32, #tpu.memory_space<vmem>>, vector<16xi32>,
      %sub3A_2076 = vector.broadcast %mul3A_9 : i32 to vector<16xi32>
      %sub3A_2077 = arith.subi %get3A_2075, %sub3A_2076 : vector<16xi32>
      %ge3A_2078 = arith.constant 0 : i32
      %ge3A_2079 = vector.broadcast %ge3A_2078 : i32 to vector<16xi32>
      %ge3A_2080 = arith.cmpi sge, %sub3A_2077, %ge3A_2079 : vector<16xi32>
      %lt3A_2081 = arith.constant 50176 : i32
      %lt3A_2082 = vector.broadcast %lt3A_2081 : i32 to vector<16xi32>
      %lt3A_2083 = arith.cmpi slt, %sub3A_2077, %lt3A_2082 : vector<16xi32>
      %and3A_2084 = arith.andi %ge3A_2080, %lt3A_2083 : vector<16xi1>
      %and3A_2085 = vector.broadcast %lt3A_30 : i1 to vector<16xi1>
      %and3A_2086 = arith.andi %and3A_2084, %and3A_2085 : vector<16xi1>
      %jit3A_2087 = arith.constant 50176 : i32
      %broadcast_in_dim3A_2088 = vector.broadcast %jit3A_2087 : i32 to vector<16xi32>
      %select_n3A_2089 = arith.select %and3A_2086, %sub3A_2077, %broadcast_in_dim3A_2088 : vector<16xi1>, vector<16xi32>
      %swap3A_2090 = arith.constant 8 : i32
      %swap3A_2091 = arith.constant 0 : i32
      %swap3A_2092 = tpu.memref_slice %arg10[%swap3A_2090, %swap3A_2091] : memref<10x128xi32, #tpu.memory_space<vmem>> -> memref<1x128xi32, #tpu.memory_space<vmem>>
      %swap3A_2093 = tpu.memref_squeeze %swap3A_2092 : memref<1x128xi32, #tpu.memory_space<vmem>> -> memref<128xi32, #tpu.memory_space<vmem>>
      %swap3A_2094 = arith.constant 112 : index
      %swap3A_2095 = tpu.vector_load %swap3A_2093[%swap3A_2094] {strides = array<i32>} : memref<128xi32, #tpu.memory_space<vmem>>, vector<16xi32>,
      tpu.vector_store %swap3A_2093[%swap3A_2094], %select_n3A_2089 {strides = array<i32>} : memref<128xi32, #tpu.memory_space<vmem>>, vector<16xi32>,
      %get3A_2096 = arith.constant 9 : i32
      %get3A_2097 = arith.constant 0 : i32
      %get3A_2098 = tpu.memref_slice %arg9[%get3A_2096, %get3A_2097] : memref<10x128xi32, #tpu.memory_space<vmem>> -> memref<1x128xi32, #tpu.memory_space<vmem>>
      %get3A_2099 = tpu.memref_squeeze %get3A_2098 : memref<1x128xi32, #tpu.memory_space<vmem>> -> memref<128xi32, #tpu.memory_space<vmem>>
      %get3A_2100 = arith.constant 0 : index
      %get3A_2101 = tpu.vector_load %get3A_2099[%get3A_2100] {strides = array<i32>} : memref<128xi32, #tpu.memory_space<vmem>>, vector<16xi32>,
      %sub3A_2102 = vector.broadcast %mul3A_9 : i32 to vector<16xi32>
      %sub3A_2103 = arith.subi %get3A_2101, %sub3A_2102 : vector<16xi32>
      %ge3A_2104 = arith.constant 0 : i32
      %ge3A_2105 = vector.broadcast %ge3A_2104 : i32 to vector<16xi32>
      %ge3A_2106 = arith.cmpi sge, %sub3A_2103, %ge3A_2105 : vector<16xi32>
      %lt3A_2107 = arith.constant 50176 : i32
      %lt3A_2108 = vector.broadcast %lt3A_2107 : i32 to vector<16xi32>
      %lt3A_2109 = arith.cmpi slt, %sub3A_2103, %lt3A_2108 : vector<16xi32>
      %and3A_2110 = arith.andi %ge3A_2106, %lt3A_2109 : vector<16xi1>
      %and3A_2111 = vector.broadcast %lt3A_30 : i1 to vector<16xi1>
      %and3A_2112 = arith.andi %and3A_2110, %and3A_2111 : vector<16xi1>
      %jit3A_2113 = arith.constant 50176 : i32
      %broadcast_in_dim3A_2114 = vector.broadcast %jit3A_2113 : i32 to vector<16xi32>
      %select_n3A_2115 = arith.select %and3A_2112, %sub3A_2103, %broadcast_in_dim3A_2114 : vector<16xi1>, vector<16xi32>
      %swap3A_2116 = arith.constant 9 : i32
      %swap3A_2117 = arith.constant 0 : i32
      %swap3A_2118 = tpu.memref_slice %arg10[%swap3A_2116, %swap3A_2117] : memref<10x128xi32, #tpu.memory_space<vmem>> -> memref<1x128xi32, #tpu.memory_space<vmem>>
      %swap3A_2119 = tpu.memref_squeeze %swap3A_2118 : memref<1x128xi32, #tpu.memory_space<vmem>> -> memref<128xi32, #tpu.memory_space<vmem>>
      %swap3A_2120 = arith.constant 0 : index
      %swap3A_2121 = tpu.vector_load %swap3A_2119[%swap3A_2120] {strides = array<i32>} : memref<128xi32, #tpu.memory_space<vmem>>, vector<16xi32>,
      tpu.vector_store %swap3A_2119[%swap3A_2120], %select_n3A_2115 {strides = array<i32>} : memref<128xi32, #tpu.memory_space<vmem>>, vector<16xi32>,
      %get3A_2122 = arith.constant 9 : i32
      %get3A_2123 = arith.constant 0 : i32
      %get3A_2124 = tpu.memref_slice %arg9[%get3A_2122, %get3A_2123] : memref<10x128xi32, #tpu.memory_space<vmem>> -> memref<1x128xi32, #tpu.memory_space<vmem>>
      %get3A_2125 = tpu.memref_squeeze %get3A_2124 : memref<1x128xi32, #tpu.memory_space<vmem>> -> memref<128xi32, #tpu.memory_space<vmem>>
      %get3A_2126 = arith.constant 16 : index
      %get3A_2127 = tpu.vector_load %get3A_2125[%get3A_2126] {strides = array<i32>} : memref<128xi32, #tpu.memory_space<vmem>>, vector<16xi32>,
      %sub3A_2128 = vector.broadcast %mul3A_9 : i32 to vector<16xi32>
      %sub3A_2129 = arith.subi %get3A_2127, %sub3A_2128 : vector<16xi32>
      %ge3A_2130 = arith.constant 0 : i32
      %ge3A_2131 = vector.broadcast %ge3A_2130 : i32 to vector<16xi32>
      %ge3A_2132 = arith.cmpi sge, %sub3A_2129, %ge3A_2131 : vector<16xi32>
      %lt3A_2133 = arith.constant 50176 : i32
      %lt3A_2134 = vector.broadcast %lt3A_2133 : i32 to vector<16xi32>
      %lt3A_2135 = arith.cmpi slt, %sub3A_2129, %lt3A_2134 : vector<16xi32>
      %and3A_2136 = arith.andi %ge3A_2132, %lt3A_2135 : vector<16xi1>
      %and3A_2137 = vector.broadcast %lt3A_30 : i1 to vector<16xi1>
      %and3A_2138 = arith.andi %and3A_2136, %and3A_2137 : vector<16xi1>
      %jit3A_2139 = arith.constant 50176 : i32
      %broadcast_in_dim3A_2140 = vector.broadcast %jit3A_2139 : i32 to vector<16xi32>
      %select_n3A_2141 = arith.select %and3A_2138, %sub3A_2129, %broadcast_in_dim3A_2140 : vector<16xi1>, vector<16xi32>
      %swap3A_2142 = arith.constant 9 : i32
      %swap3A_2143 = arith.constant 0 : i32
      %swap3A_2144 = tpu.memref_slice %arg10[%swap3A_2142, %swap3A_2143] : memref<10x128xi32, #tpu.memory_space<vmem>> -> memref<1x128xi32, #tpu.memory_space<vmem>>
      %swap3A_2145 = tpu.memref_squeeze %swap3A_2144 : memref<1x128xi32, #tpu.memory_space<vmem>> -> memref<128xi32, #tpu.memory_space<vmem>>
      %swap3A_2146 = arith.constant 16 : index
      %swap3A_2147 = tpu.vector_load %swap3A_2145[%swap3A_2146] {strides = array<i32>} : memref<128xi32, #tpu.memory_space<vmem>>, vector<16xi32>,
      tpu.vector_store %swap3A_2145[%swap3A_2146], %select_n3A_2141 {strides = array<i32>} : memref<128xi32, #tpu.memory_space<vmem>>, vector<16xi32>,
      %get3A_2148 = arith.constant 9 : i32
      %get3A_2149 = arith.constant 0 : i32
      %get3A_2150 = tpu.memref_slice %arg9[%get3A_2148, %get3A_2149] : memref<10x128xi32, #tpu.memory_space<vmem>> -> memref<1x128xi32, #tpu.memory_space<vmem>>
      %get3A_2151 = tpu.memref_squeeze %get3A_2150 : memref<1x128xi32, #tpu.memory_space<vmem>> -> memref<128xi32, #tpu.memory_space<vmem>>
      %get3A_2152 = arith.constant 32 : index
      %get3A_2153 = tpu.vector_load %get3A_2151[%get3A_2152] {strides = array<i32>} : memref<128xi32, #tpu.memory_space<vmem>>, vector<16xi32>,
      %sub3A_2154 = vector.broadcast %mul3A_9 : i32 to vector<16xi32>
      %sub3A_2155 = arith.subi %get3A_2153, %sub3A_2154 : vector<16xi32>
      %ge3A_2156 = arith.constant 0 : i32
      %ge3A_2157 = vector.broadcast %ge3A_2156 : i32 to vector<16xi32>
      %ge3A_2158 = arith.cmpi sge, %sub3A_2155, %ge3A_2157 : vector<16xi32>
      %lt3A_2159 = arith.constant 50176 : i32
      %lt3A_2160 = vector.broadcast %lt3A_2159 : i32 to vector<16xi32>
      %lt3A_2161 = arith.cmpi slt, %sub3A_2155, %lt3A_2160 : vector<16xi32>
      %and3A_2162 = arith.andi %ge3A_2158, %lt3A_2161 : vector<16xi1>
      %and3A_2163 = vector.broadcast %lt3A_30 : i1 to vector<16xi1>
      %and3A_2164 = arith.andi %and3A_2162, %and3A_2163 : vector<16xi1>
      %jit3A_2165 = arith.constant 50176 : i32
      %broadcast_in_dim3A_2166 = vector.broadcast %jit3A_2165 : i32 to vector<16xi32>
      %select_n3A_2167 = arith.select %and3A_2164, %sub3A_2155, %broadcast_in_dim3A_2166 : vector<16xi1>, vector<16xi32>
      %swap3A_2168 = arith.constant 9 : i32
      %swap3A_2169 = arith.constant 0 : i32
      %swap3A_2170 = tpu.memref_slice %arg10[%swap3A_2168, %swap3A_2169] : memref<10x128xi32, #tpu.memory_space<vmem>> -> memref<1x128xi32, #tpu.memory_space<vmem>>
      %swap3A_2171 = tpu.memref_squeeze %swap3A_2170 : memref<1x128xi32, #tpu.memory_space<vmem>> -> memref<128xi32, #tpu.memory_space<vmem>>
      %swap3A_2172 = arith.constant 32 : index
      %swap3A_2173 = tpu.vector_load %swap3A_2171[%swap3A_2172] {strides = array<i32>} : memref<128xi32, #tpu.memory_space<vmem>>, vector<16xi32>,
      tpu.vector_store %swap3A_2171[%swap3A_2172], %select_n3A_2167 {strides = array<i32>} : memref<128xi32, #tpu.memory_space<vmem>>, vector<16xi32>,
      %get3A_2174 = arith.constant 9 : i32
      %get3A_2175 = arith.constant 0 : i32
      %get3A_2176 = tpu.memref_slice %arg9[%get3A_2174, %get3A_2175] : memref<10x128xi32, #tpu.memory_space<vmem>> -> memref<1x128xi32, #tpu.memory_space<vmem>>
      %get3A_2177 = tpu.memref_squeeze %get3A_2176 : memref<1x128xi32, #tpu.memory_space<vmem>> -> memref<128xi32, #tpu.memory_space<vmem>>
      %get3A_2178 = arith.constant 48 : index
      %get3A_2179 = tpu.vector_load %get3A_2177[%get3A_2178] {strides = array<i32>} : memref<128xi32, #tpu.memory_space<vmem>>, vector<16xi32>,
      %sub3A_2180 = vector.broadcast %mul3A_9 : i32 to vector<16xi32>
      %sub3A_2181 = arith.subi %get3A_2179, %sub3A_2180 : vector<16xi32>
      %ge3A_2182 = arith.constant 0 : i32
      %ge3A_2183 = vector.broadcast %ge3A_2182 : i32 to vector<16xi32>
      %ge3A_2184 = arith.cmpi sge, %sub3A_2181, %ge3A_2183 : vector<16xi32>
      %lt3A_2185 = arith.constant 50176 : i32
      %lt3A_2186 = vector.broadcast %lt3A_2185 : i32 to vector<16xi32>
      %lt3A_2187 = arith.cmpi slt, %sub3A_2181, %lt3A_2186 : vector<16xi32>
      %and3A_2188 = arith.andi %ge3A_2184, %lt3A_2187 : vector<16xi1>
      %and3A_2189 = vector.broadcast %lt3A_30 : i1 to vector<16xi1>
      %and3A_2190 = arith.andi %and3A_2188, %and3A_2189 : vector<16xi1>
      %jit3A_2191 = arith.constant 50176 : i32
      %broadcast_in_dim3A_2192 = vector.broadcast %jit3A_2191 : i32 to vector<16xi32>
      %select_n3A_2193 = arith.select %and3A_2190, %sub3A_2181, %broadcast_in_dim3A_2192 : vector<16xi1>, vector<16xi32>
      %swap3A_2194 = arith.constant 9 : i32
      %swap3A_2195 = arith.constant 0 : i32
      %swap3A_2196 = tpu.memref_slice %arg10[%swap3A_2194, %swap3A_2195] : memref<10x128xi32, #tpu.memory_space<vmem>> -> memref<1x128xi32, #tpu.memory_space<vmem>>
      %swap3A_2197 = tpu.memref_squeeze %swap3A_2196 : memref<1x128xi32, #tpu.memory_space<vmem>> -> memref<128xi32, #tpu.memory_space<vmem>>
      %swap3A_2198 = arith.constant 48 : index
      %swap3A_2199 = tpu.vector_load %swap3A_2197[%swap3A_2198] {strides = array<i32>} : memref<128xi32, #tpu.memory_space<vmem>>, vector<16xi32>,
      tpu.vector_store %swap3A_2197[%swap3A_2198], %select_n3A_2193 {strides = array<i32>} : memref<128xi32, #tpu.memory_space<vmem>>, vector<16xi32>,
      %get3A_2200 = arith.constant 9 : i32
      %get3A_2201 = arith.constant 0 : i32
      %get3A_2202 = tpu.memref_slice %arg9[%get3A_2200, %get3A_2201] : memref<10x128xi32, #tpu.memory_space<vmem>> -> memref<1x128xi32, #tpu.memory_space<vmem>>
      %get3A_2203 = tpu.memref_squeeze %get3A_2202 : memref<1x128xi32, #tpu.memory_space<vmem>> -> memref<128xi32, #tpu.memory_space<vmem>>
      %get3A_2204 = arith.constant 64 : index
      %get3A_2205 = tpu.vector_load %get3A_2203[%get3A_2204] {strides = array<i32>} : memref<128xi32, #tpu.memory_space<vmem>>, vector<16xi32>,
      %sub3A_2206 = vector.broadcast %mul3A_9 : i32 to vector<16xi32>
      %sub3A_2207 = arith.subi %get3A_2205, %sub3A_2206 : vector<16xi32>
      %ge3A_2208 = arith.constant 0 : i32
      %ge3A_2209 = vector.broadcast %ge3A_2208 : i32 to vector<16xi32>
      %ge3A_2210 = arith.cmpi sge, %sub3A_2207, %ge3A_2209 : vector<16xi32>
      %lt3A_2211 = arith.constant 50176 : i32
      %lt3A_2212 = vector.broadcast %lt3A_2211 : i32 to vector<16xi32>
      %lt3A_2213 = arith.cmpi slt, %sub3A_2207, %lt3A_2212 : vector<16xi32>
      %and3A_2214 = arith.andi %ge3A_2210, %lt3A_2213 : vector<16xi1>
      %and3A_2215 = vector.broadcast %lt3A_30 : i1 to vector<16xi1>
      %and3A_2216 = arith.andi %and3A_2214, %and3A_2215 : vector<16xi1>
      %jit3A_2217 = arith.constant 50176 : i32
      %broadcast_in_dim3A_2218 = vector.broadcast %jit3A_2217 : i32 to vector<16xi32>
      %select_n3A_2219 = arith.select %and3A_2216, %sub3A_2207, %broadcast_in_dim3A_2218 : vector<16xi1>, vector<16xi32>
      %swap3A_2220 = arith.constant 9 : i32
      %swap3A_2221 = arith.constant 0 : i32
      %swap3A_2222 = tpu.memref_slice %arg10[%swap3A_2220, %swap3A_2221] : memref<10x128xi32, #tpu.memory_space<vmem>> -> memref<1x128xi32, #tpu.memory_space<vmem>>
      %swap3A_2223 = tpu.memref_squeeze %swap3A_2222 : memref<1x128xi32, #tpu.memory_space<vmem>> -> memref<128xi32, #tpu.memory_space<vmem>>
      %swap3A_2224 = arith.constant 64 : index
      %swap3A_2225 = tpu.vector_load %swap3A_2223[%swap3A_2224] {strides = array<i32>} : memref<128xi32, #tpu.memory_space<vmem>>, vector<16xi32>,
      tpu.vector_store %swap3A_2223[%swap3A_2224], %select_n3A_2219 {strides = array<i32>} : memref<128xi32, #tpu.memory_space<vmem>>, vector<16xi32>,
      %get3A_2226 = arith.constant 9 : i32
      %get3A_2227 = arith.constant 0 : i32
      %get3A_2228 = tpu.memref_slice %arg9[%get3A_2226, %get3A_2227] : memref<10x128xi32, #tpu.memory_space<vmem>> -> memref<1x128xi32, #tpu.memory_space<vmem>>
      %get3A_2229 = tpu.memref_squeeze %get3A_2228 : memref<1x128xi32, #tpu.memory_space<vmem>> -> memref<128xi32, #tpu.memory_space<vmem>>
      %get3A_2230 = arith.constant 80 : index
      %get3A_2231 = tpu.vector_load %get3A_2229[%get3A_2230] {strides = array<i32>} : memref<128xi32, #tpu.memory_space<vmem>>, vector<16xi32>,
      %sub3A_2232 = vector.broadcast %mul3A_9 : i32 to vector<16xi32>
      %sub3A_2233 = arith.subi %get3A_2231, %sub3A_2232 : vector<16xi32>
      %ge3A_2234 = arith.constant 0 : i32
      %ge3A_2235 = vector.broadcast %ge3A_2234 : i32 to vector<16xi32>
      %ge3A_2236 = arith.cmpi sge, %sub3A_2233, %ge3A_2235 : vector<16xi32>
      %lt3A_2237 = arith.constant 50176 : i32
      %lt3A_2238 = vector.broadcast %lt3A_2237 : i32 to vector<16xi32>
      %lt3A_2239 = arith.cmpi slt, %sub3A_2233, %lt3A_2238 : vector<16xi32>
      %and3A_2240 = arith.andi %ge3A_2236, %lt3A_2239 : vector<16xi1>
      %and3A_2241 = vector.broadcast %lt3A_30 : i1 to vector<16xi1>
      %and3A_2242 = arith.andi %and3A_2240, %and3A_2241 : vector<16xi1>
      %jit3A_2243 = arith.constant 50176 : i32
      %broadcast_in_dim3A_2244 = vector.broadcast %jit3A_2243 : i32 to vector<16xi32>
      %select_n3A_2245 = arith.select %and3A_2242, %sub3A_2233, %broadcast_in_dim3A_2244 : vector<16xi1>, vector<16xi32>
      %swap3A_2246 = arith.constant 9 : i32
      %swap3A_2247 = arith.constant 0 : i32
      %swap3A_2248 = tpu.memref_slice %arg10[%swap3A_2246, %swap3A_2247] : memref<10x128xi32, #tpu.memory_space<vmem>> -> memref<1x128xi32, #tpu.memory_space<vmem>>
      %swap3A_2249 = tpu.memref_squeeze %swap3A_2248 : memref<1x128xi32, #tpu.memory_space<vmem>> -> memref<128xi32, #tpu.memory_space<vmem>>
      %swap3A_2250 = arith.constant 80 : index
      %swap3A_2251 = tpu.vector_load %swap3A_2249[%swap3A_2250] {strides = array<i32>} : memref<128xi32, #tpu.memory_space<vmem>>, vector<16xi32>,
      tpu.vector_store %swap3A_2249[%swap3A_2250], %select_n3A_2245 {strides = array<i32>} : memref<128xi32, #tpu.memory_space<vmem>>, vector<16xi32>,
      %get3A_2252 = arith.constant 9 : i32
      %get3A_2253 = arith.constant 0 : i32
      %get3A_2254 = tpu.memref_slice %arg9[%get3A_2252, %get3A_2253] : memref<10x128xi32, #tpu.memory_space<vmem>> -> memref<1x128xi32, #tpu.memory_space<vmem>>
      %get3A_2255 = tpu.memref_squeeze %get3A_2254 : memref<1x128xi32, #tpu.memory_space<vmem>> -> memref<128xi32, #tpu.memory_space<vmem>>
      %get3A_2256 = arith.constant 96 : index
      %get3A_2257 = tpu.vector_load %get3A_2255[%get3A_2256] {strides = array<i32>} : memref<128xi32, #tpu.memory_space<vmem>>, vector<16xi32>,
      %sub3A_2258 = vector.broadcast %mul3A_9 : i32 to vector<16xi32>
      %sub3A_2259 = arith.subi %get3A_2257, %sub3A_2258 : vector<16xi32>
      %ge3A_2260 = arith.constant 0 : i32
      %ge3A_2261 = vector.broadcast %ge3A_2260 : i32 to vector<16xi32>
      %ge3A_2262 = arith.cmpi sge, %sub3A_2259, %ge3A_2261 : vector<16xi32>
      %lt3A_2263 = arith.constant 50176 : i32
      %lt3A_2264 = vector.broadcast %lt3A_2263 : i32 to vector<16xi32>
      %lt3A_2265 = arith.cmpi slt, %sub3A_2259, %lt3A_2264 : vector<16xi32>
      %and3A_2266 = arith.andi %ge3A_2262, %lt3A_2265 : vector<16xi1>
      %and3A_2267 = vector.broadcast %lt3A_30 : i1 to vector<16xi1>
      %and3A_2268 = arith.andi %and3A_2266, %and3A_2267 : vector<16xi1>
      %jit3A_2269 = arith.constant 50176 : i32
      %broadcast_in_dim3A_2270 = vector.broadcast %jit3A_2269 : i32 to vector<16xi32>
      %select_n3A_2271 = arith.select %and3A_2268, %sub3A_2259, %broadcast_in_dim3A_2270 : vector<16xi1>, vector<16xi32>
      %swap3A_2272 = arith.constant 9 : i32
      %swap3A_2273 = arith.constant 0 : i32
      %swap3A_2274 = tpu.memref_slice %arg10[%swap3A_2272, %swap3A_2273] : memref<10x128xi32, #tpu.memory_space<vmem>> -> memref<1x128xi32, #tpu.memory_space<vmem>>
      %swap3A_2275 = tpu.memref_squeeze %swap3A_2274 : memref<1x128xi32, #tpu.memory_space<vmem>> -> memref<128xi32, #tpu.memory_space<vmem>>
      %swap3A_2276 = arith.constant 96 : index
      %swap3A_2277 = tpu.vector_load %swap3A_2275[%swap3A_2276] {strides = array<i32>} : memref<128xi32, #tpu.memory_space<vmem>>, vector<16xi32>,
      tpu.vector_store %swap3A_2275[%swap3A_2276], %select_n3A_2271 {strides = array<i32>} : memref<128xi32, #tpu.memory_space<vmem>>, vector<16xi32>,
      %get3A_2278 = arith.constant 9 : i32
      %get3A_2279 = arith.constant 0 : i32
      %get3A_2280 = tpu.memref_slice %arg9[%get3A_2278, %get3A_2279] : memref<10x128xi32, #tpu.memory_space<vmem>> -> memref<1x128xi32, #tpu.memory_space<vmem>>
      %get3A_2281 = tpu.memref_squeeze %get3A_2280 : memref<1x128xi32, #tpu.memory_space<vmem>> -> memref<128xi32, #tpu.memory_space<vmem>>
      %get3A_2282 = arith.constant 112 : index
      %get3A_2283 = tpu.vector_load %get3A_2281[%get3A_2282] {strides = array<i32>} : memref<128xi32, #tpu.memory_space<vmem>>, vector<16xi32>,
      %sub3A_2284 = vector.broadcast %mul3A_9 : i32 to vector<16xi32>
      %sub3A_2285 = arith.subi %get3A_2283, %sub3A_2284 : vector<16xi32>
      %ge3A_2286 = arith.constant 0 : i32
      %ge3A_2287 = vector.broadcast %ge3A_2286 : i32 to vector<16xi32>
      %ge3A_2288 = arith.cmpi sge, %sub3A_2285, %ge3A_2287 : vector<16xi32>
      %lt3A_2289 = arith.constant 50176 : i32
      %lt3A_2290 = vector.broadcast %lt3A_2289 : i32 to vector<16xi32>
      %lt3A_2291 = arith.cmpi slt, %sub3A_2285, %lt3A_2290 : vector<16xi32>
      %and3A_2292 = arith.andi %ge3A_2288, %lt3A_2291 : vector<16xi1>
      %and3A_2293 = vector.broadcast %lt3A_30 : i1 to vector<16xi1>
      %and3A_2294 = arith.andi %and3A_2292, %and3A_2293 : vector<16xi1>
      %jit3A_2295 = arith.constant 50176 : i32
      %broadcast_in_dim3A_2296 = vector.broadcast %jit3A_2295 : i32 to vector<16xi32>
      %select_n3A_2297 = arith.select %and3A_2294, %sub3A_2285, %broadcast_in_dim3A_2296 : vector<16xi1>, vector<16xi32>
      %swap3A_2298 = arith.constant 9 : i32
      %swap3A_2299 = arith.constant 0 : i32
      %swap3A_2300 = tpu.memref_slice %arg10[%swap3A_2298, %swap3A_2299] : memref<10x128xi32, #tpu.memory_space<vmem>> -> memref<1x128xi32, #tpu.memory_space<vmem>>
      %swap3A_2301 = tpu.memref_squeeze %swap3A_2300 : memref<1x128xi32, #tpu.memory_space<vmem>> -> memref<128xi32, #tpu.memory_space<vmem>>
      %swap3A_2302 = arith.constant 112 : index
      %swap3A_2303 = tpu.vector_load %swap3A_2301[%swap3A_2302] {strides = array<i32>} : memref<128xi32, #tpu.memory_space<vmem>>, vector<16xi32>,
      tpu.vector_store %swap3A_2301[%swap3A_2302], %select_n3A_2297 {strides = array<i32>} : memref<128xi32, #tpu.memory_space<vmem>>, vector<16xi32>,
      %dma_wait3A = arith.constant 0 : i32
      %dma_wait3A_2304 = arith.constant 0 : i32
      %dma_wait3A_2305 = arith.constant 0 : i32
      %dma_wait3A_2306 = tpu.memref_slice %arg11[%dma_wait3A_2304, %dma_wait3A_2305] : memref<1280x8xf32, #tpu.memory_space<vmem>> -> memref<128x8xf32, #tpu.memory_space<vmem>>
      %dma_wait3A_2307 = arith.constant 0 : i32
      %dma_wait3A_2308 = tpu.memref_slice %arg8[%dma_wait3A, %dma_wait3A_2307] : memref<10x128xi32, #tpu.memory_space<vmem>> -> memref<1x128xi32, #tpu.memory_space<vmem>>
      %dma_wait3A_2309 = tpu.memref_squeeze %dma_wait3A_2308 : memref<1x128xi32, #tpu.memory_space<vmem>> -> memref<128xi32, #tpu.memory_space<vmem>>
      %dma_wait3A_2310 = arith.constant 0 : i32
      %dma_wait3A_2311 = arith.constant 0 : i32
      %dma_wait3A_2312 = tpu.memref_slice %arg5[%dma_wait3A_2310, %dma_wait3A_2311] : memref<100000x8xf32, #tpu.memory_space<hbm>> -> memref<100000x8xf32, #tpu.memory_space<hbm>>
      tpu.wait_indirect_dma semaphore(%arg15 : memref<!tpu.dma_semaphore, #tpu.memory_space<semaphore_mem>>) src(%dma_wait3A_2312 : memref<100000x8xf32, #tpu.memory_space<hbm>>) dst(%dma_wait3A_2306 : memref<128x8xf32, #tpu.memory_space<vmem>>)
      %dma_wait3A_2313 = arith.constant 0 : i32
      %dma_wait3A_2314 = arith.constant 0 : i32
      %dma_wait3A_2315 = arith.constant 0 : i32
      %dma_wait3A_2316 = tpu.memref_slice %arg12[%dma_wait3A_2314, %dma_wait3A_2315] : memref<1280x4xf32, #tpu.memory_space<vmem>> -> memref<128x4xf32, #tpu.memory_space<vmem>>
      %dma_wait3A_2317 = arith.constant 0 : i32
      %dma_wait3A_2318 = tpu.memref_slice %arg9[%dma_wait3A_2313, %dma_wait3A_2317] : memref<10x128xi32, #tpu.memory_space<vmem>> -> memref<1x128xi32, #tpu.memory_space<vmem>>
      %dma_wait3A_2319 = tpu.memref_squeeze %dma_wait3A_2318 : memref<1x128xi32, #tpu.memory_space<vmem>> -> memref<128xi32, #tpu.memory_space<vmem>>
      %dma_wait3A_2320 = arith.constant 0 : i32
      %dma_wait3A_2321 = arith.constant 0 : i32
      %dma_wait3A_2322 = tpu.memref_slice %arg6[%dma_wait3A_2320, %dma_wait3A_2321] : memref<100000x4xf32, #tpu.memory_space<hbm>> -> memref<100000x4xf32, #tpu.memory_space<hbm>>
      tpu.wait_indirect_dma semaphore(%arg15 : memref<!tpu.dma_semaphore, #tpu.memory_space<semaphore_mem>>) src(%dma_wait3A_2322 : memref<100000x4xf32, #tpu.memory_space<hbm>>) dst(%dma_wait3A_2316 : memref<128x4xf32, #tpu.memory_space<vmem>>)
      %dma_wait3A_2323 = arith.constant 1 : i32
      %dma_wait3A_2324 = arith.constant 128 : i32
      %dma_wait3A_2325 = arith.constant 0 : i32
      %dma_wait3A_2326 = tpu.memref_slice %arg11[%dma_wait3A_2324, %dma_wait3A_2325] : memref<1280x8xf32, #tpu.memory_space<vmem>> -> memref<128x8xf32, #tpu.memory_space<vmem>>
      %dma_wait3A_2327 = arith.constant 0 : i32
      %dma_wait3A_2328 = tpu.memref_slice %arg8[%dma_wait3A_2323, %dma_wait3A_2327] : memref<10x128xi32, #tpu.memory_space<vmem>> -> memref<1x128xi32, #tpu.memory_space<vmem>>
      %dma_wait3A_2329 = tpu.memref_squeeze %dma_wait3A_2328 : memref<1x128xi32, #tpu.memory_space<vmem>> -> memref<128xi32, #tpu.memory_space<vmem>>
      %dma_wait3A_2330 = arith.constant 0 : i32
      %dma_wait3A_2331 = arith.constant 0 : i32
      %dma_wait3A_2332 = tpu.memref_slice %arg5[%dma_wait3A_2330, %dma_wait3A_2331] : memref<100000x8xf32, #tpu.memory_space<hbm>> -> memref<100000x8xf32, #tpu.memory_space<hbm>>
      tpu.wait_indirect_dma semaphore(%arg15 : memref<!tpu.dma_semaphore, #tpu.memory_space<semaphore_mem>>) src(%dma_wait3A_2332 : memref<100000x8xf32, #tpu.memory_space<hbm>>) dst(%dma_wait3A_2326 : memref<128x8xf32, #tpu.memory_space<vmem>>)
      %dma_wait3A_2333 = arith.constant 1 : i32
      %dma_wait3A_2334 = arith.constant 128 : i32
      %dma_wait3A_2335 = arith.constant 0 : i32
      %dma_wait3A_2336 = tpu.memref_slice %arg12[%dma_wait3A_2334, %dma_wait3A_2335] : memref<1280x4xf32, #tpu.memory_space<vmem>> -> memref<128x4xf32, #tpu.memory_space<vmem>>
      %dma_wait3A_2337 = arith.constant 0 : i32
      %dma_wait3A_2338 = tpu.memref_slice %arg9[%dma_wait3A_2333, %dma_wait3A_2337] : memref<10x128xi32, #tpu.memory_space<vmem>> -> memref<1x128xi32, #tpu.memory_space<vmem>>
      %dma_wait3A_2339 = tpu.memref_squeeze %dma_wait3A_2338 : memref<1x128xi32, #tpu.memory_space<vmem>> -> memref<128xi32, #tpu.memory_space<vmem>>
      %dma_wait3A_2340 = arith.constant 0 : i32
      %dma_wait3A_2341 = arith.constant 0 : i32
      %dma_wait3A_2342 = tpu.memref_slice %arg6[%dma_wait3A_2340, %dma_wait3A_2341] : memref<100000x4xf32, #tpu.memory_space<hbm>> -> memref<100000x4xf32, #tpu.memory_space<hbm>>
      tpu.wait_indirect_dma semaphore(%arg15 : memref<!tpu.dma_semaphore, #tpu.memory_space<semaphore_mem>>) src(%dma_wait3A_2342 : memref<100000x4xf32, #tpu.memory_space<hbm>>) dst(%dma_wait3A_2336 : memref<128x4xf32, #tpu.memory_space<vmem>>)
      %dma_wait3A_2343 = arith.constant 2 : i32
      %dma_wait3A_2344 = arith.constant 256 : i32
      %dma_wait3A_2345 = arith.constant 0 : i32
      %dma_wait3A_2346 = tpu.memref_slice %arg11[%dma_wait3A_2344, %dma_wait3A_2345] : memref<1280x8xf32, #tpu.memory_space<vmem>> -> memref<128x8xf32, #tpu.memory_space<vmem>>
      %dma_wait3A_2347 = arith.constant 0 : i32
      %dma_wait3A_2348 = tpu.memref_slice %arg8[%dma_wait3A_2343, %dma_wait3A_2347] : memref<10x128xi32, #tpu.memory_space<vmem>> -> memref<1x128xi32, #tpu.memory_space<vmem>>
      %dma_wait3A_2349 = tpu.memref_squeeze %dma_wait3A_2348 : memref<1x128xi32, #tpu.memory_space<vmem>> -> memref<128xi32, #tpu.memory_space<vmem>>
      %dma_wait3A_2350 = arith.constant 0 : i32
      %dma_wait3A_2351 = arith.constant 0 : i32
      %dma_wait3A_2352 = tpu.memref_slice %arg5[%dma_wait3A_2350, %dma_wait3A_2351] : memref<100000x8xf32, #tpu.memory_space<hbm>> -> memref<100000x8xf32, #tpu.memory_space<hbm>>
      tpu.wait_indirect_dma semaphore(%arg15 : memref<!tpu.dma_semaphore, #tpu.memory_space<semaphore_mem>>) src(%dma_wait3A_2352 : memref<100000x8xf32, #tpu.memory_space<hbm>>) dst(%dma_wait3A_2346 : memref<128x8xf32, #tpu.memory_space<vmem>>)
      %dma_wait3A_2353 = arith.constant 2 : i32
      %dma_wait3A_2354 = arith.constant 256 : i32
      %dma_wait3A_2355 = arith.constant 0 : i32
      %dma_wait3A_2356 = tpu.memref_slice %arg12[%dma_wait3A_2354, %dma_wait3A_2355] : memref<1280x4xf32, #tpu.memory_space<vmem>> -> memref<128x4xf32, #tpu.memory_space<vmem>>
      %dma_wait3A_2357 = arith.constant 0 : i32
      %dma_wait3A_2358 = tpu.memref_slice %arg9[%dma_wait3A_2353, %dma_wait3A_2357] : memref<10x128xi32, #tpu.memory_space<vmem>> -> memref<1x128xi32, #tpu.memory_space<vmem>>
      %dma_wait3A_2359 = tpu.memref_squeeze %dma_wait3A_2358 : memref<1x128xi32, #tpu.memory_space<vmem>> -> memref<128xi32, #tpu.memory_space<vmem>>
      %dma_wait3A_2360 = arith.constant 0 : i32
      %dma_wait3A_2361 = arith.constant 0 : i32
      %dma_wait3A_2362 = tpu.memref_slice %arg6[%dma_wait3A_2360, %dma_wait3A_2361] : memref<100000x4xf32, #tpu.memory_space<hbm>> -> memref<100000x4xf32, #tpu.memory_space<hbm>>
      tpu.wait_indirect_dma semaphore(%arg15 : memref<!tpu.dma_semaphore, #tpu.memory_space<semaphore_mem>>) src(%dma_wait3A_2362 : memref<100000x4xf32, #tpu.memory_space<hbm>>) dst(%dma_wait3A_2356 : memref<128x4xf32, #tpu.memory_space<vmem>>)
      %dma_wait3A_2363 = arith.constant 3 : i32
      %dma_wait3A_2364 = arith.constant 384 : i32
      %dma_wait3A_2365 = arith.constant 0 : i32
      %dma_wait3A_2366 = tpu.memref_slice %arg11[%dma_wait3A_2364, %dma_wait3A_2365] : memref<1280x8xf32, #tpu.memory_space<vmem>> -> memref<128x8xf32, #tpu.memory_space<vmem>>
      %dma_wait3A_2367 = arith.constant 0 : i32
      %dma_wait3A_2368 = tpu.memref_slice %arg8[%dma_wait3A_2363, %dma_wait3A_2367] : memref<10x128xi32, #tpu.memory_space<vmem>> -> memref<1x128xi32, #tpu.memory_space<vmem>>
      %dma_wait3A_2369 = tpu.memref_squeeze %dma_wait3A_2368 : memref<1x128xi32, #tpu.memory_space<vmem>> -> memref<128xi32, #tpu.memory_space<vmem>>
      %dma_wait3A_2370 = arith.constant 0 : i32
      %dma_wait3A_2371 = arith.constant 0 : i32
      %dma_wait3A_2372 = tpu.memref_slice %arg5[%dma_wait3A_2370, %dma_wait3A_2371] : memref<100000x8xf32, #tpu.memory_space<hbm>> -> memref<100000x8xf32, #tpu.memory_space<hbm>>
      tpu.wait_indirect_dma semaphore(%arg15 : memref<!tpu.dma_semaphore, #tpu.memory_space<semaphore_mem>>) src(%dma_wait3A_2372 : memref<100000x8xf32, #tpu.memory_space<hbm>>) dst(%dma_wait3A_2366 : memref<128x8xf32, #tpu.memory_space<vmem>>)
      %dma_wait3A_2373 = arith.constant 3 : i32
      %dma_wait3A_2374 = arith.constant 384 : i32
      %dma_wait3A_2375 = arith.constant 0 : i32
      %dma_wait3A_2376 = tpu.memref_slice %arg12[%dma_wait3A_2374, %dma_wait3A_2375] : memref<1280x4xf32, #tpu.memory_space<vmem>> -> memref<128x4xf32, #tpu.memory_space<vmem>>
      %dma_wait3A_2377 = arith.constant 0 : i32
      %dma_wait3A_2378 = tpu.memref_slice %arg9[%dma_wait3A_2373, %dma_wait3A_2377] : memref<10x128xi32, #tpu.memory_space<vmem>> -> memref<1x128xi32, #tpu.memory_space<vmem>>
      %dma_wait3A_2379 = tpu.memref_squeeze %dma_wait3A_2378 : memref<1x128xi32, #tpu.memory_space<vmem>> -> memref<128xi32, #tpu.memory_space<vmem>>
      %dma_wait3A_2380 = arith.constant 0 : i32
      %dma_wait3A_2381 = arith.constant 0 : i32
      %dma_wait3A_2382 = tpu.memref_slice %arg6[%dma_wait3A_2380, %dma_wait3A_2381] : memref<100000x4xf32, #tpu.memory_space<hbm>> -> memref<100000x4xf32, #tpu.memory_space<hbm>>
      tpu.wait_indirect_dma semaphore(%arg15 : memref<!tpu.dma_semaphore, #tpu.memory_space<semaphore_mem>>) src(%dma_wait3A_2382 : memref<100000x4xf32, #tpu.memory_space<hbm>>) dst(%dma_wait3A_2376 : memref<128x4xf32, #tpu.memory_space<vmem>>)
      %dma_wait3A_2383 = arith.constant 4 : i32
      %dma_wait3A_2384 = arith.constant 512 : i32
      %dma_wait3A_2385 = arith.constant 0 : i32
      %dma_wait3A_2386 = tpu.memref_slice %arg11[%dma_wait3A_2384, %dma_wait3A_2385] : memref<1280x8xf32, #tpu.memory_space<vmem>> -> memref<128x8xf32, #tpu.memory_space<vmem>>
      %dma_wait3A_2387 = arith.constant 0 : i32
      %dma_wait3A_2388 = tpu.memref_slice %arg8[%dma_wait3A_2383, %dma_wait3A_2387] : memref<10x128xi32, #tpu.memory_space<vmem>> -> memref<1x128xi32, #tpu.memory_space<vmem>>
      %dma_wait3A_2389 = tpu.memref_squeeze %dma_wait3A_2388 : memref<1x128xi32, #tpu.memory_space<vmem>> -> memref<128xi32, #tpu.memory_space<vmem>>
      %dma_wait3A_2390 = arith.constant 0 : i32
      %dma_wait3A_2391 = arith.constant 0 : i32
      %dma_wait3A_2392 = tpu.memref_slice %arg5[%dma_wait3A_2390, %dma_wait3A_2391] : memref<100000x8xf32, #tpu.memory_space<hbm>> -> memref<100000x8xf32, #tpu.memory_space<hbm>>
      tpu.wait_indirect_dma semaphore(%arg15 : memref<!tpu.dma_semaphore, #tpu.memory_space<semaphore_mem>>) src(%dma_wait3A_2392 : memref<100000x8xf32, #tpu.memory_space<hbm>>) dst(%dma_wait3A_2386 : memref<128x8xf32, #tpu.memory_space<vmem>>)
      %dma_wait3A_2393 = arith.constant 4 : i32
      %dma_wait3A_2394 = arith.constant 512 : i32
      %dma_wait3A_2395 = arith.constant 0 : i32
      %dma_wait3A_2396 = tpu.memref_slice %arg12[%dma_wait3A_2394, %dma_wait3A_2395] : memref<1280x4xf32, #tpu.memory_space<vmem>> -> memref<128x4xf32, #tpu.memory_space<vmem>>
      %dma_wait3A_2397 = arith.constant 0 : i32
      %dma_wait3A_2398 = tpu.memref_slice %arg9[%dma_wait3A_2393, %dma_wait3A_2397] : memref<10x128xi32, #tpu.memory_space<vmem>> -> memref<1x128xi32, #tpu.memory_space<vmem>>
      %dma_wait3A_2399 = tpu.memref_squeeze %dma_wait3A_2398 : memref<1x128xi32, #tpu.memory_space<vmem>> -> memref<128xi32, #tpu.memory_space<vmem>>
      %dma_wait3A_2400 = arith.constant 0 : i32
      %dma_wait3A_2401 = arith.constant 0 : i32
      %dma_wait3A_2402 = tpu.memref_slice %arg6[%dma_wait3A_2400, %dma_wait3A_2401] : memref<100000x4xf32, #tpu.memory_space<hbm>> -> memref<100000x4xf32, #tpu.memory_space<hbm>>
      tpu.wait_indirect_dma semaphore(%arg15 : memref<!tpu.dma_semaphore, #tpu.memory_space<semaphore_mem>>) src(%dma_wait3A_2402 : memref<100000x4xf32, #tpu.memory_space<hbm>>) dst(%dma_wait3A_2396 : memref<128x4xf32, #tpu.memory_space<vmem>>)
      %dma_wait3A_2403 = arith.constant 5 : i32
      %dma_wait3A_2404 = arith.constant 640 : i32
      %dma_wait3A_2405 = arith.constant 0 : i32
      %dma_wait3A_2406 = tpu.memref_slice %arg11[%dma_wait3A_2404, %dma_wait3A_2405] : memref<1280x8xf32, #tpu.memory_space<vmem>> -> memref<128x8xf32, #tpu.memory_space<vmem>>
      %dma_wait3A_2407 = arith.constant 0 : i32
      %dma_wait3A_2408 = tpu.memref_slice %arg8[%dma_wait3A_2403, %dma_wait3A_2407] : memref<10x128xi32, #tpu.memory_space<vmem>> -> memref<1x128xi32, #tpu.memory_space<vmem>>
      %dma_wait3A_2409 = tpu.memref_squeeze %dma_wait3A_2408 : memref<1x128xi32, #tpu.memory_space<vmem>> -> memref<128xi32, #tpu.memory_space<vmem>>
      %dma_wait3A_2410 = arith.constant 0 : i32
      %dma_wait3A_2411 = arith.constant 0 : i32
      %dma_wait3A_2412 = tpu.memref_slice %arg5[%dma_wait3A_2410, %dma_wait3A_2411] : memref<100000x8xf32, #tpu.memory_space<hbm>> -> memref<100000x8xf32, #tpu.memory_space<hbm>>
      tpu.wait_indirect_dma semaphore(%arg15 : memref<!tpu.dma_semaphore, #tpu.memory_space<semaphore_mem>>) src(%dma_wait3A_2412 : memref<100000x8xf32, #tpu.memory_space<hbm>>) dst(%dma_wait3A_2406 : memref<128x8xf32, #tpu.memory_space<vmem>>)
      %dma_wait3A_2413 = arith.constant 5 : i32
      %dma_wait3A_2414 = arith.constant 640 : i32
      %dma_wait3A_2415 = arith.constant 0 : i32
      %dma_wait3A_2416 = tpu.memref_slice %arg12[%dma_wait3A_2414, %dma_wait3A_2415] : memref<1280x4xf32, #tpu.memory_space<vmem>> -> memref<128x4xf32, #tpu.memory_space<vmem>>
      %dma_wait3A_2417 = arith.constant 0 : i32
      %dma_wait3A_2418 = tpu.memref_slice %arg9[%dma_wait3A_2413, %dma_wait3A_2417] : memref<10x128xi32, #tpu.memory_space<vmem>> -> memref<1x128xi32, #tpu.memory_space<vmem>>
      %dma_wait3A_2419 = tpu.memref_squeeze %dma_wait3A_2418 : memref<1x128xi32, #tpu.memory_space<vmem>> -> memref<128xi32, #tpu.memory_space<vmem>>
      %dma_wait3A_2420 = arith.constant 0 : i32
      %dma_wait3A_2421 = arith.constant 0 : i32
      %dma_wait3A_2422 = tpu.memref_slice %arg6[%dma_wait3A_2420, %dma_wait3A_2421] : memref<100000x4xf32, #tpu.memory_space<hbm>> -> memref<100000x4xf32, #tpu.memory_space<hbm>>
      tpu.wait_indirect_dma semaphore(%arg15 : memref<!tpu.dma_semaphore, #tpu.memory_space<semaphore_mem>>) src(%dma_wait3A_2422 : memref<100000x4xf32, #tpu.memory_space<hbm>>) dst(%dma_wait3A_2416 : memref<128x4xf32, #tpu.memory_space<vmem>>)
      %dma_wait3A_2423 = arith.constant 6 : i32
      %dma_wait3A_2424 = arith.constant 768 : i32
      %dma_wait3A_2425 = arith.constant 0 : i32
      %dma_wait3A_2426 = tpu.memref_slice %arg11[%dma_wait3A_2424, %dma_wait3A_2425] : memref<1280x8xf32, #tpu.memory_space<vmem>> -> memref<128x8xf32, #tpu.memory_space<vmem>>
      %dma_wait3A_2427 = arith.constant 0 : i32
      %dma_wait3A_2428 = tpu.memref_slice %arg8[%dma_wait3A_2423, %dma_wait3A_2427] : memref<10x128xi32, #tpu.memory_space<vmem>> -> memref<1x128xi32, #tpu.memory_space<vmem>>
      %dma_wait3A_2429 = tpu.memref_squeeze %dma_wait3A_2428 : memref<1x128xi32, #tpu.memory_space<vmem>> -> memref<128xi32, #tpu.memory_space<vmem>>
      %dma_wait3A_2430 = arith.constant 0 : i32
      %dma_wait3A_2431 = arith.constant 0 : i32
      %dma_wait3A_2432 = tpu.memref_slice %arg5[%dma_wait3A_2430, %dma_wait3A_2431] : memref<100000x8xf32, #tpu.memory_space<hbm>> -> memref<100000x8xf32, #tpu.memory_space<hbm>>
      tpu.wait_indirect_dma semaphore(%arg15 : memref<!tpu.dma_semaphore, #tpu.memory_space<semaphore_mem>>) src(%dma_wait3A_2432 : memref<100000x8xf32, #tpu.memory_space<hbm>>) dst(%dma_wait3A_2426 : memref<128x8xf32, #tpu.memory_space<vmem>>)
      %dma_wait3A_2433 = arith.constant 6 : i32
      %dma_wait3A_2434 = arith.constant 768 : i32
      %dma_wait3A_2435 = arith.constant 0 : i32
      %dma_wait3A_2436 = tpu.memref_slice %arg12[%dma_wait3A_2434, %dma_wait3A_2435] : memref<1280x4xf32, #tpu.memory_space<vmem>> -> memref<128x4xf32, #tpu.memory_space<vmem>>
      %dma_wait3A_2437 = arith.constant 0 : i32
      %dma_wait3A_2438 = tpu.memref_slice %arg9[%dma_wait3A_2433, %dma_wait3A_2437] : memref<10x128xi32, #tpu.memory_space<vmem>> -> memref<1x128xi32, #tpu.memory_space<vmem>>
      %dma_wait3A_2439 = tpu.memref_squeeze %dma_wait3A_2438 : memref<1x128xi32, #tpu.memory_space<vmem>> -> memref<128xi32, #tpu.memory_space<vmem>>
      %dma_wait3A_2440 = arith.constant 0 : i32
      %dma_wait3A_2441 = arith.constant 0 : i32
      %dma_wait3A_2442 = tpu.memref_slice %arg6[%dma_wait3A_2440, %dma_wait3A_2441] : memref<100000x4xf32, #tpu.memory_space<hbm>> -> memref<100000x4xf32, #tpu.memory_space<hbm>>
      tpu.wait_indirect_dma semaphore(%arg15 : memref<!tpu.dma_semaphore, #tpu.memory_space<semaphore_mem>>) src(%dma_wait3A_2442 : memref<100000x4xf32, #tpu.memory_space<hbm>>) dst(%dma_wait3A_2436 : memref<128x4xf32, #tpu.memory_space<vmem>>)
      %dma_wait3A_2443 = arith.constant 7 : i32
      %dma_wait3A_2444 = arith.constant 896 : i32
      %dma_wait3A_2445 = arith.constant 0 : i32
      %dma_wait3A_2446 = tpu.memref_slice %arg11[%dma_wait3A_2444, %dma_wait3A_2445] : memref<1280x8xf32, #tpu.memory_space<vmem>> -> memref<128x8xf32, #tpu.memory_space<vmem>>
      %dma_wait3A_2447 = arith.constant 0 : i32
      %dma_wait3A_2448 = tpu.memref_slice %arg8[%dma_wait3A_2443, %dma_wait3A_2447] : memref<10x128xi32, #tpu.memory_space<vmem>> -> memref<1x128xi32, #tpu.memory_space<vmem>>
      %dma_wait3A_2449 = tpu.memref_squeeze %dma_wait3A_2448 : memref<1x128xi32, #tpu.memory_space<vmem>> -> memref<128xi32, #tpu.memory_space<vmem>>
      %dma_wait3A_2450 = arith.constant 0 : i32
      %dma_wait3A_2451 = arith.constant 0 : i32
      %dma_wait3A_2452 = tpu.memref_slice %arg5[%dma_wait3A_2450, %dma_wait3A_2451] : memref<100000x8xf32, #tpu.memory_space<hbm>> -> memref<100000x8xf32, #tpu.memory_space<hbm>>
      tpu.wait_indirect_dma semaphore(%arg15 : memref<!tpu.dma_semaphore, #tpu.memory_space<semaphore_mem>>) src(%dma_wait3A_2452 : memref<100000x8xf32, #tpu.memory_space<hbm>>) dst(%dma_wait3A_2446 : memref<128x8xf32, #tpu.memory_space<vmem>>)
      %dma_wait3A_2453 = arith.constant 7 : i32
      %dma_wait3A_2454 = arith.constant 896 : i32
      %dma_wait3A_2455 = arith.constant 0 : i32
      %dma_wait3A_2456 = tpu.memref_slice %arg12[%dma_wait3A_2454, %dma_wait3A_2455] : memref<1280x4xf32, #tpu.memory_space<vmem>> -> memref<128x4xf32, #tpu.memory_space<vmem>>
      %dma_wait3A_2457 = arith.constant 0 : i32
      %dma_wait3A_2458 = tpu.memref_slice %arg9[%dma_wait3A_2453, %dma_wait3A_2457] : memref<10x128xi32, #tpu.memory_space<vmem>> -> memref<1x128xi32, #tpu.memory_space<vmem>>
      %dma_wait3A_2459 = tpu.memref_squeeze %dma_wait3A_2458 : memref<1x128xi32, #tpu.memory_space<vmem>> -> memref<128xi32, #tpu.memory_space<vmem>>
      %dma_wait3A_2460 = arith.constant 0 : i32
      %dma_wait3A_2461 = arith.constant 0 : i32
      %dma_wait3A_2462 = tpu.memref_slice %arg6[%dma_wait3A_2460, %dma_wait3A_2461] : memref<100000x4xf32, #tpu.memory_space<hbm>> -> memref<100000x4xf32, #tpu.memory_space<hbm>>
      tpu.wait_indirect_dma semaphore(%arg15 : memref<!tpu.dma_semaphore, #tpu.memory_space<semaphore_mem>>) src(%dma_wait3A_2462 : memref<100000x4xf32, #tpu.memory_space<hbm>>) dst(%dma_wait3A_2456 : memref<128x4xf32, #tpu.memory_space<vmem>>)
      %dma_wait3A_2463 = arith.constant 8 : i32
      %dma_wait3A_2464 = arith.constant 1024 : i32
      %dma_wait3A_2465 = arith.constant 0 : i32
      %dma_wait3A_2466 = tpu.memref_slice %arg11[%dma_wait3A_2464, %dma_wait3A_2465] : memref<1280x8xf32, #tpu.memory_space<vmem>> -> memref<128x8xf32, #tpu.memory_space<vmem>>
      %dma_wait3A_2467 = arith.constant 0 : i32
      %dma_wait3A_2468 = tpu.memref_slice %arg8[%dma_wait3A_2463, %dma_wait3A_2467] : memref<10x128xi32, #tpu.memory_space<vmem>> -> memref<1x128xi32, #tpu.memory_space<vmem>>
      %dma_wait3A_2469 = tpu.memref_squeeze %dma_wait3A_2468 : memref<1x128xi32, #tpu.memory_space<vmem>> -> memref<128xi32, #tpu.memory_space<vmem>>
      %dma_wait3A_2470 = arith.constant 0 : i32
      %dma_wait3A_2471 = arith.constant 0 : i32
      %dma_wait3A_2472 = tpu.memref_slice %arg5[%dma_wait3A_2470, %dma_wait3A_2471] : memref<100000x8xf32, #tpu.memory_space<hbm>> -> memref<100000x8xf32, #tpu.memory_space<hbm>>
      tpu.wait_indirect_dma semaphore(%arg15 : memref<!tpu.dma_semaphore, #tpu.memory_space<semaphore_mem>>) src(%dma_wait3A_2472 : memref<100000x8xf32, #tpu.memory_space<hbm>>) dst(%dma_wait3A_2466 : memref<128x8xf32, #tpu.memory_space<vmem>>)
      %dma_wait3A_2473 = arith.constant 8 : i32
      %dma_wait3A_2474 = arith.constant 1024 : i32
      %dma_wait3A_2475 = arith.constant 0 : i32
      %dma_wait3A_2476 = tpu.memref_slice %arg12[%dma_wait3A_2474, %dma_wait3A_2475] : memref<1280x4xf32, #tpu.memory_space<vmem>> -> memref<128x4xf32, #tpu.memory_space<vmem>>
      %dma_wait3A_2477 = arith.constant 0 : i32
      %dma_wait3A_2478 = tpu.memref_slice %arg9[%dma_wait3A_2473, %dma_wait3A_2477] : memref<10x128xi32, #tpu.memory_space<vmem>> -> memref<1x128xi32, #tpu.memory_space<vmem>>
      %dma_wait3A_2479 = tpu.memref_squeeze %dma_wait3A_2478 : memref<1x128xi32, #tpu.memory_space<vmem>> -> memref<128xi32, #tpu.memory_space<vmem>>
      %dma_wait3A_2480 = arith.constant 0 : i32
      %dma_wait3A_2481 = arith.constant 0 : i32
      %dma_wait3A_2482 = tpu.memref_slice %arg6[%dma_wait3A_2480, %dma_wait3A_2481] : memref<100000x4xf32, #tpu.memory_space<hbm>> -> memref<100000x4xf32, #tpu.memory_space<hbm>>
      tpu.wait_indirect_dma semaphore(%arg15 : memref<!tpu.dma_semaphore, #tpu.memory_space<semaphore_mem>>) src(%dma_wait3A_2482 : memref<100000x4xf32, #tpu.memory_space<hbm>>) dst(%dma_wait3A_2476 : memref<128x4xf32, #tpu.memory_space<vmem>>)
      %dma_wait3A_2483 = arith.constant 9 : i32
      %dma_wait3A_2484 = arith.constant 1152 : i32
      %dma_wait3A_2485 = arith.constant 0 : i32
      %dma_wait3A_2486 = tpu.memref_slice %arg11[%dma_wait3A_2484, %dma_wait3A_2485] : memref<1280x8xf32, #tpu.memory_space<vmem>> -> memref<128x8xf32, #tpu.memory_space<vmem>>
      %dma_wait3A_2487 = arith.constant 0 : i32
      %dma_wait3A_2488 = tpu.memref_slice %arg8[%dma_wait3A_2483, %dma_wait3A_2487] : memref<10x128xi32, #tpu.memory_space<vmem>> -> memref<1x128xi32, #tpu.memory_space<vmem>>
      %dma_wait3A_2489 = tpu.memref_squeeze %dma_wait3A_2488 : memref<1x128xi32, #tpu.memory_space<vmem>> -> memref<128xi32, #tpu.memory_space<vmem>>
      %dma_wait3A_2490 = arith.constant 0 : i32
      %dma_wait3A_2491 = arith.constant 0 : i32
      %dma_wait3A_2492 = tpu.memref_slice %arg5[%dma_wait3A_2490, %dma_wait3A_2491] : memref<100000x8xf32, #tpu.memory_space<hbm>> -> memref<100000x8xf32, #tpu.memory_space<hbm>>
      tpu.wait_indirect_dma semaphore(%arg15 : memref<!tpu.dma_semaphore, #tpu.memory_space<semaphore_mem>>) src(%dma_wait3A_2492 : memref<100000x8xf32, #tpu.memory_space<hbm>>) dst(%dma_wait3A_2486 : memref<128x8xf32, #tpu.memory_space<vmem>>)
      %dma_wait3A_2493 = arith.constant 9 : i32
      %dma_wait3A_2494 = arith.constant 1152 : i32
      %dma_wait3A_2495 = arith.constant 0 : i32
      %dma_wait3A_2496 = tpu.memref_slice %arg12[%dma_wait3A_2494, %dma_wait3A_2495] : memref<1280x4xf32, #tpu.memory_space<vmem>> -> memref<128x4xf32, #tpu.memory_space<vmem>>
      %dma_wait3A_2497 = arith.constant 0 : i32
      %dma_wait3A_2498 = tpu.memref_slice %arg9[%dma_wait3A_2493, %dma_wait3A_2497] : memref<10x128xi32, #tpu.memory_space<vmem>> -> memref<1x128xi32, #tpu.memory_space<vmem>>
      %dma_wait3A_2499 = tpu.memref_squeeze %dma_wait3A_2498 : memref<1x128xi32, #tpu.memory_space<vmem>> -> memref<128xi32, #tpu.memory_space<vmem>>
      %dma_wait3A_2500 = arith.constant 0 : i32
      %dma_wait3A_2501 = arith.constant 0 : i32
      %dma_wait3A_2502 = tpu.memref_slice %arg6[%dma_wait3A_2500, %dma_wait3A_2501] : memref<100000x4xf32, #tpu.memory_space<hbm>> -> memref<100000x4xf32, #tpu.memory_space<hbm>>
      tpu.wait_indirect_dma semaphore(%arg15 : memref<!tpu.dma_semaphore, #tpu.memory_space<semaphore_mem>>) src(%dma_wait3A_2502 : memref<100000x4xf32, #tpu.memory_space<hbm>>) dst(%dma_wait3A_2496 : memref<128x4xf32, #tpu.memory_space<vmem>>)
      %scan3A_2503 = arith.constant 0 : i32
      %scan3A_2504 = arith.constant 80 : i32
      %scan3A_2505 = arith.addi %scan3A_2503, %scan3A_2504 : i32
      %scan3A_2506 = arith.constant 1 : i32
      scf.for %scan3A_2517 = %scan3A_2503 to %scan3A_2505 step %scan3A_2506  : i32 {
        %mul3A_2518 = arith.constant 1 : i32
        %mul3A_2519 = arith.muli %scan3A_2517, %mul3A_2518 : i32
        %add3A_2520 = arith.constant 0 : i32
        %add3A_2521 = arith.addi %add3A_2520, %mul3A_2519 : i32
        %mul3A_2522 = arith.constant 16 : i32
        %mul3A_2523 = arith.muli %add3A_2521, %mul3A_2522 : i32
        %iota3A = tpu.iota {dimensions = array<i32: 0>} : vector<16xi32>
        %add3A_2524 = vector.broadcast %mul3A_2523 : i32 to vector<16xi32>
        %add3A_2525 = arith.addi %add3A_2524, %iota3A : vector<16xi32>
        %broadcast_in_dim3A_2526 = arith.constant 0 : i32
        %broadcast_in_dim3A_2527 = vector.broadcast %broadcast_in_dim3A_2526 : i32 to vector<16xi32>
        %gather3A = tpu.vector_load_idx %arg11[%add3A_2525, %broadcast_in_dim3A_2527] : memref<1280x8xf32, #tpu.memory_space<vmem>>[vector<16xi32>, vector<16xi32>], vector<16xf32>,
        %broadcast_in_dim3A_2528 = arith.constant 1 : i32
        %broadcast_in_dim3A_2529 = vector.broadcast %broadcast_in_dim3A_2528 : i32 to vector<16xi32>
        %gather3A_2530 = tpu.vector_load_idx %arg11[%add3A_2525, %broadcast_in_dim3A_2529] : memref<1280x8xf32, #tpu.memory_space<vmem>>[vector<16xi32>, vector<16xi32>], vector<16xf32>,
        %broadcast_in_dim3A_2531 = arith.constant 2 : i32
        %broadcast_in_dim3A_2532 = vector.broadcast %broadcast_in_dim3A_2531 : i32 to vector<16xi32>
        %gather3A_2533 = tpu.vector_load_idx %arg11[%add3A_2525, %broadcast_in_dim3A_2532] : memref<1280x8xf32, #tpu.memory_space<vmem>>[vector<16xi32>, vector<16xi32>], vector<16xf32>,
        %broadcast_in_dim3A_2534 = arith.constant 3 : i32
        %broadcast_in_dim3A_2535 = vector.broadcast %broadcast_in_dim3A_2534 : i32 to vector<16xi32>
        %gather3A_2536 = tpu.vector_load_idx %arg11[%add3A_2525, %broadcast_in_dim3A_2535] : memref<1280x8xf32, #tpu.memory_space<vmem>>[vector<16xi32>, vector<16xi32>], vector<16xf32>,
        %broadcast_in_dim3A_2537 = arith.constant 4 : i32
        %broadcast_in_dim3A_2538 = vector.broadcast %broadcast_in_dim3A_2537 : i32 to vector<16xi32>
        %gather3A_2539 = tpu.vector_load_idx %arg11[%add3A_2525, %broadcast_in_dim3A_2538] : memref<1280x8xf32, #tpu.memory_space<vmem>>[vector<16xi32>, vector<16xi32>], vector<16xf32>,
        %broadcast_in_dim3A_2540 = arith.constant 5 : i32
        %broadcast_in_dim3A_2541 = vector.broadcast %broadcast_in_dim3A_2540 : i32 to vector<16xi32>
        %gather3A_2542 = tpu.vector_load_idx %arg11[%add3A_2525, %broadcast_in_dim3A_2541] : memref<1280x8xf32, #tpu.memory_space<vmem>>[vector<16xi32>, vector<16xi32>], vector<16xf32>,
        %broadcast_in_dim3A_2543 = arith.constant 6 : i32
        %broadcast_in_dim3A_2544 = vector.broadcast %broadcast_in_dim3A_2543 : i32 to vector<16xi32>
        %gather3A_2545 = tpu.vector_load_idx %arg11[%add3A_2525, %broadcast_in_dim3A_2544] : memref<1280x8xf32, #tpu.memory_space<vmem>>[vector<16xi32>, vector<16xi32>], vector<16xf32>,
        %broadcast_in_dim3A_2546 = arith.constant 0 : i32
        %broadcast_in_dim3A_2547 = vector.broadcast %broadcast_in_dim3A_2546 : i32 to vector<16xi32>
        %gather3A_2548 = tpu.vector_load_idx %arg12[%add3A_2525, %broadcast_in_dim3A_2547] : memref<1280x4xf32, #tpu.memory_space<vmem>>[vector<16xi32>, vector<16xi32>], vector<16xf32>,
        %broadcast_in_dim3A_2549 = arith.constant 1 : i32
        %broadcast_in_dim3A_2550 = vector.broadcast %broadcast_in_dim3A_2549 : i32 to vector<16xi32>
        %gather3A_2551 = tpu.vector_load_idx %arg12[%add3A_2525, %broadcast_in_dim3A_2550] : memref<1280x4xf32, #tpu.memory_space<vmem>>[vector<16xi32>, vector<16xi32>], vector<16xf32>,
        %broadcast_in_dim3A_2552 = arith.constant 2 : i32
        %broadcast_in_dim3A_2553 = vector.broadcast %broadcast_in_dim3A_2552 : i32 to vector<16xi32>
        %gather3A_2554 = tpu.vector_load_idx %arg12[%add3A_2525, %broadcast_in_dim3A_2553] : memref<1280x4xf32, #tpu.memory_space<vmem>>[vector<16xi32>, vector<16xi32>], vector<16xf32>,
        %broadcast_in_dim3A_2555 = arith.constant 3 : i32
        %broadcast_in_dim3A_2556 = vector.broadcast %broadcast_in_dim3A_2555 : i32 to vector<16xi32>
        %gather3A_2557 = tpu.vector_load_idx %arg12[%add3A_2525, %broadcast_in_dim3A_2556] : memref<1280x4xf32, #tpu.memory_space<vmem>>[vector<16xi32>, vector<16xi32>], vector<16xf32>,
        %add3A_2558 = arith.addf %gather3A, %gather3A_2548 : vector<16xf32>
        %mul3A_2559 = arith.constant 2.000000e-01 : f32
        %mul3A_2560 = vector.broadcast %mul3A_2559 : f32 to vector<16xf32>
        %mul3A_2561 = arith.mulf %mul3A_2560, %add3A_2558 : vector<16xf32>
        %max3A = arith.maximumf %add3A_2558, %mul3A_2561 : vector<16xf32>
        %exp3A = math.exp %max3A : vector<16xf32>
        %broadcast_in_dim3A_2562 = arith.constant 0 : i32
        %broadcast_in_dim3A_2563 = vector.broadcast %broadcast_in_dim3A_2562 : i32 to vector<16xi32>
        tpu.vector_store_idx %arg13[%add3A_2525, %broadcast_in_dim3A_2563], %exp3A : memref<1280x16xf32, #tpu.memory_space<vmem>>[vector<16xi32>, vector<16xi32>], vector<16xf32>,
        %add3A_2564 = arith.addf %gather3A_2530, %gather3A_2551 : vector<16xf32>
        %mul3A_2565 = arith.constant 2.000000e-01 : f32
        %mul3A_2566 = vector.broadcast %mul3A_2565 : f32 to vector<16xf32>
        %mul3A_2567 = arith.mulf %mul3A_2566, %add3A_2564 : vector<16xf32>
        %max3A_2568 = arith.maximumf %add3A_2564, %mul3A_2567 : vector<16xf32>
        %exp3A_2569 = math.exp %max3A_2568 : vector<16xf32>
        %broadcast_in_dim3A_2570 = arith.constant 1 : i32
        %broadcast_in_dim3A_2571 = vector.broadcast %broadcast_in_dim3A_2570 : i32 to vector<16xi32>
        tpu.vector_store_idx %arg13[%add3A_2525, %broadcast_in_dim3A_2571], %exp3A_2569 : memref<1280x16xf32, #tpu.memory_space<vmem>>[vector<16xi32>, vector<16xi32>], vector<16xf32>,
        %add3A_2572 = arith.addf %gather3A_2533, %gather3A_2554 : vector<16xf32>
        %mul3A_2573 = arith.constant 2.000000e-01 : f32
        %mul3A_2574 = vector.broadcast %mul3A_2573 : f32 to vector<16xf32>
        %mul3A_2575 = arith.mulf %mul3A_2574, %add3A_2572 : vector<16xf32>
        %max3A_2576 = arith.maximumf %add3A_2572, %mul3A_2575 : vector<16xf32>
        %exp3A_2577 = math.exp %max3A_2576 : vector<16xf32>
        %broadcast_in_dim3A_2578 = arith.constant 2 : i32
        %broadcast_in_dim3A_2579 = vector.broadcast %broadcast_in_dim3A_2578 : i32 to vector<16xi32>
        tpu.vector_store_idx %arg13[%add3A_2525, %broadcast_in_dim3A_2579], %exp3A_2577 : memref<1280x16xf32, #tpu.memory_space<vmem>>[vector<16xi32>, vector<16xi32>], vector<16xf32>,
        %add3A_2580 = arith.addf %gather3A_2536, %gather3A_2557 : vector<16xf32>
        %mul3A_2581 = arith.constant 2.000000e-01 : f32
        %mul3A_2582 = vector.broadcast %mul3A_2581 : f32 to vector<16xf32>
        %mul3A_2583 = arith.mulf %mul3A_2582, %add3A_2580 : vector<16xf32>
        %max3A_2584 = arith.maximumf %add3A_2580, %mul3A_2583 : vector<16xf32>
        %exp3A_2585 = math.exp %max3A_2584 : vector<16xf32>
        %broadcast_in_dim3A_2586 = arith.constant 3 : i32
        %broadcast_in_dim3A_2587 = vector.broadcast %broadcast_in_dim3A_2586 : i32 to vector<16xi32>
        tpu.vector_store_idx %arg13[%add3A_2525, %broadcast_in_dim3A_2587], %exp3A_2585 : memref<1280x16xf32, #tpu.memory_space<vmem>>[vector<16xi32>, vector<16xi32>], vector<16xf32>,
        %broadcast_in_dim3A_2588 = arith.constant 4 : i32
        %broadcast_in_dim3A_2589 = vector.broadcast %broadcast_in_dim3A_2588 : i32 to vector<16xi32>
        %mul3A_2590 = arith.mulf %exp3A, %gather3A_2539 : vector<16xf32>
        tpu.vector_store_idx %arg13[%add3A_2525, %broadcast_in_dim3A_2589], %mul3A_2590 : memref<1280x16xf32, #tpu.memory_space<vmem>>[vector<16xi32>, vector<16xi32>], vector<16xf32>,
        %broadcast_in_dim3A_2591 = arith.constant 5 : i32
        %broadcast_in_dim3A_2592 = vector.broadcast %broadcast_in_dim3A_2591 : i32 to vector<16xi32>
        %mul3A_2593 = arith.mulf %exp3A, %gather3A_2542 : vector<16xf32>
        tpu.vector_store_idx %arg13[%add3A_2525, %broadcast_in_dim3A_2592], %mul3A_2593 : memref<1280x16xf32, #tpu.memory_space<vmem>>[vector<16xi32>, vector<16xi32>], vector<16xf32>,
        %broadcast_in_dim3A_2594 = arith.constant 6 : i32
        %broadcast_in_dim3A_2595 = vector.broadcast %broadcast_in_dim3A_2594 : i32 to vector<16xi32>
        %mul3A_2596 = arith.mulf %exp3A, %gather3A_2545 : vector<16xf32>
        tpu.vector_store_idx %arg13[%add3A_2525, %broadcast_in_dim3A_2595], %mul3A_2596 : memref<1280x16xf32, #tpu.memory_space<vmem>>[vector<16xi32>, vector<16xi32>], vector<16xf32>,
        %broadcast_in_dim3A_2597 = arith.constant 7 : i32
        %broadcast_in_dim3A_2598 = vector.broadcast %broadcast_in_dim3A_2597 : i32 to vector<16xi32>
        %mul3A_2599 = arith.mulf %exp3A_2569, %gather3A_2539 : vector<16xf32>
        tpu.vector_store_idx %arg13[%add3A_2525, %broadcast_in_dim3A_2598], %mul3A_2599 : memref<1280x16xf32, #tpu.memory_space<vmem>>[vector<16xi32>, vector<16xi32>], vector<16xf32>,
        %broadcast_in_dim3A_2600 = arith.constant 8 : i32
        %broadcast_in_dim3A_2601 = vector.broadcast %broadcast_in_dim3A_2600 : i32 to vector<16xi32>
        %mul3A_2602 = arith.mulf %exp3A_2569, %gather3A_2542 : vector<16xf32>
        tpu.vector_store_idx %arg13[%add3A_2525, %broadcast_in_dim3A_2601], %mul3A_2602 : memref<1280x16xf32, #tpu.memory_space<vmem>>[vector<16xi32>, vector<16xi32>], vector<16xf32>,
        %broadcast_in_dim3A_2603 = arith.constant 9 : i32
        %broadcast_in_dim3A_2604 = vector.broadcast %broadcast_in_dim3A_2603 : i32 to vector<16xi32>
        %mul3A_2605 = arith.mulf %exp3A_2569, %gather3A_2545 : vector<16xf32>
        tpu.vector_store_idx %arg13[%add3A_2525, %broadcast_in_dim3A_2604], %mul3A_2605 : memref<1280x16xf32, #tpu.memory_space<vmem>>[vector<16xi32>, vector<16xi32>], vector<16xf32>,
        %broadcast_in_dim3A_2606 = arith.constant 10 : i32
        %broadcast_in_dim3A_2607 = vector.broadcast %broadcast_in_dim3A_2606 : i32 to vector<16xi32>
        %mul3A_2608 = arith.mulf %exp3A_2577, %gather3A_2539 : vector<16xf32>
        tpu.vector_store_idx %arg13[%add3A_2525, %broadcast_in_dim3A_2607], %mul3A_2608 : memref<1280x16xf32, #tpu.memory_space<vmem>>[vector<16xi32>, vector<16xi32>], vector<16xf32>,
        %broadcast_in_dim3A_2609 = arith.constant 11 : i32
        %broadcast_in_dim3A_2610 = vector.broadcast %broadcast_in_dim3A_2609 : i32 to vector<16xi32>
        %mul3A_2611 = arith.mulf %exp3A_2577, %gather3A_2542 : vector<16xf32>
        tpu.vector_store_idx %arg13[%add3A_2525, %broadcast_in_dim3A_2610], %mul3A_2611 : memref<1280x16xf32, #tpu.memory_space<vmem>>[vector<16xi32>, vector<16xi32>], vector<16xf32>,
        %broadcast_in_dim3A_2612 = arith.constant 12 : i32
        %broadcast_in_dim3A_2613 = vector.broadcast %broadcast_in_dim3A_2612 : i32 to vector<16xi32>
        %mul3A_2614 = arith.mulf %exp3A_2577, %gather3A_2545 : vector<16xf32>
        tpu.vector_store_idx %arg13[%add3A_2525, %broadcast_in_dim3A_2613], %mul3A_2614 : memref<1280x16xf32, #tpu.memory_space<vmem>>[vector<16xi32>, vector<16xi32>], vector<16xf32>,
        %broadcast_in_dim3A_2615 = arith.constant 13 : i32
        %broadcast_in_dim3A_2616 = vector.broadcast %broadcast_in_dim3A_2615 : i32 to vector<16xi32>
        %mul3A_2617 = arith.mulf %exp3A_2585, %gather3A_2539 : vector<16xf32>
        tpu.vector_store_idx %arg13[%add3A_2525, %broadcast_in_dim3A_2616], %mul3A_2617 : memref<1280x16xf32, #tpu.memory_space<vmem>>[vector<16xi32>, vector<16xi32>], vector<16xf32>,
        %broadcast_in_dim3A_2618 = arith.constant 14 : i32
        %broadcast_in_dim3A_2619 = vector.broadcast %broadcast_in_dim3A_2618 : i32 to vector<16xi32>
        %mul3A_2620 = arith.mulf %exp3A_2585, %gather3A_2542 : vector<16xf32>
        tpu.vector_store_idx %arg13[%add3A_2525, %broadcast_in_dim3A_2619], %mul3A_2620 : memref<1280x16xf32, #tpu.memory_space<vmem>>[vector<16xi32>, vector<16xi32>], vector<16xf32>,
        %broadcast_in_dim3A_2621 = arith.constant 15 : i32
        %broadcast_in_dim3A_2622 = vector.broadcast %broadcast_in_dim3A_2621 : i32 to vector<16xi32>
        %mul3A_2623 = arith.mulf %exp3A_2585, %gather3A_2545 : vector<16xf32>
        tpu.vector_store_idx %arg13[%add3A_2525, %broadcast_in_dim3A_2622], %mul3A_2623 : memref<1280x16xf32, #tpu.memory_space<vmem>>[vector<16xi32>, vector<16xi32>], vector<16xf32>,
      }
      %scan3A_2507 = arith.constant 80 : i32
      %run_scoped3A = arith.constant 0 : i32
      "tpu.region"() ({
        %run_scoped3A_2517 = tpu.sem_alloc : memref<!tpu.dma_semaphore, #tpu.memory_space<semaphore_mem>>
        %dma_start3A_2518 = arith.constant 0 : i32
        %dma_start3A_2519 = arith.constant 0 : i32
        %dma_start3A_2520 = tpu.memref_slice %arg13[%dma_start3A_2518, %dma_start3A_2519] : memref<1280x16xf32, #tpu.memory_space<vmem>> -> memref<128x16xf32, #tpu.memory_space<vmem>>
        %dma_start3A_2521 = arith.constant 0 : i32
        %dma_start3A_2522 = tpu.memref_slice %arg10[%run_scoped3A, %dma_start3A_2521] : memref<10x128xi32, #tpu.memory_space<vmem>> -> memref<1x128xi32, #tpu.memory_space<vmem>>
        %dma_start3A_2523 = tpu.memref_squeeze %dma_start3A_2522 : memref<1x128xi32, #tpu.memory_space<vmem>> -> memref<128xi32, #tpu.memory_space<vmem>>
        %dma_start3A_2524 = arith.constant 0 : i32
        %dma_start3A_2525 = arith.constant 0 : i32
        %dma_start3A_2526 = tpu.memref_slice %arg14[%dma_start3A_2524, %dma_start3A_2525] : memref<50304x16xf32, #tpu.memory_space<vmem_shared>> -> memref<50304x16xf32, #tpu.memory_space<vmem_shared>>
        tpu.enqueue_indirect_dma source(%dma_start3A_2520 : memref<128x16xf32, #tpu.memory_space<vmem>>) target(%dma_start3A_2526 : memref<50304x16xf32, #tpu.memory_space<vmem_shared>>) offsets(%dma_start3A_2523 : memref<128xi32, #tpu.memory_space<vmem>>) semaphore(%run_scoped3A_2517 : memref<!tpu.dma_semaphore, #tpu.memory_space<semaphore_mem>>) {add = true}
        %dma_wait3A_2527 = arith.constant 0 : i32
        %dma_wait3A_2528 = arith.constant 0 : i32
        %dma_wait3A_2529 = tpu.memref_slice %arg13[%dma_wait3A_2527, %dma_wait3A_2528] : memref<1280x16xf32, #tpu.memory_space<vmem>> -> memref<128x16xf32, #tpu.memory_space<vmem>>
        %dma_wait3A_2530 = arith.constant 0 : i32
        %dma_wait3A_2531 = tpu.memref_slice %arg10[%run_scoped3A, %dma_wait3A_2530] : memref<10x128xi32, #tpu.memory_space<vmem>> -> memref<1x128xi32, #tpu.memory_space<vmem>>
        %dma_wait3A_2532 = tpu.memref_squeeze %dma_wait3A_2531 : memref<1x128xi32, #tpu.memory_space<vmem>> -> memref<128xi32, #tpu.memory_space<vmem>>
        %dma_wait3A_2533 = arith.constant 0 : i32
        %dma_wait3A_2534 = arith.constant 0 : i32
        %dma_wait3A_2535 = tpu.memref_slice %arg14[%dma_wait3A_2533, %dma_wait3A_2534] : memref<50304x16xf32, #tpu.memory_space<vmem_shared>> -> memref<50304x16xf32, #tpu.memory_space<vmem_shared>>
        tpu.wait_indirect_dma semaphore(%run_scoped3A_2517 : memref<!tpu.dma_semaphore, #tpu.memory_space<semaphore_mem>>) src(%dma_wait3A_2529 : memref<128x16xf32, #tpu.memory_space<vmem>>) dst(%dma_wait3A_2535 : memref<50304x16xf32, #tpu.memory_space<vmem_shared>>)
        tpu.yield
      }) : () -> ()
      %run_scoped3A_2508 = arith.constant 1 : i32
      "tpu.region"() ({
        %run_scoped3A_2517 = tpu.sem_alloc : memref<!tpu.dma_semaphore, #tpu.memory_space<semaphore_mem>>
        %dma_start3A_2518 = arith.constant 128 : i32
        %dma_start3A_2519 = arith.constant 0 : i32
        %dma_start3A_2520 = tpu.memref_slice %arg13[%dma_start3A_2518, %dma_start3A_2519] : memref<1280x16xf32, #tpu.memory_space<vmem>> -> memref<128x16xf32, #tpu.memory_space<vmem>>
        %dma_start3A_2521 = arith.constant 0 : i32
        %dma_start3A_2522 = tpu.memref_slice %arg10[%run_scoped3A_2508, %dma_start3A_2521] : memref<10x128xi32, #tpu.memory_space<vmem>> -> memref<1x128xi32, #tpu.memory_space<vmem>>
        %dma_start3A_2523 = tpu.memref_squeeze %dma_start3A_2522 : memref<1x128xi32, #tpu.memory_space<vmem>> -> memref<128xi32, #tpu.memory_space<vmem>>
        %dma_start3A_2524 = arith.constant 0 : i32
        %dma_start3A_2525 = arith.constant 0 : i32
        %dma_start3A_2526 = tpu.memref_slice %arg14[%dma_start3A_2524, %dma_start3A_2525] : memref<50304x16xf32, #tpu.memory_space<vmem_shared>> -> memref<50304x16xf32, #tpu.memory_space<vmem_shared>>
        tpu.enqueue_indirect_dma source(%dma_start3A_2520 : memref<128x16xf32, #tpu.memory_space<vmem>>) target(%dma_start3A_2526 : memref<50304x16xf32, #tpu.memory_space<vmem_shared>>) offsets(%dma_start3A_2523 : memref<128xi32, #tpu.memory_space<vmem>>) semaphore(%run_scoped3A_2517 : memref<!tpu.dma_semaphore, #tpu.memory_space<semaphore_mem>>) {add = true}
        %dma_wait3A_2527 = arith.constant 128 : i32
        %dma_wait3A_2528 = arith.constant 0 : i32
        %dma_wait3A_2529 = tpu.memref_slice %arg13[%dma_wait3A_2527, %dma_wait3A_2528] : memref<1280x16xf32, #tpu.memory_space<vmem>> -> memref<128x16xf32, #tpu.memory_space<vmem>>
        %dma_wait3A_2530 = arith.constant 0 : i32
        %dma_wait3A_2531 = tpu.memref_slice %arg10[%run_scoped3A_2508, %dma_wait3A_2530] : memref<10x128xi32, #tpu.memory_space<vmem>> -> memref<1x128xi32, #tpu.memory_space<vmem>>
        %dma_wait3A_2532 = tpu.memref_squeeze %dma_wait3A_2531 : memref<1x128xi32, #tpu.memory_space<vmem>> -> memref<128xi32, #tpu.memory_space<vmem>>
        %dma_wait3A_2533 = arith.constant 0 : i32
        %dma_wait3A_2534 = arith.constant 0 : i32
        %dma_wait3A_2535 = tpu.memref_slice %arg14[%dma_wait3A_2533, %dma_wait3A_2534] : memref<50304x16xf32, #tpu.memory_space<vmem_shared>> -> memref<50304x16xf32, #tpu.memory_space<vmem_shared>>
        tpu.wait_indirect_dma semaphore(%run_scoped3A_2517 : memref<!tpu.dma_semaphore, #tpu.memory_space<semaphore_mem>>) src(%dma_wait3A_2529 : memref<128x16xf32, #tpu.memory_space<vmem>>) dst(%dma_wait3A_2535 : memref<50304x16xf32, #tpu.memory_space<vmem_shared>>)
        tpu.yield
      }) : () -> ()
      %run_scoped3A_2509 = arith.constant 2 : i32
      "tpu.region"() ({
        %run_scoped3A_2517 = tpu.sem_alloc : memref<!tpu.dma_semaphore, #tpu.memory_space<semaphore_mem>>
        %dma_start3A_2518 = arith.constant 256 : i32
        %dma_start3A_2519 = arith.constant 0 : i32
        %dma_start3A_2520 = tpu.memref_slice %arg13[%dma_start3A_2518, %dma_start3A_2519] : memref<1280x16xf32, #tpu.memory_space<vmem>> -> memref<128x16xf32, #tpu.memory_space<vmem>>
        %dma_start3A_2521 = arith.constant 0 : i32
        %dma_start3A_2522 = tpu.memref_slice %arg10[%run_scoped3A_2509, %dma_start3A_2521] : memref<10x128xi32, #tpu.memory_space<vmem>> -> memref<1x128xi32, #tpu.memory_space<vmem>>
        %dma_start3A_2523 = tpu.memref_squeeze %dma_start3A_2522 : memref<1x128xi32, #tpu.memory_space<vmem>> -> memref<128xi32, #tpu.memory_space<vmem>>
        %dma_start3A_2524 = arith.constant 0 : i32
        %dma_start3A_2525 = arith.constant 0 : i32
        %dma_start3A_2526 = tpu.memref_slice %arg14[%dma_start3A_2524, %dma_start3A_2525] : memref<50304x16xf32, #tpu.memory_space<vmem_shared>> -> memref<50304x16xf32, #tpu.memory_space<vmem_shared>>
        tpu.enqueue_indirect_dma source(%dma_start3A_2520 : memref<128x16xf32, #tpu.memory_space<vmem>>) target(%dma_start3A_2526 : memref<50304x16xf32, #tpu.memory_space<vmem_shared>>) offsets(%dma_start3A_2523 : memref<128xi32, #tpu.memory_space<vmem>>) semaphore(%run_scoped3A_2517 : memref<!tpu.dma_semaphore, #tpu.memory_space<semaphore_mem>>) {add = true}
        %dma_wait3A_2527 = arith.constant 256 : i32
        %dma_wait3A_2528 = arith.constant 0 : i32
        %dma_wait3A_2529 = tpu.memref_slice %arg13[%dma_wait3A_2527, %dma_wait3A_2528] : memref<1280x16xf32, #tpu.memory_space<vmem>> -> memref<128x16xf32, #tpu.memory_space<vmem>>
        %dma_wait3A_2530 = arith.constant 0 : i32
        %dma_wait3A_2531 = tpu.memref_slice %arg10[%run_scoped3A_2509, %dma_wait3A_2530] : memref<10x128xi32, #tpu.memory_space<vmem>> -> memref<1x128xi32, #tpu.memory_space<vmem>>
        %dma_wait3A_2532 = tpu.memref_squeeze %dma_wait3A_2531 : memref<1x128xi32, #tpu.memory_space<vmem>> -> memref<128xi32, #tpu.memory_space<vmem>>
        %dma_wait3A_2533 = arith.constant 0 : i32
        %dma_wait3A_2534 = arith.constant 0 : i32
        %dma_wait3A_2535 = tpu.memref_slice %arg14[%dma_wait3A_2533, %dma_wait3A_2534] : memref<50304x16xf32, #tpu.memory_space<vmem_shared>> -> memref<50304x16xf32, #tpu.memory_space<vmem_shared>>
        tpu.wait_indirect_dma semaphore(%run_scoped3A_2517 : memref<!tpu.dma_semaphore, #tpu.memory_space<semaphore_mem>>) src(%dma_wait3A_2529 : memref<128x16xf32, #tpu.memory_space<vmem>>) dst(%dma_wait3A_2535 : memref<50304x16xf32, #tpu.memory_space<vmem_shared>>)
        tpu.yield
      }) : () -> ()
      %run_scoped3A_2510 = arith.constant 3 : i32
      "tpu.region"() ({
        %run_scoped3A_2517 = tpu.sem_alloc : memref<!tpu.dma_semaphore, #tpu.memory_space<semaphore_mem>>
        %dma_start3A_2518 = arith.constant 384 : i32
        %dma_start3A_2519 = arith.constant 0 : i32
        %dma_start3A_2520 = tpu.memref_slice %arg13[%dma_start3A_2518, %dma_start3A_2519] : memref<1280x16xf32, #tpu.memory_space<vmem>> -> memref<128x16xf32, #tpu.memory_space<vmem>>
        %dma_start3A_2521 = arith.constant 0 : i32
        %dma_start3A_2522 = tpu.memref_slice %arg10[%run_scoped3A_2510, %dma_start3A_2521] : memref<10x128xi32, #tpu.memory_space<vmem>> -> memref<1x128xi32, #tpu.memory_space<vmem>>
        %dma_start3A_2523 = tpu.memref_squeeze %dma_start3A_2522 : memref<1x128xi32, #tpu.memory_space<vmem>> -> memref<128xi32, #tpu.memory_space<vmem>>
        %dma_start3A_2524 = arith.constant 0 : i32
        %dma_start3A_2525 = arith.constant 0 : i32
        %dma_start3A_2526 = tpu.memref_slice %arg14[%dma_start3A_2524, %dma_start3A_2525] : memref<50304x16xf32, #tpu.memory_space<vmem_shared>> -> memref<50304x16xf32, #tpu.memory_space<vmem_shared>>
        tpu.enqueue_indirect_dma source(%dma_start3A_2520 : memref<128x16xf32, #tpu.memory_space<vmem>>) target(%dma_start3A_2526 : memref<50304x16xf32, #tpu.memory_space<vmem_shared>>) offsets(%dma_start3A_2523 : memref<128xi32, #tpu.memory_space<vmem>>) semaphore(%run_scoped3A_2517 : memref<!tpu.dma_semaphore, #tpu.memory_space<semaphore_mem>>) {add = true}
        %dma_wait3A_2527 = arith.constant 384 : i32
        %dma_wait3A_2528 = arith.constant 0 : i32
        %dma_wait3A_2529 = tpu.memref_slice %arg13[%dma_wait3A_2527, %dma_wait3A_2528] : memref<1280x16xf32, #tpu.memory_space<vmem>> -> memref<128x16xf32, #tpu.memory_space<vmem>>
        %dma_wait3A_2530 = arith.constant 0 : i32
        %dma_wait3A_2531 = tpu.memref_slice %arg10[%run_scoped3A_2510, %dma_wait3A_2530] : memref<10x128xi32, #tpu.memory_space<vmem>> -> memref<1x128xi32, #tpu.memory_space<vmem>>
        %dma_wait3A_2532 = tpu.memref_squeeze %dma_wait3A_2531 : memref<1x128xi32, #tpu.memory_space<vmem>> -> memref<128xi32, #tpu.memory_space<vmem>>
        %dma_wait3A_2533 = arith.constant 0 : i32
        %dma_wait3A_2534 = arith.constant 0 : i32
        %dma_wait3A_2535 = tpu.memref_slice %arg14[%dma_wait3A_2533, %dma_wait3A_2534] : memref<50304x16xf32, #tpu.memory_space<vmem_shared>> -> memref<50304x16xf32, #tpu.memory_space<vmem_shared>>
        tpu.wait_indirect_dma semaphore(%run_scoped3A_2517 : memref<!tpu.dma_semaphore, #tpu.memory_space<semaphore_mem>>) src(%dma_wait3A_2529 : memref<128x16xf32, #tpu.memory_space<vmem>>) dst(%dma_wait3A_2535 : memref<50304x16xf32, #tpu.memory_space<vmem_shared>>)
        tpu.yield
      }) : () -> ()
      %run_scoped3A_2511 = arith.constant 4 : i32
      "tpu.region"() ({
        %run_scoped3A_2517 = tpu.sem_alloc : memref<!tpu.dma_semaphore, #tpu.memory_space<semaphore_mem>>
        %dma_start3A_2518 = arith.constant 512 : i32
        %dma_start3A_2519 = arith.constant 0 : i32
        %dma_start3A_2520 = tpu.memref_slice %arg13[%dma_start3A_2518, %dma_start3A_2519] : memref<1280x16xf32, #tpu.memory_space<vmem>> -> memref<128x16xf32, #tpu.memory_space<vmem>>
        %dma_start3A_2521 = arith.constant 0 : i32
        %dma_start3A_2522 = tpu.memref_slice %arg10[%run_scoped3A_2511, %dma_start3A_2521] : memref<10x128xi32, #tpu.memory_space<vmem>> -> memref<1x128xi32, #tpu.memory_space<vmem>>
        %dma_start3A_2523 = tpu.memref_squeeze %dma_start3A_2522 : memref<1x128xi32, #tpu.memory_space<vmem>> -> memref<128xi32, #tpu.memory_space<vmem>>
        %dma_start3A_2524 = arith.constant 0 : i32
        %dma_start3A_2525 = arith.constant 0 : i32
        %dma_start3A_2526 = tpu.memref_slice %arg14[%dma_start3A_2524, %dma_start3A_2525] : memref<50304x16xf32, #tpu.memory_space<vmem_shared>> -> memref<50304x16xf32, #tpu.memory_space<vmem_shared>>
        tpu.enqueue_indirect_dma source(%dma_start3A_2520 : memref<128x16xf32, #tpu.memory_space<vmem>>) target(%dma_start3A_2526 : memref<50304x16xf32, #tpu.memory_space<vmem_shared>>) offsets(%dma_start3A_2523 : memref<128xi32, #tpu.memory_space<vmem>>) semaphore(%run_scoped3A_2517 : memref<!tpu.dma_semaphore, #tpu.memory_space<semaphore_mem>>) {add = true}
        %dma_wait3A_2527 = arith.constant 512 : i32
        %dma_wait3A_2528 = arith.constant 0 : i32
        %dma_wait3A_2529 = tpu.memref_slice %arg13[%dma_wait3A_2527, %dma_wait3A_2528] : memref<1280x16xf32, #tpu.memory_space<vmem>> -> memref<128x16xf32, #tpu.memory_space<vmem>>
        %dma_wait3A_2530 = arith.constant 0 : i32
        %dma_wait3A_2531 = tpu.memref_slice %arg10[%run_scoped3A_2511, %dma_wait3A_2530] : memref<10x128xi32, #tpu.memory_space<vmem>> -> memref<1x128xi32, #tpu.memory_space<vmem>>
        %dma_wait3A_2532 = tpu.memref_squeeze %dma_wait3A_2531 : memref<1x128xi32, #tpu.memory_space<vmem>> -> memref<128xi32, #tpu.memory_space<vmem>>
        %dma_wait3A_2533 = arith.constant 0 : i32
        %dma_wait3A_2534 = arith.constant 0 : i32
        %dma_wait3A_2535 = tpu.memref_slice %arg14[%dma_wait3A_2533, %dma_wait3A_2534] : memref<50304x16xf32, #tpu.memory_space<vmem_shared>> -> memref<50304x16xf32, #tpu.memory_space<vmem_shared>>
        tpu.wait_indirect_dma semaphore(%run_scoped3A_2517 : memref<!tpu.dma_semaphore, #tpu.memory_space<semaphore_mem>>) src(%dma_wait3A_2529 : memref<128x16xf32, #tpu.memory_space<vmem>>) dst(%dma_wait3A_2535 : memref<50304x16xf32, #tpu.memory_space<vmem_shared>>)
        tpu.yield
      }) : () -> ()
      %run_scoped3A_2512 = arith.constant 5 : i32
      "tpu.region"() ({
        %run_scoped3A_2517 = tpu.sem_alloc : memref<!tpu.dma_semaphore, #tpu.memory_space<semaphore_mem>>
        %dma_start3A_2518 = arith.constant 640 : i32
        %dma_start3A_2519 = arith.constant 0 : i32
        %dma_start3A_2520 = tpu.memref_slice %arg13[%dma_start3A_2518, %dma_start3A_2519] : memref<1280x16xf32, #tpu.memory_space<vmem>> -> memref<128x16xf32, #tpu.memory_space<vmem>>
        %dma_start3A_2521 = arith.constant 0 : i32
        %dma_start3A_2522 = tpu.memref_slice %arg10[%run_scoped3A_2512, %dma_start3A_2521] : memref<10x128xi32, #tpu.memory_space<vmem>> -> memref<1x128xi32, #tpu.memory_space<vmem>>
        %dma_start3A_2523 = tpu.memref_squeeze %dma_start3A_2522 : memref<1x128xi32, #tpu.memory_space<vmem>> -> memref<128xi32, #tpu.memory_space<vmem>>
        %dma_start3A_2524 = arith.constant 0 : i32
        %dma_start3A_2525 = arith.constant 0 : i32
        %dma_start3A_2526 = tpu.memref_slice %arg14[%dma_start3A_2524, %dma_start3A_2525] : memref<50304x16xf32, #tpu.memory_space<vmem_shared>> -> memref<50304x16xf32, #tpu.memory_space<vmem_shared>>
        tpu.enqueue_indirect_dma source(%dma_start3A_2520 : memref<128x16xf32, #tpu.memory_space<vmem>>) target(%dma_start3A_2526 : memref<50304x16xf32, #tpu.memory_space<vmem_shared>>) offsets(%dma_start3A_2523 : memref<128xi32, #tpu.memory_space<vmem>>) semaphore(%run_scoped3A_2517 : memref<!tpu.dma_semaphore, #tpu.memory_space<semaphore_mem>>) {add = true}
        %dma_wait3A_2527 = arith.constant 640 : i32
        %dma_wait3A_2528 = arith.constant 0 : i32
        %dma_wait3A_2529 = tpu.memref_slice %arg13[%dma_wait3A_2527, %dma_wait3A_2528] : memref<1280x16xf32, #tpu.memory_space<vmem>> -> memref<128x16xf32, #tpu.memory_space<vmem>>
        %dma_wait3A_2530 = arith.constant 0 : i32
        %dma_wait3A_2531 = tpu.memref_slice %arg10[%run_scoped3A_2512, %dma_wait3A_2530] : memref<10x128xi32, #tpu.memory_space<vmem>> -> memref<1x128xi32, #tpu.memory_space<vmem>>
        %dma_wait3A_2532 = tpu.memref_squeeze %dma_wait3A_2531 : memref<1x128xi32, #tpu.memory_space<vmem>> -> memref<128xi32, #tpu.memory_space<vmem>>
        %dma_wait3A_2533 = arith.constant 0 : i32
        %dma_wait3A_2534 = arith.constant 0 : i32
        %dma_wait3A_2535 = tpu.memref_slice %arg14[%dma_wait3A_2533, %dma_wait3A_2534] : memref<50304x16xf32, #tpu.memory_space<vmem_shared>> -> memref<50304x16xf32, #tpu.memory_space<vmem_shared>>
        tpu.wait_indirect_dma semaphore(%run_scoped3A_2517 : memref<!tpu.dma_semaphore, #tpu.memory_space<semaphore_mem>>) src(%dma_wait3A_2529 : memref<128x16xf32, #tpu.memory_space<vmem>>) dst(%dma_wait3A_2535 : memref<50304x16xf32, #tpu.memory_space<vmem_shared>>)
        tpu.yield
      }) : () -> ()
      %run_scoped3A_2513 = arith.constant 6 : i32
      "tpu.region"() ({
        %run_scoped3A_2517 = tpu.sem_alloc : memref<!tpu.dma_semaphore, #tpu.memory_space<semaphore_mem>>
        %dma_start3A_2518 = arith.constant 768 : i32
        %dma_start3A_2519 = arith.constant 0 : i32
        %dma_start3A_2520 = tpu.memref_slice %arg13[%dma_start3A_2518, %dma_start3A_2519] : memref<1280x16xf32, #tpu.memory_space<vmem>> -> memref<128x16xf32, #tpu.memory_space<vmem>>
        %dma_start3A_2521 = arith.constant 0 : i32
        %dma_start3A_2522 = tpu.memref_slice %arg10[%run_scoped3A_2513, %dma_start3A_2521] : memref<10x128xi32, #tpu.memory_space<vmem>> -> memref<1x128xi32, #tpu.memory_space<vmem>>
        %dma_start3A_2523 = tpu.memref_squeeze %dma_start3A_2522 : memref<1x128xi32, #tpu.memory_space<vmem>> -> memref<128xi32, #tpu.memory_space<vmem>>
        %dma_start3A_2524 = arith.constant 0 : i32
        %dma_start3A_2525 = arith.constant 0 : i32
        %dma_start3A_2526 = tpu.memref_slice %arg14[%dma_start3A_2524, %dma_start3A_2525] : memref<50304x16xf32, #tpu.memory_space<vmem_shared>> -> memref<50304x16xf32, #tpu.memory_space<vmem_shared>>
        tpu.enqueue_indirect_dma source(%dma_start3A_2520 : memref<128x16xf32, #tpu.memory_space<vmem>>) target(%dma_start3A_2526 : memref<50304x16xf32, #tpu.memory_space<vmem_shared>>) offsets(%dma_start3A_2523 : memref<128xi32, #tpu.memory_space<vmem>>) semaphore(%run_scoped3A_2517 : memref<!tpu.dma_semaphore, #tpu.memory_space<semaphore_mem>>) {add = true}
        %dma_wait3A_2527 = arith.constant 768 : i32
        %dma_wait3A_2528 = arith.constant 0 : i32
        %dma_wait3A_2529 = tpu.memref_slice %arg13[%dma_wait3A_2527, %dma_wait3A_2528] : memref<1280x16xf32, #tpu.memory_space<vmem>> -> memref<128x16xf32, #tpu.memory_space<vmem>>
        %dma_wait3A_2530 = arith.constant 0 : i32
        %dma_wait3A_2531 = tpu.memref_slice %arg10[%run_scoped3A_2513, %dma_wait3A_2530] : memref<10x128xi32, #tpu.memory_space<vmem>> -> memref<1x128xi32, #tpu.memory_space<vmem>>
        %dma_wait3A_2532 = tpu.memref_squeeze %dma_wait3A_2531 : memref<1x128xi32, #tpu.memory_space<vmem>> -> memref<128xi32, #tpu.memory_space<vmem>>
        %dma_wait3A_2533 = arith.constant 0 : i32
        %dma_wait3A_2534 = arith.constant 0 : i32
        %dma_wait3A_2535 = tpu.memref_slice %arg14[%dma_wait3A_2533, %dma_wait3A_2534] : memref<50304x16xf32, #tpu.memory_space<vmem_shared>> -> memref<50304x16xf32, #tpu.memory_space<vmem_shared>>
        tpu.wait_indirect_dma semaphore(%run_scoped3A_2517 : memref<!tpu.dma_semaphore, #tpu.memory_space<semaphore_mem>>) src(%dma_wait3A_2529 : memref<128x16xf32, #tpu.memory_space<vmem>>) dst(%dma_wait3A_2535 : memref<50304x16xf32, #tpu.memory_space<vmem_shared>>)
        tpu.yield
      }) : () -> ()
      %run_scoped3A_2514 = arith.constant 7 : i32
      "tpu.region"() ({
        %run_scoped3A_2517 = tpu.sem_alloc : memref<!tpu.dma_semaphore, #tpu.memory_space<semaphore_mem>>
        %dma_start3A_2518 = arith.constant 896 : i32
        %dma_start3A_2519 = arith.constant 0 : i32
        %dma_start3A_2520 = tpu.memref_slice %arg13[%dma_start3A_2518, %dma_start3A_2519] : memref<1280x16xf32, #tpu.memory_space<vmem>> -> memref<128x16xf32, #tpu.memory_space<vmem>>
        %dma_start3A_2521 = arith.constant 0 : i32
        %dma_start3A_2522 = tpu.memref_slice %arg10[%run_scoped3A_2514, %dma_start3A_2521] : memref<10x128xi32, #tpu.memory_space<vmem>> -> memref<1x128xi32, #tpu.memory_space<vmem>>
        %dma_start3A_2523 = tpu.memref_squeeze %dma_start3A_2522 : memref<1x128xi32, #tpu.memory_space<vmem>> -> memref<128xi32, #tpu.memory_space<vmem>>
        %dma_start3A_2524 = arith.constant 0 : i32
        %dma_start3A_2525 = arith.constant 0 : i32
        %dma_start3A_2526 = tpu.memref_slice %arg14[%dma_start3A_2524, %dma_start3A_2525] : memref<50304x16xf32, #tpu.memory_space<vmem_shared>> -> memref<50304x16xf32, #tpu.memory_space<vmem_shared>>
        tpu.enqueue_indirect_dma source(%dma_start3A_2520 : memref<128x16xf32, #tpu.memory_space<vmem>>) target(%dma_start3A_2526 : memref<50304x16xf32, #tpu.memory_space<vmem_shared>>) offsets(%dma_start3A_2523 : memref<128xi32, #tpu.memory_space<vmem>>) semaphore(%run_scoped3A_2517 : memref<!tpu.dma_semaphore, #tpu.memory_space<semaphore_mem>>) {add = true}
        %dma_wait3A_2527 = arith.constant 896 : i32
        %dma_wait3A_2528 = arith.constant 0 : i32
        %dma_wait3A_2529 = tpu.memref_slice %arg13[%dma_wait3A_2527, %dma_wait3A_2528] : memref<1280x16xf32, #tpu.memory_space<vmem>> -> memref<128x16xf32, #tpu.memory_space<vmem>>
        %dma_wait3A_2530 = arith.constant 0 : i32
        %dma_wait3A_2531 = tpu.memref_slice %arg10[%run_scoped3A_2514, %dma_wait3A_2530] : memref<10x128xi32, #tpu.memory_space<vmem>> -> memref<1x128xi32, #tpu.memory_space<vmem>>
        %dma_wait3A_2532 = tpu.memref_squeeze %dma_wait3A_2531 : memref<1x128xi32, #tpu.memory_space<vmem>> -> memref<128xi32, #tpu.memory_space<vmem>>
        %dma_wait3A_2533 = arith.constant 0 : i32
        %dma_wait3A_2534 = arith.constant 0 : i32
        %dma_wait3A_2535 = tpu.memref_slice %arg14[%dma_wait3A_2533, %dma_wait3A_2534] : memref<50304x16xf32, #tpu.memory_space<vmem_shared>> -> memref<50304x16xf32, #tpu.memory_space<vmem_shared>>
        tpu.wait_indirect_dma semaphore(%run_scoped3A_2517 : memref<!tpu.dma_semaphore, #tpu.memory_space<semaphore_mem>>) src(%dma_wait3A_2529 : memref<128x16xf32, #tpu.memory_space<vmem>>) dst(%dma_wait3A_2535 : memref<50304x16xf32, #tpu.memory_space<vmem_shared>>)
        tpu.yield
      }) : () -> ()
      %run_scoped3A_2515 = arith.constant 8 : i32
      "tpu.region"() ({
        %run_scoped3A_2517 = tpu.sem_alloc : memref<!tpu.dma_semaphore, #tpu.memory_space<semaphore_mem>>
        %dma_start3A_2518 = arith.constant 1024 : i32
        %dma_start3A_2519 = arith.constant 0 : i32
        %dma_start3A_2520 = tpu.memref_slice %arg13[%dma_start3A_2518, %dma_start3A_2519] : memref<1280x16xf32, #tpu.memory_space<vmem>> -> memref<128x16xf32, #tpu.memory_space<vmem>>
        %dma_start3A_2521 = arith.constant 0 : i32
        %dma_start3A_2522 = tpu.memref_slice %arg10[%run_scoped3A_2515, %dma_start3A_2521] : memref<10x128xi32, #tpu.memory_space<vmem>> -> memref<1x128xi32, #tpu.memory_space<vmem>>
        %dma_start3A_2523 = tpu.memref_squeeze %dma_start3A_2522 : memref<1x128xi32, #tpu.memory_space<vmem>> -> memref<128xi32, #tpu.memory_space<vmem>>
        %dma_start3A_2524 = arith.constant 0 : i32
        %dma_start3A_2525 = arith.constant 0 : i32
        %dma_start3A_2526 = tpu.memref_slice %arg14[%dma_start3A_2524, %dma_start3A_2525] : memref<50304x16xf32, #tpu.memory_space<vmem_shared>> -> memref<50304x16xf32, #tpu.memory_space<vmem_shared>>
        tpu.enqueue_indirect_dma source(%dma_start3A_2520 : memref<128x16xf32, #tpu.memory_space<vmem>>) target(%dma_start3A_2526 : memref<50304x16xf32, #tpu.memory_space<vmem_shared>>) offsets(%dma_start3A_2523 : memref<128xi32, #tpu.memory_space<vmem>>) semaphore(%run_scoped3A_2517 : memref<!tpu.dma_semaphore, #tpu.memory_space<semaphore_mem>>) {add = true}
        %dma_wait3A_2527 = arith.constant 1024 : i32
        %dma_wait3A_2528 = arith.constant 0 : i32
        %dma_wait3A_2529 = tpu.memref_slice %arg13[%dma_wait3A_2527, %dma_wait3A_2528] : memref<1280x16xf32, #tpu.memory_space<vmem>> -> memref<128x16xf32, #tpu.memory_space<vmem>>
        %dma_wait3A_2530 = arith.constant 0 : i32
        %dma_wait3A_2531 = tpu.memref_slice %arg10[%run_scoped3A_2515, %dma_wait3A_2530] : memref<10x128xi32, #tpu.memory_space<vmem>> -> memref<1x128xi32, #tpu.memory_space<vmem>>
        %dma_wait3A_2532 = tpu.memref_squeeze %dma_wait3A_2531 : memref<1x128xi32, #tpu.memory_space<vmem>> -> memref<128xi32, #tpu.memory_space<vmem>>
        %dma_wait3A_2533 = arith.constant 0 : i32
        %dma_wait3A_2534 = arith.constant 0 : i32
        %dma_wait3A_2535 = tpu.memref_slice %arg14[%dma_wait3A_2533, %dma_wait3A_2534] : memref<50304x16xf32, #tpu.memory_space<vmem_shared>> -> memref<50304x16xf32, #tpu.memory_space<vmem_shared>>
        tpu.wait_indirect_dma semaphore(%run_scoped3A_2517 : memref<!tpu.dma_semaphore, #tpu.memory_space<semaphore_mem>>) src(%dma_wait3A_2529 : memref<128x16xf32, #tpu.memory_space<vmem>>) dst(%dma_wait3A_2535 : memref<50304x16xf32, #tpu.memory_space<vmem_shared>>)
        tpu.yield
      }) : () -> ()
      %run_scoped3A_2516 = arith.constant 9 : i32
      "tpu.region"() ({
        %run_scoped3A_2517 = tpu.sem_alloc : memref<!tpu.dma_semaphore, #tpu.memory_space<semaphore_mem>>
        %dma_start3A_2518 = arith.constant 1152 : i32
        %dma_start3A_2519 = arith.constant 0 : i32
        %dma_start3A_2520 = tpu.memref_slice %arg13[%dma_start3A_2518, %dma_start3A_2519] : memref<1280x16xf32, #tpu.memory_space<vmem>> -> memref<128x16xf32, #tpu.memory_space<vmem>>
        %dma_start3A_2521 = arith.constant 0 : i32
        %dma_start3A_2522 = tpu.memref_slice %arg10[%run_scoped3A_2516, %dma_start3A_2521] : memref<10x128xi32, #tpu.memory_space<vmem>> -> memref<1x128xi32, #tpu.memory_space<vmem>>
        %dma_start3A_2523 = tpu.memref_squeeze %dma_start3A_2522 : memref<1x128xi32, #tpu.memory_space<vmem>> -> memref<128xi32, #tpu.memory_space<vmem>>
        %dma_start3A_2524 = arith.constant 0 : i32
        %dma_start3A_2525 = arith.constant 0 : i32
        %dma_start3A_2526 = tpu.memref_slice %arg14[%dma_start3A_2524, %dma_start3A_2525] : memref<50304x16xf32, #tpu.memory_space<vmem_shared>> -> memref<50304x16xf32, #tpu.memory_space<vmem_shared>>
        tpu.enqueue_indirect_dma source(%dma_start3A_2520 : memref<128x16xf32, #tpu.memory_space<vmem>>) target(%dma_start3A_2526 : memref<50304x16xf32, #tpu.memory_space<vmem_shared>>) offsets(%dma_start3A_2523 : memref<128xi32, #tpu.memory_space<vmem>>) semaphore(%run_scoped3A_2517 : memref<!tpu.dma_semaphore, #tpu.memory_space<semaphore_mem>>) {add = true}
        %dma_wait3A_2527 = arith.constant 1152 : i32
        %dma_wait3A_2528 = arith.constant 0 : i32
        %dma_wait3A_2529 = tpu.memref_slice %arg13[%dma_wait3A_2527, %dma_wait3A_2528] : memref<1280x16xf32, #tpu.memory_space<vmem>> -> memref<128x16xf32, #tpu.memory_space<vmem>>
        %dma_wait3A_2530 = arith.constant 0 : i32
        %dma_wait3A_2531 = tpu.memref_slice %arg10[%run_scoped3A_2516, %dma_wait3A_2530] : memref<10x128xi32, #tpu.memory_space<vmem>> -> memref<1x128xi32, #tpu.memory_space<vmem>>
        %dma_wait3A_2532 = tpu.memref_squeeze %dma_wait3A_2531 : memref<1x128xi32, #tpu.memory_space<vmem>> -> memref<128xi32, #tpu.memory_space<vmem>>
        %dma_wait3A_2533 = arith.constant 0 : i32
        %dma_wait3A_2534 = arith.constant 0 : i32
        %dma_wait3A_2535 = tpu.memref_slice %arg14[%dma_wait3A_2533, %dma_wait3A_2534] : memref<50304x16xf32, #tpu.memory_space<vmem_shared>> -> memref<50304x16xf32, #tpu.memory_space<vmem_shared>>
        tpu.wait_indirect_dma semaphore(%run_scoped3A_2517 : memref<!tpu.dma_semaphore, #tpu.memory_space<semaphore_mem>>) src(%dma_wait3A_2529 : memref<128x16xf32, #tpu.memory_space<vmem>>) dst(%dma_wait3A_2535 : memref<50304x16xf32, #tpu.memory_space<vmem_shared>>)
        tpu.yield
      }) : () -> ()
    }
    %scan3A_13 = arith.constant 80 : i32
    %barrier3A_14 = arith.constant 0 : index
    tpu.barrier barrier_id(%barrier3A_14)
    %scan3A_15 = arith.constant 0 : i32
    %scan3A_16 = arith.constant 8 : i32
    %scan3A_17 = arith.addi %scan3A_15, %scan3A_16 : i32
    %scan3A_18 = arith.constant 1 : i32
    scf.for %scan3A_20 = %scan3A_15 to %scan3A_17 step %scan3A_18  : i32 {
      %mul3A_21 = arith.constant 1 : i32
      %mul3A_22 = arith.muli %scan3A_20, %mul3A_21 : i32
      %add3A_23 = arith.constant 0 : i32
      %add3A_24 = arith.addi %add3A_23, %mul3A_22 : i32
      %mul3A_25 = arith.constant 3136 : i32
      %mul3A_26 = arith.muli %arg1, %mul3A_25 : i32
      %mul3A_27 = arith.constant 392 : i32
      %mul3A_28 = arith.muli %add3A_24, %mul3A_27 : i32
      %add3A_29 = arith.addi %mul3A_26, %mul3A_28 : i32
      "tpu.region"() ({
        %run_scoped3A = tpu.sem_alloc : memref<!tpu.dma_semaphore, #tpu.memory_space<semaphore_mem>>
        %dma_start3A = arith.constant 0 : i32
        %dma_start3A_30 = arith.constant 0 : i32
        %dma_start3A_31 = tpu.memref_slice %arg7[%arg0, %dma_start3A, %dma_start3A_30] : memref<2x50176x16xf32, #tpu.memory_space<hbm>> -> memref<1x50176x16xf32, #tpu.memory_space<hbm>>
        %dma_start3A_32 = tpu.memref_squeeze %dma_start3A_31 : memref<1x50176x16xf32, #tpu.memory_space<hbm>> -> memref<50176x16xf32, #tpu.memory_space<hbm>>
        %dma_start3A_33 = arith.constant 0 : i32
        %dma_start3A_34 = tpu.memref_slice %dma_start3A_32[%add3A_29, %dma_start3A_33] : memref<50176x16xf32, #tpu.memory_space<hbm>> -> memref<392x16xf32, #tpu.memory_space<hbm>>
        %dma_start3A_35 = arith.constant 0 : i32
        %dma_start3A_36 = tpu.memref_slice %arg14[%add3A_29, %dma_start3A_35] : memref<50304x16xf32, #tpu.memory_space<vmem_shared>> -> memref<392x16xf32, #tpu.memory_space<vmem_shared>>
        tpu.enqueue_dma source(%dma_start3A_36 : memref<392x16xf32, #tpu.memory_space<vmem_shared>>) target(%dma_start3A_34 : memref<392x16xf32, #tpu.memory_space<hbm>>) target_semaphore(%run_scoped3A : memref<!tpu.dma_semaphore, #tpu.memory_space<semaphore_mem>>)
        %dma_wait3A = arith.constant 0 : i32
        %dma_wait3A_37 = arith.constant 0 : i32
        %dma_wait3A_38 = tpu.memref_slice %arg7[%arg0, %dma_wait3A, %dma_wait3A_37] : memref<2x50176x16xf32, #tpu.memory_space<hbm>> -> memref<1x50176x16xf32, #tpu.memory_space<hbm>>
        %dma_wait3A_39 = tpu.memref_squeeze %dma_wait3A_38 : memref<1x50176x16xf32, #tpu.memory_space<hbm>> -> memref<50176x16xf32, #tpu.memory_space<hbm>>
        %dma_wait3A_40 = arith.constant 0 : i32
        %dma_wait3A_41 = tpu.memref_slice %dma_wait3A_39[%add3A_29, %dma_wait3A_40] : memref<50176x16xf32, #tpu.memory_space<hbm>> -> memref<392x16xf32, #tpu.memory_space<hbm>>
        %dma_wait3A_42 = arith.constant 0 : i32
        %dma_wait3A_43 = tpu.memref_slice %arg14[%add3A_29, %dma_wait3A_42] : memref<50304x16xf32, #tpu.memory_space<vmem_shared>> -> memref<392x16xf32, #tpu.memory_space<vmem_shared>>
        tpu.wait_dma2 semaphore(%run_scoped3A : memref<!tpu.dma_semaphore, #tpu.memory_space<semaphore_mem>>) src(%dma_wait3A_43 : memref<392x16xf32, #tpu.memory_space<vmem_shared>>) dst(%dma_wait3A_41 : memref<392x16xf32, #tpu.memory_space<hbm>>)
        tpu.yield
      }) : () -> ()
    }
    %scan3A_19 = arith.constant 8 : i32
    return
  }
}

module attributes {stable_mosaic.version = 14 : i64} {
  func.func @_prep_body(%arg0: i32, %arg1: memref<5000x3xf32, #tpu.memory_space<vmem>>, %arg2: memref<3x8xf32, #tpu.memory_space<vmem>>, %arg3: memref<3x4xf32, #tpu.memory_space<vmem>>, %arg4: memref<5000x8xf32, #tpu.memory_space<vmem>>, %arg5: memref<5000x4xf32, #tpu.memory_space<vmem>>) attributes {dimension_semantics = [#tpu.dimension_semantics<arbitrary>], iteration_bounds = array<i64: 20>, scalar_prefetch = 0 : i64, scratch_operands = 0 : i64, tpu.core_type = #tpu.core_type<tc>, window_params = [{transform_indices = @transform_0, window_bounds = array<i64: 5000, 3>}, {pipeline_mode = #tpu.pipeline_mode<synchronous>, transform_indices = @transform_1, window_bounds = array<i64: 3, 8>}, {pipeline_mode = #tpu.pipeline_mode<synchronous>, transform_indices = @transform_2, window_bounds = array<i64: 3, 4>}, {transform_indices = @transform_3, window_bounds = array<i64: 5000, 8>}, {transform_indices = @transform_4, window_bounds = array<i64: 5000, 4>}]} {
    %get3A = arith.constant 0 : index
    %get3A_0 = arith.constant 0 : index
    %get3A_1 = vector.load %arg1[%get3A, %get3A_0] : memref<5000x3xf32, #tpu.memory_space<vmem>>, vector<5000x3xf32>
    %get3A_2 = arith.constant 0 : index
    %get3A_3 = arith.constant 0 : index
    %get3A_4 = vector.load %arg2[%get3A_2, %get3A_3] : memref<3x8xf32, #tpu.memory_space<vmem>>, vector<3x8xf32>
    %dot_general3A = arith.constant dense<0.000000e+00> : vector<5000x8xf32>
    %dot_general3A_5 = tpu.matmul %get3A_1, %get3A_4, %dot_general3A {dimension_numbers = #tpu.dot_dimension_numbers<[1], [0], [0], [1], [0, 0, 1, 1], [], []>, transpose_lhs_hint = false} : vector<5000x3xf32>, vector<3x8xf32>, vector<5000x8xf32> -> vector<5000x8xf32>
    %swap3A = arith.constant 0 : index
    %swap3A_6 = arith.constant 0 : index
    %swap3A_7 = vector.load %arg4[%swap3A, %swap3A_6] : memref<5000x8xf32, #tpu.memory_space<vmem>>, vector<5000x8xf32>
    tpu.vector_store %arg4[%swap3A, %swap3A_6], %dot_general3A_5 {strides = array<i32>} : memref<5000x8xf32, #tpu.memory_space<vmem>>, vector<5000x8xf32>,
    %get3A_8 = arith.constant 0 : index
    %get3A_9 = arith.constant 0 : index
    %get3A_10 = vector.load %arg3[%get3A_8, %get3A_9] : memref<3x4xf32, #tpu.memory_space<vmem>>, vector<3x4xf32>
    %dot_general3A_11 = arith.constant dense<0.000000e+00> : vector<5000x4xf32>
    %dot_general3A_12 = tpu.matmul %get3A_1, %get3A_10, %dot_general3A_11 {dimension_numbers = #tpu.dot_dimension_numbers<[1], [0], [0], [1], [0, 0, 1, 1], [], []>, transpose_lhs_hint = false} : vector<5000x3xf32>, vector<3x4xf32>, vector<5000x4xf32> -> vector<5000x4xf32>
    %swap3A_13 = arith.constant 0 : index
    %swap3A_14 = arith.constant 0 : index
    %swap3A_15 = vector.load %arg5[%swap3A_13, %swap3A_14] : memref<5000x4xf32, #tpu.memory_space<vmem>>, vector<5000x4xf32>
    tpu.vector_store %arg5[%swap3A_13, %swap3A_14], %dot_general3A_12 {strides = array<i32>} : memref<5000x4xf32, #tpu.memory_space<vmem>>, vector<5000x4xf32>,
    return
  }
  func.func @transform_0(%arg0: i32) -> (i32, i32) {
    %c0_i32 = arith.constant 0 : i32
    %c0_i32_0 = arith.constant 0 : i32
    return %arg0, %c0_i32 : i32, i32
  }
  func.func @transform_1(%arg0: i32) -> (i32, i32) {
    %c0_i32 = arith.constant 0 : i32
    %c0_i32_0 = arith.constant 0 : i32
    %c0_i32_1 = arith.constant 0 : i32
    return %c0_i32, %c0_i32_0 : i32, i32
  }
  func.func @transform_2(%arg0: i32) -> (i32, i32) {
    %c0_i32 = arith.constant 0 : i32
    %c0_i32_0 = arith.constant 0 : i32
    %c0_i32_1 = arith.constant 0 : i32
    return %c0_i32, %c0_i32_0 : i32, i32
  }
  func.func @transform_3(%arg0: i32) -> (i32, i32) {
    %c0_i32 = arith.constant 0 : i32
    %c0_i32_0 = arith.constant 0 : i32
    return %arg0, %c0_i32 : i32, i32
  }
  func.func @transform_4(%arg0: i32) -> (i32, i32) {
    %c0_i32 = arith.constant 0 : i32
    %c0_i32_0 = arith.constant 0 : i32
    return %arg0, %c0_i32 : i32, i32
  }
}

module attributes {stable_mosaic.version = 14 : i64} {
  func.func @_final_body(%arg0: i32, %arg1: memref<5000x16xf32, #tpu.memory_space<vmem>>, %arg2: memref<5000x8xf32, #tpu.memory_space<vmem>>, %arg3: memref<5000x4xf32, #tpu.memory_space<vmem>>, %arg4: memref<1x32xf32, #tpu.memory_space<vmem>>, %arg5: memref<16x32xf32, #tpu.memory_space<vmem>>, %arg6: memref<8x4xf32, #tpu.memory_space<vmem>>, %arg7: memref<16x4xf32, #tpu.memory_space<vmem>>, %arg8: memref<4x16xf32, #tpu.memory_space<vmem>>, %arg9: memref<8x16xf32, #tpu.memory_space<vmem>>, %arg10: memref<8x64xf32, #tpu.memory_space<vmem>>, %arg11: memref<32x64xf32, #tpu.memory_space<vmem>>, %arg12: memref<64x64xf32, #tpu.memory_space<vmem>>, %arg13: memref<64x64xf32, #tpu.memory_space<vmem>>, %arg14: memref<64x64xf32, #tpu.memory_space<vmem>>, %arg15: memref<64x11xf32, #tpu.memory_space<vmem>>, %arg16: memref<1x64xf32, #tpu.memory_space<vmem>>, %arg17: memref<1x64xf32, #tpu.memory_space<vmem>>, %arg18: memref<1x64xf32, #tpu.memory_space<vmem>>, %arg19: memref<1x64xf32, #tpu.memory_space<vmem>>, %arg20: memref<1x11xf32, #tpu.memory_space<vmem>>, %arg21: memref<5000x8xf32, #tpu.memory_space<vmem>>, %arg22: memref<5000x3xf32, #tpu.memory_space<vmem>>) attributes {dimension_semantics = [#tpu.dimension_semantics<arbitrary>], iteration_bounds = array<i64: 20>, scalar_prefetch = 0 : i64, scratch_operands = 0 : i64, tpu.core_type = #tpu.core_type<tc>, window_params = [{transform_indices = @transform_0, window_bounds = array<i64: 5000, 16>}, {transform_indices = @transform_1, window_bounds = array<i64: 5000, 8>}, {transform_indices = @transform_2, window_bounds = array<i64: 5000, 4>}, {pipeline_mode = #tpu.pipeline_mode<synchronous>, transform_indices = @transform_3, window_bounds = array<i64: 1, 32>}, {pipeline_mode = #tpu.pipeline_mode<synchronous>, transform_indices = @transform_4, window_bounds = array<i64: 16, 32>}, {pipeline_mode = #tpu.pipeline_mode<synchronous>, transform_indices = @transform_5, window_bounds = array<i64: 8, 4>}, {pipeline_mode = #tpu.pipeline_mode<synchronous>, transform_indices = @transform_6, window_bounds = array<i64: 16, 4>}, {pipeline_mode = #tpu.pipeline_mode<synchronous>, transform_indices = @transform_7, window_bounds = array<i64: 4, 16>}, {pipeline_mode = #tpu.pipeline_mode<synchronous>, transform_indices = @transform_8, window_bounds = array<i64: 8, 16>}, {pipeline_mode = #tpu.pipeline_mode<synchronous>, transform_indices = @transform_9, window_bounds = array<i64: 8, 64>}, {pipeline_mode = #tpu.pipeline_mode<synchronous>, transform_indices = @transform_10, window_bounds = array<i64: 32, 64>}, {pipeline_mode = #tpu.pipeline_mode<synchronous>, transform_indices = @transform_11, window_bounds = array<i64: 64, 64>}, {pipeline_mode = #tpu.pipeline_mode<synchronous>, transform_indices = @transform_12, window_bounds = array<i64: 64, 64>}, {pipeline_mode = #tpu.pipeline_mode<synchronous>, transform_indices = @transform_13, window_bounds = array<i64: 64, 64>}, {pipeline_mode = #tpu.pipeline_mode<synchronous>, transform_indices = @transform_14, window_bounds = array<i64: 64, 11>}, {pipeline_mode = #tpu.pipeline_mode<synchronous>, transform_indices = @transform_15, window_bounds = array<i64: 1, 64>}, {pipeline_mode = #tpu.pipeline_mode<synchronous>, transform_indices = @transform_16, window_bounds = array<i64: 1, 64>}, {pipeline_mode = #tpu.pipeline_mode<synchronous>, transform_indices = @transform_17, window_bounds = array<i64: 1, 64>}, {pipeline_mode = #tpu.pipeline_mode<synchronous>, transform_indices = @transform_18, window_bounds = array<i64: 1, 64>}, {pipeline_mode = #tpu.pipeline_mode<synchronous>, transform_indices = @transform_19, window_bounds = array<i64: 1, 11>}, {transform_indices = @transform_20, window_bounds = array<i64: 5000, 8>}, {transform_indices = @transform_21, window_bounds = array<i64: 5000, 3>}]} {
    %get3A = arith.constant 0 : index
    %get3A_0 = arith.constant 0 : index
    %get3A_1 = vector.load %arg1[%get3A, %get3A_0] : memref<5000x16xf32, #tpu.memory_space<vmem>>, vector<5000x16xf32>
    %get3A_2 = arith.constant 0 : index
    %get3A_3 = arith.constant 0 : index
    %get3A_4 = vector.load %arg2[%get3A_2, %get3A_3] : memref<5000x8xf32, #tpu.memory_space<vmem>>, vector<5000x8xf32>
    %get3A_5 = arith.constant 0 : index
    %get3A_6 = arith.constant 0 : index
    %get3A_7 = vector.load %arg6[%get3A_5, %get3A_6] : memref<8x4xf32, #tpu.memory_space<vmem>>, vector<8x4xf32>
    %dot_general3A = arith.constant dense<0.000000e+00> : vector<5000x4xf32>
    %dot_general3A_8 = tpu.matmul %get3A_4, %get3A_7, %dot_general3A {dimension_numbers = #tpu.dot_dimension_numbers<[1], [0], [0], [1], [0, 0, 1, 1], [], []>, transpose_lhs_hint = false} : vector<5000x8xf32>, vector<8x4xf32>, vector<5000x4xf32> -> vector<5000x4xf32>
    %get3A_9 = arith.constant 0 : index
    %get3A_10 = arith.constant 0 : index
    %get3A_11 = vector.load %arg3[%get3A_9, %get3A_10] : memref<5000x4xf32, #tpu.memory_space<vmem>>, vector<5000x4xf32>
    %add3A = arith.addf %dot_general3A_8, %get3A_11 : vector<5000x4xf32>
    %ge3A = arith.constant 0.000000e+00 : f32
    %ge3A_12 = vector.broadcast %ge3A : f32 to vector<5000x4xf32>
    %ge3A_13 = arith.cmpf oge, %add3A, %ge3A_12 : vector<5000x4xf32>
    %mul3A = arith.constant 2.000000e-01 : f32
    %mul3A_14 = vector.broadcast %mul3A : f32 to vector<5000x4xf32>
    %mul3A_15 = arith.mulf %mul3A_14, %add3A : vector<5000x4xf32>
    %select_n3A = arith.select %ge3A_13, %add3A, %mul3A_15 : vector<5000x4xi1>, vector<5000x4xf32>
    %exp3A = math.exp %select_n3A : vector<5000x4xf32>
    %get3A_16 = arith.constant 0 : index
    %get3A_17 = arith.constant 0 : index
    %get3A_18 = vector.load %arg7[%get3A_16, %get3A_17] : memref<16x4xf32, #tpu.memory_space<vmem>>, vector<16x4xf32>
    %dot_general3A_19 = arith.constant dense<0.000000e+00> : vector<5000x4xf32>
    %dot_general3A_20 = tpu.matmul %get3A_1, %get3A_18, %dot_general3A_19 {dimension_numbers = #tpu.dot_dimension_numbers<[1], [0], [0], [1], [0, 0, 1, 1], [], []>, transpose_lhs_hint = false} : vector<5000x16xf32>, vector<16x4xf32>, vector<5000x4xf32> -> vector<5000x4xf32>
    %add3A_21 = arith.addf %dot_general3A_20, %exp3A : vector<5000x4xf32>
    %add3A_22 = arith.constant 1.000000e-16 : f32
    %add3A_23 = vector.broadcast %add3A_22 : f32 to vector<5000x4xf32>
    %add3A_24 = arith.addf %add3A_21, %add3A_23 : vector<5000x4xf32>
    %div3A = arith.constant 1.000000e+00 : f32
    %div3A_25 = vector.broadcast %div3A : f32 to vector<5000x4xf32>
    %div3A_26 = arith.divf %div3A_25, %add3A_24 : vector<5000x4xf32>
    %get3A_27 = arith.constant 0 : index
    %get3A_28 = arith.constant 0 : index
    %get3A_29 = vector.load %arg8[%get3A_27, %get3A_28] : memref<4x16xf32, #tpu.memory_space<vmem>>, vector<4x16xf32>
    %dot_general3A_30 = arith.constant dense<0.000000e+00> : vector<5000x16xf32>
    %dot_general3A_31 = tpu.matmul %exp3A, %get3A_29, %dot_general3A_30 {dimension_numbers = #tpu.dot_dimension_numbers<[1], [0], [0], [1], [0, 0, 1, 1], [], []>, transpose_lhs_hint = false} : vector<5000x4xf32>, vector<4x16xf32>, vector<5000x16xf32> -> vector<5000x16xf32>
    %get3A_32 = arith.constant 0 : index
    %get3A_33 = arith.constant 0 : index
    %get3A_34 = vector.load %arg9[%get3A_32, %get3A_33] : memref<8x16xf32, #tpu.memory_space<vmem>>, vector<8x16xf32>
    %dot_general3A_35 = arith.constant dense<0.000000e+00> : vector<5000x16xf32>
    %dot_general3A_36 = tpu.matmul %get3A_4, %get3A_34, %dot_general3A_35 {dimension_numbers = #tpu.dot_dimension_numbers<[1], [0], [0], [1], [0, 0, 1, 1], [], []>, transpose_lhs_hint = false} : vector<5000x8xf32>, vector<8x16xf32>, vector<5000x16xf32> -> vector<5000x16xf32>
    %mul3A_37 = arith.mulf %dot_general3A_31, %dot_general3A_36 : vector<5000x16xf32>
    %add3A_38 = arith.addf %get3A_1, %mul3A_37 : vector<5000x16xf32>
    %get3A_39 = arith.constant 0 : index
    %get3A_40 = arith.constant 0 : index
    %get3A_41 = vector.load %arg8[%get3A_39, %get3A_40] : memref<4x16xf32, #tpu.memory_space<vmem>>, vector<4x16xf32>
    %dot_general3A_42 = arith.constant dense<0.000000e+00> : vector<5000x16xf32>
    %dot_general3A_43 = tpu.matmul %div3A_26, %get3A_41, %dot_general3A_42 {dimension_numbers = #tpu.dot_dimension_numbers<[1], [0], [0], [1], [0, 0, 1, 1], [], []>, transpose_lhs_hint = false} : vector<5000x4xf32>, vector<4x16xf32>, vector<5000x16xf32> -> vector<5000x16xf32>
    %mul3A_44 = arith.mulf %add3A_38, %dot_general3A_43 : vector<5000x16xf32>
    %get3A_45 = arith.constant 0 : index
    %get3A_46 = arith.constant 0 : index
    %get3A_47 = vector.load %arg5[%get3A_45, %get3A_46] : memref<16x32xf32, #tpu.memory_space<vmem>>, vector<16x32xf32>
    %dot_general3A_48 = arith.constant dense<0.000000e+00> : vector<5000x32xf32>
    %dot_general3A_49 = tpu.matmul %mul3A_44, %get3A_47, %dot_general3A_48 {dimension_numbers = #tpu.dot_dimension_numbers<[1], [0], [0], [1], [0, 0, 1, 1], [], []>, transpose_lhs_hint = false} : vector<5000x16xf32>, vector<16x32xf32>, vector<5000x32xf32> -> vector<5000x32xf32>
    %get3A_50 = arith.constant 0 : index
    %get3A_51 = arith.constant 0 : index
    %get3A_52 = vector.load %arg4[%get3A_50, %get3A_51] : memref<1x32xf32, #tpu.memory_space<vmem>>, vector<1x32xf32>
    %add3A_53 = vector.broadcast %get3A_52 : vector<1x32xf32> to vector<5000x32xf32>
    %add3A_54 = arith.addf %dot_general3A_49, %add3A_53 : vector<5000x32xf32>
    %ge3A_55 = arith.constant 0.000000e+00 : f32
    %ge3A_56 = vector.broadcast %ge3A_55 : f32 to vector<5000x32xf32>
    %ge3A_57 = arith.cmpf oge, %add3A_54, %ge3A_56 : vector<5000x32xf32>
    %mul3A_58 = arith.constant 0.00999999977 : f32
    %mul3A_59 = vector.broadcast %mul3A_58 : f32 to vector<5000x32xf32>
    %mul3A_60 = arith.mulf %mul3A_59, %add3A_54 : vector<5000x32xf32>
    %select_n3A_61 = arith.select %ge3A_57, %add3A_54, %mul3A_60 : vector<5000x32xi1>, vector<5000x32xf32>
    %get3A_62 = arith.constant 0 : index
    %get3A_63 = arith.constant 0 : index
    %get3A_64 = vector.load %arg10[%get3A_62, %get3A_63] : memref<8x64xf32, #tpu.memory_space<vmem>>, vector<8x64xf32>
    %dot_general3A_65 = arith.constant dense<0.000000e+00> : vector<5000x64xf32>
    %dot_general3A_66 = tpu.matmul %get3A_4, %get3A_64, %dot_general3A_65 {dimension_numbers = #tpu.dot_dimension_numbers<[1], [0], [0], [1], [0, 0, 1, 1], [], []>, transpose_lhs_hint = false} : vector<5000x8xf32>, vector<8x64xf32>, vector<5000x64xf32> -> vector<5000x64xf32>
    %get3A_67 = arith.constant 0 : index
    %get3A_68 = arith.constant 0 : index
    %get3A_69 = vector.load %arg11[%get3A_67, %get3A_68] : memref<32x64xf32, #tpu.memory_space<vmem>>, vector<32x64xf32>
    %dot_general3A_70 = arith.constant dense<0.000000e+00> : vector<5000x64xf32>
    %dot_general3A_71 = tpu.matmul %select_n3A_61, %get3A_69, %dot_general3A_70 {dimension_numbers = #tpu.dot_dimension_numbers<[1], [0], [0], [1], [0, 0, 1, 1], [], []>, transpose_lhs_hint = false} : vector<5000x32xf32>, vector<32x64xf32>, vector<5000x64xf32> -> vector<5000x64xf32>
    %add3A_72 = arith.addf %dot_general3A_66, %dot_general3A_71 : vector<5000x64xf32>
    %get3A_73 = arith.constant 0 : index
    %get3A_74 = arith.constant 0 : index
    %get3A_75 = vector.load %arg16[%get3A_73, %get3A_74] : memref<1x64xf32, #tpu.memory_space<vmem>>, vector<1x64xf32>
    %add3A_76 = vector.broadcast %get3A_75 : vector<1x64xf32> to vector<5000x64xf32>
    %add3A_77 = arith.addf %add3A_72, %add3A_76 : vector<5000x64xf32>
    %ge3A_78 = arith.constant 0.000000e+00 : f32
    %ge3A_79 = vector.broadcast %ge3A_78 : f32 to vector<5000x64xf32>
    %ge3A_80 = arith.cmpf oge, %add3A_77, %ge3A_79 : vector<5000x64xf32>
    %mul3A_81 = arith.constant 0.00999999977 : f32
    %mul3A_82 = vector.broadcast %mul3A_81 : f32 to vector<5000x64xf32>
    %mul3A_83 = arith.mulf %mul3A_82, %add3A_77 : vector<5000x64xf32>
    %select_n3A_84 = arith.select %ge3A_80, %add3A_77, %mul3A_83 : vector<5000x64xi1>, vector<5000x64xf32>
    %get3A_85 = arith.constant 0 : index
    %get3A_86 = arith.constant 0 : index
    %get3A_87 = vector.load %arg12[%get3A_85, %get3A_86] : memref<64x64xf32, #tpu.memory_space<vmem>>, vector<64x64xf32>
    %dot_general3A_88 = arith.constant dense<0.000000e+00> : vector<5000x64xf32>
    %dot_general3A_89 = tpu.matmul %select_n3A_84, %get3A_87, %dot_general3A_88 {dimension_numbers = #tpu.dot_dimension_numbers<[1], [0], [0], [1], [0, 0, 1, 1], [], []>, transpose_lhs_hint = false} : vector<5000x64xf32>, vector<64x64xf32>, vector<5000x64xf32> -> vector<5000x64xf32>
    %get3A_90 = arith.constant 0 : index
    %get3A_91 = arith.constant 0 : index
    %get3A_92 = vector.load %arg17[%get3A_90, %get3A_91] : memref<1x64xf32, #tpu.memory_space<vmem>>, vector<1x64xf32>
    %add3A_93 = vector.broadcast %get3A_92 : vector<1x64xf32> to vector<5000x64xf32>
    %add3A_94 = arith.addf %dot_general3A_89, %add3A_93 : vector<5000x64xf32>
    %ge3A_95 = arith.constant 0.000000e+00 : f32
    %ge3A_96 = vector.broadcast %ge3A_95 : f32 to vector<5000x64xf32>
    %ge3A_97 = arith.cmpf oge, %add3A_94, %ge3A_96 : vector<5000x64xf32>
    %mul3A_98 = arith.constant 0.00999999977 : f32
    %mul3A_99 = vector.broadcast %mul3A_98 : f32 to vector<5000x64xf32>
    %mul3A_100 = arith.mulf %mul3A_99, %add3A_94 : vector<5000x64xf32>
    %select_n3A_101 = arith.select %ge3A_97, %add3A_94, %mul3A_100 : vector<5000x64xi1>, vector<5000x64xf32>
    %get3A_102 = arith.constant 0 : index
    %get3A_103 = arith.constant 0 : index
    %get3A_104 = vector.load %arg13[%get3A_102, %get3A_103] : memref<64x64xf32, #tpu.memory_space<vmem>>, vector<64x64xf32>
    %dot_general3A_105 = arith.constant dense<0.000000e+00> : vector<5000x64xf32>
    %dot_general3A_106 = tpu.matmul %select_n3A_101, %get3A_104, %dot_general3A_105 {dimension_numbers = #tpu.dot_dimension_numbers<[1], [0], [0], [1], [0, 0, 1, 1], [], []>, transpose_lhs_hint = false} : vector<5000x64xf32>, vector<64x64xf32>, vector<5000x64xf32> -> vector<5000x64xf32>
    %get3A_107 = arith.constant 0 : index
    %get3A_108 = arith.constant 0 : index
    %get3A_109 = vector.load %arg18[%get3A_107, %get3A_108] : memref<1x64xf32, #tpu.memory_space<vmem>>, vector<1x64xf32>
    %add3A_110 = vector.broadcast %get3A_109 : vector<1x64xf32> to vector<5000x64xf32>
    %add3A_111 = arith.addf %dot_general3A_106, %add3A_110 : vector<5000x64xf32>
    %ge3A_112 = arith.constant 0.000000e+00 : f32
    %ge3A_113 = vector.broadcast %ge3A_112 : f32 to vector<5000x64xf32>
    %ge3A_114 = arith.cmpf oge, %add3A_111, %ge3A_113 : vector<5000x64xf32>
    %mul3A_115 = arith.constant 0.00999999977 : f32
    %mul3A_116 = vector.broadcast %mul3A_115 : f32 to vector<5000x64xf32>
    %mul3A_117 = arith.mulf %mul3A_116, %add3A_111 : vector<5000x64xf32>
    %select_n3A_118 = arith.select %ge3A_114, %add3A_111, %mul3A_117 : vector<5000x64xi1>, vector<5000x64xf32>
    %get3A_119 = arith.constant 0 : index
    %get3A_120 = arith.constant 0 : index
    %get3A_121 = vector.load %arg14[%get3A_119, %get3A_120] : memref<64x64xf32, #tpu.memory_space<vmem>>, vector<64x64xf32>
    %dot_general3A_122 = arith.constant dense<0.000000e+00> : vector<5000x64xf32>
    %dot_general3A_123 = tpu.matmul %select_n3A_118, %get3A_121, %dot_general3A_122 {dimension_numbers = #tpu.dot_dimension_numbers<[1], [0], [0], [1], [0, 0, 1, 1], [], []>, transpose_lhs_hint = false} : vector<5000x64xf32>, vector<64x64xf32>, vector<5000x64xf32> -> vector<5000x64xf32>
    %get3A_124 = arith.constant 0 : index
    %get3A_125 = arith.constant 0 : index
    %get3A_126 = vector.load %arg19[%get3A_124, %get3A_125] : memref<1x64xf32, #tpu.memory_space<vmem>>, vector<1x64xf32>
    %add3A_127 = vector.broadcast %get3A_126 : vector<1x64xf32> to vector<5000x64xf32>
    %add3A_128 = arith.addf %dot_general3A_123, %add3A_127 : vector<5000x64xf32>
    %ge3A_129 = arith.constant 0.000000e+00 : f32
    %ge3A_130 = vector.broadcast %ge3A_129 : f32 to vector<5000x64xf32>
    %ge3A_131 = arith.cmpf oge, %add3A_128, %ge3A_130 : vector<5000x64xf32>
    %mul3A_132 = arith.constant 0.00999999977 : f32
    %mul3A_133 = vector.broadcast %mul3A_132 : f32 to vector<5000x64xf32>
    %mul3A_134 = arith.mulf %mul3A_133, %add3A_128 : vector<5000x64xf32>
    %select_n3A_135 = arith.select %ge3A_131, %add3A_128, %mul3A_134 : vector<5000x64xi1>, vector<5000x64xf32>
    %get3A_136 = arith.constant 0 : index
    %get3A_137 = arith.constant 0 : index
    %get3A_138 = vector.load %arg15[%get3A_136, %get3A_137] : memref<64x11xf32, #tpu.memory_space<vmem>>, vector<64x11xf32>
    %dot_general3A_139 = arith.constant dense<0.000000e+00> : vector<5000x11xf32>
    %dot_general3A_140 = tpu.matmul %select_n3A_135, %get3A_138, %dot_general3A_139 {dimension_numbers = #tpu.dot_dimension_numbers<[1], [0], [0], [1], [0, 0, 1, 1], [], []>, transpose_lhs_hint = false} : vector<5000x64xf32>, vector<64x11xf32>, vector<5000x11xf32> -> vector<5000x11xf32>
    %get3A_141 = arith.constant 0 : index
    %get3A_142 = arith.constant 0 : index
    %get3A_143 = vector.load %arg20[%get3A_141, %get3A_142] : memref<1x11xf32, #tpu.memory_space<vmem>>, vector<1x11xf32>
    %add3A_144 = vector.broadcast %get3A_143 : vector<1x11xf32> to vector<5000x11xf32>
    %add3A_145 = arith.addf %dot_general3A_140, %add3A_144 : vector<5000x11xf32>
    %slice3A = vector.extract_strided_slice %add3A_145 {offsets = [0, 0], sizes = [5000, 8], strides = [1, 1]} : vector<5000x11xf32> to vector<5000x8xf32>
    %swap3A = arith.constant 0 : index
    %swap3A_146 = arith.constant 0 : index
    %swap3A_147 = vector.load %arg21[%swap3A, %swap3A_146] : memref<5000x8xf32, #tpu.memory_space<vmem>>, vector<5000x8xf32>
    tpu.vector_store %arg21[%swap3A, %swap3A_146], %slice3A {strides = array<i32>} : memref<5000x8xf32, #tpu.memory_space<vmem>>, vector<5000x8xf32>,
    %slice3A_148 = vector.extract_strided_slice %add3A_145 {offsets = [0, 8], sizes = [5000, 3], strides = [1, 1]} : vector<5000x11xf32> to vector<5000x3xf32>
    %swap3A_149 = arith.constant 0 : index
    %swap3A_150 = arith.constant 0 : index
    %swap3A_151 = vector.load %arg22[%swap3A_149, %swap3A_150] : memref<5000x3xf32, #tpu.memory_space<vmem>>, vector<5000x3xf32>
    tpu.vector_store %arg22[%swap3A_149, %swap3A_150], %slice3A_148 {strides = array<i32>} : memref<5000x3xf32, #tpu.memory_space<vmem>>, vector<5000x3xf32>,
    return
  }
  func.func @transform_0(%arg0: i32) -> (i32, i32) {
    %c0_i32 = arith.constant 0 : i32
    %c0_i32_0 = arith.constant 0 : i32
    return %arg0, %c0_i32 : i32, i32
  }
  func.func @transform_1(%arg0: i32) -> (i32, i32) {
    %c0_i32 = arith.constant 0 : i32
    %c0_i32_0 = arith.constant 0 : i32
    return %arg0, %c0_i32 : i32, i32
  }
  func.func @transform_2(%arg0: i32) -> (i32, i32) {
    %c0_i32 = arith.constant 0 : i32
    %c0_i32_0 = arith.constant 0 : i32
    return %arg0, %c0_i32 : i32, i32
  }
  func.func @transform_3(%arg0: i32) -> (i32, i32) {
    %c0_i32 = arith.constant 0 : i32
    %c0_i32_0 = arith.constant 0 : i32
    %c0_i32_1 = arith.constant 0 : i32
    return %c0_i32, %c0_i32_0 : i32, i32
  }
  func.func @transform_4(%arg0: i32) -> (i32, i32) {
    %c0_i32 = arith.constant 0 : i32
    %c0_i32_0 = arith.constant 0 : i32
    %c0_i32_1 = arith.constant 0 : i32
    return %c0_i32, %c0_i32_0 : i32, i32
  }
  func.func @transform_5(%arg0: i32) -> (i32, i32) {
    %c0_i32 = arith.constant 0 : i32
    %c0_i32_0 = arith.constant 0 : i32
    %c0_i32_1 = arith.constant 0 : i32
    return %c0_i32, %c0_i32_0 : i32, i32
  }
  func.func @transform_6(%arg0: i32) -> (i32, i32) {
    %c0_i32 = arith.constant 0 : i32
    %c0_i32_0 = arith.constant 0 : i32
    %c0_i32_1 = arith.constant 0 : i32
    return %c0_i32, %c0_i32_0 : i32, i32
  }
  func.func @transform_7(%arg0: i32) -> (i32, i32) {
    %c0_i32 = arith.constant 0 : i32
    %c0_i32_0 = arith.constant 0 : i32
    %c0_i32_1 = arith.constant 0 : i32
    return %c0_i32, %c0_i32_0 : i32, i32
  }
  func.func @transform_8(%arg0: i32) -> (i32, i32) {
    %c0_i32 = arith.constant 0 : i32
    %c0_i32_0 = arith.constant 0 : i32
    %c0_i32_1 = arith.constant 0 : i32
    return %c0_i32, %c0_i32_0 : i32, i32
  }
  func.func @transform_9(%arg0: i32) -> (i32, i32) {
    %c0_i32 = arith.constant 0 : i32
    %c0_i32_0 = arith.constant 0 : i32
    %c0_i32_1 = arith.constant 0 : i32
    return %c0_i32, %c0_i32_0 : i32, i32
  }
  func.func @transform_10(%arg0: i32) -> (i32, i32) {
    %c0_i32 = arith.constant 0 : i32
    %c0_i32_0 = arith.constant 0 : i32
    %c0_i32_1 = arith.constant 0 : i32
    return %c0_i32, %c0_i32_0 : i32, i32
  }
  func.func @transform_11(%arg0: i32) -> (i32, i32) {
    %c0_i32 = arith.constant 0 : i32
    %c0_i32_0 = arith.constant 0 : i32
    %c0_i32_1 = arith.constant 0 : i32
    return %c0_i32, %c0_i32_0 : i32, i32
  }
  func.func @transform_12(%arg0: i32) -> (i32, i32) {
    %c0_i32 = arith.constant 0 : i32
    %c0_i32_0 = arith.constant 0 : i32
    %c0_i32_1 = arith.constant 0 : i32
    return %c0_i32, %c0_i32_0 : i32, i32
  }
  func.func @transform_13(%arg0: i32) -> (i32, i32) {
    %c0_i32 = arith.constant 0 : i32
    %c0_i32_0 = arith.constant 0 : i32
    %c0_i32_1 = arith.constant 0 : i32
    return %c0_i32, %c0_i32_0 : i32, i32
  }
  func.func @transform_14(%arg0: i32) -> (i32, i32) {
    %c0_i32 = arith.constant 0 : i32
    %c0_i32_0 = arith.constant 0 : i32
    %c0_i32_1 = arith.constant 0 : i32
    return %c0_i32, %c0_i32_0 : i32, i32
  }
  func.func @transform_15(%arg0: i32) -> (i32, i32) {
    %c0_i32 = arith.constant 0 : i32
    %c0_i32_0 = arith.constant 0 : i32
    %c0_i32_1 = arith.constant 0 : i32
    return %c0_i32, %c0_i32_0 : i32, i32
  }
  func.func @transform_16(%arg0: i32) -> (i32, i32) {
    %c0_i32 = arith.constant 0 : i32
    %c0_i32_0 = arith.constant 0 : i32
    %c0_i32_1 = arith.constant 0 : i32
    return %c0_i32, %c0_i32_0 : i32, i32
  }
  func.func @transform_17(%arg0: i32) -> (i32, i32) {
    %c0_i32 = arith.constant 0 : i32
    %c0_i32_0 = arith.constant 0 : i32
    %c0_i32_1 = arith.constant 0 : i32
    return %c0_i32, %c0_i32_0 : i32, i32
  }
  func.func @transform_18(%arg0: i32) -> (i32, i32) {
    %c0_i32 = arith.constant 0 : i32
    %c0_i32_0 = arith.constant 0 : i32
    %c0_i32_1 = arith.constant 0 : i32
    return %c0_i32, %c0_i32_0 : i32, i32
  }
  func.func @transform_19(%arg0: i32) -> (i32, i32) {
    %c0_i32 = arith.constant 0 : i32
    %c0_i32_0 = arith.constant 0 : i32
    %c0_i32_1 = arith.constant 0 : i32
    return %c0_i32, %c0_i32_0 : i32, i32
  }
  func.func @transform_20(%arg0: i32) -> (i32, i32) {
    %c0_i32 = arith.constant 0 : i32
    %c0_i32_0 = arith.constant 0 : i32
    return %arg0, %c0_i32 : i32, i32
  }
  func.func @transform_21(%arg0: i32) -> (i32, i32) {
    %c0_i32 = arith.constant 0 : i32
    %c0_i32_0 = arith.constant 0 : i32
    return %arg0, %c0_i32 : i32, i32
  }
}

</mosaic_0001>

<sc_bundles>
// kernel: kernel.5.cloned.1.call-start
scs
__scs_entry_jumppad:
0x0: {  	(pc) =	sbr.rel $0x88, $3  }
0x1: {  	(tag) =	ssettag $0x0;
	lr =	simm.s32 $0x1  }
0x2: {  	[smem:$0x3F87] =	sst lr;
	_ =	strace $0xD0000000  }
0x3: {  	_ = 	snop  }
0x4: {  	_ = 	snop  }
0x5: {  	_ = 	snop  }
0x6: {  	_ = 	snop  }
0x7: {  	_ = 	snop  }
__scs_overlays_trampoline_lowered:
0x8: {  	[smem:$0x3F96] =	sst s0  }
0x9: {  	[smem:$0x3F97] =	sst s1  }
0xa: {  	[smem:$0x3F98] =	sst s2  }
0xb: {  	[smem:$0x3F99] =	sst s3  }
0xc: {  	[smem:$0x3F9A] =	sst s4  }
0xd: {  	[smem:$0x3F9B] =	sst s5  }
0xe: {  	[smem:$0x3F9C] =	sst s6  }
0xf: {  	[smem:$0x3F9D] =	sst s7  }
0x10: {  	[smem:$0x3F9E] =	sst s8  }
0x11: {  	[smem:$0x3F9F] =	sst s9;
	s0 =	simm.s32 @!p0 $0x0  }
0x12: {  	s1 =	sld [smem:$0x3F85];
	s0 =	simm.s32 @p0 $0x1  }
0x13: {  	[smem:$0x3FA0] =	sst s0;
	s0 =	simm.s32 @!p1 $0x0  }
0x14: {  	s2 =	sld [smem:$0x3F84];
	s0 =	simm.s32 @p1 $0x1  }
0x15: {  	[smem:$0x3FA1] =	sst s0;
	s0 =	simm.s32 @!p2 $0x0  }
0x16: {  	s3 =	sld [smem:$0x3FDB];
	s0 =	simm.s32 @p2 $0x1  }
0x17: {  	s4 =	simm.s32 $0x1BF5;
	[smem:$0x3FA3] =	sst s0  }
0x18: {  	s0 =	sld [smem:$0x3F86];
	_ =	swait.ge [sflag:s4], $0x0  }
0x19: {  	s7 =	sld [smem:$0x3F87]  }
0x1a: {  	s8 =	sadd.s32 $0xFFFFE003, lr  }
0x1b: {  	s9 =	sadd.s32 $0xFFFFFEF7, lr;
	s5 =	simm.s32 $0xFFFFFFFF;
	p2 =	slt.u32 s8, $0xFFFFF086  }
0x1c: {  	p1 =	slt.u32 s9, $0xF7A;
	s5 =	simm.s32 @!p2 $0x0  }
0x1d: {  	s5 =	simm.s32 @p1 $0x1;
	p0 =	seq.s32 s7, s2  }
0x1e: {  	s7 =	smul.u32 @!p0 $0xF7A, s2;
	p2 =	seq.s32 @!p0 s5, $0x0  }
0x1f: {  	s9 =	smul.u32 $0xF7A, s1;
	s8 =	simm.s32 @!p0 $0x1BF5;
	p2 =	por !p2, p0  }
0x20: {  	[sflag:s8] =	ssyncset.s32 @!p0 $0xFFFFF086;
	s6 =	sadd.s32 @!p0 s3, s7;
	s7 =	simm.s32 @!p0 $0x108  }
0x21: {  	s3 =	sadd.s32 s3, s9;
	s6 =	sadd.s32 @!p0 $0x88, s6;
	s7 =	simm.s32 @p2 $0x1082  }
0x22: {  	[simem:s7], [sflag:s8] =	dma.local @!p0 [hbm:s6], $0xF7A  }
0x23: {  	s9 =	sor.u32 $0xD0000000, s2;
	s6 =	simm.s32 $0x108;
	_ =	swait.ge @!p0 [sflag:s8], $0x0  }
0x24: {  	s3 =	sadd.s32 $0x88, s3;
	s6 =	simm.s32 @!p1 $0x1082;
	[sflag:s4] =	ssyncset.s32 $0xFFFFF086  }
0x25: {  	[simem:s6], [sflag:s4] =	dma.local [hbm:s3], $0xF7A  }
0x26: {  	[smem:$0x3F87] =	sst s1;
	(tag) =	ssettag s2;
	_ =	strace s9  }
0x27: {  	s1 =	sld [smem:$0x3F97]  }
0x28: {  	s2 =	sld [smem:$0x3F98]  }
0x29: {  	s4 =	sld [smem:$0x3F9A]  }
0x2a: {  	p0 =	seq.s32 s5, $0x0;
	s5 =	sld [smem:$0x3F9B]  }
0x2b: {  	s6 =	sld [smem:$0x3F9C]  }
0x2c: {  	s7 =	sld [smem:$0x3F9D]  }
0x2d: {  	s3 =	simm.s32 $0x108;
	s8 =	sld [smem:$0x3F9E]  }
0x2e: {  	s3 =	simm.s32 @!p0 $0x1082;
	s9 =	sld [smem:$0x3F9F]  }
0x2f: {  	lr =	sadd.s32 s0, s3;
	s0 =	sld [smem:$0x3F96]  }
0x30: {  	s3 =	sld [smem:$0x3F99]  }
0x31: {  	[smem:$0x3FA2] =	sst s10  }
0x32: {  	s10 =	sld [smem:$0x3FA0];
	_ =	sdelay $0x3  }
0x33: {  	p0 =	seq.s32 s10, $0x1;
	s10 =	sld [smem:$0x3FA2];
	_ =	sdelay $0x3  }
0x34: {  	[smem:$0x3FA2] =	sst s10  }
0x35: {  	s10 =	sld [smem:$0x3FA1];
	_ =	sdelay $0x3  }
0x36: {  	p1 =	seq.s32 s10, $0x1;
	s10 =	sld [smem:$0x3FA2];
	_ =	sdelay $0x3  }
0x37: {  	[smem:$0x3FA2] =	sst s10  }
0x38: {  	s10 =	sld [smem:$0x3FA3]  }
0x39: {  	_ = 	snop;
	(pc) =	sbr.ind lr, $3  }
0x3a: {  	_ = 	snop  }
0x3b: {  	_ = 	snop  }
0x3c: {  	p2 =	seq.s32 s10, $0x1;
	s10 =	sld [smem:$0x3FA2]  }
0x3d: {  	_ =	shalt  }
0x3e: {  	_ =	shalt  }
0x3f: {  	_ =	shalt  }
0x40: {  	_ =	shalt  }
0x41: {  	_ =	shalt  }
0x42: {  	_ =	shalt  }
0x43: {  	_ =	shalt  }
0x44: {  	_ =	shalt  }
0x45: {  	_ =	shalt  }
0x46: {  	_ =	shalt  }
0x47: {  	_ =	shalt  }
0x48: {  	_ =	shalt  }
0x49: {  	_ =	shalt  }
0x4a: {  	_ =	shalt  }
0x4b: {  	_ =	shalt  }
0x4c: {  	_ =	shalt  }
0x4d: {  	_ =	shalt  }
0x4e: {  	_ =	shalt  }
0x4f: {  	_ =	shalt  }
0x50: {  	_ =	shalt  }
0x51: {  	_ =	shalt  }
0x52: {  	_ =	shalt  }
0x53: {  	_ =	shalt  }
0x54: {  	_ =	shalt  }
0x55: {  	_ =	shalt  }
0x56: {  	_ =	shalt  }
0x57: {  	_ =	shalt  }
0x58: {  	_ =	shalt  }
0x59: {  	_ =	shalt  }
0x5a: {  	_ =	shalt  }
0x5b: {  	_ =	shalt  }
0x5c: {  	_ =	shalt  }
0x5d: {  	_ =	shalt  }
0x5e: {  	_ =	shalt  }
0x5f: {  	_ =	shalt  }
0x60: {  	_ =	shalt  }
0x61: {  	_ =	shalt  }
0x62: {  	_ =	shalt  }
0x63: {  	_ =	shalt  }
0x64: {  	_ =	shalt  }
0x65: {  	_ =	shalt  }
0x66: {  	_ =	shalt  }
0x67: {  	_ =	shalt  }
0x68: {  	_ =	shalt  }
0x69: {  	_ =	shalt  }
0x6a: {  	_ =	shalt  }
0x6b: {  	_ =	shalt  }
0x6c: {  	_ =	shalt  }
0x6d: {  	_ =	shalt  }
0x6e: {  	_ =	shalt  }
0x6f: {  	_ =	shalt  }
0x70: {  	_ =	shalt  }
0x71: {  	_ =	shalt  }
0x72: {  	_ =	shalt  }
0x73: {  	_ =	shalt  }
0x74: {  	_ =	shalt  }
0x75: {  	_ =	shalt  }
0x76: {  	_ =	shalt  }
0x77: {  	_ =	shalt  }
0x78: {  	_ =	shalt  }
0x79: {  	_ =	shalt  }
0x7a: {  	_ =	shalt  }
0x7b: {  	_ =	shalt  }
0x7c: {  	_ =	shalt  }
0x7d: {  	_ =	shalt  }
0x7e: {  	_ =	shalt  }
0x7f: {  	_ =	shalt  }
0x80: {  	_ =	shalt  }
0x81: {  	_ =	shalt  }
0x82: {  	_ =	shalt  }
0x83: {  	_ =	shalt  }
0x84: {  	_ =	shalt  }
0x85: {  	_ =	shalt  }
0x86: {  	_ =	shalt  }
0x87: {  	_ =	shalt  }
.Lfunc_end0:
.L_simem_size_0:
called_computation_lowered:
.L_overlay_start_0:
0x88: {  	s2 =	sld [smem:$0x3FD9]  }
0x89: {  	s3 =	sld [smem:$0x3FFE];
	_ =	sdelay $0x1  }
0x8a: {  	s1 =	srdreg.scid  }
0x8b: {  	s0 =	sand.u32 $0x1, s1  }
0x8c: {  	s14 =	sshll.u32 s0, $0xA;
	s2 =	sadd.s32 s3, s2  }
0x8d: {  	s2 =	sadd.s32 s2, s14  }
0x8e: {  	[smem:$0x3FAE] =	sst s2  }
0x8f: {  	_ = 	snop  }
0x90: {  	s2 =	sld [smem:$0x3FD0];
	_ =	sdelay $0x2  }
0x91: {  	s15 =	simm.s32 $0xA;
	s4 =	simm.s32 $0x10  }
0x92: {  	[smem:s4], [sflag:s15] =	dma.local [hbm:s2], $0x1  }
0x93: {  	_ =	swait.eq [sflag:s15], $0x1  }
0x94: {  	[sflag:s15] =	ssyncset.done $0x0  }
0x95: {  	s16 =	sld [smem:$0x10];
	[sflag:s15] =	ssyncadd.s32 $0xFFFFFFFF  }
0x96: {  	s17 =	sld [smem:$0x11];
	(tm) =	ssettm $0x1  }
0x97: {  	s18 =	sld [smem:$0x3FFB];
	_ =	sdelay $0x3  }
0x98: {  	_ =	strace s18  }
0x99: {  	s4 =	sld [smem:$0x3FFC];
	_ =	sdelay $0x3  }
0x9a: {  	_ =	strace s4  }
0x9b: {  	s4 =	sld [smem:$0x3FFD];
	_ =	sdelay $0x3  }
0x9c: {  	_ =	strace s4  }
0x9d: {  	_ =	strace $0x8FFFFFFF  }
0x9e: {  	s19 =	sld [smem:$0x3FDB];
	_ =	sdelay $0x1  }
0x9f: {  	s5 =	simm.s32 $_scs_section_size  }
0xa0: {  	s6 =	simm.s32 $_size__tile_overlayer_lowered;
	s7 =	simm.s32 $_tile_overlayer_lowered  }
0xa1: {  	s22 =	simm.s32 $0x1BFF;
	s21 =	sshll.u32 s7, $0x1;
	s4 =	sadd.s32 s5, s19  }
0xa2: {  	s8 =	simm.s32 $0x0;
	s20 =	sshll.u32 s6, $0x1;
	s6 =	sadd.s32 s21, s4  }
0xa3: {  	[timem:s8], [sflag:s22] =	dma.local [hbm:s6], s20  }
0xa4: {  	_ =	swait.ge [sflag:s22], s20  }
0xa5: {  	s5 =	ssub.s32 $0x0, s20;
	[sflag:s22] =	ssyncset.done $0x0  }
0xa6: {  	[sflag:s22] =	ssyncadd.s32 s5;
	_ =	sdelay $0x1  }
0xa7: {  	s23 =	simm.s32 $0x1B8B  }
0xa8: {  	_ =	swait.ge [sflag:s23], $0x1  }
0xa9: {  	[sflag:s23] =	ssyncset.done $0x0  }
0xaa: {  	s25 =	simm.s32 $0x1B8E;
	s24 =	sld [smem:$0x3FFE];
	[sflag:s23] =	ssyncadd.s32 $0xFFFFFFFF  }
0xab: {  	s26 =	simm.s32 $execute0_lowered;
	[smem:$0x3FD2] =	sst s25  }
0xac: {  	s6 =	sshll.u32 s26, $0x1;
	_ =	strace $0x80000046;
	[dreg:$0x1] =	wrdreg $0xFFFFFFFF  }
0xad: {  	s28 =	simm.s32 $_size_execute0_lowered;
	s4 =	sadd.s32 s4, s6;
	[dreg:$0x0] =	wrdreg $0x0  }
0xae: {  	s6 =	sshll.u32 s28, $0x1;
	[dreg:$0x2] =	wrdreg s4  }
0xaf: {  	[dreg:$0x3] =	wrdreg s6  }
0xb0: {  	[dreg:$0x4] =	wrdreg $0xC0  }
0xb1: {  	_ =	task [dreg:s8], $0x5FFFF  }
0xb2: {  	[dreg:$0x1] =	wrdreg $0xFFFFFFFF  }
0xb3: {  	[dreg:$0x0] =	wrdreg $0x60  }
0xb4: {  	[dreg:$0x2] =	wrdreg s17  }
0xb5: {  	[dreg:$0x3] =	wrdreg s24  }
0xb6: {  	[dreg:$0x4] =	wrdreg s16  }
0xb7: {  	[dreg:$0x5] =	wrdreg $0xAF000  }
0xb8: {  	[dreg:$0x6] =	wrdreg $0x9  }
0xb9: {  	_ =	task.clear_ibuf [dreg:s8], $0x7FFFF;
	_ =	strace $0x90000046  }
0xba: {  	s29 =	simm.s32 $0x9;
	_ =	strace $0x80000048  }
0xbb: {  	_ =	swait.ge [sflag:s29], $0x1  }
0xbc: {  	[sflag:s29] =	ssyncadd.s32 $0xFFFFFFFF  }
0xbd: {  	_ =	strace $0x90000048  }
0xbe: {  	_ =	sfence  }
0xbf: {  	s30 =	sld [smem:$0x0];
	_ =	sdelay $0x2  }
0xc0: {  	s31 =	sshll.u32 s1, $0xD;
	s1 =	sshrl.u32 s1, $0x2  }
0xc1: {  	s3 =	sand.u32 $0x4000, s31;
	s1 =	sadd.s32 s1, s30  }
0xc2: {  	s0 =	sor.u32 s3, s0;
	s1 =	sshll.u32 s1, $0x11  }
0xc3: {  	s0 =	sor.u32 s1, s0  }
0xc4: {  	s0 =	sadd.s32 $0x8F2B, s0  }
0xc5: {  	[sflag:s0] =	ssyncadd.remote.s32 $0x1  }
0xc6: {  	_ =	sfence.sel $0xFFFF  }
0xc7: {  	[dreg:$0x0] =	wrdreg $0xFFFFFFFF;
	(pc) =	sbr.abs _section_cstart, $3  }
0xc8: {  	[dreg:$0x1] =	wrdreg $0xFFFFFFFF  }
0xc9: {  	_ =	task.clear_ibuf [dreg:s8], $0x2FFFF;
	_ =	strace $0x9FFFFFFF  }
0xca: {  	(tm) =	ssettm $0x7FFFFFFF  }
0xcb: {  	_ =	shalt  }
tec
execute0_lowered:
.L_overlay_start_1:
0x0: {  	(tag) =	ssettag $0x1  }
0x1: {  	s0 =	rddreg [dreg:$0x1]  }
0x2: {  	s2 =	rddreg [dreg:$0x2];
	s1 =	srdreg.scid  }
0x3: {  	s3 =	rddreg [dreg:$0x3];
	s6 =	simm.s32 $0x0;
	s5 =	simm.s32 $0x0  }
0x4: {  	s23 =	stileid.u32;
	s31 =	simm.s32 $0x2;
	s30 =	simm.s32 $0x1  }
0x5: {  	s28 =	simm.s32 $0xE00;
	s29 =	simm.s32 $0x9F00;
	s7 =	smul.u32 $0x4E, s23  }
0x6: {  	s1 =	sand.u32 $0x1, s1;
	[dreg:$0x5] =	wrdreg s5;
	s8 =	smul.u32 $0xC40, s23  }
0x7: {  	[smem:$0x7FF] =	sst s6;
	s25 =	smin.u32 s23, $0x2;
	s9 =	smul.u32 $0x31200, s23  }
0x8: {  	s26 =	smul.u32 $0x1880, s23;
	p0 =	slt.u32 s23, $0x2;
	s22 =	ssub.s32 $0x2, s1  }
0x9: {  	s4 =	smul.u32 $0x18800, s1;
	s24 =	sshrl.u32 s22, $0x1;
	s6 =	sadd.s32 s25, s7  }
0xa: {  	s10 =	sadd.s32 $0x188, s8;
	s11 =	sadd.s32 $0x310, s8;
	s14 =	sadd.s32 $0x498, s8  }
0xb: {  	s19 =	sadd.s32 $0x620, s8;
	s20 =	sadd.s32 $0x7A8, s8;
	s21 =	sadd.s32 $0x930, s8  }
0xc: {  	s4 =	sadd.s32 s4, s0;
	s5 =	ssub.s32 s22, s24;
	s12 =	sshll.u32 s10, $0x1  }
0xd: {  	s13 =	sshll.u32 s11, $0x1;
	s15 =	sshll.u32 s14, $0x1;
	s4 =	sadd.s32 $0x65800, s4  }
0xe: {  	s16 =	sshll.u32 s19, $0x1;
	s17 =	sshll.u32 s20, $0x1;
	s7 =	sadd.s32 s26, s4  }
0xf: {  	s18 =	sshll.u32 s21, $0x1;
	s12 =	sadd.s32 s12, s4;
	[dreg:$0x6] =	wrdreg s7  }
0x10: {  	s22 =	sadd.s32 $0xAB8, s8;
	s13 =	sadd.s32 s13, s4;
	[dreg:$0x7] =	wrdreg s12  }
0x11: {  	s8 =	smul.u32 $0xC400, s1;
	s15 =	sadd.s32 s15, s4;
	[dreg:$0x8] =	wrdreg s13  }
0x12: {  	s25 =	sshll.u32 s22, $0x1;
	s16 =	sadd.s32 s16, s4;
	[dreg:$0x9] =	wrdreg s15  }
0x13: {  	s24 =	sadd.s32 s17, s4;
	s26 =	sadd.s32 s18, s4;
	[dreg:$0xa] =	wrdreg s16  }
0x14: {  	s4 =	sadd.s32 s25, s4;
	s17 =	sadd.s32 $0x4F9600, s0;
	[dreg:$0xb] =	wrdreg s24  }
0x15: {  	s18 =	simm.s32 $0x4F;
	v0 =	vmov s8;
	s8 =	simm.s32 $0xA700;
	[dreg:$0xc] =	wrdreg s26  }
0x16: {  	[dreg:$0xd] =	wrdreg s4;
	s12 =	sshrl.u32 s9, $0x2;
	s15 =	sadd.s32 $0x34A00, s0  }
0x17: {  	s16 =	sadd.s32 $0x3C00, s0;
	s13 =	sshll.u32 s23, $0x6;
	s24 =	smul.u32 $0x31000, s23  }
0x18: {  	s18 =	simm.s32 @!p0 $0x4E;
	s26 =	smax.u32 s5, $0x1;
	s5 =	sshll.u32 s10, $0x4  }
0x19: {  	s7 =	sshll.u32 s11, $0x4;
	s9 =	sshll.u32 s14, $0x4;
	s10 =	sshll.u32 s19, $0x4  }
0x1a: {  	s11 =	sshll.u32 s20, $0x4;
	s14 =	sshll.u32 s22, $0x4;
	_ =	strace $0x80000047  }
0x1b: {  	s0 =	sadd.s32 s12, s3;
	s25 =	sor.u32 $0x1C02, s13;
	[dreg:$0xf] =	wrdreg s26  }
0x1c: {  	s12 =	sshll.u32 s21, $0x4;
	s13 =	simm.s32 $0x7700;
	s4 =	sshrl.u32 s24, $0x2  }
0x1d: {  	s0 =	sshrl.u32 s0, $0x3;
	s1 =	sadd.s32 s4, s3;
	s4 =	sadd.s32 s5, s3  }
0x1e: {  	s5 =	sadd.s32 s7, s3;
	s7 =	sadd.s32 s9, s3;
	s9 =	sadd.s32 s10, s3  }
0x1f: {  	s10 =	sadd.s32 s11, s3;
	[dreg:$0x10] =	wrdreg s0;
	s19 =	sshrl.u32 s1, $0x3  }
0x20: {  	s11 =	sadd.s32 s12, s3;
	s20 =	sshrl.u32 s4, $0x3;
	[dreg:$0x11] =	wrdreg s19  }
0x21: {  	s12 =	sadd.s32 s14, s3;
	s21 =	sshrl.u32 s5, $0x3;
	[dreg:$0x12] =	wrdreg s20  }
0x22: {  	s0 =	simm.s32 $0x500;
	s22 =	sshrl.u32 s7, $0x3;
	[dreg:$0x13] =	wrdreg s21  }
0x23: {  	s14 =	simm.s32 $0xC00;
	s23 =	sshrl.u32 s9, $0x3;
	[dreg:$0x14] =	wrdreg s22  }
0x24: {  	s24 =	sshrl.u32 s10, $0x3;
	s10 =	smov.u32 s25;
	[dreg:$0x15] =	wrdreg s23  }
0x25: {  	s25 =	sshrl.u32 s11, $0x3;
	s26 =	sshrl.u32 s12, $0x3;
	[dreg:$0x16] =	wrdreg s24  }
0x26: {  	s4 =	simm.s32 $0x80;
	s1 =	simm.s32 $0xF00;
	[dreg:$0x17] =	wrdreg s25  }
0x27: {  	s7 =	simm.s32 $0x3700;
	s5 =	simm.s32 $0x5F00;
	[dreg:$0x18] =	wrdreg s26  }
0x28: {  	s20 =	simm.s32 $0x7F00;
	s21 =	simm.s32 $0xC80;
	s22 =	simm.s32 $0x8700  }
0x29: {  	s23 =	simm.s32 $0xD00;
	s24 =	simm.s32 $0x8F00;
	s25 =	simm.s32 $0xD80  }
0x2a: {  	v1 =	vlaneseq.u32;
	s26 =	simm.s32 $0x9700;
	s19 =	simm.s32 $0xE80;
	[dreg:$0xe] =	wrdreg s10  }
.LBB2_1:
0x2b: {  	s9 =	rddreg [dreg:$0x0]  }
0x2c: {  	s11 =	rddreg [dreg:$0x10]  }
0x2d: {  	[spmem:s11], [sflag:s10] =	dma.local [hbm:s9], $0x1890  }
0x2e: {  	_ =	swait.ge [sflag:s31], $0x1890  }
0x2f: {  	[sflag:s31] =	ssyncset.done $0x0  }
0x30: {  	[sflag:s31] =	ssyncadd.s32 $0xFFFFE770  }
0x31: {  	s9 =	simm.s32 $0x0;
	[bflag:$0x0] =	sbarrier.arrive $0xFFFF  }
.LBB2_2:
0x32: {  	s10 =	sadd.s32 s9, s6  }
0x33: {  	s10 =	smul.u32 $0xA, s10;
	_ =	sdelay $0x1  }
0x34: {  	s10 =	smin.u32 s10, $0x30CA  }
0x35: {  	s11 =	sshll.u32 s10, $0x4  }
0x36: {  	s10 =	simm.s32 $0x0;
	s12 =	sadd.s32 s15, s11  }
0x37: {  	[tilespmem:s10], [sflag:$0x2] =	stream.linear.gather [hbm4b:s12+s10], $0x500, $0x38;
	[tilespmem:$0x17380] =	vst v63  }
0x38: {  	_ =	swait.ge [sflag:s31], $0x500  }
0x39: {  	[sflag:s31] =	ssyncset.done $0x0  }
0x3a: {  	s11 =	sadd.s32 s16, s11;
	[sflag:s31] =	ssyncadd.s32 $0xFFFFFB00  }
0x3b: {  	[tilespmem:s0], [sflag:$0x2] =	stream.linear.gather [hbm4b:s11+s10], $0x500, $0x38;
	[tilespmem:$0x17380] =	vst v63  }
0x3c: {  	_ =	swait.ge [sflag:s31], $0x500  }
0x3d: {  	[sflag:s31] =	ssyncset.done $0x0  }
0x3e: {  	[sflag:s31] =	ssyncadd.s32 $0xFFFFFB00  }
0x3f: {  	[tilespmem:s1], [sflag:$0x1] =	stream.indirect.gather [hbm4b:s2+s4], $0x8, s10, s4, $0xb8;
	[tilespmem:$0x17380] =	vst v63  }
0x40: {  	_ = 	snop  }
0x41: {  	[tilespmem:s7], [sflag:$0x1] =	stream.indirect.gather [hbm4b:s17+s4], $0x4, s0, s4, $0xb8;
	[tilespmem:$0x17380] =	vst v63  }
0x42: {  	s12 =	simm.s32 $0x1300  }
0x43: {  	[tilespmem:s12], [sflag:$0x1] =	stream.indirect.gather [hbm4b:s2+s4], $0x8, s4, s4, $0xb8;
	[tilespmem:$0x17380] =	vst v63  }
0x44: {  	s11 =	simm.s32 $0x580;
	s12 =	simm.s32 $0x3B00  }
0x45: {  	[tilespmem:s12], [sflag:$0x1] =	stream.indirect.gather [hbm4b:s17+s4], $0x4, s11, s4, $0xb8;
	[tilespmem:$0x17380] =	vst v63  }
0x46: {  	s11 =	simm.s32 $0x100;
	s12 =	simm.s32 $0x1700  }
0x47: {  	[tilespmem:s12], [sflag:$0x1] =	stream.indirect.gather [hbm4b:s2+s4], $0x8, s11, s4, $0xb8;
	[tilespmem:$0x17380] =	vst v63  }
0x48: {  	s11 =	simm.s32 $0x600;
	s12 =	simm.s32 $0x3F00  }
0x49: {  	[tilespmem:s12], [sflag:$0x1] =	stream.indirect.gather [hbm4b:s17+s4], $0x4, s11, s4, $0xb8;
	[tilespmem:$0x17380] =	vst v63  }
0x4a: {  	s11 =	simm.s32 $0x180;
	s12 =	simm.s32 $0x1B00  }
0x4b: {  	[tilespmem:s12], [sflag:$0x1] =	stream.indirect.gather [hbm4b:s2+s4], $0x8, s11, s4, $0xb8;
	[tilespmem:$0x17380] =	vst v63  }
0x4c: {  	s11 =	simm.s32 $0x680;
	s12 =	simm.s32 $0x4300  }
0x4d: {  	[tilespmem:s12], [sflag:$0x1] =	stream.indirect.gather [hbm4b:s17+s4], $0x4, s11, s4, $0xb8;
	[tilespmem:$0x17380] =	vst v63  }
0x4e: {  	s11 =	simm.s32 $0x200;
	s12 =	simm.s32 $0x1F00  }
0x4f: {  	[tilespmem:s12], [sflag:$0x1] =	stream.indirect.gather [hbm4b:s2+s4], $0x8, s11, s4, $0xb8;
	[tilespmem:$0x17380] =	vst v63  }
0x50: {  	s11 =	simm.s32 $0x700;
	s12 =	simm.s32 $0x4700  }
0x51: {  	[tilespmem:s12], [sflag:$0x1] =	stream.indirect.gather [hbm4b:s17+s4], $0x4, s11, s4, $0xb8;
	[tilespmem:$0x17380] =	vst v63  }
0x52: {  	s11 =	simm.s32 $0x280;
	s12 =	simm.s32 $0x2300  }
0x53: {  	[tilespmem:s12], [sflag:$0x1] =	stream.indirect.gather [hbm4b:s2+s4], $0x8, s11, s4, $0xb8;
	[tilespmem:$0x17380] =	vst v63  }
0x54: {  	s11 =	simm.s32 $0x780;
	s12 =	simm.s32 $0x4B00  }
0x55: {  	[tilespmem:s12], [sflag:$0x1] =	stream.indirect.gather [hbm4b:s17+s4], $0x4, s11, s4, $0xb8;
	[tilespmem:$0x17380] =	vst v63  }
0x56: {  	s11 =	simm.s32 $0x300;
	s12 =	simm.s32 $0x2700  }
0x57: {  	[tilespmem:s12], [sflag:$0x1] =	stream.indirect.gather [hbm4b:s2+s4], $0x8, s11, s4, $0xb8;
	[tilespmem:$0x17380] =	vst v63  }
0x58: {  	s11 =	simm.s32 $0x800;
	s12 =	simm.s32 $0x4F00  }
0x59: {  	[tilespmem:s12], [sflag:$0x1] =	stream.indirect.gather [hbm4b:s17+s4], $0x4, s11, s4, $0xb8;
	[tilespmem:$0x17380] =	vst v63  }
0x5a: {  	s11 =	simm.s32 $0x380;
	s12 =	simm.s32 $0x2B00  }
0x5b: {  	[tilespmem:s12], [sflag:$0x1] =	stream.indirect.gather [hbm4b:s2+s4], $0x8, s11, s4, $0xb8;
	[tilespmem:$0x17380] =	vst v63  }
0x5c: {  	s11 =	simm.s32 $0x880;
	s12 =	simm.s32 $0x5300  }
0x5d: {  	[tilespmem:s12], [sflag:$0x1] =	stream.indirect.gather [hbm4b:s17+s4], $0x4, s11, s4, $0xb8;
	[tilespmem:$0x17380] =	vst v63  }
0x5e: {  	s11 =	simm.s32 $0x400;
	s12 =	simm.s32 $0x2F00  }
0x5f: {  	[tilespmem:s12], [sflag:$0x1] =	stream.indirect.gather [hbm4b:s2+s4], $0x8, s11, s4, $0xb8;
	[tilespmem:$0x17380] =	vst v63  }
0x60: {  	s11 =	simm.s32 $0x900;
	s12 =	simm.s32 $0x5700  }
0x61: {  	[tilespmem:s12], [sflag:$0x1] =	stream.indirect.gather [hbm4b:s17+s4], $0x4, s11, s4, $0xb8;
	[tilespmem:$0x17380] =	vst v63  }
0x62: {  	s11 =	simm.s32 $0x480;
	s12 =	simm.s32 $0x3300  }
0x63: {  	[tilespmem:s12], [sflag:$0x1] =	stream.indirect.gather [hbm4b:s2+s4], $0x8, s11, s4, $0xb8;
	[tilespmem:$0x17380] =	vst v63  }
0x64: {  	s11 =	simm.s32 $0x980;
	s12 =	simm.s32 $0x5B00  }
0x65: {  	[tilespmem:s12], [sflag:$0x1] =	stream.indirect.gather [hbm4b:s17+s4], $0x4, s11, s4, $0xb8;
	[tilespmem:$0x17380] =	vst v63  }
0x66: {  	v2 =	vld [tilespmem:$0x500]  }
0x67: {  	v3 =	vld [tilespmem:$0x510]  }
0x68: {  	v4 =	vld [tilespmem:$0x520]  }
0x69: {  	v5 =	vld [tilespmem:$0x530]  }
0x6a: {  	v6 =	vld [tilespmem:$0x540]  }
0x6b: {  	v7 =	vld [tilespmem:$0x550];
	v2 =	vsub.s32 v2, v0  }
0x6c: {  	p0 =	slt.u32 s9, s18;
	v8 =	vld [tilespmem:$0x560];
	v3 =	vsub.s32 v3, v0;
	v2 =	vmin.u32 v2, $0xC400  }
0x6d: {  	v9 =	vld [tilespmem:$0x570];
	v4 =	vsub.s32 v4, v0;
	v3 =	vmin.u32 v3, $0xC400;
	v2 =	vpsel !p0, $0xC400, v2  }
0x6e: {  	[tilespmem:$0xA00] =	vst v2;
	v2 =	vpsel !p0, $0xC400, v3;
	v3 =	vmin.u32 v4, $0xC400;
	v4 =	vsub.s32 v5, v0;
	v5 =	vld [tilespmem:$0x580]  }
0x6f: {  	[tilespmem:$0xA10] =	vst v2;
	v2 =	vpsel !p0, $0xC400, v3;
	v3 =	vmin.u32 v4, $0xC400;
	v4 =	vsub.s32 v6, v0;
	v6 =	vld [tilespmem:$0x590]  }
0x70: {  	[tilespmem:$0xA20] =	vst v2;
	v2 =	vpsel !p0, $0xC400, v3;
	v3 =	vmin.u32 v4, $0xC400;
	v4 =	vsub.s32 v7, v0;
	v7 =	vld [tilespmem:$0x5A0]  }
0x71: {  	[tilespmem:$0xA30] =	vst v2;
	v2 =	vpsel !p0, $0xC400, v3;
	v3 =	vmin.u32 v4, $0xC400;
	v4 =	vsub.s32 v8, v0;
	v8 =	vld [tilespmem:$0x5B0]  }
0x72: {  	[tilespmem:$0xA40] =	vst v2;
	v2 =	vpsel !p0, $0xC400, v3;
	v3 =	vmin.u32 v4, $0xC400;
	v4 =	vsub.s32 v9, v0;
	v9 =	vld [tilespmem:$0x5C0]  }
0x73: {  	[tilespmem:$0xA50] =	vst v2;
	v2 =	vpsel !p0, $0xC400, v3;
	v3 =	vmin.u32 v4, $0xC400;
	v4 =	vsub.s32 v5, v0;
	v5 =	vld [tilespmem:$0x5D0]  }
0x74: {  	[tilespmem:$0xA60] =	vst v2;
	v2 =	vpsel !p0, $0xC400, v3;
	v3 =	vmin.u32 v4, $0xC400;
	v4 =	vsub.s32 v6, v0;
	v6 =	vld [tilespmem:$0x5E0]  }
0x75: {  	[tilespmem:$0xA70] =	vst v2;
	v2 =	vpsel !p0, $0xC400, v3;
	v3 =	vmin.u32 v4, $0xC400;
	v4 =	vsub.s32 v7, v0;
	v7 =	vld [tilespmem:$0x5F0]  }
0x76: {  	[tilespmem:$0xA80] =	vst v2;
	v2 =	vpsel !p0, $0xC400, v3;
	v3 =	vmin.u32 v4, $0xC400;
	v4 =	vsub.s32 v8, v0;
	v8 =	vld [tilespmem:$0x600]  }
0x77: {  	[tilespmem:$0xA90] =	vst v2;
	v2 =	vpsel !p0, $0xC400, v3;
	v3 =	vmin.u32 v4, $0xC400;
	v4 =	vsub.s32 v9, v0;
	v9 =	vld [tilespmem:$0x610]  }
0x78: {  	[tilespmem:$0xAA0] =	vst v2;
	v2 =	vpsel !p0, $0xC400, v3;
	v3 =	vmin.u32 v4, $0xC400;
	v4 =	vsub.s32 v5, v0;
	v5 =	vld [tilespmem:$0x620]  }
0x79: {  	[tilespmem:$0xAB0] =	vst v2;
	v2 =	vpsel !p0, $0xC400, v3;
	v3 =	vmin.u32 v4, $0xC400;
	v4 =	vsub.s32 v6, v0;
	v6 =	vld [tilespmem:$0x630]  }
0x7a: {  	[tilespmem:$0xAC0] =	vst v2;
	v2 =	vpsel !p0, $0xC400, v3;
	v3 =	vmin.u32 v4, $0xC400;
	v4 =	vsub.s32 v7, v0;
	v7 =	vld [tilespmem:$0x640]  }
0x7b: {  	[tilespmem:$0xAD0] =	vst v2;
	v2 =	vpsel !p0, $0xC400, v3;
	v3 =	vmin.u32 v4, $0xC400;
	v4 =	vsub.s32 v8, v0;
	v8 =	vld [tilespmem:$0x650]  }
0x7c: {  	[tilespmem:$0xAE0] =	vst v2;
	v2 =	vpsel !p0, $0xC400, v3;
	v3 =	vmin.u32 v4, $0xC400;
	v4 =	vsub.s32 v9, v0;
	v9 =	vld [tilespmem:$0x660]  }
0x7d: {  	[tilespmem:$0xAF0] =	vst v2;
	v2 =	vpsel !p0, $0xC400, v3;
	v3 =	vmin.u32 v4, $0xC400;
	v4 =	vsub.s32 v5, v0;
	v5 =	vld [tilespmem:$0x670]  }
0x7e: {  	[tilespmem:$0xB00] =	vst v2;
	v2 =	vpsel !p0, $0xC400, v3;
	v3 =	vmin.u32 v4, $0xC400;
	v4 =	vsub.s32 v6, v0;
	v6 =	vld [tilespmem:$0x680]  }
0x7f: {  	[tilespmem:$0xB10] =	vst v2;
	v2 =	vpsel !p0, $0xC400, v3;
	v3 =	vmin.u32 v4, $0xC400;
	v4 =	vsub.s32 v7, v0;
	v7 =	vld [tilespmem:$0x690]  }
0x80: {  	[tilespmem:$0xB20] =	vst v2;
	v2 =	vpsel !p0, $0xC400, v3;
	v3 =	vmin.u32 v4, $0xC400;
	v4 =	vsub.s32 v8, v0;
	v8 =	vld [tilespmem:$0x6A0]  }
0x81: {  	[tilespmem:$0xB30] =	vst v2;
	v2 =	vpsel !p0, $0xC400, v3;
	v3 =	vmin.u32 v4, $0xC400;
	v4 =	vsub.s32 v9, v0;
	v9 =	vld [tilespmem:$0x6B0]  }
0x82: {  	[tilespmem:$0xB40] =	vst v2;
	v2 =	vpsel !p0, $0xC400, v3;
	v3 =	vmin.u32 v4, $0xC400;
	v4 =	vsub.s32 v5, v0;
	v5 =	vld [tilespmem:$0x6C0]  }
0x83: {  	[tilespmem:$0xB50] =	vst v2;
	v2 =	vpsel !p0, $0xC400, v3;
	v3 =	vmin.u32 v4, $0xC400;
	v4 =	vsub.s32 v6, v0;
	v6 =	vld [tilespmem:$0x6D0]  }
0x84: {  	[tilespmem:$0xB60] =	vst v2;
	v2 =	vpsel !p0, $0xC400, v3;
	v3 =	vmin.u32 v4, $0xC400;
	v4 =	vsub.s32 v7, v0;
	v7 =	vld [tilespmem:$0x6E0]  }
0x85: {  	[tilespmem:$0xB70] =	vst v2;
	v2 =	vpsel !p0, $0xC400, v3;
	v3 =	vmin.u32 v4, $0xC400;
	v4 =	vsub.s32 v8, v0;
	v8 =	vld [tilespmem:$0x6F0]  }
0x86: {  	[tilespmem:$0xB80] =	vst v2;
	v2 =	vpsel !p0, $0xC400, v3;
	v3 =	vmin.u32 v4, $0xC400;
	v4 =	vsub.s32 v9, v0;
	v9 =	vld [tilespmem:$0x700]  }
0x87: {  	[tilespmem:$0xB90] =	vst v2;
	v2 =	vpsel !p0, $0xC400, v3;
	v3 =	vmin.u32 v4, $0xC400;
	v4 =	vsub.s32 v5, v0;
	v5 =	vld [tilespmem:$0x710]  }
0x88: {  	[tilespmem:$0xBA0] =	vst v2;
	v2 =	vpsel !p0, $0xC400, v3;
	v3 =	vmin.u32 v4, $0xC400;
	v4 =	vsub.s32 v6, v0;
	v6 =	vld [tilespmem:$0x720]  }
0x89: {  	[tilespmem:$0xBB0] =	vst v2;
	v2 =	vpsel !p0, $0xC400, v3;
	v3 =	vmin.u32 v4, $0xC400;
	v4 =	vsub.s32 v7, v0;
	v7 =	vld [tilespmem:$0x730]  }
0x8a: {  	[tilespmem:$0xBC0] =	vst v2;
	v2 =	vpsel !p0, $0xC400, v3;
	v3 =	vmin.u32 v4, $0xC400;
	v4 =	vsub.s32 v8, v0;
	v8 =	vld [tilespmem:$0x740]  }
0x8b: {  	[tilespmem:$0xBD0] =	vst v2;
	v2 =	vpsel !p0, $0xC400, v3;
	v3 =	vmin.u32 v4, $0xC400;
	v4 =	vsub.s32 v9, v0;
	v9 =	vld [tilespmem:$0x750]  }
0x8c: {  	[tilespmem:$0xBE0] =	vst v2;
	v2 =	vpsel !p0, $0xC400, v3;
	v3 =	vmin.u32 v4, $0xC400;
	v4 =	vsub.s32 v5, v0;
	v5 =	vld [tilespmem:$0x760]  }
0x8d: {  	[tilespmem:$0xBF0] =	vst v2;
	v2 =	vpsel !p0, $0xC400, v3;
	v3 =	vmin.u32 v4, $0xC400;
	v4 =	vsub.s32 v6, v0;
	v6 =	vld [tilespmem:$0x770]  }
0x8e: {  	[tilespmem:$0xC00] =	vst v2;
	v2 =	vpsel !p0, $0xC400, v3;
	v3 =	vmin.u32 v4, $0xC400;
	v4 =	vsub.s32 v7, v0;
	v7 =	vld [tilespmem:$0x780]  }
0x8f: {  	[tilespmem:$0xC10] =	vst v2;
	v2 =	vpsel !p0, $0xC400, v3;
	v3 =	vmin.u32 v4, $0xC400;
	v4 =	vsub.s32 v8, v0;
	v8 =	vld [tilespmem:$0x790]  }
0x90: {  	[tilespmem:$0xC20] =	vst v2;
	v2 =	vpsel !p0, $0xC400, v3;
	v3 =	vmin.u32 v4, $0xC400;
	v4 =	vsub.s32 v9, v0;
	v9 =	vld [tilespmem:$0x7A0]  }
0x91: {  	[tilespmem:$0xC30] =	vst v2;
	v2 =	vpsel !p0, $0xC400, v3;
	v3 =	vmin.u32 v4, $0xC400;
	v4 =	vsub.s32 v5, v0;
	v5 =	vld [tilespmem:$0x7B0]  }
0x92: {  	[tilespmem:$0xC40] =	vst v2;
	v2 =	vpsel !p0, $0xC400, v3;
	v3 =	vmin.u32 v4, $0xC400;
	v4 =	vsub.s32 v6, v0;
	v6 =	vld [tilespmem:$0x7C0]  }
0x93: {  	[tilespmem:$0xC50] =	vst v2;
	v2 =	vpsel !p0, $0xC400, v3;
	v3 =	vmin.u32 v4, $0xC400;
	v4 =	vsub.s32 v7, v0;
	v7 =	vld [tilespmem:$0x7D0]  }
0x94: {  	[tilespmem:$0xC60] =	vst v2;
	v2 =	vpsel !p0, $0xC400, v3;
	v3 =	vmin.u32 v4, $0xC400;
	v4 =	vsub.s32 v8, v0;
	v8 =	vld [tilespmem:$0x7E0]  }
0x95: {  	[tilespmem:$0xC70] =	vst v2;
	v2 =	vpsel !p0, $0xC400, v3;
	v3 =	vmin.u32 v4, $0xC400;
	v4 =	vsub.s32 v9, v0;
	v9 =	vld [tilespmem:$0x7F0]  }
0x96: {  	[tilespmem:$0xC80] =	vst v2;
	v2 =	vpsel !p0, $0xC400, v3;
	v3 =	vmin.u32 v4, $0xC400;
	v4 =	vsub.s32 v5, v0;
	v5 =	vld [tilespmem:$0x800]  }
0x97: {  	[tilespmem:$0xC90] =	vst v2;
	v2 =	vpsel !p0, $0xC400, v3;
	v3 =	vmin.u32 v4, $0xC400;
	v4 =	vsub.s32 v6, v0;
	v6 =	vld [tilespmem:$0x810]  }
0x98: {  	[tilespmem:$0xCA0] =	vst v2;
	v2 =	vpsel !p0, $0xC400, v3;
	v3 =	vmin.u32 v4, $0xC400;
	v4 =	vsub.s32 v7, v0;
	v7 =	vld [tilespmem:$0x820]  }
0x99: {  	[tilespmem:$0xCB0] =	vst v2;
	v2 =	vpsel !p0, $0xC400, v3;
	v3 =	vmin.u32 v4, $0xC400;
	v4 =	vsub.s32 v8, v0;
	v8 =	vld [tilespmem:$0x830]  }
0x9a: {  	[tilespmem:$0xCC0] =	vst v2;
	v2 =	vpsel !p0, $0xC400, v3;
	v3 =	vmin.u32 v4, $0xC400;
	v4 =	vsub.s32 v9, v0;
	v9 =	vld [tilespmem:$0x840]  }
0x9b: {  	[tilespmem:$0xCD0] =	vst v2;
	v2 =	vpsel !p0, $0xC400, v3;
	v3 =	vmin.u32 v4, $0xC400;
	v4 =	vsub.s32 v5, v0;
	v5 =	vld [tilespmem:$0x850]  }
0x9c: {  	[tilespmem:$0xCE0] =	vst v2;
	v2 =	vpsel !p0, $0xC400, v3;
	v3 =	vmin.u32 v4, $0xC400;
	v4 =	vsub.s32 v6, v0;
	v6 =	vld [tilespmem:$0x860]  }
0x9d: {  	[tilespmem:$0xCF0] =	vst v2;
	v2 =	vpsel !p0, $0xC400, v3;
	v3 =	vmin.u32 v4, $0xC400;
	v4 =	vsub.s32 v7, v0;
	v7 =	vld [tilespmem:$0x870]  }
0x9e: {  	[tilespmem:$0xD00] =	vst v2;
	v2 =	vpsel !p0, $0xC400, v3;
	v3 =	vmin.u32 v4, $0xC400;
	v4 =	vsub.s32 v8, v0;
	v8 =	vld [tilespmem:$0x880]  }
0x9f: {  	[tilespmem:$0xD10] =	vst v2;
	v2 =	vpsel !p0, $0xC400, v3;
	v3 =	vmin.u32 v4, $0xC400;
	v4 =	vsub.s32 v9, v0;
	v9 =	vld [tilespmem:$0x890]  }
0xa0: {  	[tilespmem:$0xD20] =	vst v2;
	v2 =	vpsel !p0, $0xC400, v3;
	v3 =	vmin.u32 v4, $0xC400;
	v4 =	vsub.s32 v5, v0;
	v5 =	vld [tilespmem:$0x8A0]  }
0xa1: {  	[tilespmem:$0xD30] =	vst v2;
	v2 =	vpsel !p0, $0xC400, v3;
	v3 =	vmin.u32 v4, $0xC400;
	v4 =	vsub.s32 v6, v0;
	v6 =	vld [tilespmem:$0x8B0]  }
0xa2: {  	[tilespmem:$0xD40] =	vst v2;
	v2 =	vpsel !p0, $0xC400, v3;
	v3 =	vmin.u32 v4, $0xC400;
	v4 =	vsub.s32 v7, v0;
	v7 =	vld [tilespmem:$0x8C0]  }
0xa3: {  	[tilespmem:$0xD50] =	vst v2;
	v2 =	vpsel !p0, $0xC400, v3;
	v3 =	vmin.u32 v4, $0xC400;
	v4 =	vsub.s32 v8, v0;
	v8 =	vld [tilespmem:$0x8D0]  }
0xa4: {  	[tilespmem:$0xD60] =	vst v2;
	v2 =	vpsel !p0, $0xC400, v3;
	v3 =	vmin.u32 v4, $0xC400;
	v4 =	vsub.s32 v9, v0;
	v9 =	vld [tilespmem:$0x8E0]  }
0xa5: {  	[tilespmem:$0xD70] =	vst v2;
	v2 =	vpsel !p0, $0xC400, v3;
	v3 =	vmin.u32 v4, $0xC400;
	v4 =	vsub.s32 v5, v0;
	v5 =	vld [tilespmem:$0x8F0]  }
0xa6: {  	[tilespmem:$0xD80] =	vst v2;
	v2 =	vpsel !p0, $0xC400, v3;
	v3 =	vmin.u32 v4, $0xC400;
	v4 =	vsub.s32 v6, v0;
	v6 =	vld [tilespmem:$0x900]  }
0xa7: {  	[tilespmem:$0xD90] =	vst v2;
	v2 =	vpsel !p0, $0xC400, v3;
	v3 =	vmin.u32 v4, $0xC400;
	v4 =	vsub.s32 v7, v0;
	v7 =	vld [tilespmem:$0x910]  }
0xa8: {  	[tilespmem:$0xDA0] =	vst v2;
	v2 =	vpsel !p0, $0xC400, v3;
	v3 =	vmin.u32 v4, $0xC400;
	v4 =	vsub.s32 v8, v0;
	v8 =	vld [tilespmem:$0x920]  }
0xa9: {  	[tilespmem:$0xDB0] =	vst v2;
	v2 =	vpsel !p0, $0xC400, v3;
	v3 =	vmin.u32 v4, $0xC400;
	v4 =	vsub.s32 v9, v0;
	v9 =	vld [tilespmem:$0x930]  }
0xaa: {  	[tilespmem:$0xDC0] =	vst v2;
	v2 =	vpsel !p0, $0xC400, v3;
	v3 =	vmin.u32 v4, $0xC400;
	v4 =	vsub.s32 v5, v0;
	v5 =	vld [tilespmem:$0x940]  }
0xab: {  	[tilespmem:$0xDD0] =	vst v2;
	v2 =	vpsel !p0, $0xC400, v3;
	v3 =	vmin.u32 v4, $0xC400;
	v4 =	vsub.s32 v6, v0;
	v6 =	vld [tilespmem:$0x950]  }
0xac: {  	[tilespmem:$0xDE0] =	vst v2;
	v2 =	vpsel !p0, $0xC400, v3;
	v3 =	vmin.u32 v4, $0xC400;
	v4 =	vsub.s32 v7, v0;
	v7 =	vld [tilespmem:$0x960]  }
0xad: {  	[tilespmem:$0xDF0] =	vst v2;
	v2 =	vpsel !p0, $0xC400, v3;
	v3 =	vmin.u32 v4, $0xC400;
	v4 =	vsub.s32 v8, v0;
	v8 =	vld [tilespmem:$0x970]  }
0xae: {  	[tilespmem:$0xE00] =	vst v2;
	v2 =	vpsel !p0, $0xC400, v3;
	v3 =	vmin.u32 v4, $0xC400;
	v4 =	vsub.s32 v9, v0;
	v9 =	vld [tilespmem:$0x980]  }
0xaf: {  	[tilespmem:$0xE10] =	vst v2;
	v2 =	vpsel !p0, $0xC400, v3;
	v3 =	vmin.u32 v4, $0xC400;
	v4 =	vsub.s32 v5, v0;
	v5 =	vld [tilespmem:$0x990]  }
0xb0: {  	[tilespmem:$0xE20] =	vst v2;
	v2 =	vpsel !p0, $0xC400, v3;
	v3 =	vmin.u32 v4, $0xC400;
	v4 =	vsub.s32 v6, v0;
	v6 =	vld [tilespmem:$0x9A0]  }
0xb1: {  	[tilespmem:$0xE30] =	vst v2;
	v2 =	vpsel !p0, $0xC400, v3;
	v3 =	vmin.u32 v4, $0xC400;
	v4 =	vsub.s32 v7, v0;
	v7 =	vld [tilespmem:$0x9B0]  }
0xb2: {  	[tilespmem:$0xE40] =	vst v2;
	v2 =	vpsel !p0, $0xC400, v3;
	v3 =	vmin.u32 v4, $0xC400;
	v4 =	vsub.s32 v8, v0;
	v8 =	vld [tilespmem:$0x9C0]  }
0xb3: {  	[tilespmem:$0xE50] =	vst v2;
	v2 =	vpsel !p0, $0xC400, v3;
	v3 =	vmin.u32 v4, $0xC400;
	v4 =	vsub.s32 v9, v0;
	v9 =	vld [tilespmem:$0x9D0]  }
0xb4: {  	[tilespmem:$0xE60] =	vst v2;
	v2 =	vpsel !p0, $0xC400, v3;
	v3 =	vmin.u32 v4, $0xC400;
	v4 =	vsub.s32 v5, v0;
	v5 =	vld [tilespmem:$0x9E0]  }
0xb5: {  	[tilespmem:$0xE70] =	vst v2;
	v2 =	vpsel !p0, $0xC400, v3;
	v3 =	vmin.u32 v4, $0xC400;
	v4 =	vsub.s32 v6, v0;
	v6 =	vld [tilespmem:$0x9F0]  }
0xb6: {  	[tilespmem:$0xE80] =	vst v2;
	v2 =	vpsel !p0, $0xC400, v3;
	v3 =	vmin.u32 v4, $0xC400;
	v4 =	vsub.s32 v7, v0  }
0xb7: {  	[tilespmem:$0xE90] =	vst v2;
	v2 =	vpsel !p0, $0xC400, v3;
	v3 =	vmin.u32 v4, $0xC400;
	v4 =	vsub.s32 v8, v0  }
0xb8: {  	[tilespmem:$0xEA0] =	vst v2;
	v2 =	vpsel !p0, $0xC400, v3;
	v3 =	vmin.u32 v4, $0xC400;
	v4 =	vsub.s32 v9, v0  }
0xb9: {  	[tilespmem:$0xEB0] =	vst v2;
	v2 =	vpsel !p0, $0xC400, v3;
	v3 =	vmin.u32 v4, $0xC400;
	v4 =	vsub.s32 v5, v0  }
0xba: {  	[tilespmem:$0xEC0] =	vst v2;
	v2 =	vpsel !p0, $0xC400, v3;
	v3 =	vmin.u32 v4, $0xC400;
	v4 =	vsub.s32 v6, v0  }
0xbb: {  	[tilespmem:$0xED0] =	vst v2;
	v2 =	vpsel !p0, $0xC400, v3;
	v3 =	vmin.u32 v4, $0xC400  }
0xbc: {  	[tilespmem:$0xEE0] =	vst v2;
	v2 =	vpsel !p0, $0xC400, v3  }
0xbd: {  	[tilespmem:$0xEF0] =	vst v2  }
0xbe: {  	_ =	swait.ge [sflag:s30], $0x400  }
0xbf: {  	[sflag:s30] =	ssyncset.done $0x0  }
0xc0: {  	[sflag:s30] =	ssyncadd.s32 $0xFFFFFC00  }
0xc1: {  	_ =	swait.ge [sflag:s30], $0x200  }
0xc2: {  	[sflag:s30] =	ssyncset.done $0x0  }
0xc3: {  	[sflag:s30] =	ssyncadd.s32 $0xFFFFFE00  }
0xc4: {  	_ =	swait.ge [sflag:s30], $0x400  }
0xc5: {  	[sflag:s30] =	ssyncset.done $0x0  }
0xc6: {  	[sflag:s30] =	ssyncadd.s32 $0xFFFFFC00  }
0xc7: {  	_ =	swait.ge [sflag:s30], $0x200  }
0xc8: {  	[sflag:s30] =	ssyncset.done $0x0  }
0xc9: {  	[sflag:s30] =	ssyncadd.s32 $0xFFFFFE00  }
0xca: {  	_ =	swait.ge [sflag:s30], $0x400  }
0xcb: {  	[sflag:s30] =	ssyncset.done $0x0  }
0xcc: {  	[sflag:s30] =	ssyncadd.s32 $0xFFFFFC00  }
0xcd: {  	_ =	swait.ge [sflag:s30], $0x200  }
0xce: {  	[sflag:s30] =	ssyncset.done $0x0  }
0xcf: {  	[sflag:s30] =	ssyncadd.s32 $0xFFFFFE00  }
0xd0: {  	_ =	swait.ge [sflag:s30], $0x400  }
0xd1: {  	[sflag:s30] =	ssyncset.done $0x0  }
0xd2: {  	[sflag:s30] =	ssyncadd.s32 $0xFFFFFC00  }
0xd3: {  	_ =	swait.ge [sflag:s30], $0x200  }
0xd4: {  	[sflag:s30] =	ssyncset.done $0x0  }
0xd5: {  	[sflag:s30] =	ssyncadd.s32 $0xFFFFFE00  }
0xd6: {  	_ =	swait.ge [sflag:s30], $0x400  }
0xd7: {  	[sflag:s30] =	ssyncset.done $0x0  }
0xd8: {  	[sflag:s30] =	ssyncadd.s32 $0xFFFFFC00  }
0xd9: {  	_ =	swait.ge [sflag:s30], $0x200  }
0xda: {  	[sflag:s30] =	ssyncset.done $0x0  }
0xdb: {  	[sflag:s30] =	ssyncadd.s32 $0xFFFFFE00  }
0xdc: {  	_ =	swait.ge [sflag:s30], $0x400  }
0xdd: {  	[sflag:s30] =	ssyncset.done $0x0  }
0xde: {  	[sflag:s30] =	ssyncadd.s32 $0xFFFFFC00  }
0xdf: {  	_ =	swait.ge [sflag:s30], $0x200  }
0xe0: {  	[sflag:s30] =	ssyncset.done $0x0  }
0xe1: {  	[sflag:s30] =	ssyncadd.s32 $0xFFFFFE00  }
0xe2: {  	_ =	swait.ge [sflag:s30], $0x400  }
0xe3: {  	[sflag:s30] =	ssyncset.done $0x0  }
0xe4: {  	[sflag:s30] =	ssyncadd.s32 $0xFFFFFC00  }
0xe5: {  	_ =	swait.ge [sflag:s30], $0x200  }
0xe6: {  	[sflag:s30] =	ssyncset.done $0x0  }
0xe7: {  	[sflag:s30] =	ssyncadd.s32 $0xFFFFFE00  }
0xe8: {  	_ =	swait.ge [sflag:s30], $0x400  }
0xe9: {  	[sflag:s30] =	ssyncset.done $0x0  }
0xea: {  	[sflag:s30] =	ssyncadd.s32 $0xFFFFFC00  }
0xeb: {  	_ =	swait.ge [sflag:s30], $0x200  }
0xec: {  	[sflag:s30] =	ssyncset.done $0x0  }
0xed: {  	[sflag:s30] =	ssyncadd.s32 $0xFFFFFE00  }
0xee: {  	_ =	swait.ge [sflag:s30], $0x400  }
0xef: {  	[sflag:s30] =	ssyncset.done $0x0  }
0xf0: {  	[sflag:s30] =	ssyncadd.s32 $0xFFFFFC00  }
0xf1: {  	_ =	swait.ge [sflag:s30], $0x200  }
0xf2: {  	[sflag:s30] =	ssyncset.done $0x0  }
0xf3: {  	[sflag:s30] =	ssyncadd.s32 $0xFFFFFE00  }
0xf4: {  	v2 =	vor.u32 s10, v1;
	_ =	swait.ge [sflag:s30], $0x400  }
0xf5: {  	v3 =	vshll.u32 v2, $0x3;
	[sflag:s30] =	ssyncset.done $0x0  }
0xf6: {  	v4 =	vor.u32 $0x2, v3;
	[sflag:s30] =	ssyncadd.s32 $0xFFFFFC00  }
0xf7: {  	_ =	swait.ge [sflag:s30], $0x200  }
0xf8: {  	v5 =	vor.u32 $0x1, v3;
	[sflag:s30] =	ssyncset.done $0x0  }
0xf9: {  	[sflag:s30] =	ssyncadd.s32 $0xFFFFFE00  }
0xfa: {  	v6 =	vld.idx.msk [tilespmem:v3+s1+$0x0], $0xffff  }
0xfb: {  	v7 =	vor.u32 $0x3, v3;
	v8 =	vld.idx.msk [tilespmem:v4+s1+$0x0], $0xffff  }
0xfc: {  	v4 =	vld.idx.msk [tilespmem:v4+s7+$0x0], $0xffff  }
0xfd: {  	v9 =	vld.idx.msk [tilespmem:v5+s7+$0x0], $0xffff  }
0xfe: {  	v10 =	vld.idx.msk [tilespmem:v3+s7+$0x0], $0xffff  }
0xff: {  	v5 =	vld.idx.msk [tilespmem:v5+s1+$0x0], $0xffff  }
0x100: {  	v11 =	vld.idx.msk [tilespmem:v7+s7+$0x0], $0xffff  }
0x101: {  	v7 =	vld.idx.msk [tilespmem:v7+s1+$0x0], $0xffff;
	_ =	sdelay $0x1  }
0x102: {  	v6 =	vadd.f32 v10, v6  }
0x103: {  	v5 =	vadd.f32 v9, v5  }
0x104: {  	v4 =	vadd.f32 v4, v8;
	v8 =	vmul.f32 $2.000000030e-01, v6  }
0x105: {  	v7 =	vadd.f32 v11, v7;
	v9 =	vmul.f32 $2.000000030e-01, v5  }
0x106: {  	v10 =	vmul.f32 $2.000000030e-01, v4;
	v6 =	vmax.f32 v6, v8  }
0x107: {  	v5 =	vmax.f32 v5, v9;
	v8 =	vmul.f32 $2.000000030e-01, v7;
	v6 =	vmul.f32 $1.442695020e+00, v6  }
0x108: {  	v4 =	vmax.f32 v4, v10;
	v5 =	vmul.f32 $1.442695020e+00, v5  }
0x109: {  	v4 =	vmul.f32 $1.442695020e+00, v4;
	v7 =	vmax.f32 v7, v8;
	(erf) = vpow2.f32 v6  }
0x10a: {  	v6 =	vmul.f32 $1.442695020e+00, v7;
	(erf) = vpow2.f32 v5  }
0x10b: {  	v5 =	vor.u32 $0x4, v3;
	(erf) = vpow2.f32 v4  }
0x10c: {  	v4 =	vor.u32 $0x5, v3;
	(erf) = vpow2.f32 v6  }
0x10d: {  	v3 =	vor.u32 $0x6, v3  }
0x10e: {  	v13 =	vshll.u32 v2, $0x4  }
0x10f: {  	v2 =	vor.u32 $0x1, v13  }
0x110: {  	v6 =	vld.idx.msk [tilespmem:v5+s1+$0x0], $0xffff;
	v5 =	vor.u32 $0x2, v13  }
0x111: {  	v8 =	vor.u32 $0x3, v13;
	v4 =	vld.idx.msk [tilespmem:v4+s1+$0x0], $0xffff  }
0x112: {  	v9 =	vor.u32 $0x4, v13;
	v3 =	vld.idx.msk [tilespmem:v3+s1+$0x0], $0xffff;
	v10 =	vpop (erf)  }
0x113: {  	v11 =	vor.u32 $0x5, v13;
	[tilespmem:v13+s5+$0x0] =	vst.idx.msk $0xffff, v10;
	v14 =	vpop (erf)  }
0x114: {  	[tilespmem:v2+s5+$0x0] =	vst.idx.msk $0xffff, v14;
	v2 =	vor.u32 $0x6, v13;
	v16 =	vpop (erf)  }
0x115: {  	v15 =	vor.u32 $0x7, v13;
	[tilespmem:v5+s5+$0x0] =	vst.idx.msk $0xffff, v16;
	v5 =	vmul.f32 v10, v6;
	v7 =	vpop (erf)  }
0x116: {  	v17 =	vor.u32 $0x8, v13;
	[tilespmem:v8+s5+$0x0] =	vst.idx.msk $0xffff, v7;
	v8 =	vmul.f32 v10, v4  }
0x117: {  	v18 =	vor.u32 $0x9, v13;
	[tilespmem:v9+s5+$0x0] =	vst.idx.msk $0xffff, v5;
	v9 =	vmul.f32 v10, v3  }
0x118: {  	v12 =	vor.u32 $0xA, v13;
	v10 =	vmul.f32 v14, v6;
	[tilespmem:v11+s5+$0x0] =	vst.idx.msk $0xffff, v8  }
0x119: {  	[tilespmem:v2+s5+$0x0] =	vst.idx.msk $0xffff, v9;
	v2 =	vmul.f32 v14, v4;
	v9 =	vor.u32 $0xB, v13  }
0x11a: {  	v5 =	vor.u32 $0xF, v13;
	v14 =	vmul.f32 v14, v3;
	[tilespmem:v15+s5+$0x0] =	vst.idx.msk $0xffff, v10;
	v10 =	vor.u32 $0xC, v13  }
0x11b: {  	s12 =	simm.s32 $0x10;
	v8 =	vmul.f32 v16, v3;
	v11 =	vor.u32 $0xD, v13;
	v15 =	vmul.f32 v16, v6;
	[tilespmem:v17+s5+$0x0] =	vst.idx.msk $0xffff, v2  }
0x11c: {  	s10 =	simm.s32 $0x20;
	v13 =	vor.u32 $0xE, v13;
	v2 =	vor.u32 s12, v1;
	[tilespmem:v18+s5+$0x0] =	vst.idx.msk $0xffff, v14;
	v14 =	vmul.f32 v16, v4  }
.LBB2_3:
0x11d: {  	p0 =	sne.s32 s10, $0x4F0;
	v16 =	vshll.u32 v2, $0x3;
	[tilespmem:v12+s5+$0x0] =	vst.idx.msk $0xffff, v15;
	v6 =	vmul.f32 v7, v6;
	s11 =	smov.u32 s10;
	s10 =	sadd.s32 $0x10, s10  }
0x11e: {  	v12 =	vor.u32 $0x1, v16;
	v15 =	vor.u32 $0x2, v16;
	v17 =	vor.u32 $0x3, v16;
	[tilespmem:v9+s5+$0x0] =	vst.idx.msk $0xffff, v14  }
0x11f: {  	v4 =	vmul.f32 v7, v4;
	v9 =	vor.u32 $0x4, v16;
	v14 =	vor.u32 $0x6, v16;
	[tilespmem:v10+s5+$0x0] =	vst.idx.msk $0xffff, v8  }
0x120: {  	v3 =	vmul.f32 v7, v3;
	v8 =	vor.u32 $0x5, v16;
	[tilespmem:v11+s5+$0x0] =	vst.idx.msk $0xffff, v6  }
0x121: {  	[tilespmem:v13+s5+$0x0] =	vst.idx.msk $0xffff, v4  }
0x122: {  	[tilespmem:v5+s5+$0x0] =	vst.idx.msk $0xffff, v3  }
0x123: {  	v3 =	vld.idx.msk [tilespmem:v16+s1+$0x0], $0xffff  }
0x124: {  	v4 =	vld.idx.msk [tilespmem:v15+s1+$0x0], $0xffff  }
0x125: {  	v5 =	vld.idx.msk [tilespmem:v15+s7+$0x0], $0xffff  }
0x126: {  	v6 =	vld.idx.msk [tilespmem:v12+s7+$0x0], $0xffff  }
0x127: {  	v7 =	vld.idx.msk [tilespmem:v16+s7+$0x0], $0xffff  }
0x128: {  	v10 =	vld.idx.msk [tilespmem:v12+s1+$0x0], $0xffff  }
0x129: {  	v11 =	vld.idx.msk [tilespmem:v17+s7+$0x0], $0xffff  }
0x12a: {  	v12 =	vld.idx.msk [tilespmem:v17+s1+$0x0], $0xffff  }
0x12b: {  	v4 =	vadd.f32 v5, v4;
	_ =	sdelay $0x1  }
0x12c: {  	v3 =	vadd.f32 v7, v3;
	v5 =	vmul.f32 $2.000000030e-01, v4  }
0x12d: {  	v6 =	vadd.f32 v6, v10  }
0x12e: {  	v7 =	vmul.f32 $2.000000030e-01, v3;
	v4 =	vmax.f32 v4, v5  }
0x12f: {  	v5 =	vmul.f32 $2.000000030e-01, v6;
	v4 =	vmul.f32 $1.442695020e+00, v4;
	v10 =	vadd.f32 v11, v12  }
0x130: {  	v3 =	vmax.f32 v3, v7  }
0x131: {  	v3 =	vmul.f32 $1.442695020e+00, v3;
	v5 =	vmax.f32 v6, v5;
	v6 =	vmul.f32 $2.000000030e-01, v10  }
0x132: {  	v5 =	vmul.f32 $1.442695020e+00, v5  }
0x133: {  	v6 =	vmax.f32 v10, v6;
	(erf) = vpow2.f32 v3  }
0x134: {  	v3 =	vmul.f32 $1.442695020e+00, v6;
	(erf) = vpow2.f32 v5  }
0x135: {  	(erf) = vpow2.f32 v4  }
0x136: {  	(erf) = vpow2.f32 v3;
	_ =	sdelay $0x1  }
0x137: {  	v13 =	vshll.u32 v2, $0x4;
	v3 =	vld.idx.msk [tilespmem:v14+s1+$0x0], $0xffff  }
0x138: {  	v2 =	vor.u32 $0x1, v13;
	v5 =	vor.u32 $0xF, v13;
	v6 =	vld.idx.msk [tilespmem:v9+s1+$0x0], $0xffff  }
0x139: {  	v7 =	vor.u32 $0x2, v13;
	v4 =	vld.idx.msk [tilespmem:v8+s1+$0x0], $0xffff  }
0x13a: {  	v9 =	vor.u32 $0x3, v13  }
0x13b: {  	v10 =	vor.u32 $0x4, v13;
	v11 =	vpop (erf)  }
0x13c: {  	v12 =	vor.u32 $0x5, v13;
	[tilespmem:v13+s5+$0x0] =	vst.idx.msk $0xffff, v11;
	v14 =	vpop (erf)  }
0x13d: {  	[tilespmem:v2+s5+$0x0] =	vst.idx.msk $0xffff, v14;
	v2 =	vor.u32 $0x6, v13;
	v16 =	vpop (erf)  }
0x13e: {  	v17 =	vor.u32 $0x7, v13;
	v15 =	vmul.f32 v11, v6;
	[tilespmem:v7+s5+$0x0] =	vst.idx.msk $0xffff, v16;
	v8 =	vmul.f32 v16, v3;
	v7 =	vpop (erf)  }
0x13f: {  	v18 =	vor.u32 $0x8, v13;
	[tilespmem:v9+s5+$0x0] =	vst.idx.msk $0xffff, v7;
	v9 =	vmul.f32 v11, v4  }
0x140: {  	v19 =	vor.u32 $0x9, v13;
	[tilespmem:v10+s5+$0x0] =	vst.idx.msk $0xffff, v15;
	v10 =	vmul.f32 v11, v3  }
.Ltmp0:
0x141: {  	v11 =	vmul.f32 v14, v6;
	[tilespmem:v12+s5+$0x0] =	vst.idx.msk $0xffff, v9;
	v12 =	vor.u32 $0xA, v13;
	(pc) =	sbr.rel @p0 .LBB2_3-.Ltmp0, $4  }
0x142: {  	v9 =	vor.u32 $0xB, v13;
	[tilespmem:v2+s5+$0x0] =	vst.idx.msk $0xffff, v10;
	v2 =	vmul.f32 v14, v4  }
0x143: {  	v14 =	vmul.f32 v14, v3;
	v10 =	vor.u32 $0xC, v13;
	[tilespmem:v17+s5+$0x0] =	vst.idx.msk $0xffff, v11  }
0x144: {  	v15 =	vmul.f32 v16, v6;
	v11 =	vor.u32 $0xD, v13;
	[tilespmem:v18+s5+$0x0] =	vst.idx.msk $0xffff, v2  }
0x145: {  	v13 =	vor.u32 $0xE, v13;
	v2 =	vor.u32 s11, v1;
	[tilespmem:v19+s5+$0x0] =	vst.idx.msk $0xffff, v14;
	v14 =	vmul.f32 v16, v4  }
0x146: {  	_ =	sdelay $0x3  }
0x147: {  	[tilespmem:v12+s5+$0x0] =	vst.idx.msk $0xffff, v15  }
0x148: {  	v28 =	vshll.u32 v2, $0x3;
	v6 =	vmul.f32 v7, v6;
	[tilespmem:v9+s5+$0x0] =	vst.idx.msk $0xffff, v14  }
0x149: {  	v4 =	vmul.f32 v7, v4;
	v29 =	vor.u32 $0x2, v28;
	[tilespmem:v10+s5+$0x0] =	vst.idx.msk $0xffff, v8  }
0x14a: {  	v3 =	vmul.f32 v7, v3;
	[tilespmem:v11+s5+$0x0] =	vst.idx.msk $0xffff, v6  }
0x14b: {  	v30 =	vor.u32 $0x1, v28;
	[tilespmem:v13+s5+$0x0] =	vst.idx.msk $0xffff, v4  }
0x14c: {  	[tilespmem:v5+s5+$0x0] =	vst.idx.msk $0xffff, v3  }
0x14d: {  	v3 =	vld.idx.msk [tilespmem:v28+s1+$0x0], $0xffff  }
0x14e: {  	v31 =	vor.u32 $0x3, v28;
	v5 =	vld.idx.msk [tilespmem:v29+s1+$0x0], $0xffff  }
0x14f: {  	v32 =	vld.idx.msk [tilespmem:v29+s7+$0x0], $0xffff  }
0x150: {  	v8 =	vld.idx.msk [tilespmem:v30+s7+$0x0], $0xffff  }
0x151: {  	v33 =	vld.idx.msk [tilespmem:v28+s7+$0x0], $0xffff  }
0x152: {  	v6 =	vld.idx.msk [tilespmem:v30+s1+$0x0], $0xffff  }
0x153: {  	v10 =	vld.idx.msk [tilespmem:v31+s7+$0x0], $0xffff  }
0x154: {  	v4 =	vld.idx.msk [tilespmem:v31+s1+$0x0], $0xffff;
	_ =	sdelay $0x1  }
0x155: {  	v3 =	vadd.f32 v33, v3  }
0x156: {  	v6 =	vadd.f32 v8, v6  }
0x157: {  	v5 =	vadd.f32 v32, v5;
	v34 =	vmul.f32 $2.000000030e-01, v3  }
0x158: {  	v4 =	vadd.f32 v10, v4;
	v8 =	vmul.f32 $2.000000030e-01, v6  }
0x159: {  	v35 =	vmul.f32 $2.000000030e-01, v5;
	v3 =	vmax.f32 v3, v34  }
0x15a: {  	v36 =	vmul.f32 $2.000000030e-01, v4;
	v6 =	vmax.f32 v6, v8;
	v3 =	vmul.f32 $1.442695020e+00, v3  }
0x15b: {  	v5 =	vmax.f32 v5, v35;
	v6 =	vmul.f32 $1.442695020e+00, v6  }
0x15c: {  	v4 =	vmax.f32 v4, v36;
	v5 =	vmul.f32 $1.442695020e+00, v5;
	(erf) = vpow2.f32 v3  }
0x15d: {  	v3 =	vmul.f32 $1.442695020e+00, v4;
	(erf) = vpow2.f32 v6  }
0x15e: {  	v37 =	vor.u32 $0x4, v28;
	(erf) = vpow2.f32 v5  }
0x15f: {  	v38 =	vor.u32 $0x5, v28;
	(erf) = vpow2.f32 v3  }
0x160: {  	v3 =	vor.u32 $0x6, v28  }
0x161: {  	v2 =	vshll.u32 v2, $0x4  }
0x162: {  	v39 =	vor.u32 $0x1, v2  }
0x163: {  	v40 =	vor.u32 $0x2, v2;
	v4 =	vld.idx.msk [tilespmem:v37+s1+$0x0], $0xffff  }
0x164: {  	v41 =	vor.u32 $0x3, v2;
	v5 =	vld.idx.msk [tilespmem:v38+s1+$0x0], $0xffff  }
0x165: {  	v42 =	vor.u32 $0x4, v2;
	v3 =	vld.idx.msk [tilespmem:v3+s1+$0x0], $0xffff;
	v43 =	vpop (erf)  }
0x166: {  	v44 =	vor.u32 $0x5, v2;
	[tilespmem:v2+s5+$0x0] =	vst.idx.msk $0xffff, v43;
	v45 =	vpop (erf)  }
0x167: {  	v46 =	vor.u32 $0x6, v2;
	[tilespmem:v39+s5+$0x0] =	vst.idx.msk $0xffff, v45;
	v47 =	vpop (erf)  }
0x168: {  	v49 =	vor.u32 $0x7, v2;
	v48 =	vmul.f32 v43, v4;
	[tilespmem:v40+s5+$0x0] =	vst.idx.msk $0xffff, v47;
	v50 =	vpop (erf)  }
0x169: {  	v16 =	vor.u32 $0x8, v2;
	v51 =	vmul.f32 v43, v5;
	[tilespmem:v41+s5+$0x0] =	vst.idx.msk $0xffff, v50  }
0x16a: {  	v53 =	vor.u32 $0x9, v2;
	v52 =	vmul.f32 v43, v3;
	[tilespmem:v42+s5+$0x0] =	vst.idx.msk $0xffff, v48  }
0x16b: {  	v55 =	vor.u32 $0xA, v2;
	v54 =	vmul.f32 v45, v4;
	[tilespmem:v44+s5+$0x0] =	vst.idx.msk $0xffff, v51  }
0x16c: {  	v57 =	vor.u32 $0xB, v2;
	v56 =	vmul.f32 v45, v5;
	[tilespmem:v46+s5+$0x0] =	vst.idx.msk $0xffff, v52  }
0x16d: {  	v59 =	vor.u32 $0xC, v2;
	v58 =	vmul.f32 v45, v3;
	[tilespmem:v49+s5+$0x0] =	vst.idx.msk $0xffff, v54  }
0x16e: {  	v61 =	vor.u32 $0xD, v2;
	v60 =	vmul.f32 v47, v4;
	[tilespmem:v16+s5+$0x0] =	vst.idx.msk $0xffff, v56  }
0x16f: {  	v63 =	vor.u32 $0xE, v2;
	v62 =	vmul.f32 v47, v5;
	[tilespmem:v53+s5+$0x0] =	vst.idx.msk $0xffff, v58  }
0x170: {  	v2 =	vor.u32 $0xF, v2;
	v13 =	vmul.f32 v47, v3;
	[tilespmem:v55+s5+$0x0] =	vst.idx.msk $0xffff, v60  }
0x171: {  	v4 =	vmul.f32 v50, v4;
	[tilespmem:v57+s5+$0x0] =	vst.idx.msk $0xffff, v62  }
0x172: {  	v5 =	vmul.f32 v50, v5;
	[tilespmem:v59+s5+$0x0] =	vst.idx.msk $0xffff, v13  }
0x173: {  	v3 =	vmul.f32 v50, v3;
	[tilespmem:v61+s5+$0x0] =	vst.idx.msk $0xffff, v4  }
0x174: {  	[tilespmem:v63+s5+$0x0] =	vst.idx.msk $0xffff, v5  }
0x175: {  	s10 =	simm.s32 $0xA00;
	[tilespmem:v2+s5+$0x0] =	vst.idx.msk $0xffff, v3  }
0x176: {  	[spmem:s3] =	stream.indirect.scatter.add.f32 [tilespmem:s5], [sflag:$0x2], $0x10, s10, s4, $0xb8;
	[tilespmem:$0x17380] =	vst v63  }
0x177: {  	_ =	swait.ge [sflag:s31], $0x800  }
0x178: {  	[sflag:s31] =	ssyncset.done $0x0  }
0x179: {  	s12 =	simm.s32 $0xA80;
	s11 =	simm.s32 $0x6700;
	[sflag:s31] =	ssyncadd.s32 $0xFFFFF800  }
0x17a: {  	[spmem:s3] =	stream.indirect.scatter.add.f32 [tilespmem:s11], [sflag:$0x2], $0x10, s12, s4, $0xb8;
	[tilespmem:$0x17380] =	vst v63  }
0x17b: {  	_ =	swait.ge [sflag:s31], $0x800  }
0x17c: {  	[sflag:s31] =	ssyncset.done $0x0  }
0x17d: {  	s11 =	simm.s32 $0xB00;
	s12 =	simm.s32 $0x6F00;
	[sflag:s31] =	ssyncadd.s32 $0xFFFFF800  }
0x17e: {  	[spmem:s3] =	stream.indirect.scatter.add.f32 [tilespmem:s12], [sflag:$0x2], $0x10, s11, s4, $0xb8;
	[tilespmem:$0x17380] =	vst v63  }
0x17f: {  	_ =	swait.ge [sflag:s31], $0x800  }
0x180: {  	[sflag:s31] =	ssyncset.done $0x0  }
0x181: {  	s12 =	simm.s32 $0xB80;
	[sflag:s31] =	ssyncadd.s32 $0xFFFFF800  }
0x182: {  	[spmem:s3] =	stream.indirect.scatter.add.f32 [tilespmem:s13], [sflag:$0x2], $0x10, s12, s4, $0xb8;
	[tilespmem:$0x17380] =	vst v63  }
0x183: {  	_ =	swait.ge [sflag:s31], $0x800  }
0x184: {  	[sflag:s31] =	ssyncset.done $0x0  }
0x185: {  	[sflag:s31] =	ssyncadd.s32 $0xFFFFF800  }
0x186: {  	[spmem:s3] =	stream.indirect.scatter.add.f32 [tilespmem:s20], [sflag:$0x2], $0x10, s14, s4, $0xb8;
	[tilespmem:$0x17380] =	vst v63  }
0x187: {  	_ =	swait.ge [sflag:s31], $0x800  }
0x188: {  	[sflag:s31] =	ssyncset.done $0x0  }
0x189: {  	[sflag:s31] =	ssyncadd.s32 $0xFFFFF800  }
0x18a: {  	[spmem:s3] =	stream.indirect.scatter.add.f32 [tilespmem:s22], [sflag:$0x2], $0x10, s21, s4, $0xb8;
	[tilespmem:$0x17380] =	vst v63  }
0x18b: {  	_ =	swait.ge [sflag:s31], $0x800  }
0x18c: {  	[sflag:s31] =	ssyncset.done $0x0  }
0x18d: {  	[sflag:s31] =	ssyncadd.s32 $0xFFFFF800  }
0x18e: {  	[spmem:s3] =	stream.indirect.scatter.add.f32 [tilespmem:s24], [sflag:$0x2], $0x10, s23, s4, $0xb8;
	[tilespmem:$0x17380] =	vst v63  }
0x18f: {  	_ =	swait.ge [sflag:s31], $0x800  }
0x190: {  	[sflag:s31] =	ssyncset.done $0x0  }
0x191: {  	[sflag:s31] =	ssyncadd.s32 $0xFFFFF800  }
0x192: {  	[spmem:s3] =	stream.indirect.scatter.add.f32 [tilespmem:s26], [sflag:$0x2], $0x10, s25, s4, $0xb8;
	[tilespmem:$0x17380] =	vst v63  }
0x193: {  	_ =	swait.ge [sflag:s31], $0x800  }
0x194: {  	[sflag:s31] =	ssyncset.done $0x0  }
0x195: {  	[sflag:s31] =	ssyncadd.s32 $0xFFFFF800  }
0x196: {  	[spmem:s3] =	stream.indirect.scatter.add.f32 [tilespmem:s29], [sflag:$0x2], $0x10, s28, s4, $0xb8;
	[tilespmem:$0x17380] =	vst v63  }
0x197: {  	s9 =	sadd.s32 $0x1, s9;
	_ =	swait.ge [sflag:s31], $0x800  }
0x198: {  	p0 =	sne.s32 s9, $0x50;
	[sflag:s31] =	ssyncset.done $0x0  }
.Ltmp1:
0x199: {  	[sflag:s31] =	ssyncadd.s32 $0xFFFFF800;
	(pc) =	sbr.rel @p0 .LBB2_2-.Ltmp1, $4  }
0x19a: {  	[spmem:s3] =	stream.indirect.scatter.add.f32 [tilespmem:s8], [sflag:$0x2], $0x10, s19, s4, $0xb8;
	[tilespmem:$0x17380] =	vst v63  }
0x19b: {  	_ =	swait.ge [sflag:s31], $0x800  }
0x19c: {  	[sflag:s31] =	ssyncset.done $0x0  }
0x19d: {  	[sflag:s31] =	ssyncadd.s32 $0xFFFFF800  }
0x19e: {  	[bflag:$0x0] =	sbarrier.arrive $0xFFFF  }
0x19f: {  	s9 =	rddreg [dreg:$0x6]  }
0x1a0: {  	s10 =	rddreg [dreg:$0xe]  }
0x1a1: {  	s11 =	rddreg [dreg:$0x11]  }
0x1a2: {  	[hbm:s9], [sflag:s10] =	dma.local [spmem:s11], $0x310  }
0x1a3: {  	_ =	swait.ge [sflag:s31], $0x310  }
0x1a4: {  	[sflag:s31] =	ssyncset.done $0x0;
	s11 =	rddreg [dreg:$0x7]  }
0x1a5: {  	s12 =	rddreg [dreg:$0x12];
	[sflag:s31] =	ssyncadd.s32 $0xFFFFFCF0  }
0x1a6: {  	[hbm:s11], [sflag:s10] =	dma.local [spmem:s12], $0x310  }
0x1a7: {  	_ =	swait.ge [sflag:s31], $0x310  }
0x1a8: {  	[sflag:s31] =	ssyncset.done $0x0;
	s11 =	rddreg [dreg:$0x8]  }
0x1a9: {  	s12 =	rddreg [dreg:$0x13];
	[sflag:s31] =	ssyncadd.s32 $0xFFFFFCF0  }
0x1aa: {  	[hbm:s11], [sflag:s10] =	dma.local [spmem:s12], $0x310  }
0x1ab: {  	_ =	swait.ge [sflag:s31], $0x310  }
0x1ac: {  	[sflag:s31] =	ssyncset.done $0x0;
	s11 =	rddreg [dreg:$0x9]  }
0x1ad: {  	s12 =	rddreg [dreg:$0x14];
	[sflag:s31] =	ssyncadd.s32 $0xFFFFFCF0  }
0x1ae: {  	[hbm:s11], [sflag:s10] =	dma.local [spmem:s12], $0x310  }
0x1af: {  	_ =	swait.ge [sflag:s31], $0x310  }
0x1b0: {  	[sflag:s31] =	ssyncset.done $0x0;
	s11 =	rddreg [dreg:$0xa]  }
0x1b1: {  	s12 =	rddreg [dreg:$0x15];
	[sflag:s31] =	ssyncadd.s32 $0xFFFFFCF0  }
0x1b2: {  	[hbm:s11], [sflag:s10] =	dma.local [spmem:s12], $0x310  }
0x1b3: {  	_ =	swait.ge [sflag:s31], $0x310  }
0x1b4: {  	[sflag:s31] =	ssyncset.done $0x0;
	s11 =	rddreg [dreg:$0xb]  }
0x1b5: {  	s12 =	rddreg [dreg:$0x16];
	[sflag:s31] =	ssyncadd.s32 $0xFFFFFCF0  }
0x1b6: {  	[hbm:s11], [sflag:s10] =	dma.local [spmem:s12], $0x310  }
0x1b7: {  	_ =	swait.ge [sflag:s31], $0x310  }
0x1b8: {  	[sflag:s31] =	ssyncset.done $0x0;
	s11 =	rddreg [dreg:$0xc]  }
0x1b9: {  	s12 =	rddreg [dreg:$0x17];
	[sflag:s31] =	ssyncadd.s32 $0xFFFFFCF0  }
0x1ba: {  	[hbm:s11], [sflag:s10] =	dma.local [spmem:s12], $0x310  }
0x1bb: {  	_ =	swait.ge [sflag:s31], $0x310  }
0x1bc: {  	[sflag:s31] =	ssyncset.done $0x0;
	s11 =	rddreg [dreg:$0xd]  }
0x1bd: {  	s12 =	rddreg [dreg:$0x18];
	[sflag:s31] =	ssyncadd.s32 $0xFFFFFCF0  }
0x1be: {  	[hbm:s11], [sflag:s10] =	dma.local [spmem:s12], $0x310  }
0x1bf: {  	_ =	swait.ge [sflag:s31], $0x310  }
0x1c0: {  	s11 =	rddreg [dreg:$0x5]  }
0x1c1: {  	s12 =	rddreg [dreg:$0xf];
	s9 =	sadd.s32 $0x1, s11  }
0x1c2: {  	p0 =	sne.s32 s9, s12  }
.Ltmp2:
0x1c3: {  	_ = 	snop;
	(pc) =	sbr.rel @p0 .LBB2_1-.Ltmp2, $3  }
0x1c4: {  	_ =	sdelay $0x1  }
0x1c5: {  	[sflag:s31] =	ssyncset.done $0x0  }
0x1c6: {  	[sflag:s31] =	ssyncadd.s32 $0xFFFFFCF0;
	[dreg:$0x5] =	wrdreg s9  }
0x1c7: {  	_ =	sfence.sel $0x180000  }
0x1c8: {  	[bflag:$0x0] =	sbarrier.arrive $0xFFFF  }
0x1c9: {  	_ =	strace $0x90000047  }
0x1ca: {  	s0 =	stileid.u32;
	[bflag:$0x2] =	sbarrier.arrive $0xFFFF  }
0x1cb: {  	p0 =	sne.s32 s0, $0x0;
	s0 =	rddreg [dreg:$0x4]  }
0x1cc: {  	s0 =	sadd.s32 @!p0 $0x100000, s0  }
0x1cd: {  	[sflag:s0] =	ssyncadd.tile.s32 @!p0 $0x1;
	_ =	shalt  }
.Lfunc_end2:
_tile_overlayer_lowered:
.L_overlay_start_2:
0x1ce: {  	(tag) =	ssettag $0x2  }
0x1cf: {  	s0 =	rddreg [dreg:$0x0];
	s2 =	stileid.u32  }
0x1d0: {  	s1 =	rddreg [dreg:$0x1];
	p0 =	sne.s32 s2, $0x0  }
0x1d1: {  	s3 =	rddreg [dreg:$0x2];
	[bflag:$0x3] =	sbarrier.arrive $0xFFFF;
	s2 =	simm.s32 @!p0 $0x1C02  }
0x1d2: {  	[timem:s3], [sflag:s2] =	dma.local @!p0 [hbm:s0], s1  }
0x1d3: {  	s0 =	simm.s32 @!p0 $0x2  }
0x1d4: {  	_ =	swait.ge @!p0 [sflag:s0], s1  }
0x1d5: {  	s1 =	ssub.s32 @!p0 $0x0, s1;
	[sflag:s0] =	ssyncset.done @!p0 $0x0  }
0x1d6: {  	[sflag:s0] =	ssyncadd.s32 @!p0 s1  }
0x1d7: {  	[bflag:$0x3] =	sbarrier.arrive $0xFFFF  }
0x1d8: {  	_ =	shalt  }

</sc_bundles>
